<compile_context>
chip_gen: v7x
topology: tpu7x:2x2x1
jax: 0.10.2.dev20260603
libtpu: 0.0.44.dev20260713+nightly
codegen_flags: <defaults>
</compile_context>

<pallas_src>
import functools

import numpy as _np

import jax
import jax.numpy as jnp
from jax import lax
from jax.experimental import pallas as pl
from jax.experimental.pallas import tpu as pltpu
from jax.experimental.pallas import tpu_sc as plsc

N = 50000
E = 800000
NB = 8
C = 16
SH = 4
RO = 9
HID = 64

EP = 819200
BE = 2048
BN = 2000
SCW = 1024
SCWR = SCW // 8
NWK = 32
EPW_G = EP // NWK
EPW_S = EP // 16
MGW = 512
RPT = N // 16

_SQRT2 = 1.4142135623730951

_SEL = _np.zeros((SH, 32, 128), _np.float32)
for _q in range(SH):
    for _j in range(8):
        _SEL[_q, 4 * _j + _q, 16 * _j:16 * _j + 16] = 1.0
_SLT = _np.zeros((SH, 64, 64), _np.float32)
for _i in range(SH):
    for _k in range(SH):
        _SLT[_i, 16 * _i:16 * _i + 16, 16 * _k:16 * _k + 16] = _np.eye(
            C, dtype=_np.float32)
_TILE4 = _np.tile(_np.eye(C, dtype=_np.float32), (1, SH))



def _edge_prep_body(xp_ref, xvp_ref, rep8_ref, nvec_ref, sel_ref,
                    w1a_ref, b1a_ref, w2a_ref, w1b_ref, b1b_ref, w2b_ref,
                    wtp_ref, sp_ref, r1p_ref, tp_ref):
    dot = lambda a, b: jnp.dot(a, b, preferred_element_type=jnp.float32)
    doth = lambda a, b: jnp.dot(a, b, preferred_element_type=jnp.float32,
                                precision=lax.Precision.HIGHEST)
    rr = doth(xp_ref[...] + 1e-6, rep8_ref[...])
    rb = _SQRT2 * jnp.sin(nvec_ref[...] * jnp.pi * rr) / rr
    ha = jnp.tanh(dot(rb, w1a_ref[...]) + b1a_ref[...])
    r0p = dot(ha, w2a_ref[...])
    hb = jnp.tanh(dot(rb, w1b_ref[...]) + b1b_ref[...])
    r1p_ref[...] = dot(hb, w2b_ref[...])
    tp_ref[...] = dot(xvp_ref[...], wtp_ref[...])
    xvp = xvp_ref[...]
    for i in range(SH):
        sp_ref[i, :, :] = r0p * doth(xvp, sel_ref[i])


BR = BE // 8


def _tc_edge_prep(xp, xvp, rep8, nvec, sel,
                  w1ab, b1ab, w2ab, w1bb, b1bb, w2bb, wtpb):
    full = lambda s2: pl.BlockSpec(s2, lambda i: (0, 0))
    eb = lambda m: pl.BlockSpec((BR, m), lambda i: (i, 0))
    return pl.pallas_call(
        _edge_prep_body,
        grid=(EP // BE,),
        in_specs=[
            eb(8), eb(32),
            full((8, 64)), full((1, 64)),
            pl.BlockSpec((SH, 32, 128), lambda i: (0, 0, 0)),
            full((64, 8 * HID)), full((1, 8 * HID)), full((8 * HID, 128)),
            full((64, 8 * HID)), full((1, 8 * HID)), full((8 * HID, 128)),
            full((32, 128)),
        ],
        out_specs=[
            pl.BlockSpec((SH, BR, 128), lambda i: (0, i, 0)),
            pl.BlockSpec((BR, 128), lambda i: (i, 0)),
            pl.BlockSpec((BR, 128), lambda i: (i, 0)),
        ],
        out_shape=[
            jax.ShapeDtypeStruct((SH, EP // 8, 128), jnp.float32),
            jax.ShapeDtypeStruct((EP // 8, 128), jnp.float32),
            jax.ShapeDtypeStruct((EP // 8, 128), jnp.float32),
        ],
    )(xp, xvp, rep8, nvec, sel,
      w1ab, b1ab, w2ab, w1bb, b1bb, w2bb, wtpb)


def _node_prep_body(na_ref, wemb_ref, wattr_ref, f0_ref, attr_ref):
    na = na_ref[...]
    f0_ref[...] = jnp.dot(na, wemb_ref[...], preferred_element_type=jnp.float32)
    attr_ref[...] = jnp.dot(na, wattr_ref[...],
                            preferred_element_type=jnp.float32)


def _tc_node_prep(na, wemb, wattr):
    full = lambda s: pl.BlockSpec(s, lambda i: (0, 0))
    return pl.pallas_call(
        _node_prep_body,
        grid=(N // BN,),
        in_specs=[pl.BlockSpec((BN, 4), lambda i: (i, 0)),
                  full((4, C)), full((4, C))],
        out_specs=[pl.BlockSpec((BN, C), lambda i: (i, 0)),
                   pl.BlockSpec((BN, C), lambda i: (i, 0))],
        out_shape=[jax.ShapeDtypeStruct((N, C), jnp.float32),
                   jax.ShapeDtypeStruct((N, C), jnp.float32)],
    )(na, wemb, wattr)


def _comb64(msg_all, attr_ref, wcgv_ref, slt_ref, tile4):
    dot = lambda a, b: jnp.dot(a, b, preferred_element_type=jnp.float32,
                               precision=lax.Precision.HIGHEST)
    m_t = [dot(msg_all, slt_ref[i]) for i in range(SH)]
    prod = None
    idx = 0
    for i in range(SH):
        for j in range(i, SH):
            term = (m_t[i] * m_t[j]) * wcgv_ref[idx:idx + 1, :]
            prod = term if prod is None else prod + term
            idx += 1
    attr_t = dot(attr_ref[...], tile4)
    return msg_all + attr_t * prod


def _node1_body(msg_ref, attr_ref, wcgv_ref, wup4_ref, slt_ref, tile4_ref,
                f1_ref, rsum_ref):
    dot = lambda a, b: jnp.dot(a, b, preferred_element_type=jnp.float32,
                               precision=lax.Precision.HIGHEST)
    comb_all = _comb64(msg_ref[...], attr_ref, wcgv_ref, slt_ref,
                       tile4_ref[...])

    @pl.when(pl.program_id(0) == 0)
    def _():
        rsum_ref[...] = jnp.zeros((1, 64), jnp.float32)

    rsum_ref[...] += jnp.sum(comb_all, axis=0, keepdims=True)
    f1_ref[...] = dot(comb_all, wup4_ref[...])


def _tc_node1(msg1, attr0, wcgv0, wup4):
    return pl.pallas_call(
        _node1_body,
        grid=(N // BN,),
        in_specs=[pl.BlockSpec((BN, 64), lambda i: (i, 0)),
                  pl.BlockSpec((BN, C), lambda i: (i, 0)),
                  pl.BlockSpec((10, 64), lambda i: (0, 0)),
                  pl.BlockSpec((64, 64), lambda i: (0, 0)),
                  pl.BlockSpec((SH, 64, 64), lambda i: (0, 0, 0)),
                  pl.BlockSpec((C, 64), lambda i: (0, 0))],
        out_specs=[pl.BlockSpec((BN, 64), lambda i: (i, 0)),
                   pl.BlockSpec((1, 64), lambda i: (0, 0))],
        out_shape=[jax.ShapeDtypeStruct((N, 64), jnp.float32),
                   jax.ShapeDtypeStruct((1, 64), jnp.float32)],
    )(msg1, attr0, wcgv0, wup4, jnp.asarray(_SLT), jnp.asarray(_TILE4))


def _node2_body(msg_ref, attr_ref, wcgv_ref, rsum1_ref, wr0_ref, wr1_ref,
                slt_ref, tile4_ref, out_ref, acc_ref):
    comb_all = _comb64(msg_ref[...], attr_ref, wcgv_ref, slt_ref,
                       tile4_ref[...])

    @pl.when(pl.program_id(0) == 0)
    def _():
        acc_ref[...] = jnp.zeros((1, 64), jnp.float32)

    acc_ref[...] += jnp.sum(comb_all, axis=0, keepdims=True)

    @pl.when(pl.program_id(0) == N // BN - 1)
    def _():
        out_ref[...] = (
            jnp.dot(rsum1_ref[...], wr0_ref[...],
                    preferred_element_type=jnp.float32,
                    precision=lax.Precision.HIGHEST)
            + jnp.dot(acc_ref[...], wr1_ref[...],
                      preferred_element_type=jnp.float32,
                      precision=lax.Precision.HIGHEST))


def _tc_node2(msg2, attr0, wcgv1, rsum1, wr0t, wr1t):
    return pl.pallas_call(
        _node2_body,
        grid=(N // BN,),
        in_specs=[pl.BlockSpec((BN, 64), lambda i: (i, 0)),
                  pl.BlockSpec((BN, C), lambda i: (i, 0)),
                  pl.BlockSpec((10, 64), lambda i: (0, 0)),
                  pl.BlockSpec((1, 64), lambda i: (0, 0)),
                  pl.BlockSpec((64, RO), lambda i: (0, 0)),
                  pl.BlockSpec((64, RO), lambda i: (0, 0)),
                  pl.BlockSpec((SH, 64, 64), lambda i: (0, 0, 0)),
                  pl.BlockSpec((C, 64), lambda i: (0, 0))],
        out_specs=pl.BlockSpec((1, RO), lambda i: (0, 0)),
        out_shape=jax.ShapeDtypeStruct((1, RO), jnp.float32),
        scratch_shapes=[pltpu.VMEM((1, 64), jnp.float32)],
    )(msg2, attr0, wcgv1, rsum1, wr0t, wr1t,
      jnp.asarray(_SLT), jnp.asarray(_TILE4))



@functools.cache
def _sc_mesh():
    return plsc.VectorSubcoreMesh(core_axis_name="c", subcore_axis_name="s")


@functools.cache
def _sc_gather_f0():
    @functools.partial(
        pl.kernel,
        out_type=jax.ShapeDtypeStruct((EP, C), jnp.float32),
        mesh=_sc_mesh(),
        compiler_params=pltpu.CompilerParams(use_tc_tiling_on_sc=False),
        scratch_types=[pltpu.VMEM((SCW,), jnp.int32),
                       pltpu.VMEM((SCW, C), jnp.float32),
                       pltpu.SemaphoreType.DMA],
    )
    def k(src_hbm, f0_hbm, out_hbm, idx_v, rows_v, sem):
        cid = lax.axis_index("c")
        sid = lax.axis_index("s")
        base = (sid * 2 + cid) * EPW_G

        def body(w, carry):
            off = base + w * SCW
            pltpu.sync_copy(src_hbm.at[pl.ds(off, SCW)], idx_v)
            pltpu.async_copy(f0_hbm.at[idx_v], rows_v, sem).wait()
            pltpu.sync_copy(rows_v, out_hbm.at[pl.ds(off, SCW)])
            return carry

        lax.fori_loop(0, EPW_G // SCW, body, 0)

    return k


@functools.cache
def _sc_scatter1():
    @functools.partial(
        pl.kernel,
        out_type=jax.ShapeDtypeStruct((N, 64), jnp.float32),
        mesh=_sc_mesh(),
        compiler_params=pltpu.CompilerParams(use_tc_tiling_on_sc=False),
        scratch_types=[pltpu.VMEM((SCW,), jnp.int32),
                       pltpu.VMEM((SCW, C), jnp.float32),
                       pltpu.VMEM((SCW // 8, 128), jnp.float32),
                       pltpu.VMEM((SCW, C), jnp.float32),
                       pltpu.VMEM_SHARED((N, C), jnp.float32),
                       pltpu.SemaphoreType.DMA],
    )
    def k(dst_hbm, f0g_hbm, sp_hbm, zeros_hbm, out_hbm,
          idx_v, f0g_v, s_v, m_v, acc_sh, sem):
        cid = lax.axis_index("c")
        sid = lax.axis_index("s")
        rbase = sid * RPT
        ebase = sid * EPW_S
        for p in range(2):
            q = 2 * cid + p
            pltpu.sync_copy(zeros_hbm.at[pl.ds(rbase, RPT)],
                            acc_sh.at[pl.ds(rbase, RPT)])
            plsc.subcore_barrier()

            def body(w, carry):
                off = ebase + w * SCW
                d1 = pltpu.async_copy(dst_hbm.at[pl.ds(off, SCW)], idx_v,
                                      sem)
                d2 = pltpu.async_copy(f0g_hbm.at[pl.ds(off, SCW)], f0g_v, sem)
                d3 = pltpu.async_copy(sp_hbm.at[q, pl.ds(off // 8, SCW // 8)],
                                      s_v, sem)
                d1.wait()
                d2.wait()
                d3.wait()

                def rows(r, c2):
                    for j in range(8):
                        e = 8 * r + j
                        m_v[e, :] = f0g_v[e, :] * s_v[r, pl.ds(16 * j, 16)]
                    return c2

                lax.fori_loop(0, SCW // 8, rows, 0)
                pltpu.sync_copy(m_v, acc_sh.at[idx_v], add=True)
                return carry

            lax.fori_loop(0, EPW_S // SCW, body, 0)
            plsc.subcore_barrier()
            pltpu.sync_copy(acc_sh.at[pl.ds(rbase, RPT)],
                            out_hbm.at[pl.ds(rbase, RPT),
                                       pl.ds(16 * q, 16)])
            plsc.subcore_barrier()

    return k


@functools.cache
def _sc_mgather2():
    @functools.partial(
        pl.kernel,
        out_type=jax.ShapeDtypeStruct((SH, EP, C), jnp.float32),
        mesh=_sc_mesh(),
        compiler_params=pltpu.CompilerParams(use_tc_tiling_on_sc=False),
        scratch_types=[pltpu.VMEM((MGW,), jnp.int32),
                       pltpu.VMEM((MGW, 64), jnp.float32),
                       pltpu.VMEM((MGW // 8, 128), jnp.float32),
                       pltpu.VMEM((MGW // 8, 128), jnp.float32),
                       [pltpu.VMEM((MGW, C), jnp.float32) for _ in range(SH)],
                       pltpu.SemaphoreType.DMA],
    )
    def k(src_hbm, f1_hbm, r1p_hbm, tp_hbm, out_hbm,
          idx_v, f1g_v, r1_v, t_v, m_v, sem):
        cid = lax.axis_index("c")
        sid = lax.axis_index("s")
        base = (sid * 2 + cid) * EPW_G

        def body(w, carry):
            off = base + w * MGW
            pltpu.sync_copy(src_hbm.at[pl.ds(off, MGW)], idx_v)
            d1 = pltpu.async_copy(f1_hbm.at[idx_v], f1g_v, sem)
            d2 = pltpu.async_copy(r1p_hbm.at[pl.ds(off // 8, MGW // 8)],
                                  r1_v, sem)
            d3 = pltpu.async_copy(tp_hbm.at[pl.ds(off // 8, MGW // 8)],
                                  t_v, sem)
            d1.wait()
            d2.wait()
            d3.wait()

            cidx = [jnp.full((16,), m, jnp.int32) for m in range(16)]

            def rows(r, c2):
                for j in range(8):
                    e = 8 * r + j
                    r1row = r1_v[r, pl.ds(16 * j, 16)]
                    trow = t_v[r, pl.ds(16 * j, 16)]
                    a = [f1g_v[e, pl.ds(16 * i, 16)] * r1row
                         for i in range(SH)]
                    for k2 in range(SH):
                        acc = None
                        for i in range(SH):
                            tb = trow[cidx[4 * i + k2]]
                            term = a[i] * tb
                            acc = term if acc is None else acc + term
                        m_v[k2][e, :] = acc
                return c2

            lax.fori_loop(0, MGW // 8, rows, 0)
            outs = [pltpu.async_copy(m_v[k2], out_hbm.at[k2, pl.ds(off, MGW)],
                                     sem) for k2 in range(SH)]
            for d in outs:
                d.wait()
            return carry

        lax.fori_loop(0, EPW_G // MGW, body, 0)

    return k


@functools.cache
def _sc_scatter2():
    @functools.partial(
        pl.kernel,
        out_type=jax.ShapeDtypeStruct((N, 64), jnp.float32),
        mesh=_sc_mesh(),
        compiler_params=pltpu.CompilerParams(use_tc_tiling_on_sc=False),
        scratch_types=[pltpu.VMEM((SCW,), jnp.int32),
                       pltpu.VMEM((SCW, C), jnp.float32),
                       pltpu.VMEM_SHARED((N, C), jnp.float32),
                       pltpu.SemaphoreType.DMA],
    )
    def k(dst_hbm, upd_hbm, zeros_hbm, out_hbm, idx_v, upd_v, acc_sh, sem):
        cid = lax.axis_index("c")
        sid = lax.axis_index("s")
        rbase = sid * RPT
        ebase = sid * EPW_S
        for p in range(2):
            q = 2 * cid + p
            pltpu.sync_copy(zeros_hbm.at[pl.ds(rbase, RPT)],
                            acc_sh.at[pl.ds(rbase, RPT)])
            plsc.subcore_barrier()

            def body(w, carry):
                off = ebase + w * SCW
                d1 = pltpu.async_copy(dst_hbm.at[pl.ds(off, SCW)], idx_v,
                                      sem)
                d2 = pltpu.async_copy(upd_hbm.at[q, pl.ds(off, SCW)], upd_v,
                                      sem)
                d1.wait()
                d2.wait()
                pltpu.sync_copy(upd_v, acc_sh.at[idx_v], add=True)
                return carry

            lax.fori_loop(0, EPW_S // SCW, body, 0)
            plsc.subcore_barrier()
            pltpu.sync_copy(acc_sh.at[pl.ds(rbase, RPT)],
                            out_hbm.at[pl.ds(rbase, RPT),
                                       pl.ds(16 * q, 16)])
            plsc.subcore_barrier()

    return k



def kernel(x, x_v, node_attr, edge_index, W_embed, W_rad1_0, b_rad1_0,
           W_rad2_0, W_rad1_1, b_rad1_1, W_rad2_1, W_cg0, W_cg1, W_attr0,
           W_up0, W_tp1, W_read0, W_read1):
    pad = EP - E
    xpad = jnp.concatenate([x[0], jnp.zeros((pad,), jnp.float32)])
    xp = xpad.reshape(EP // 8, 8)
    xvp = jnp.concatenate(
        [x_v[0].reshape(E // 8, 32),
         jnp.zeros((pad // 8, 32), jnp.float32)], axis=0)
    na = node_attr[0]
    fill = (jnp.arange(pad, dtype=jnp.int32) % N)
    src = jnp.concatenate([edge_index[0, 0].astype(jnp.int32), fill])
    dst = jnp.concatenate([edge_index[0, 1].astype(jnp.int32), fill])

    wtp_r = jnp.transpose(W_tp1, (1, 0, 2)).reshape(SH, SH * SH)
    eye8 = jnp.eye(8, dtype=jnp.float32)
    rep8 = jnp.kron(eye8, jnp.ones((1, 8), jnp.float32))
    nvec = jnp.tile(jnp.arange(1, 9, dtype=jnp.float32), 8)[None, :]
    w1ab = jnp.kron(eye8, W_rad1_0)
    b1ab = jnp.tile(b_rad1_0, 8)[None, :]
    w2ab = jnp.kron(eye8, W_rad2_0)
    w1bb = jnp.kron(eye8, W_rad1_1)
    b1bb = jnp.tile(b_rad1_1, 8)[None, :]
    w2bb = jnp.kron(eye8, W_rad2_1)
    wtpb = jnp.kron(eye8, wtp_r)
    wup4 = jnp.kron(jnp.eye(SH, dtype=jnp.float32), W_up0)
    wcgv0_rows = []
    for i in range(SH):
        for j in range(i, SH):
            w = W_cg0[i, j, :] + (W_cg0[j, i, :] if i < j else 0.0)
            wcgv0_rows.append(jnp.repeat(w, C))
    wcgv0 = jnp.stack(wcgv0_rows)
    wcgv1_rows = []
    for i in range(SH):
        for j in range(i, SH):
            w = W_cg1[i, j, :] + (W_cg1[j, i, :] if i < j else 0.0)
            wcgv1_rows.append(jnp.repeat(w, C))
    wcgv1 = jnp.stack(wcgv1_rows)
    wr0t = jnp.transpose(W_read0, (1, 0, 2)).reshape(SH * C, RO)
    wr1t = jnp.transpose(W_read1, (1, 0, 2)).reshape(SH * C, RO)
    zeros = jnp.zeros((N, C), jnp.float32)

    sp, r1p, tp = _tc_edge_prep(xp, xvp, rep8, nvec, jnp.asarray(_SEL),
                                w1ab, b1ab, w2ab, w1bb, b1bb, w2bb, wtpb)
    f0, attr0 = _tc_node_prep(na, W_embed, W_attr0)
    f0g = _sc_gather_f0()(src, f0)
    msg1 = _sc_scatter1()(dst, f0g, sp, zeros)
    f1, rsum1 = _tc_node1(msg1, attr0, wcgv0, wup4)
    m2 = _sc_mgather2()(src, f1, r1p, tp)
    msg2 = _sc_scatter2()(dst, m2, zeros)
    out = _tc_node2(msg2, attr0, wcgv1, rsum1, wr0t, wr1t)
    return out

# --- scband reference (transcript-rebuilt; emitter-appended) ---
"""Pipeline reference for scband-symmetric-matrix-regressor-52312701665985 (READ-ONLY COPY).

The authoritative reference and input builder live on the scoring server;
editing this copy changes nothing except your own understanding.
"""

import jax, jax.numpy as jnp
import numpy as np

N = 50000
E = 800000
NB = 8
C = 16
SH = 4
NATTR = 4
RO = 9
HID = 64


def bessel_basis(r, nbessel):
    n = jnp.arange(1, nbessel + 1, dtype=jnp.float32)
    rr = r[:, None] + 1e-6
    return jnp.sqrt(2.0) * jnp.sin(n * jnp.pi * rr) / rr


def radial_mlp(rb, W1, b1, W2):
    return jnp.tanh(rb @ W1 + b1) @ W2


def setup_inputs(seed: int = 0) -> dict:
    key = jax.random.key(seed)
    ks = jax.random.split(key, 20)
    x = jax.random.uniform(ks[0], (1, E), dtype=jnp.float32)
    x_v = jax.random.normal(ks[1], (1, E, SH), dtype=jnp.float32)
    node_attr = jax.random.uniform(ks[2], (1, N, NATTR), dtype=jnp.float32)
    edge_index = jax.random.randint(ks[3], (1, 2, E), 0, N)
    s = 0.1
    W_embed = jax.random.normal(ks[4], (NATTR, C)) * s
    W_rad1_0 = jax.random.normal(ks[5], (NB, HID)) * s
    b_rad1_0 = jnp.zeros((HID,), dtype=jnp.float32)
    W_rad2_0 = jax.random.normal(ks[6], (HID, C)) * s
    W_rad1_1 = jax.random.normal(ks[7], (NB, HID)) * s
    b_rad1_1 = jnp.zeros((HID,), dtype=jnp.float32)
    W_rad2_1 = jax.random.normal(ks[8], (HID, C)) * s
    W_cg0 = jax.random.normal(ks[9], (SH, SH, SH)) * s
    W_cg1 = jax.random.normal(ks[10], (SH, SH, SH)) * s
    W_attr0 = jax.random.normal(ks[11], (NATTR, C)) * s
    W_up0 = jax.random.normal(ks[12], (C, C)) * s
    W_tp1 = jax.random.normal(ks[13], (SH, SH, SH)) * s
    W_read0 = jax.random.normal(ks[14], (C, SH, RO)) * s
    W_read1 = jax.random.normal(ks[15], (C, SH, RO)) * s
    return {"x": x, "x_v": x_v, "node_attr": node_attr, "edge_index": edge_index,
            "W_embed": W_embed, "W_rad1_0": W_rad1_0, "b_rad1_0": b_rad1_0, "W_rad2_0": W_rad2_0,
            "W_rad1_1": W_rad1_1, "b_rad1_1": b_rad1_1, "W_rad2_1": W_rad2_1,
            "W_cg0": W_cg0, "W_cg1": W_cg1, "W_attr0": W_attr0, "W_up0": W_up0,
            "W_tp1": W_tp1, "W_read0": W_read0, "W_read1": W_read1}


def _graph_forward(lengths, sh, na, ei, W_embed, W_rad1_0, b_rad1_0, W_rad2_0,
                   W_rad1_1, b_rad1_1, W_rad2_1, W_cg0, W_cg1, W_attr0, W_up0,
                   W_tp1, W_read0, W_read1):
    src = ei[0]
    dst = ei[1]
    n_nodes = na.shape[0]
    # NodeFeaturesStart: one-hot element attrs -> scalar channel features
    feats0 = na @ W_embed  # [N, C]
    # RadialAngularEmbedding layer 1: bessel radial basis + MLP, gather src feats,
    # outer-product with spherical-harmonic edge attrs, scatter-add to dst
    rb = bessel_basis(lengths, NB)  # [E, NB]
    R0 = radial_mlp(rb, W_rad1_0, b_rad1_0, W_rad2_0)  # [E, C]
    m1 = (feats0[src] * R0)[:, :, None] * sh[:, None, :]  # [E, C, SH]
    msg1 = jnp.zeros((n_nodes, C, SH), dtype=jnp.float32).at[dst].add(m1)
    # ConvolveTensor3body + NewNodeFeaturesFrom3Body
    prod1 = jnp.einsum('nci,ncj,ijk->nck', msg1, msg1, W_cg0) * (na @ W_attr0)[:, :, None]
    comb1 = msg1 + prod1
    # UpdateNodeAttributesReadoutL2
    readout1 = jnp.einsum('nci,cio->no', comb1, W_read0)  # [N, RO]
    feats1 = jnp.einsum('nci,cd->ndi', comb1, W_up0)  # [N, C, SH]
    # Layer 2: tensor-product message passing on vector features
    R1 = radial_mlp(rb, W_rad1_1, b_rad1_1, W_rad2_1)  # [E, C]
    m2 = jnp.einsum('eci,ej,ijk->eck', feats1[src] * R1[:, :, None], sh, W_tp1)
    msg2 = jnp.zeros((n_nodes, C, SH), dtype=jnp.float32).at[dst].add(m2)
    # original forward reuses nbodyfeatures[0] for layer 2 (W_attr0)
    prod2 = jnp.einsum('nci,ncj,ijk->nck', msg2, msg2, W_cg1) * (na @ W_attr0)[:, :, None]
    comb2 = msg2 + prod2
    readout2 = jnp.einsum('nci,cio->no', comb2, W_read1)
    return readout1.sum(axis=0) + readout2.sum(axis=0)


def reference(x, x_v, node_attr, edge_index, W_embed, W_rad1_0, b_rad1_0, W_rad2_0,
              W_rad1_1, b_rad1_1, W_rad2_1, W_cg0, W_cg1, W_attr0, W_up0,
              W_tp1, W_read0, W_read1):
    outs = []
    for b in range(x.shape[0]):
        outs.append(_graph_forward(x[b], x_v[b], node_attr[b], edge_index[b],
                                   W_embed, W_rad1_0, b_rad1_0, W_rad2_0,
                                   W_rad1_1, b_rad1_1, W_rad2_1, W_cg0, W_cg1,
                                   W_attr0, W_up0, W_tp1, W_read0, W_read1))
    return jnp.stack(outs, axis=0)

if __name__ == "__main__":
    import jax
    _d = setup_inputs()
    print(jax.jit(kernel)(*tuple(_d.values())))

</pallas_src>

<mosaic_0001>
#map = affine_map<(d0, d1) -> (0)>
#map1 = affine_map<(d0, d1) -> (0, 0)>
#map2 = affine_map<(d0, d1) -> (0, 0, 0)>
module attributes {stable_mosaic.version = 14 : i64} {
  func.func @k(%arg0: i32, %arg1: i32, %arg2: memref<819200xi32, #tpu.memory_space<hbm>>, %arg3: memref<50000x64xf32, #tpu.memory_space<hbm>>, %arg4: memref<102400x128xf32, #tpu.memory_space<hbm>>, %arg5: memref<102400x128xf32, #tpu.memory_space<hbm>>, %arg6: memref<4x819200x16xf32, #tpu.memory_space<hbm>>, %arg7: memref<512xi32, #tpu.memory_space<vmem>>, %arg8: memref<512x64xf32, #tpu.memory_space<vmem>>, %arg9: memref<64x128xf32, #tpu.memory_space<vmem>>, %arg10: memref<64x128xf32, #tpu.memory_space<vmem>>, %arg11: memref<512x16xf32, #tpu.memory_space<vmem>>, %arg12: memref<512x16xf32, #tpu.memory_space<vmem>>, %arg13: memref<512x16xf32, #tpu.memory_space<vmem>>, %arg14: memref<512x16xf32, #tpu.memory_space<vmem>>, %arg15: memref<!tpu.dma_semaphore, #tpu.memory_space<semaphore_mem>>) attributes {dimension_semantics = [#tpu.dimension_semantics<core_parallel>, #tpu.dimension_semantics<subcore_parallel>], iteration_bounds = array<i64: 2, 16>, scalar_prefetch = 0 : i64, scratch_operands = 9 : i64, tpu.core_type = #tpu.core_type<sc_vector_subcore>, window_params = [{transform_indices = #map}, {transform_indices = #map1}, {transform_indices = #map1}, {transform_indices = #map1}, {transform_indices = #map2}]} {
    %mul3A = arith.constant 2 : i32
    %mul3A_0 = arith.muli %arg1, %mul3A : i32
    %add3A = arith.addi %mul3A_0, %arg0 : i32
    %mul3A_1 = arith.constant 25600 : i32
    %mul3A_2 = arith.muli %add3A, %mul3A_1 : i32
    %scan3A = arith.constant 0 : i32
    %scan3A_3 = arith.constant 0 : i32
    %scan3A_4 = arith.constant 50 : i32
    %scan3A_5 = arith.addi %scan3A_3, %scan3A_4 : i32
    %scan3A_6 = arith.constant 1 : i32
    scf.for %scan3A_8 = %scan3A_3 to %scan3A_5 step %scan3A_6  : i32 {
      %mul3A_9 = arith.constant 512 : i32
      %mul3A_10 = arith.muli %scan3A_8, %mul3A_9 : i32
      %add3A_11 = arith.addi %mul3A_2, %mul3A_10 : i32
      "tpu.region"() ({
        %run_scoped3A = tpu.sem_alloc : memref<!tpu.dma_semaphore, #tpu.memory_space<semaphore_mem>>
        %dma_start3A_165 = tpu.memref_slice %arg2[%add3A_11] : memref<819200xi32, #tpu.memory_space<hbm>> -> memref<512xi32, #tpu.memory_space<hbm>>
        %dma_start3A_166 = tpu.memref_slice %arg2[%add3A_11] : memref<819200xi32, #tpu.memory_space<hbm>> -> memref<512xi32, #tpu.memory_space<hbm>>
        tpu.enqueue_dma source(%dma_start3A_166 : memref<512xi32, #tpu.memory_space<hbm>>) target(%arg7 : memref<512xi32, #tpu.memory_space<vmem>>) target_semaphore(%run_scoped3A : memref<!tpu.dma_semaphore, #tpu.memory_space<semaphore_mem>>)
        %dma_wait3A_167 = tpu.memref_slice %arg2[%add3A_11] : memref<819200xi32, #tpu.memory_space<hbm>> -> memref<512xi32, #tpu.memory_space<hbm>>
        %dma_wait3A_168 = tpu.memref_slice %arg2[%add3A_11] : memref<819200xi32, #tpu.memory_space<hbm>> -> memref<512xi32, #tpu.memory_space<hbm>>
        tpu.wait_dma2 semaphore(%run_scoped3A : memref<!tpu.dma_semaphore, #tpu.memory_space<semaphore_mem>>) src(%dma_wait3A_168 : memref<512xi32, #tpu.memory_space<hbm>>) dst(%arg7 : memref<512xi32, #tpu.memory_space<vmem>>)
        tpu.yield
      }) : () -> ()
      %dma_start3A = arith.constant 0 : i32
      %dma_start3A_12 = arith.constant 0 : i32
      %dma_start3A_13 = tpu.memref_slice %arg3[%dma_start3A, %dma_start3A_12] : memref<50000x64xf32, #tpu.memory_space<hbm>> -> memref<50000x64xf32, #tpu.memory_space<hbm>>
      tpu.enqueue_indirect_dma source(%dma_start3A_13 : memref<50000x64xf32, #tpu.memory_space<hbm>>) target(%arg8 : memref<512x64xf32, #tpu.memory_space<vmem>>) offsets(%arg7 : memref<512xi32, #tpu.memory_space<vmem>>) semaphore(%arg15 : memref<!tpu.dma_semaphore, #tpu.memory_space<semaphore_mem>>)
      %jit3A = arith.constant 8 : i32
      %div3A = arith.divsi %add3A_11, %jit3A : i32
      %sign3A = arith.constant 0 : i32
      %sign3A_14 = arith.cmpi sgt, %add3A_11, %sign3A : i32
      %sign3A_15 = arith.extui %sign3A_14 : i1 to i32
      %sign3A_16 = arith.constant 0 : i32
      %sign3A_17 = arith.cmpi slt, %add3A_11, %sign3A_16 : i32
      %sign3A_18 = arith.extui %sign3A_17 : i1 to i32
      %sign3A_19 = arith.subi %sign3A_15, %sign3A_18 : i32
      %sign3A_20 = arith.constant 0 : i32
      %sign3A_21 = arith.cmpi sgt, %jit3A, %sign3A_20 : i32
      %sign3A_22 = arith.extui %sign3A_21 : i1 to i32
      %sign3A_23 = arith.constant 0 : i32
      %sign3A_24 = arith.cmpi slt, %jit3A, %sign3A_23 : i32
      %sign3A_25 = arith.extui %sign3A_24 : i1 to i32
      %sign3A_26 = arith.subi %sign3A_22, %sign3A_25 : i32
      %ne3A = arith.cmpi ne, %sign3A_19, %sign3A_26 : i32
      %rem3A = arith.remsi %add3A_11, %jit3A : i32
      %ne3A_27 = arith.constant 0 : i32
      %ne3A_28 = arith.cmpi ne, %rem3A, %ne3A_27 : i32
      %and3A = arith.andi %ne3A, %ne3A_28 : i1
      %sub3A = arith.constant 1 : i32
      %sub3A_29 = arith.subi %div3A, %sub3A : i32
      %select_n3A = arith.select %and3A, %sub3A_29, %div3A : i32
      %dma_start3A_30 = arith.constant 0 : i32
      %dma_start3A_31 = tpu.memref_slice %arg4[%select_n3A, %dma_start3A_30] : memref<102400x128xf32, #tpu.memory_space<hbm>> -> memref<64x128xf32, #tpu.memory_space<hbm>>
      %dma_start3A_32 = arith.constant 0 : i32
      %dma_start3A_33 = tpu.memref_slice %arg4[%select_n3A, %dma_start3A_32] : memref<102400x128xf32, #tpu.memory_space<hbm>> -> memref<64x128xf32, #tpu.memory_space<hbm>>
      tpu.enqueue_dma source(%dma_start3A_33 : memref<64x128xf32, #tpu.memory_space<hbm>>) target(%arg9 : memref<64x128xf32, #tpu.memory_space<vmem>>) target_semaphore(%arg15 : memref<!tpu.dma_semaphore, #tpu.memory_space<semaphore_mem>>)
      %jit3A_34 = arith.constant 8 : i32
      %div3A_35 = arith.divsi %add3A_11, %jit3A_34 : i32
      %sign3A_36 = arith.constant 0 : i32
      %sign3A_37 = arith.cmpi sgt, %add3A_11, %sign3A_36 : i32
      %sign3A_38 = arith.extui %sign3A_37 : i1 to i32
      %sign3A_39 = arith.constant 0 : i32
      %sign3A_40 = arith.cmpi slt, %add3A_11, %sign3A_39 : i32
      %sign3A_41 = arith.extui %sign3A_40 : i1 to i32
      %sign3A_42 = arith.subi %sign3A_38, %sign3A_41 : i32
      %sign3A_43 = arith.constant 0 : i32
      %sign3A_44 = arith.cmpi sgt, %jit3A_34, %sign3A_43 : i32
      %sign3A_45 = arith.extui %sign3A_44 : i1 to i32
      %sign3A_46 = arith.constant 0 : i32
      %sign3A_47 = arith.cmpi slt, %jit3A_34, %sign3A_46 : i32
      %sign3A_48 = arith.extui %sign3A_47 : i1 to i32
      %sign3A_49 = arith.subi %sign3A_45, %sign3A_48 : i32
      %ne3A_50 = arith.cmpi ne, %sign3A_42, %sign3A_49 : i32
      %rem3A_51 = arith.remsi %add3A_11, %jit3A_34 : i32
      %ne3A_52 = arith.constant 0 : i32
      %ne3A_53 = arith.cmpi ne, %rem3A_51, %ne3A_52 : i32
      %and3A_54 = arith.andi %ne3A_50, %ne3A_53 : i1
      %sub3A_55 = arith.constant 1 : i32
      %sub3A_56 = arith.subi %div3A_35, %sub3A_55 : i32
      %select_n3A_57 = arith.select %and3A_54, %sub3A_56, %div3A_35 : i32
      %dma_start3A_58 = arith.constant 0 : i32
      %dma_start3A_59 = tpu.memref_slice %arg5[%select_n3A_57, %dma_start3A_58] : memref<102400x128xf32, #tpu.memory_space<hbm>> -> memref<64x128xf32, #tpu.memory_space<hbm>>
      %dma_start3A_60 = arith.constant 0 : i32
      %dma_start3A_61 = tpu.memref_slice %arg5[%select_n3A_57, %dma_start3A_60] : memref<102400x128xf32, #tpu.memory_space<hbm>> -> memref<64x128xf32, #tpu.memory_space<hbm>>
      tpu.enqueue_dma source(%dma_start3A_61 : memref<64x128xf32, #tpu.memory_space<hbm>>) target(%arg10 : memref<64x128xf32, #tpu.memory_space<vmem>>) target_semaphore(%arg15 : memref<!tpu.dma_semaphore, #tpu.memory_space<semaphore_mem>>)
      %dma_wait3A = arith.constant 0 : i32
      %dma_wait3A_62 = arith.constant 0 : i32
      %dma_wait3A_63 = tpu.memref_slice %arg3[%dma_wait3A, %dma_wait3A_62] : memref<50000x64xf32, #tpu.memory_space<hbm>> -> memref<50000x64xf32, #tpu.memory_space<hbm>>
      tpu.wait_indirect_dma semaphore(%arg15 : memref<!tpu.dma_semaphore, #tpu.memory_space<semaphore_mem>>) src(%dma_wait3A_63 : memref<50000x64xf32, #tpu.memory_space<hbm>>) dst(%arg8 : memref<512x64xf32, #tpu.memory_space<vmem>>)
      %dma_wait3A_64 = arith.constant 0 : i32
      %dma_wait3A_65 = tpu.memref_slice %arg4[%select_n3A, %dma_wait3A_64] : memref<102400x128xf32, #tpu.memory_space<hbm>> -> memref<64x128xf32, #tpu.memory_space<hbm>>
      %dma_wait3A_66 = arith.constant 0 : i32
      %dma_wait3A_67 = tpu.memref_slice %arg4[%select_n3A, %dma_wait3A_66] : memref<102400x128xf32, #tpu.memory_space<hbm>> -> memref<64x128xf32, #tpu.memory_space<hbm>>
      tpu.wait_dma2 semaphore(%arg15 : memref<!tpu.dma_semaphore, #tpu.memory_space<semaphore_mem>>) src(%dma_wait3A_67 : memref<64x128xf32, #tpu.memory_space<hbm>>) dst(%arg9 : memref<64x128xf32, #tpu.memory_space<vmem>>)
      %dma_wait3A_68 = arith.constant 0 : i32
      %dma_wait3A_69 = tpu.memref_slice %arg5[%select_n3A_57, %dma_wait3A_68] : memref<102400x128xf32, #tpu.memory_space<hbm>> -> memref<64x128xf32, #tpu.memory_space<hbm>>
      %dma_wait3A_70 = arith.constant 0 : i32
      %dma_wait3A_71 = tpu.memref_slice %arg5[%select_n3A_57, %dma_wait3A_70] : memref<102400x128xf32, #tpu.memory_space<hbm>> -> memref<64x128xf32, #tpu.memory_space<hbm>>
      tpu.wait_dma2 semaphore(%arg15 : memref<!tpu.dma_semaphore, #tpu.memory_space<semaphore_mem>>) src(%dma_wait3A_71 : memref<64x128xf32, #tpu.memory_space<hbm>>) dst(%arg10 : memref<64x128xf32, #tpu.memory_space<vmem>>)
      %broadcast_in_dim3A = arith.constant 0 : i32
      %broadcast_in_dim3A_72 = vector.broadcast %broadcast_in_dim3A : i32 to vector<16xi32>
      %broadcast_in_dim3A_73 = arith.constant 1 : i32
      %broadcast_in_dim3A_74 = vector.broadcast %broadcast_in_dim3A_73 : i32 to vector<16xi32>
      %broadcast_in_dim3A_75 = arith.constant 2 : i32
      %broadcast_in_dim3A_76 = vector.broadcast %broadcast_in_dim3A_75 : i32 to vector<16xi32>
      %broadcast_in_dim3A_77 = arith.constant 3 : i32
      %broadcast_in_dim3A_78 = vector.broadcast %broadcast_in_dim3A_77 : i32 to vector<16xi32>
      %broadcast_in_dim3A_79 = arith.constant 4 : i32
      %broadcast_in_dim3A_80 = vector.broadcast %broadcast_in_dim3A_79 : i32 to vector<16xi32>
      %broadcast_in_dim3A_81 = arith.constant 5 : i32
      %broadcast_in_dim3A_82 = vector.broadcast %broadcast_in_dim3A_81 : i32 to vector<16xi32>
      %broadcast_in_dim3A_83 = arith.constant 6 : i32
      %broadcast_in_dim3A_84 = vector.broadcast %broadcast_in_dim3A_83 : i32 to vector<16xi32>
      %broadcast_in_dim3A_85 = arith.constant 7 : i32
      %broadcast_in_dim3A_86 = vector.broadcast %broadcast_in_dim3A_85 : i32 to vector<16xi32>
      %broadcast_in_dim3A_87 = arith.constant 8 : i32
      %broadcast_in_dim3A_88 = vector.broadcast %broadcast_in_dim3A_87 : i32 to vector<16xi32>
      %broadcast_in_dim3A_89 = arith.constant 9 : i32
      %broadcast_in_dim3A_90 = vector.broadcast %broadcast_in_dim3A_89 : i32 to vector<16xi32>
      %broadcast_in_dim3A_91 = arith.constant 10 : i32
      %broadcast_in_dim3A_92 = vector.broadcast %broadcast_in_dim3A_91 : i32 to vector<16xi32>
      %broadcast_in_dim3A_93 = arith.constant 11 : i32
      %broadcast_in_dim3A_94 = vector.broadcast %broadcast_in_dim3A_93 : i32 to vector<16xi32>
      %broadcast_in_dim3A_95 = arith.constant 12 : i32
      %broadcast_in_dim3A_96 = vector.broadcast %broadcast_in_dim3A_95 : i32 to vector<16xi32>
      %broadcast_in_dim3A_97 = arith.constant 13 : i32
      %broadcast_in_dim3A_98 = vector.broadcast %broadcast_in_dim3A_97 : i32 to vector<16xi32>
      %broadcast_in_dim3A_99 = arith.constant 14 : i32
      %broadcast_in_dim3A_100 = vector.broadcast %broadcast_in_dim3A_99 : i32 to vector<16xi32>
      %broadcast_in_dim3A_101 = arith.constant 15 : i32
      %broadcast_in_dim3A_102 = vector.broadcast %broadcast_in_dim3A_101 : i32 to vector<16xi32>
      %scan3A_103 = arith.constant 0 : i32
      %scan3A_104 = arith.constant 0 : i32
      %scan3A_105 = arith.constant 64 : i32
      %scan3A_106 = arith.addi %scan3A_104, %scan3A_105 : i32
      %scan3A_107 = arith.constant 1 : i32
      scf.for %scan3A_165 = %scan3A_104 to %scan3A_106 step %scan3A_107  : i32 {
        %mul3A_166 = arith.constant 8 : i32
        %mul3A_167 = arith.muli %mul3A_166, %scan3A_165 : i32
        %add3A_168 = arith.constant 0 : i32
        %add3A_169 = arith.addi %mul3A_167, %add3A_168 : i32
        %get3A = arith.index_cast %scan3A_165 : i32 to index
        %get3A_170 = arith.constant 0 : index
        %get3A_171 = tpu.vector_load %arg9[%get3A, %get3A_170] {strides = array<i32>} : memref<64x128xf32, #tpu.memory_space<vmem>>, vector<1x16xf32>,
        %get3A_172 = vector.shape_cast %get3A_171 : vector<1x16xf32> to vector<16xf32>
        %get3A_173 = arith.index_cast %scan3A_165 : i32 to index
        %get3A_174 = arith.constant 0 : index
        %get3A_175 = tpu.vector_load %arg10[%get3A_173, %get3A_174] {strides = array<i32>} : memref<64x128xf32, #tpu.memory_space<vmem>>, vector<1x16xf32>,
        %get3A_176 = vector.shape_cast %get3A_175 : vector<1x16xf32> to vector<16xf32>
        %get3A_177 = arith.index_cast %add3A_169 : i32 to index
        %get3A_178 = arith.constant 0 : index
        %get3A_179 = tpu.vector_load %arg8[%get3A_177, %get3A_178] {strides = array<i32>} : memref<512x64xf32, #tpu.memory_space<vmem>>, vector<1x16xf32>,
        %get3A_180 = vector.shape_cast %get3A_179 : vector<1x16xf32> to vector<16xf32>
        %mul3A_181 = arith.mulf %get3A_180, %get3A_172 : vector<16xf32>
        %get3A_182 = arith.index_cast %add3A_169 : i32 to index
        %get3A_183 = arith.constant 16 : index
        %get3A_184 = tpu.vector_load %arg8[%get3A_182, %get3A_183] {strides = array<i32>} : memref<512x64xf32, #tpu.memory_space<vmem>>, vector<1x16xf32>,
        %get3A_185 = vector.shape_cast %get3A_184 : vector<1x16xf32> to vector<16xf32>
        %mul3A_186 = arith.mulf %get3A_185, %get3A_172 : vector<16xf32>
        %get3A_187 = arith.index_cast %add3A_169 : i32 to index
        %get3A_188 = arith.constant 32 : index
        %get3A_189 = tpu.vector_load %arg8[%get3A_187, %get3A_188] {strides = array<i32>} : memref<512x64xf32, #tpu.memory_space<vmem>>, vector<1x16xf32>,
        %get3A_190 = vector.shape_cast %get3A_189 : vector<1x16xf32> to vector<16xf32>
        %mul3A_191 = arith.mulf %get3A_190, %get3A_172 : vector<16xf32>
        %get3A_192 = arith.index_cast %add3A_169 : i32 to index
        %get3A_193 = arith.constant 48 : index
        %get3A_194 = tpu.vector_load %arg8[%get3A_192, %get3A_193] {strides = array<i32>} : memref<512x64xf32, #tpu.memory_space<vmem>>, vector<1x16xf32>,
        %get3A_195 = vector.shape_cast %get3A_194 : vector<1x16xf32> to vector<16xf32>
        %mul3A_196 = arith.mulf %get3A_195, %get3A_172 : vector<16xf32>
        %lt3A = arith.constant 0 : i32
        %lt3A_197 = vector.broadcast %lt3A : i32 to vector<16xi32>
        %lt3A_198 = arith.cmpi slt, %broadcast_in_dim3A_72, %lt3A_197 : vector<16xi32>
        %add3A_199 = arith.constant 16 : i32
        %add3A_200 = vector.broadcast %add3A_199 : i32 to vector<16xi32>
        %add3A_201 = arith.addi %broadcast_in_dim3A_72, %add3A_200 : vector<16xi32>
        %select_n3A_202 = arith.select %lt3A_198, %add3A_201, %broadcast_in_dim3A_72 : vector<16xi1>, vector<16xi32>
        %broadcast_in_dim3A_203 = vector.shape_cast %select_n3A_202 : vector<16xi32> to vector<16x1xi32>
        %gather3A = vector.shape_cast %broadcast_in_dim3A_203 : vector<16x1xi32> to vector<16xi32>
        %gather3A_204 = tpu.dynamic_gather %get3A_176[%gather3A] in [0] : vector<16xf32>, vector<16xi32> -> vector<16xf32>
        %mul3A_205 = arith.mulf %mul3A_181, %gather3A_204 : vector<16xf32>
        %lt3A_206 = arith.constant 0 : i32
        %lt3A_207 = vector.broadcast %lt3A_206 : i32 to vector<16xi32>
        %lt3A_208 = arith.cmpi slt, %broadcast_in_dim3A_80, %lt3A_207 : vector<16xi32>
        %add3A_209 = arith.constant 16 : i32
        %add3A_210 = vector.broadcast %add3A_209 : i32 to vector<16xi32>
        %add3A_211 = arith.addi %broadcast_in_dim3A_80, %add3A_210 : vector<16xi32>
        %select_n3A_212 = arith.select %lt3A_208, %add3A_211, %broadcast_in_dim3A_80 : vector<16xi1>, vector<16xi32>
        %broadcast_in_dim3A_213 = vector.shape_cast %select_n3A_212 : vector<16xi32> to vector<16x1xi32>
        %gather3A_214 = vector.shape_cast %broadcast_in_dim3A_213 : vector<16x1xi32> to vector<16xi32>
        %gather3A_215 = tpu.dynamic_gather %get3A_176[%gather3A_214] in [0] : vector<16xf32>, vector<16xi32> -> vector<16xf32>
        %mul3A_216 = arith.mulf %mul3A_186, %gather3A_215 : vector<16xf32>
        %add3A_217 = arith.addf %mul3A_205, %mul3A_216 : vector<16xf32>
        %lt3A_218 = arith.constant 0 : i32
        %lt3A_219 = vector.broadcast %lt3A_218 : i32 to vector<16xi32>
        %lt3A_220 = arith.cmpi slt, %broadcast_in_dim3A_88, %lt3A_219 : vector<16xi32>
        %add3A_221 = arith.constant 16 : i32
        %add3A_222 = vector.broadcast %add3A_221 : i32 to vector<16xi32>
        %add3A_223 = arith.addi %broadcast_in_dim3A_88, %add3A_222 : vector<16xi32>
        %select_n3A_224 = arith.select %lt3A_220, %add3A_223, %broadcast_in_dim3A_88 : vector<16xi1>, vector<16xi32>
        %broadcast_in_dim3A_225 = vector.shape_cast %select_n3A_224 : vector<16xi32> to vector<16x1xi32>
        %gather3A_226 = vector.shape_cast %broadcast_in_dim3A_225 : vector<16x1xi32> to vector<16xi32>
        %gather3A_227 = tpu.dynamic_gather %get3A_176[%gather3A_226] in [0] : vector<16xf32>, vector<16xi32> -> vector<16xf32>
        %mul3A_228 = arith.mulf %mul3A_191, %gather3A_227 : vector<16xf32>
        %add3A_229 = arith.addf %add3A_217, %mul3A_228 : vector<16xf32>
        %lt3A_230 = arith.constant 0 : i32
        %lt3A_231 = vector.broadcast %lt3A_230 : i32 to vector<16xi32>
        %lt3A_232 = arith.cmpi slt, %broadcast_in_dim3A_96, %lt3A_231 : vector<16xi32>
        %add3A_233 = arith.constant 16 : i32
        %add3A_234 = vector.broadcast %add3A_233 : i32 to vector<16xi32>
        %add3A_235 = arith.addi %broadcast_in_dim3A_96, %add3A_234 : vector<16xi32>
        %select_n3A_236 = arith.select %lt3A_232, %add3A_235, %broadcast_in_dim3A_96 : vector<16xi1>, vector<16xi32>
        %broadcast_in_dim3A_237 = vector.shape_cast %select_n3A_236 : vector<16xi32> to vector<16x1xi32>
        %gather3A_238 = vector.shape_cast %broadcast_in_dim3A_237 : vector<16x1xi32> to vector<16xi32>
        %gather3A_239 = tpu.dynamic_gather %get3A_176[%gather3A_238] in [0] : vector<16xf32>, vector<16xi32> -> vector<16xf32>
        %mul3A_240 = arith.mulf %mul3A_196, %gather3A_239 : vector<16xf32>
        %add3A_241 = arith.addf %add3A_229, %mul3A_240 : vector<16xf32>
        %swap3A = arith.index_cast %add3A_169 : i32 to index
        %swap3A_242 = arith.constant 0 : index
        %swap3A_243 = tpu.vector_load %arg11[%swap3A, %swap3A_242] {strides = array<i32>} : memref<512x16xf32, #tpu.memory_space<vmem>>, vector<1x16xf32>,
        %swap3A_244 = vector.shape_cast %swap3A_243 : vector<1x16xf32> to vector<16xf32>
        %swap3A_245 = vector.shape_cast %add3A_241 : vector<16xf32> to vector<1x16xf32>
        tpu.vector_store %arg11[%swap3A, %swap3A_242], %swap3A_245 {strides = array<i32>} : memref<512x16xf32, #tpu.memory_space<vmem>>, vector<1x16xf32>,
        %lt3A_246 = arith.constant 0 : i32
        %lt3A_247 = vector.broadcast %lt3A_246 : i32 to vector<16xi32>
        %lt3A_248 = arith.cmpi slt, %broadcast_in_dim3A_74, %lt3A_247 : vector<16xi32>
        %add3A_249 = arith.constant 16 : i32
        %add3A_250 = vector.broadcast %add3A_249 : i32 to vector<16xi32>
        %add3A_251 = arith.addi %broadcast_in_dim3A_74, %add3A_250 : vector<16xi32>
        %select_n3A_252 = arith.select %lt3A_248, %add3A_251, %broadcast_in_dim3A_74 : vector<16xi1>, vector<16xi32>
        %broadcast_in_dim3A_253 = vector.shape_cast %select_n3A_252 : vector<16xi32> to vector<16x1xi32>
        %gather3A_254 = vector.shape_cast %broadcast_in_dim3A_253 : vector<16x1xi32> to vector<16xi32>
        %gather3A_255 = tpu.dynamic_gather %get3A_176[%gather3A_254] in [0] : vector<16xf32>, vector<16xi32> -> vector<16xf32>
        %mul3A_256 = arith.mulf %mul3A_181, %gather3A_255 : vector<16xf32>
        %lt3A_257 = arith.constant 0 : i32
        %lt3A_258 = vector.broadcast %lt3A_257 : i32 to vector<16xi32>
        %lt3A_259 = arith.cmpi slt, %broadcast_in_dim3A_82, %lt3A_258 : vector<16xi32>
        %add3A_260 = arith.constant 16 : i32
        %add3A_261 = vector.broadcast %add3A_260 : i32 to vector<16xi32>
        %add3A_262 = arith.addi %broadcast_in_dim3A_82, %add3A_261 : vector<16xi32>
        %select_n3A_263 = arith.select %lt3A_259, %add3A_262, %broadcast_in_dim3A_82 : vector<16xi1>, vector<16xi32>
        %broadcast_in_dim3A_264 = vector.shape_cast %select_n3A_263 : vector<16xi32> to vector<16x1xi32>
        %gather3A_265 = vector.shape_cast %broadcast_in_dim3A_264 : vector<16x1xi32> to vector<16xi32>
        %gather3A_266 = tpu.dynamic_gather %get3A_176[%gather3A_265] in [0] : vector<16xf32>, vector<16xi32> -> vector<16xf32>
        %mul3A_267 = arith.mulf %mul3A_186, %gather3A_266 : vector<16xf32>
        %add3A_268 = arith.addf %mul3A_256, %mul3A_267 : vector<16xf32>
        %lt3A_269 = arith.constant 0 : i32
        %lt3A_270 = vector.broadcast %lt3A_269 : i32 to vector<16xi32>
        %lt3A_271 = arith.cmpi slt, %broadcast_in_dim3A_90, %lt3A_270 : vector<16xi32>
        %add3A_272 = arith.constant 16 : i32
        %add3A_273 = vector.broadcast %add3A_272 : i32 to vector<16xi32>
        %add3A_274 = arith.addi %broadcast_in_dim3A_90, %add3A_273 : vector<16xi32>
        %select_n3A_275 = arith.select %lt3A_271, %add3A_274, %broadcast_in_dim3A_90 : vector<16xi1>, vector<16xi32>
        %broadcast_in_dim3A_276 = vector.shape_cast %select_n3A_275 : vector<16xi32> to vector<16x1xi32>
        %gather3A_277 = vector.shape_cast %broadcast_in_dim3A_276 : vector<16x1xi32> to vector<16xi32>
        %gather3A_278 = tpu.dynamic_gather %get3A_176[%gather3A_277] in [0] : vector<16xf32>, vector<16xi32> -> vector<16xf32>
        %mul3A_279 = arith.mulf %mul3A_191, %gather3A_278 : vector<16xf32>
        %add3A_280 = arith.addf %add3A_268, %mul3A_279 : vector<16xf32>
        %lt3A_281 = arith.constant 0 : i32
        %lt3A_282 = vector.broadcast %lt3A_281 : i32 to vector<16xi32>
        %lt3A_283 = arith.cmpi slt, %broadcast_in_dim3A_98, %lt3A_282 : vector<16xi32>
        %add3A_284 = arith.constant 16 : i32
        %add3A_285 = vector.broadcast %add3A_284 : i32 to vector<16xi32>
        %add3A_286 = arith.addi %broadcast_in_dim3A_98, %add3A_285 : vector<16xi32>
        %select_n3A_287 = arith.select %lt3A_283, %add3A_286, %broadcast_in_dim3A_98 : vector<16xi1>, vector<16xi32>
        %broadcast_in_dim3A_288 = vector.shape_cast %select_n3A_287 : vector<16xi32> to vector<16x1xi32>
        %gather3A_289 = vector.shape_cast %broadcast_in_dim3A_288 : vector<16x1xi32> to vector<16xi32>
        %gather3A_290 = tpu.dynamic_gather %get3A_176[%gather3A_289] in [0] : vector<16xf32>, vector<16xi32> -> vector<16xf32>
        %mul3A_291 = arith.mulf %mul3A_196, %gather3A_290 : vector<16xf32>
        %add3A_292 = arith.addf %add3A_280, %mul3A_291 : vector<16xf32>
        %swap3A_293 = arith.index_cast %add3A_169 : i32 to index
        %swap3A_294 = arith.constant 0 : index
        %swap3A_295 = tpu.vector_load %arg12[%swap3A_293, %swap3A_294] {strides = array<i32>} : memref<512x16xf32, #tpu.memory_space<vmem>>, vector<1x16xf32>,
        %swap3A_296 = vector.shape_cast %swap3A_295 : vector<1x16xf32> to vector<16xf32>
        %swap3A_297 = vector.shape_cast %add3A_292 : vector<16xf32> to vector<1x16xf32>
        tpu.vector_store %arg12[%swap3A_293, %swap3A_294], %swap3A_297 {strides = array<i32>} : memref<512x16xf32, #tpu.memory_space<vmem>>, vector<1x16xf32>,
        %lt3A_298 = arith.constant 0 : i32
        %lt3A_299 = vector.broadcast %lt3A_298 : i32 to vector<16xi32>
        %lt3A_300 = arith.cmpi slt, %broadcast_in_dim3A_76, %lt3A_299 : vector<16xi32>
        %add3A_301 = arith.constant 16 : i32
        %add3A_302 = vector.broadcast %add3A_301 : i32 to vector<16xi32>
        %add3A_303 = arith.addi %broadcast_in_dim3A_76, %add3A_302 : vector<16xi32>
        %select_n3A_304 = arith.select %lt3A_300, %add3A_303, %broadcast_in_dim3A_76 : vector<16xi1>, vector<16xi32>
        %broadcast_in_dim3A_305 = vector.shape_cast %select_n3A_304 : vector<16xi32> to vector<16x1xi32>
        %gather3A_306 = vector.shape_cast %broadcast_in_dim3A_305 : vector<16x1xi32> to vector<16xi32>
        %gather3A_307 = tpu.dynamic_gather %get3A_176[%gather3A_306] in [0] : vector<16xf32>, vector<16xi32> -> vector<16xf32>
        %mul3A_308 = arith.mulf %mul3A_181, %gather3A_307 : vector<16xf32>
        %lt3A_309 = arith.constant 0 : i32
        %lt3A_310 = vector.broadcast %lt3A_309 : i32 to vector<16xi32>
        %lt3A_311 = arith.cmpi slt, %broadcast_in_dim3A_84, %lt3A_310 : vector<16xi32>
        %add3A_312 = arith.constant 16 : i32
        %add3A_313 = vector.broadcast %add3A_312 : i32 to vector<16xi32>
        %add3A_314 = arith.addi %broadcast_in_dim3A_84, %add3A_313 : vector<16xi32>
        %select_n3A_315 = arith.select %lt3A_311, %add3A_314, %broadcast_in_dim3A_84 : vector<16xi1>, vector<16xi32>
        %broadcast_in_dim3A_316 = vector.shape_cast %select_n3A_315 : vector<16xi32> to vector<16x1xi32>
        %gather3A_317 = vector.shape_cast %broadcast_in_dim3A_316 : vector<16x1xi32> to vector<16xi32>
        %gather3A_318 = tpu.dynamic_gather %get3A_176[%gather3A_317] in [0] : vector<16xf32>, vector<16xi32> -> vector<16xf32>
        %mul3A_319 = arith.mulf %mul3A_186, %gather3A_318 : vector<16xf32>
        %add3A_320 = arith.addf %mul3A_308, %mul3A_319 : vector<16xf32>
        %lt3A_321 = arith.constant 0 : i32
        %lt3A_322 = vector.broadcast %lt3A_321 : i32 to vector<16xi32>
        %lt3A_323 = arith.cmpi slt, %broadcast_in_dim3A_92, %lt3A_322 : vector<16xi32>
        %add3A_324 = arith.constant 16 : i32
        %add3A_325 = vector.broadcast %add3A_324 : i32 to vector<16xi32>
        %add3A_326 = arith.addi %broadcast_in_dim3A_92, %add3A_325 : vector<16xi32>
        %select_n3A_327 = arith.select %lt3A_323, %add3A_326, %broadcast_in_dim3A_92 : vector<16xi1>, vector<16xi32>
        %broadcast_in_dim3A_328 = vector.shape_cast %select_n3A_327 : vector<16xi32> to vector<16x1xi32>
        %gather3A_329 = vector.shape_cast %broadcast_in_dim3A_328 : vector<16x1xi32> to vector<16xi32>
        %gather3A_330 = tpu.dynamic_gather %get3A_176[%gather3A_329] in [0] : vector<16xf32>, vector<16xi32> -> vector<16xf32>
        %mul3A_331 = arith.mulf %mul3A_191, %gather3A_330 : vector<16xf32>
        %add3A_332 = arith.addf %add3A_320, %mul3A_331 : vector<16xf32>
        %lt3A_333 = arith.constant 0 : i32
        %lt3A_334 = vector.broadcast %lt3A_333 : i32 to vector<16xi32>
        %lt3A_335 = arith.cmpi slt, %broadcast_in_dim3A_100, %lt3A_334 : vector<16xi32>
        %add3A_336 = arith.constant 16 : i32
        %add3A_337 = vector.broadcast %add3A_336 : i32 to vector<16xi32>
        %add3A_338 = arith.addi %broadcast_in_dim3A_100, %add3A_337 : vector<16xi32>
        %select_n3A_339 = arith.select %lt3A_335, %add3A_338, %broadcast_in_dim3A_100 : vector<16xi1>, vector<16xi32>
        %broadcast_in_dim3A_340 = vector.shape_cast %select_n3A_339 : vector<16xi32> to vector<16x1xi32>
        %gather3A_341 = vector.shape_cast %broadcast_in_dim3A_340 : vector<16x1xi32> to vector<16xi32>
        %gather3A_342 = tpu.dynamic_gather %get3A_176[%gather3A_341] in [0] : vector<16xf32>, vector<16xi32> -> vector<16xf32>
        %mul3A_343 = arith.mulf %mul3A_196, %gather3A_342 : vector<16xf32>
        %add3A_344 = arith.addf %add3A_332, %mul3A_343 : vector<16xf32>
        %swap3A_345 = arith.index_cast %add3A_169 : i32 to index
        %swap3A_346 = arith.constant 0 : index
        %swap3A_347 = tpu.vector_load %arg13[%swap3A_345, %swap3A_346] {strides = array<i32>} : memref<512x16xf32, #tpu.memory_space<vmem>>, vector<1x16xf32>,
        %swap3A_348 = vector.shape_cast %swap3A_347 : vector<1x16xf32> to vector<16xf32>
        %swap3A_349 = vector.shape_cast %add3A_344 : vector<16xf32> to vector<1x16xf32>
        tpu.vector_store %arg13[%swap3A_345, %swap3A_346], %swap3A_349 {strides = array<i32>} : memref<512x16xf32, #tpu.memory_space<vmem>>, vector<1x16xf32>,
        %lt3A_350 = arith.constant 0 : i32
        %lt3A_351 = vector.broadcast %lt3A_350 : i32 to vector<16xi32>
        %lt3A_352 = arith.cmpi slt, %broadcast_in_dim3A_78, %lt3A_351 : vector<16xi32>
        %add3A_353 = arith.constant 16 : i32
        %add3A_354 = vector.broadcast %add3A_353 : i32 to vector<16xi32>
        %add3A_355 = arith.addi %broadcast_in_dim3A_78, %add3A_354 : vector<16xi32>
        %select_n3A_356 = arith.select %lt3A_352, %add3A_355, %broadcast_in_dim3A_78 : vector<16xi1>, vector<16xi32>
        %broadcast_in_dim3A_357 = vector.shape_cast %select_n3A_356 : vector<16xi32> to vector<16x1xi32>
        %gather3A_358 = vector.shape_cast %broadcast_in_dim3A_357 : vector<16x1xi32> to vector<16xi32>
        %gather3A_359 = tpu.dynamic_gather %get3A_176[%gather3A_358] in [0] : vector<16xf32>, vector<16xi32> -> vector<16xf32>
        %mul3A_360 = arith.mulf %mul3A_181, %gather3A_359 : vector<16xf32>
        %lt3A_361 = arith.constant 0 : i32
        %lt3A_362 = vector.broadcast %lt3A_361 : i32 to vector<16xi32>
        %lt3A_363 = arith.cmpi slt, %broadcast_in_dim3A_86, %lt3A_362 : vector<16xi32>
        %add3A_364 = arith.constant 16 : i32
        %add3A_365 = vector.broadcast %add3A_364 : i32 to vector<16xi32>
        %add3A_366 = arith.addi %broadcast_in_dim3A_86, %add3A_365 : vector<16xi32>
        %select_n3A_367 = arith.select %lt3A_363, %add3A_366, %broadcast_in_dim3A_86 : vector<16xi1>, vector<16xi32>
        %broadcast_in_dim3A_368 = vector.shape_cast %select_n3A_367 : vector<16xi32> to vector<16x1xi32>
        %gather3A_369 = vector.shape_cast %broadcast_in_dim3A_368 : vector<16x1xi32> to vector<16xi32>
        %gather3A_370 = tpu.dynamic_gather %get3A_176[%gather3A_369] in [0] : vector<16xf32>, vector<16xi32> -> vector<16xf32>
        %mul3A_371 = arith.mulf %mul3A_186, %gather3A_370 : vector<16xf32>
        %add3A_372 = arith.addf %mul3A_360, %mul3A_371 : vector<16xf32>
        %lt3A_373 = arith.constant 0 : i32
        %lt3A_374 = vector.broadcast %lt3A_373 : i32 to vector<16xi32>
        %lt3A_375 = arith.cmpi slt, %broadcast_in_dim3A_94, %lt3A_374 : vector<16xi32>
        %add3A_376 = arith.constant 16 : i32
        %add3A_377 = vector.broadcast %add3A_376 : i32 to vector<16xi32>
        %add3A_378 = arith.addi %broadcast_in_dim3A_94, %add3A_377 : vector<16xi32>
        %select_n3A_379 = arith.select %lt3A_375, %add3A_378, %broadcast_in_dim3A_94 : vector<16xi1>, vector<16xi32>
        %broadcast_in_dim3A_380 = vector.shape_cast %select_n3A_379 : vector<16xi32> to vector<16x1xi32>
        %gather3A_381 = vector.shape_cast %broadcast_in_dim3A_380 : vector<16x1xi32> to vector<16xi32>
        %gather3A_382 = tpu.dynamic_gather %get3A_176[%gather3A_381] in [0] : vector<16xf32>, vector<16xi32> -> vector<16xf32>
        %mul3A_383 = arith.mulf %mul3A_191, %gather3A_382 : vector<16xf32>
        %add3A_384 = arith.addf %add3A_372, %mul3A_383 : vector<16xf32>
        %lt3A_385 = arith.constant 0 : i32
        %lt3A_386 = vector.broadcast %lt3A_385 : i32 to vector<16xi32>
        %lt3A_387 = arith.cmpi slt, %broadcast_in_dim3A_102, %lt3A_386 : vector<16xi32>
        %add3A_388 = arith.constant 16 : i32
        %add3A_389 = vector.broadcast %add3A_388 : i32 to vector<16xi32>
        %add3A_390 = arith.addi %broadcast_in_dim3A_102, %add3A_389 : vector<16xi32>
        %select_n3A_391 = arith.select %lt3A_387, %add3A_390, %broadcast_in_dim3A_102 : vector<16xi1>, vector<16xi32>
        %broadcast_in_dim3A_392 = vector.shape_cast %select_n3A_391 : vector<16xi32> to vector<16x1xi32>
        %gather3A_393 = vector.shape_cast %broadcast_in_dim3A_392 : vector<16x1xi32> to vector<16xi32>
        %gather3A_394 = tpu.dynamic_gather %get3A_176[%gather3A_393] in [0] : vector<16xf32>, vector<16xi32> -> vector<16xf32>
        %mul3A_395 = arith.mulf %mul3A_196, %gather3A_394 : vector<16xf32>
        %add3A_396 = arith.addf %add3A_384, %mul3A_395 : vector<16xf32>
        %swap3A_397 = arith.index_cast %add3A_169 : i32 to index
        %swap3A_398 = arith.constant 0 : index
        %swap3A_399 = tpu.vector_load %arg14[%swap3A_397, %swap3A_398] {strides = array<i32>} : memref<512x16xf32, #tpu.memory_space<vmem>>, vector<1x16xf32>,
        %swap3A_400 = vector.shape_cast %swap3A_399 : vector<1x16xf32> to vector<16xf32>
        %swap3A_401 = vector.shape_cast %add3A_396 : vector<16xf32> to vector<1x16xf32>
        tpu.vector_store %arg14[%swap3A_397, %swap3A_398], %swap3A_401 {strides = array<i32>} : memref<512x16xf32, #tpu.memory_space<vmem>>, vector<1x16xf32>,
        %mul3A_402 = arith.constant 8 : i32
        %mul3A_403 = arith.muli %mul3A_402, %scan3A_165 : i32
        %add3A_404 = arith.constant 1 : i32
        %add3A_405 = arith.addi %mul3A_403, %add3A_404 : i32
        %get3A_406 = arith.index_cast %scan3A_165 : i32 to index
        %get3A_407 = arith.constant 16 : index
        %get3A_408 = tpu.vector_load %arg9[%get3A_406, %get3A_407] {strides = array<i32>} : memref<64x128xf32, #tpu.memory_space<vmem>>, vector<1x16xf32>,
        %get3A_409 = vector.shape_cast %get3A_408 : vector<1x16xf32> to vector<16xf32>
        %get3A_410 = arith.index_cast %scan3A_165 : i32 to index
        %get3A_411 = arith.constant 16 : index
        %get3A_412 = tpu.vector_load %arg10[%get3A_410, %get3A_411] {strides = array<i32>} : memref<64x128xf32, #tpu.memory_space<vmem>>, vector<1x16xf32>,
        %get3A_413 = vector.shape_cast %get3A_412 : vector<1x16xf32> to vector<16xf32>
        %get3A_414 = arith.index_cast %add3A_405 : i32 to index
        %get3A_415 = arith.constant 0 : index
        %get3A_416 = tpu.vector_load %arg8[%get3A_414, %get3A_415] {strides = array<i32>} : memref<512x64xf32, #tpu.memory_space<vmem>>, vector<1x16xf32>,
        %get3A_417 = vector.shape_cast %get3A_416 : vector<1x16xf32> to vector<16xf32>
        %mul3A_418 = arith.mulf %get3A_417, %get3A_409 : vector<16xf32>
        %get3A_419 = arith.index_cast %add3A_405 : i32 to index
        %get3A_420 = arith.constant 16 : index
        %get3A_421 = tpu.vector_load %arg8[%get3A_419, %get3A_420] {strides = array<i32>} : memref<512x64xf32, #tpu.memory_space<vmem>>, vector<1x16xf32>,
        %get3A_422 = vector.shape_cast %get3A_421 : vector<1x16xf32> to vector<16xf32>
        %mul3A_423 = arith.mulf %get3A_422, %get3A_409 : vector<16xf32>
        %get3A_424 = arith.index_cast %add3A_405 : i32 to index
        %get3A_425 = arith.constant 32 : index
        %get3A_426 = tpu.vector_load %arg8[%get3A_424, %get3A_425] {strides = array<i32>} : memref<512x64xf32, #tpu.memory_space<vmem>>, vector<1x16xf32>,
        %get3A_427 = vector.shape_cast %get3A_426 : vector<1x16xf32> to vector<16xf32>
        %mul3A_428 = arith.mulf %get3A_427, %get3A_409 : vector<16xf32>
        %get3A_429 = arith.index_cast %add3A_405 : i32 to index
        %get3A_430 = arith.constant 48 : index
        %get3A_431 = tpu.vector_load %arg8[%get3A_429, %get3A_430] {strides = array<i32>} : memref<512x64xf32, #tpu.memory_space<vmem>>, vector<1x16xf32>,
        %get3A_432 = vector.shape_cast %get3A_431 : vector<1x16xf32> to vector<16xf32>
        %mul3A_433 = arith.mulf %get3A_432, %get3A_409 : vector<16xf32>
        %lt3A_434 = arith.constant 0 : i32
        %lt3A_435 = vector.broadcast %lt3A_434 : i32 to vector<16xi32>
        %lt3A_436 = arith.cmpi slt, %broadcast_in_dim3A_72, %lt3A_435 : vector<16xi32>
        %add3A_437 = arith.constant 16 : i32
        %add3A_438 = vector.broadcast %add3A_437 : i32 to vector<16xi32>
        %add3A_439 = arith.addi %broadcast_in_dim3A_72, %add3A_438 : vector<16xi32>
        %select_n3A_440 = arith.select %lt3A_436, %add3A_439, %broadcast_in_dim3A_72 : vector<16xi1>, vector<16xi32>
        %broadcast_in_dim3A_441 = vector.shape_cast %select_n3A_440 : vector<16xi32> to vector<16x1xi32>
        %gather3A_442 = vector.shape_cast %broadcast_in_dim3A_441 : vector<16x1xi32> to vector<16xi32>
        %gather3A_443 = tpu.dynamic_gather %get3A_413[%gather3A_442] in [0] : vector<16xf32>, vector<16xi32> -> vector<16xf32>
        %mul3A_444 = arith.mulf %mul3A_418, %gather3A_443 : vector<16xf32>
        %lt3A_445 = arith.constant 0 : i32
        %lt3A_446 = vector.broadcast %lt3A_445 : i32 to vector<16xi32>
        %lt3A_447 = arith.cmpi slt, %broadcast_in_dim3A_80, %lt3A_446 : vector<16xi32>
        %add3A_448 = arith.constant 16 : i32
        %add3A_449 = vector.broadcast %add3A_448 : i32 to vector<16xi32>
        %add3A_450 = arith.addi %broadcast_in_dim3A_80, %add3A_449 : vector<16xi32>
        %select_n3A_451 = arith.select %lt3A_447, %add3A_450, %broadcast_in_dim3A_80 : vector<16xi1>, vector<16xi32>
        %broadcast_in_dim3A_452 = vector.shape_cast %select_n3A_451 : vector<16xi32> to vector<16x1xi32>
        %gather3A_453 = vector.shape_cast %broadcast_in_dim3A_452 : vector<16x1xi32> to vector<16xi32>
        %gather3A_454 = tpu.dynamic_gather %get3A_413[%gather3A_453] in [0] : vector<16xf32>, vector<16xi32> -> vector<16xf32>
        %mul3A_455 = arith.mulf %mul3A_423, %gather3A_454 : vector<16xf32>
        %add3A_456 = arith.addf %mul3A_444, %mul3A_455 : vector<16xf32>
        %lt3A_457 = arith.constant 0 : i32
        %lt3A_458 = vector.broadcast %lt3A_457 : i32 to vector<16xi32>
        %lt3A_459 = arith.cmpi slt, %broadcast_in_dim3A_88, %lt3A_458 : vector<16xi32>
        %add3A_460 = arith.constant 16 : i32
        %add3A_461 = vector.broadcast %add3A_460 : i32 to vector<16xi32>
        %add3A_462 = arith.addi %broadcast_in_dim3A_88, %add3A_461 : vector<16xi32>
        %select_n3A_463 = arith.select %lt3A_459, %add3A_462, %broadcast_in_dim3A_88 : vector<16xi1>, vector<16xi32>
        %broadcast_in_dim3A_464 = vector.shape_cast %select_n3A_463 : vector<16xi32> to vector<16x1xi32>
        %gather3A_465 = vector.shape_cast %broadcast_in_dim3A_464 : vector<16x1xi32> to vector<16xi32>
        %gather3A_466 = tpu.dynamic_gather %get3A_413[%gather3A_465] in [0] : vector<16xf32>, vector<16xi32> -> vector<16xf32>
        %mul3A_467 = arith.mulf %mul3A_428, %gather3A_466 : vector<16xf32>
        %add3A_468 = arith.addf %add3A_456, %mul3A_467 : vector<16xf32>
        %lt3A_469 = arith.constant 0 : i32
        %lt3A_470 = vector.broadcast %lt3A_469 : i32 to vector<16xi32>
        %lt3A_471 = arith.cmpi slt, %broadcast_in_dim3A_96, %lt3A_470 : vector<16xi32>
        %add3A_472 = arith.constant 16 : i32
        %add3A_473 = vector.broadcast %add3A_472 : i32 to vector<16xi32>
        %add3A_474 = arith.addi %broadcast_in_dim3A_96, %add3A_473 : vector<16xi32>
        %select_n3A_475 = arith.select %lt3A_471, %add3A_474, %broadcast_in_dim3A_96 : vector<16xi1>, vector<16xi32>
        %broadcast_in_dim3A_476 = vector.shape_cast %select_n3A_475 : vector<16xi32> to vector<16x1xi32>
        %gather3A_477 = vector.shape_cast %broadcast_in_dim3A_476 : vector<16x1xi32> to vector<16xi32>
        %gather3A_478 = tpu.dynamic_gather %get3A_413[%gather3A_477] in [0] : vector<16xf32>, vector<16xi32> -> vector<16xf32>
        %mul3A_479 = arith.mulf %mul3A_433, %gather3A_478 : vector<16xf32>
        %add3A_480 = arith.addf %add3A_468, %mul3A_479 : vector<16xf32>
        %swap3A_481 = arith.index_cast %add3A_405 : i32 to index
        %swap3A_482 = arith.constant 0 : index
        %swap3A_483 = tpu.vector_load %arg11[%swap3A_481, %swap3A_482] {strides = array<i32>} : memref<512x16xf32, #tpu.memory_space<vmem>>, vector<1x16xf32>,
        %swap3A_484 = vector.shape_cast %swap3A_483 : vector<1x16xf32> to vector<16xf32>
        %swap3A_485 = vector.shape_cast %add3A_480 : vector<16xf32> to vector<1x16xf32>
        tpu.vector_store %arg11[%swap3A_481, %swap3A_482], %swap3A_485 {strides = array<i32>} : memref<512x16xf32, #tpu.memory_space<vmem>>, vector<1x16xf32>,
        %lt3A_486 = arith.constant 0 : i32
        %lt3A_487 = vector.broadcast %lt3A_486 : i32 to vector<16xi32>
        %lt3A_488 = arith.cmpi slt, %broadcast_in_dim3A_74, %lt3A_487 : vector<16xi32>
        %add3A_489 = arith.constant 16 : i32
        %add3A_490 = vector.broadcast %add3A_489 : i32 to vector<16xi32>
        %add3A_491 = arith.addi %broadcast_in_dim3A_74, %add3A_490 : vector<16xi32>
        %select_n3A_492 = arith.select %lt3A_488, %add3A_491, %broadcast_in_dim3A_74 : vector<16xi1>, vector<16xi32>
        %broadcast_in_dim3A_493 = vector.shape_cast %select_n3A_492 : vector<16xi32> to vector<16x1xi32>
        %gather3A_494 = vector.shape_cast %broadcast_in_dim3A_493 : vector<16x1xi32> to vector<16xi32>
        %gather3A_495 = tpu.dynamic_gather %get3A_413[%gather3A_494] in [0] : vector<16xf32>, vector<16xi32> -> vector<16xf32>
        %mul3A_496 = arith.mulf %mul3A_418, %gather3A_495 : vector<16xf32>
        %lt3A_497 = arith.constant 0 : i32
        %lt3A_498 = vector.broadcast %lt3A_497 : i32 to vector<16xi32>
        %lt3A_499 = arith.cmpi slt, %broadcast_in_dim3A_82, %lt3A_498 : vector<16xi32>
        %add3A_500 = arith.constant 16 : i32
        %add3A_501 = vector.broadcast %add3A_500 : i32 to vector<16xi32>
        %add3A_502 = arith.addi %broadcast_in_dim3A_82, %add3A_501 : vector<16xi32>
        %select_n3A_503 = arith.select %lt3A_499, %add3A_502, %broadcast_in_dim3A_82 : vector<16xi1>, vector<16xi32>
        %broadcast_in_dim3A_504 = vector.shape_cast %select_n3A_503 : vector<16xi32> to vector<16x1xi32>
        %gather3A_505 = vector.shape_cast %broadcast_in_dim3A_504 : vector<16x1xi32> to vector<16xi32>
        %gather3A_506 = tpu.dynamic_gather %get3A_413[%gather3A_505] in [0] : vector<16xf32>, vector<16xi32> -> vector<16xf32>
        %mul3A_507 = arith.mulf %mul3A_423, %gather3A_506 : vector<16xf32>
        %add3A_508 = arith.addf %mul3A_496, %mul3A_507 : vector<16xf32>
        %lt3A_509 = arith.constant 0 : i32
        %lt3A_510 = vector.broadcast %lt3A_509 : i32 to vector<16xi32>
        %lt3A_511 = arith.cmpi slt, %broadcast_in_dim3A_90, %lt3A_510 : vector<16xi32>
        %add3A_512 = arith.constant 16 : i32
        %add3A_513 = vector.broadcast %add3A_512 : i32 to vector<16xi32>
        %add3A_514 = arith.addi %broadcast_in_dim3A_90, %add3A_513 : vector<16xi32>
        %select_n3A_515 = arith.select %lt3A_511, %add3A_514, %broadcast_in_dim3A_90 : vector<16xi1>, vector<16xi32>
        %broadcast_in_dim3A_516 = vector.shape_cast %select_n3A_515 : vector<16xi32> to vector<16x1xi32>
        %gather3A_517 = vector.shape_cast %broadcast_in_dim3A_516 : vector<16x1xi32> to vector<16xi32>
        %gather3A_518 = tpu.dynamic_gather %get3A_413[%gather3A_517] in [0] : vector<16xf32>, vector<16xi32> -> vector<16xf32>
        %mul3A_519 = arith.mulf %mul3A_428, %gather3A_518 : vector<16xf32>
        %add3A_520 = arith.addf %add3A_508, %mul3A_519 : vector<16xf32>
        %lt3A_521 = arith.constant 0 : i32
        %lt3A_522 = vector.broadcast %lt3A_521 : i32 to vector<16xi32>
        %lt3A_523 = arith.cmpi slt, %broadcast_in_dim3A_98, %lt3A_522 : vector<16xi32>
        %add3A_524 = arith.constant 16 : i32
        %add3A_525 = vector.broadcast %add3A_524 : i32 to vector<16xi32>
        %add3A_526 = arith.addi %broadcast_in_dim3A_98, %add3A_525 : vector<16xi32>
        %select_n3A_527 = arith.select %lt3A_523, %add3A_526, %broadcast_in_dim3A_98 : vector<16xi1>, vector<16xi32>
        %broadcast_in_dim3A_528 = vector.shape_cast %select_n3A_527 : vector<16xi32> to vector<16x1xi32>
        %gather3A_529 = vector.shape_cast %broadcast_in_dim3A_528 : vector<16x1xi32> to vector<16xi32>
        %gather3A_530 = tpu.dynamic_gather %get3A_413[%gather3A_529] in [0] : vector<16xf32>, vector<16xi32> -> vector<16xf32>
        %mul3A_531 = arith.mulf %mul3A_433, %gather3A_530 : vector<16xf32>
        %add3A_532 = arith.addf %add3A_520, %mul3A_531 : vector<16xf32>
        %swap3A_533 = arith.index_cast %add3A_405 : i32 to index
        %swap3A_534 = arith.constant 0 : index
        %swap3A_535 = tpu.vector_load %arg12[%swap3A_533, %swap3A_534] {strides = array<i32>} : memref<512x16xf32, #tpu.memory_space<vmem>>, vector<1x16xf32>,
        %swap3A_536 = vector.shape_cast %swap3A_535 : vector<1x16xf32> to vector<16xf32>
        %swap3A_537 = vector.shape_cast %add3A_532 : vector<16xf32> to vector<1x16xf32>
        tpu.vector_store %arg12[%swap3A_533, %swap3A_534], %swap3A_537 {strides = array<i32>} : memref<512x16xf32, #tpu.memory_space<vmem>>, vector<1x16xf32>,
        %lt3A_538 = arith.constant 0 : i32
        %lt3A_539 = vector.broadcast %lt3A_538 : i32 to vector<16xi32>
        %lt3A_540 = arith.cmpi slt, %broadcast_in_dim3A_76, %lt3A_539 : vector<16xi32>
        %add3A_541 = arith.constant 16 : i32
        %add3A_542 = vector.broadcast %add3A_541 : i32 to vector<16xi32>
        %add3A_543 = arith.addi %broadcast_in_dim3A_76, %add3A_542 : vector<16xi32>
        %select_n3A_544 = arith.select %lt3A_540, %add3A_543, %broadcast_in_dim3A_76 : vector<16xi1>, vector<16xi32>
        %broadcast_in_dim3A_545 = vector.shape_cast %select_n3A_544 : vector<16xi32> to vector<16x1xi32>
        %gather3A_546 = vector.shape_cast %broadcast_in_dim3A_545 : vector<16x1xi32> to vector<16xi32>
        %gather3A_547 = tpu.dynamic_gather %get3A_413[%gather3A_546] in [0] : vector<16xf32>, vector<16xi32> -> vector<16xf32>
        %mul3A_548 = arith.mulf %mul3A_418, %gather3A_547 : vector<16xf32>
        %lt3A_549 = arith.constant 0 : i32
        %lt3A_550 = vector.broadcast %lt3A_549 : i32 to vector<16xi32>
        %lt3A_551 = arith.cmpi slt, %broadcast_in_dim3A_84, %lt3A_550 : vector<16xi32>
        %add3A_552 = arith.constant 16 : i32
        %add3A_553 = vector.broadcast %add3A_552 : i32 to vector<16xi32>
        %add3A_554 = arith.addi %broadcast_in_dim3A_84, %add3A_553 : vector<16xi32>
        %select_n3A_555 = arith.select %lt3A_551, %add3A_554, %broadcast_in_dim3A_84 : vector<16xi1>, vector<16xi32>
        %broadcast_in_dim3A_556 = vector.shape_cast %select_n3A_555 : vector<16xi32> to vector<16x1xi32>
        %gather3A_557 = vector.shape_cast %broadcast_in_dim3A_556 : vector<16x1xi32> to vector<16xi32>
        %gather3A_558 = tpu.dynamic_gather %get3A_413[%gather3A_557] in [0] : vector<16xf32>, vector<16xi32> -> vector<16xf32>
        %mul3A_559 = arith.mulf %mul3A_423, %gather3A_558 : vector<16xf32>
        %add3A_560 = arith.addf %mul3A_548, %mul3A_559 : vector<16xf32>
        %lt3A_561 = arith.constant 0 : i32
        %lt3A_562 = vector.broadcast %lt3A_561 : i32 to vector<16xi32>
        %lt3A_563 = arith.cmpi slt, %broadcast_in_dim3A_92, %lt3A_562 : vector<16xi32>
        %add3A_564 = arith.constant 16 : i32
        %add3A_565 = vector.broadcast %add3A_564 : i32 to vector<16xi32>
        %add3A_566 = arith.addi %broadcast_in_dim3A_92, %add3A_565 : vector<16xi32>
        %select_n3A_567 = arith.select %lt3A_563, %add3A_566, %broadcast_in_dim3A_92 : vector<16xi1>, vector<16xi32>
        %broadcast_in_dim3A_568 = vector.shape_cast %select_n3A_567 : vector<16xi32> to vector<16x1xi32>
        %gather3A_569 = vector.shape_cast %broadcast_in_dim3A_568 : vector<16x1xi32> to vector<16xi32>
        %gather3A_570 = tpu.dynamic_gather %get3A_413[%gather3A_569] in [0] : vector<16xf32>, vector<16xi32> -> vector<16xf32>
        %mul3A_571 = arith.mulf %mul3A_428, %gather3A_570 : vector<16xf32>
        %add3A_572 = arith.addf %add3A_560, %mul3A_571 : vector<16xf32>
        %lt3A_573 = arith.constant 0 : i32
        %lt3A_574 = vector.broadcast %lt3A_573 : i32 to vector<16xi32>
        %lt3A_575 = arith.cmpi slt, %broadcast_in_dim3A_100, %lt3A_574 : vector<16xi32>
        %add3A_576 = arith.constant 16 : i32
        %add3A_577 = vector.broadcast %add3A_576 : i32 to vector<16xi32>
        %add3A_578 = arith.addi %broadcast_in_dim3A_100, %add3A_577 : vector<16xi32>
        %select_n3A_579 = arith.select %lt3A_575, %add3A_578, %broadcast_in_dim3A_100 : vector<16xi1>, vector<16xi32>
        %broadcast_in_dim3A_580 = vector.shape_cast %select_n3A_579 : vector<16xi32> to vector<16x1xi32>
        %gather3A_581 = vector.shape_cast %broadcast_in_dim3A_580 : vector<16x1xi32> to vector<16xi32>
        %gather3A_582 = tpu.dynamic_gather %get3A_413[%gather3A_581] in [0] : vector<16xf32>, vector<16xi32> -> vector<16xf32>
        %mul3A_583 = arith.mulf %mul3A_433, %gather3A_582 : vector<16xf32>
        %add3A_584 = arith.addf %add3A_572, %mul3A_583 : vector<16xf32>
        %swap3A_585 = arith.index_cast %add3A_405 : i32 to index
        %swap3A_586 = arith.constant 0 : index
        %swap3A_587 = tpu.vector_load %arg13[%swap3A_585, %swap3A_586] {strides = array<i32>} : memref<512x16xf32, #tpu.memory_space<vmem>>, vector<1x16xf32>,
        %swap3A_588 = vector.shape_cast %swap3A_587 : vector<1x16xf32> to vector<16xf32>
        %swap3A_589 = vector.shape_cast %add3A_584 : vector<16xf32> to vector<1x16xf32>
        tpu.vector_store %arg13[%swap3A_585, %swap3A_586], %swap3A_589 {strides = array<i32>} : memref<512x16xf32, #tpu.memory_space<vmem>>, vector<1x16xf32>,
        %lt3A_590 = arith.constant 0 : i32
        %lt3A_591 = vector.broadcast %lt3A_590 : i32 to vector<16xi32>
        %lt3A_592 = arith.cmpi slt, %broadcast_in_dim3A_78, %lt3A_591 : vector<16xi32>
        %add3A_593 = arith.constant 16 : i32
        %add3A_594 = vector.broadcast %add3A_593 : i32 to vector<16xi32>
        %add3A_595 = arith.addi %broadcast_in_dim3A_78, %add3A_594 : vector<16xi32>
        %select_n3A_596 = arith.select %lt3A_592, %add3A_595, %broadcast_in_dim3A_78 : vector<16xi1>, vector<16xi32>
        %broadcast_in_dim3A_597 = vector.shape_cast %select_n3A_596 : vector<16xi32> to vector<16x1xi32>
        %gather3A_598 = vector.shape_cast %broadcast_in_dim3A_597 : vector<16x1xi32> to vector<16xi32>
        %gather3A_599 = tpu.dynamic_gather %get3A_413[%gather3A_598] in [0] : vector<16xf32>, vector<16xi32> -> vector<16xf32>
        %mul3A_600 = arith.mulf %mul3A_418, %gather3A_599 : vector<16xf32>
        %lt3A_601 = arith.constant 0 : i32
        %lt3A_602 = vector.broadcast %lt3A_601 : i32 to vector<16xi32>
        %lt3A_603 = arith.cmpi slt, %broadcast_in_dim3A_86, %lt3A_602 : vector<16xi32>
        %add3A_604 = arith.constant 16 : i32
        %add3A_605 = vector.broadcast %add3A_604 : i32 to vector<16xi32>
        %add3A_606 = arith.addi %broadcast_in_dim3A_86, %add3A_605 : vector<16xi32>
        %select_n3A_607 = arith.select %lt3A_603, %add3A_606, %broadcast_in_dim3A_86 : vector<16xi1>, vector<16xi32>
        %broadcast_in_dim3A_608 = vector.shape_cast %select_n3A_607 : vector<16xi32> to vector<16x1xi32>
        %gather3A_609 = vector.shape_cast %broadcast_in_dim3A_608 : vector<16x1xi32> to vector<16xi32>
        %gather3A_610 = tpu.dynamic_gather %get3A_413[%gather3A_609] in [0] : vector<16xf32>, vector<16xi32> -> vector<16xf32>
        %mul3A_611 = arith.mulf %mul3A_423, %gather3A_610 : vector<16xf32>
        %add3A_612 = arith.addf %mul3A_600, %mul3A_611 : vector<16xf32>
        %lt3A_613 = arith.constant 0 : i32
        %lt3A_614 = vector.broadcast %lt3A_613 : i32 to vector<16xi32>
        %lt3A_615 = arith.cmpi slt, %broadcast_in_dim3A_94, %lt3A_614 : vector<16xi32>
        %add3A_616 = arith.constant 16 : i32
        %add3A_617 = vector.broadcast %add3A_616 : i32 to vector<16xi32>
        %add3A_618 = arith.addi %broadcast_in_dim3A_94, %add3A_617 : vector<16xi32>
        %select_n3A_619 = arith.select %lt3A_615, %add3A_618, %broadcast_in_dim3A_94 : vector<16xi1>, vector<16xi32>
        %broadcast_in_dim3A_620 = vector.shape_cast %select_n3A_619 : vector<16xi32> to vector<16x1xi32>
        %gather3A_621 = vector.shape_cast %broadcast_in_dim3A_620 : vector<16x1xi32> to vector<16xi32>
        %gather3A_622 = tpu.dynamic_gather %get3A_413[%gather3A_621] in [0] : vector<16xf32>, vector<16xi32> -> vector<16xf32>
        %mul3A_623 = arith.mulf %mul3A_428, %gather3A_622 : vector<16xf32>
        %add3A_624 = arith.addf %add3A_612, %mul3A_623 : vector<16xf32>
        %lt3A_625 = arith.constant 0 : i32
        %lt3A_626 = vector.broadcast %lt3A_625 : i32 to vector<16xi32>
        %lt3A_627 = arith.cmpi slt, %broadcast_in_dim3A_102, %lt3A_626 : vector<16xi32>
        %add3A_628 = arith.constant 16 : i32
        %add3A_629 = vector.broadcast %add3A_628 : i32 to vector<16xi32>
        %add3A_630 = arith.addi %broadcast_in_dim3A_102, %add3A_629 : vector<16xi32>
        %select_n3A_631 = arith.select %lt3A_627, %add3A_630, %broadcast_in_dim3A_102 : vector<16xi1>, vector<16xi32>
        %broadcast_in_dim3A_632 = vector.shape_cast %select_n3A_631 : vector<16xi32> to vector<16x1xi32>
        %gather3A_633 = vector.shape_cast %broadcast_in_dim3A_632 : vector<16x1xi32> to vector<16xi32>
        %gather3A_634 = tpu.dynamic_gather %get3A_413[%gather3A_633] in [0] : vector<16xf32>, vector<16xi32> -> vector<16xf32>
        %mul3A_635 = arith.mulf %mul3A_433, %gather3A_634 : vector<16xf32>
        %add3A_636 = arith.addf %add3A_624, %mul3A_635 : vector<16xf32>
        %swap3A_637 = arith.index_cast %add3A_405 : i32 to index
        %swap3A_638 = arith.constant 0 : index
        %swap3A_639 = tpu.vector_load %arg14[%swap3A_637, %swap3A_638] {strides = array<i32>} : memref<512x16xf32, #tpu.memory_space<vmem>>, vector<1x16xf32>,
        %swap3A_640 = vector.shape_cast %swap3A_639 : vector<1x16xf32> to vector<16xf32>
        %swap3A_641 = vector.shape_cast %add3A_636 : vector<16xf32> to vector<1x16xf32>
        tpu.vector_store %arg14[%swap3A_637, %swap3A_638], %swap3A_641 {strides = array<i32>} : memref<512x16xf32, #tpu.memory_space<vmem>>, vector<1x16xf32>,
        %mul3A_642 = arith.constant 8 : i32
        %mul3A_643 = arith.muli %mul3A_642, %scan3A_165 : i32
        %add3A_644 = arith.constant 2 : i32
        %add3A_645 = arith.addi %mul3A_643, %add3A_644 : i32
        %get3A_646 = arith.index_cast %scan3A_165 : i32 to index
        %get3A_647 = arith.constant 32 : index
        %get3A_648 = tpu.vector_load %arg9[%get3A_646, %get3A_647] {strides = array<i32>} : memref<64x128xf32, #tpu.memory_space<vmem>>, vector<1x16xf32>,
        %get3A_649 = vector.shape_cast %get3A_648 : vector<1x16xf32> to vector<16xf32>
        %get3A_650 = arith.index_cast %scan3A_165 : i32 to index
        %get3A_651 = arith.constant 32 : index
        %get3A_652 = tpu.vector_load %arg10[%get3A_650, %get3A_651] {strides = array<i32>} : memref<64x128xf32, #tpu.memory_space<vmem>>, vector<1x16xf32>,
        %get3A_653 = vector.shape_cast %get3A_652 : vector<1x16xf32> to vector<16xf32>
        %get3A_654 = arith.index_cast %add3A_645 : i32 to index
        %get3A_655 = arith.constant 0 : index
        %get3A_656 = tpu.vector_load %arg8[%get3A_654, %get3A_655] {strides = array<i32>} : memref<512x64xf32, #tpu.memory_space<vmem>>, vector<1x16xf32>,
        %get3A_657 = vector.shape_cast %get3A_656 : vector<1x16xf32> to vector<16xf32>
        %mul3A_658 = arith.mulf %get3A_657, %get3A_649 : vector<16xf32>
        %get3A_659 = arith.index_cast %add3A_645 : i32 to index
        %get3A_660 = arith.constant 16 : index
        %get3A_661 = tpu.vector_load %arg8[%get3A_659, %get3A_660] {strides = array<i32>} : memref<512x64xf32, #tpu.memory_space<vmem>>, vector<1x16xf32>,
        %get3A_662 = vector.shape_cast %get3A_661 : vector<1x16xf32> to vector<16xf32>
        %mul3A_663 = arith.mulf %get3A_662, %get3A_649 : vector<16xf32>
        %get3A_664 = arith.index_cast %add3A_645 : i32 to index
        %get3A_665 = arith.constant 32 : index
        %get3A_666 = tpu.vector_load %arg8[%get3A_664, %get3A_665] {strides = array<i32>} : memref<512x64xf32, #tpu.memory_space<vmem>>, vector<1x16xf32>,
        %get3A_667 = vector.shape_cast %get3A_666 : vector<1x16xf32> to vector<16xf32>
        %mul3A_668 = arith.mulf %get3A_667, %get3A_649 : vector<16xf32>
        %get3A_669 = arith.index_cast %add3A_645 : i32 to index
        %get3A_670 = arith.constant 48 : index
        %get3A_671 = tpu.vector_load %arg8[%get3A_669, %get3A_670] {strides = array<i32>} : memref<512x64xf32, #tpu.memory_space<vmem>>, vector<1x16xf32>,
        %get3A_672 = vector.shape_cast %get3A_671 : vector<1x16xf32> to vector<16xf32>
        %mul3A_673 = arith.mulf %get3A_672, %get3A_649 : vector<16xf32>
        %lt3A_674 = arith.constant 0 : i32
        %lt3A_675 = vector.broadcast %lt3A_674 : i32 to vector<16xi32>
        %lt3A_676 = arith.cmpi slt, %broadcast_in_dim3A_72, %lt3A_675 : vector<16xi32>
        %add3A_677 = arith.constant 16 : i32
        %add3A_678 = vector.broadcast %add3A_677 : i32 to vector<16xi32>
        %add3A_679 = arith.addi %broadcast_in_dim3A_72, %add3A_678 : vector<16xi32>
        %select_n3A_680 = arith.select %lt3A_676, %add3A_679, %broadcast_in_dim3A_72 : vector<16xi1>, vector<16xi32>
        %broadcast_in_dim3A_681 = vector.shape_cast %select_n3A_680 : vector<16xi32> to vector<16x1xi32>
        %gather3A_682 = vector.shape_cast %broadcast_in_dim3A_681 : vector<16x1xi32> to vector<16xi32>
        %gather3A_683 = tpu.dynamic_gather %get3A_653[%gather3A_682] in [0] : vector<16xf32>, vector<16xi32> -> vector<16xf32>
        %mul3A_684 = arith.mulf %mul3A_658, %gather3A_683 : vector<16xf32>
        %lt3A_685 = arith.constant 0 : i32
        %lt3A_686 = vector.broadcast %lt3A_685 : i32 to vector<16xi32>
        %lt3A_687 = arith.cmpi slt, %broadcast_in_dim3A_80, %lt3A_686 : vector<16xi32>
        %add3A_688 = arith.constant 16 : i32
        %add3A_689 = vector.broadcast %add3A_688 : i32 to vector<16xi32>
        %add3A_690 = arith.addi %broadcast_in_dim3A_80, %add3A_689 : vector<16xi32>
        %select_n3A_691 = arith.select %lt3A_687, %add3A_690, %broadcast_in_dim3A_80 : vector<16xi1>, vector<16xi32>
        %broadcast_in_dim3A_692 = vector.shape_cast %select_n3A_691 : vector<16xi32> to vector<16x1xi32>
        %gather3A_693 = vector.shape_cast %broadcast_in_dim3A_692 : vector<16x1xi32> to vector<16xi32>
        %gather3A_694 = tpu.dynamic_gather %get3A_653[%gather3A_693] in [0] : vector<16xf32>, vector<16xi32> -> vector<16xf32>
        %mul3A_695 = arith.mulf %mul3A_663, %gather3A_694 : vector<16xf32>
        %add3A_696 = arith.addf %mul3A_684, %mul3A_695 : vector<16xf32>
        %lt3A_697 = arith.constant 0 : i32
        %lt3A_698 = vector.broadcast %lt3A_697 : i32 to vector<16xi32>
        %lt3A_699 = arith.cmpi slt, %broadcast_in_dim3A_88, %lt3A_698 : vector<16xi32>
        %add3A_700 = arith.constant 16 : i32
        %add3A_701 = vector.broadcast %add3A_700 : i32 to vector<16xi32>
        %add3A_702 = arith.addi %broadcast_in_dim3A_88, %add3A_701 : vector<16xi32>
        %select_n3A_703 = arith.select %lt3A_699, %add3A_702, %broadcast_in_dim3A_88 : vector<16xi1>, vector<16xi32>
        %broadcast_in_dim3A_704 = vector.shape_cast %select_n3A_703 : vector<16xi32> to vector<16x1xi32>
        %gather3A_705 = vector.shape_cast %broadcast_in_dim3A_704 : vector<16x1xi32> to vector<16xi32>
        %gather3A_706 = tpu.dynamic_gather %get3A_653[%gather3A_705] in [0] : vector<16xf32>, vector<16xi32> -> vector<16xf32>
        %mul3A_707 = arith.mulf %mul3A_668, %gather3A_706 : vector<16xf32>
        %add3A_708 = arith.addf %add3A_696, %mul3A_707 : vector<16xf32>
        %lt3A_709 = arith.constant 0 : i32
        %lt3A_710 = vector.broadcast %lt3A_709 : i32 to vector<16xi32>
        %lt3A_711 = arith.cmpi slt, %broadcast_in_dim3A_96, %lt3A_710 : vector<16xi32>
        %add3A_712 = arith.constant 16 : i32
        %add3A_713 = vector.broadcast %add3A_712 : i32 to vector<16xi32>
        %add3A_714 = arith.addi %broadcast_in_dim3A_96, %add3A_713 : vector<16xi32>
        %select_n3A_715 = arith.select %lt3A_711, %add3A_714, %broadcast_in_dim3A_96 : vector<16xi1>, vector<16xi32>
        %broadcast_in_dim3A_716 = vector.shape_cast %select_n3A_715 : vector<16xi32> to vector<16x1xi32>
        %gather3A_717 = vector.shape_cast %broadcast_in_dim3A_716 : vector<16x1xi32> to vector<16xi32>
        %gather3A_718 = tpu.dynamic_gather %get3A_653[%gather3A_717] in [0] : vector<16xf32>, vector<16xi32> -> vector<16xf32>
        %mul3A_719 = arith.mulf %mul3A_673, %gather3A_718 : vector<16xf32>
        %add3A_720 = arith.addf %add3A_708, %mul3A_719 : vector<16xf32>
        %swap3A_721 = arith.index_cast %add3A_645 : i32 to index
        %swap3A_722 = arith.constant 0 : index
        %swap3A_723 = tpu.vector_load %arg11[%swap3A_721, %swap3A_722] {strides = array<i32>} : memref<512x16xf32, #tpu.memory_space<vmem>>, vector<1x16xf32>,
        %swap3A_724 = vector.shape_cast %swap3A_723 : vector<1x16xf32> to vector<16xf32>
        %swap3A_725 = vector.shape_cast %add3A_720 : vector<16xf32> to vector<1x16xf32>
        tpu.vector_store %arg11[%swap3A_721, %swap3A_722], %swap3A_725 {strides = array<i32>} : memref<512x16xf32, #tpu.memory_space<vmem>>, vector<1x16xf32>,
        %lt3A_726 = arith.constant 0 : i32
        %lt3A_727 = vector.broadcast %lt3A_726 : i32 to vector<16xi32>
        %lt3A_728 = arith.cmpi slt, %broadcast_in_dim3A_74, %lt3A_727 : vector<16xi32>
        %add3A_729 = arith.constant 16 : i32
        %add3A_730 = vector.broadcast %add3A_729 : i32 to vector<16xi32>
        %add3A_731 = arith.addi %broadcast_in_dim3A_74, %add3A_730 : vector<16xi32>
        %select_n3A_732 = arith.select %lt3A_728, %add3A_731, %broadcast_in_dim3A_74 : vector<16xi1>, vector<16xi32>
        %broadcast_in_dim3A_733 = vector.shape_cast %select_n3A_732 : vector<16xi32> to vector<16x1xi32>
        %gather3A_734 = vector.shape_cast %broadcast_in_dim3A_733 : vector<16x1xi32> to vector<16xi32>
        %gather3A_735 = tpu.dynamic_gather %get3A_653[%gather3A_734] in [0] : vector<16xf32>, vector<16xi32> -> vector<16xf32>
        %mul3A_736 = arith.mulf %mul3A_658, %gather3A_735 : vector<16xf32>
        %lt3A_737 = arith.constant 0 : i32
        %lt3A_738 = vector.broadcast %lt3A_737 : i32 to vector<16xi32>
        %lt3A_739 = arith.cmpi slt, %broadcast_in_dim3A_82, %lt3A_738 : vector<16xi32>
        %add3A_740 = arith.constant 16 : i32
        %add3A_741 = vector.broadcast %add3A_740 : i32 to vector<16xi32>
        %add3A_742 = arith.addi %broadcast_in_dim3A_82, %add3A_741 : vector<16xi32>
        %select_n3A_743 = arith.select %lt3A_739, %add3A_742, %broadcast_in_dim3A_82 : vector<16xi1>, vector<16xi32>
        %broadcast_in_dim3A_744 = vector.shape_cast %select_n3A_743 : vector<16xi32> to vector<16x1xi32>
        %gather3A_745 = vector.shape_cast %broadcast_in_dim3A_744 : vector<16x1xi32> to vector<16xi32>
        %gather3A_746 = tpu.dynamic_gather %get3A_653[%gather3A_745] in [0] : vector<16xf32>, vector<16xi32> -> vector<16xf32>
        %mul3A_747 = arith.mulf %mul3A_663, %gather3A_746 : vector<16xf32>
        %add3A_748 = arith.addf %mul3A_736, %mul3A_747 : vector<16xf32>
        %lt3A_749 = arith.constant 0 : i32
        %lt3A_750 = vector.broadcast %lt3A_749 : i32 to vector<16xi32>
        %lt3A_751 = arith.cmpi slt, %broadcast_in_dim3A_90, %lt3A_750 : vector<16xi32>
        %add3A_752 = arith.constant 16 : i32
        %add3A_753 = vector.broadcast %add3A_752 : i32 to vector<16xi32>
        %add3A_754 = arith.addi %broadcast_in_dim3A_90, %add3A_753 : vector<16xi32>
        %select_n3A_755 = arith.select %lt3A_751, %add3A_754, %broadcast_in_dim3A_90 : vector<16xi1>, vector<16xi32>
        %broadcast_in_dim3A_756 = vector.shape_cast %select_n3A_755 : vector<16xi32> to vector<16x1xi32>
        %gather3A_757 = vector.shape_cast %broadcast_in_dim3A_756 : vector<16x1xi32> to vector<16xi32>
        %gather3A_758 = tpu.dynamic_gather %get3A_653[%gather3A_757] in [0] : vector<16xf32>, vector<16xi32> -> vector<16xf32>
        %mul3A_759 = arith.mulf %mul3A_668, %gather3A_758 : vector<16xf32>
        %add3A_760 = arith.addf %add3A_748, %mul3A_759 : vector<16xf32>
        %lt3A_761 = arith.constant 0 : i32
        %lt3A_762 = vector.broadcast %lt3A_761 : i32 to vector<16xi32>
        %lt3A_763 = arith.cmpi slt, %broadcast_in_dim3A_98, %lt3A_762 : vector<16xi32>
        %add3A_764 = arith.constant 16 : i32
        %add3A_765 = vector.broadcast %add3A_764 : i32 to vector<16xi32>
        %add3A_766 = arith.addi %broadcast_in_dim3A_98, %add3A_765 : vector<16xi32>
        %select_n3A_767 = arith.select %lt3A_763, %add3A_766, %broadcast_in_dim3A_98 : vector<16xi1>, vector<16xi32>
        %broadcast_in_dim3A_768 = vector.shape_cast %select_n3A_767 : vector<16xi32> to vector<16x1xi32>
        %gather3A_769 = vector.shape_cast %broadcast_in_dim3A_768 : vector<16x1xi32> to vector<16xi32>
        %gather3A_770 = tpu.dynamic_gather %get3A_653[%gather3A_769] in [0] : vector<16xf32>, vector<16xi32> -> vector<16xf32>
        %mul3A_771 = arith.mulf %mul3A_673, %gather3A_770 : vector<16xf32>
        %add3A_772 = arith.addf %add3A_760, %mul3A_771 : vector<16xf32>
        %swap3A_773 = arith.index_cast %add3A_645 : i32 to index
        %swap3A_774 = arith.constant 0 : index
        %swap3A_775 = tpu.vector_load %arg12[%swap3A_773, %swap3A_774] {strides = array<i32>} : memref<512x16xf32, #tpu.memory_space<vmem>>, vector<1x16xf32>,
        %swap3A_776 = vector.shape_cast %swap3A_775 : vector<1x16xf32> to vector<16xf32>
        %swap3A_777 = vector.shape_cast %add3A_772 : vector<16xf32> to vector<1x16xf32>
        tpu.vector_store %arg12[%swap3A_773, %swap3A_774], %swap3A_777 {strides = array<i32>} : memref<512x16xf32, #tpu.memory_space<vmem>>, vector<1x16xf32>,
        %lt3A_778 = arith.constant 0 : i32
        %lt3A_779 = vector.broadcast %lt3A_778 : i32 to vector<16xi32>
        %lt3A_780 = arith.cmpi slt, %broadcast_in_dim3A_76, %lt3A_779 : vector<16xi32>
        %add3A_781 = arith.constant 16 : i32
        %add3A_782 = vector.broadcast %add3A_781 : i32 to vector<16xi32>
        %add3A_783 = arith.addi %broadcast_in_dim3A_76, %add3A_782 : vector<16xi32>
        %select_n3A_784 = arith.select %lt3A_780, %add3A_783, %broadcast_in_dim3A_76 : vector<16xi1>, vector<16xi32>
        %broadcast_in_dim3A_785 = vector.shape_cast %select_n3A_784 : vector<16xi32> to vector<16x1xi32>
        %gather3A_786 = vector.shape_cast %broadcast_in_dim3A_785 : vector<16x1xi32> to vector<16xi32>
        %gather3A_787 = tpu.dynamic_gather %get3A_653[%gather3A_786] in [0] : vector<16xf32>, vector<16xi32> -> vector<16xf32>
        %mul3A_788 = arith.mulf %mul3A_658, %gather3A_787 : vector<16xf32>
        %lt3A_789 = arith.constant 0 : i32
        %lt3A_790 = vector.broadcast %lt3A_789 : i32 to vector<16xi32>
        %lt3A_791 = arith.cmpi slt, %broadcast_in_dim3A_84, %lt3A_790 : vector<16xi32>
        %add3A_792 = arith.constant 16 : i32
        %add3A_793 = vector.broadcast %add3A_792 : i32 to vector<16xi32>
        %add3A_794 = arith.addi %broadcast_in_dim3A_84, %add3A_793 : vector<16xi32>
        %select_n3A_795 = arith.select %lt3A_791, %add3A_794, %broadcast_in_dim3A_84 : vector<16xi1>, vector<16xi32>
        %broadcast_in_dim3A_796 = vector.shape_cast %select_n3A_795 : vector<16xi32> to vector<16x1xi32>
        %gather3A_797 = vector.shape_cast %broadcast_in_dim3A_796 : vector<16x1xi32> to vector<16xi32>
        %gather3A_798 = tpu.dynamic_gather %get3A_653[%gather3A_797] in [0] : vector<16xf32>, vector<16xi32> -> vector<16xf32>
        %mul3A_799 = arith.mulf %mul3A_663, %gather3A_798 : vector<16xf32>
        %add3A_800 = arith.addf %mul3A_788, %mul3A_799 : vector<16xf32>
        %lt3A_801 = arith.constant 0 : i32
        %lt3A_802 = vector.broadcast %lt3A_801 : i32 to vector<16xi32>
        %lt3A_803 = arith.cmpi slt, %broadcast_in_dim3A_92, %lt3A_802 : vector<16xi32>
        %add3A_804 = arith.constant 16 : i32
        %add3A_805 = vector.broadcast %add3A_804 : i32 to vector<16xi32>
        %add3A_806 = arith.addi %broadcast_in_dim3A_92, %add3A_805 : vector<16xi32>
        %select_n3A_807 = arith.select %lt3A_803, %add3A_806, %broadcast_in_dim3A_92 : vector<16xi1>, vector<16xi32>
        %broadcast_in_dim3A_808 = vector.shape_cast %select_n3A_807 : vector<16xi32> to vector<16x1xi32>
        %gather3A_809 = vector.shape_cast %broadcast_in_dim3A_808 : vector<16x1xi32> to vector<16xi32>
        %gather3A_810 = tpu.dynamic_gather %get3A_653[%gather3A_809] in [0] : vector<16xf32>, vector<16xi32> -> vector<16xf32>
        %mul3A_811 = arith.mulf %mul3A_668, %gather3A_810 : vector<16xf32>
        %add3A_812 = arith.addf %add3A_800, %mul3A_811 : vector<16xf32>
        %lt3A_813 = arith.constant 0 : i32
        %lt3A_814 = vector.broadcast %lt3A_813 : i32 to vector<16xi32>
        %lt3A_815 = arith.cmpi slt, %broadcast_in_dim3A_100, %lt3A_814 : vector<16xi32>
        %add3A_816 = arith.constant 16 : i32
        %add3A_817 = vector.broadcast %add3A_816 : i32 to vector<16xi32>
        %add3A_818 = arith.addi %broadcast_in_dim3A_100, %add3A_817 : vector<16xi32>
        %select_n3A_819 = arith.select %lt3A_815, %add3A_818, %broadcast_in_dim3A_100 : vector<16xi1>, vector<16xi32>
        %broadcast_in_dim3A_820 = vector.shape_cast %select_n3A_819 : vector<16xi32> to vector<16x1xi32>
        %gather3A_821 = vector.shape_cast %broadcast_in_dim3A_820 : vector<16x1xi32> to vector<16xi32>
        %gather3A_822 = tpu.dynamic_gather %get3A_653[%gather3A_821] in [0] : vector<16xf32>, vector<16xi32> -> vector<16xf32>
        %mul3A_823 = arith.mulf %mul3A_673, %gather3A_822 : vector<16xf32>
        %add3A_824 = arith.addf %add3A_812, %mul3A_823 : vector<16xf32>
        %swap3A_825 = arith.index_cast %add3A_645 : i32 to index
        %swap3A_826 = arith.constant 0 : index
        %swap3A_827 = tpu.vector_load %arg13[%swap3A_825, %swap3A_826] {strides = array<i32>} : memref<512x16xf32, #tpu.memory_space<vmem>>, vector<1x16xf32>,
        %swap3A_828 = vector.shape_cast %swap3A_827 : vector<1x16xf32> to vector<16xf32>
        %swap3A_829 = vector.shape_cast %add3A_824 : vector<16xf32> to vector<1x16xf32>
        tpu.vector_store %arg13[%swap3A_825, %swap3A_826], %swap3A_829 {strides = array<i32>} : memref<512x16xf32, #tpu.memory_space<vmem>>, vector<1x16xf32>,
        %lt3A_830 = arith.constant 0 : i32
        %lt3A_831 = vector.broadcast %lt3A_830 : i32 to vector<16xi32>
        %lt3A_832 = arith.cmpi slt, %broadcast_in_dim3A_78, %lt3A_831 : vector<16xi32>
        %add3A_833 = arith.constant 16 : i32
        %add3A_834 = vector.broadcast %add3A_833 : i32 to vector<16xi32>
        %add3A_835 = arith.addi %broadcast_in_dim3A_78, %add3A_834 : vector<16xi32>
        %select_n3A_836 = arith.select %lt3A_832, %add3A_835, %broadcast_in_dim3A_78 : vector<16xi1>, vector<16xi32>
        %broadcast_in_dim3A_837 = vector.shape_cast %select_n3A_836 : vector<16xi32> to vector<16x1xi32>
        %gather3A_838 = vector.shape_cast %broadcast_in_dim3A_837 : vector<16x1xi32> to vector<16xi32>
        %gather3A_839 = tpu.dynamic_gather %get3A_653[%gather3A_838] in [0] : vector<16xf32>, vector<16xi32> -> vector<16xf32>
        %mul3A_840 = arith.mulf %mul3A_658, %gather3A_839 : vector<16xf32>
        %lt3A_841 = arith.constant 0 : i32
        %lt3A_842 = vector.broadcast %lt3A_841 : i32 to vector<16xi32>
        %lt3A_843 = arith.cmpi slt, %broadcast_in_dim3A_86, %lt3A_842 : vector<16xi32>
        %add3A_844 = arith.constant 16 : i32
        %add3A_845 = vector.broadcast %add3A_844 : i32 to vector<16xi32>
        %add3A_846 = arith.addi %broadcast_in_dim3A_86, %add3A_845 : vector<16xi32>
        %select_n3A_847 = arith.select %lt3A_843, %add3A_846, %broadcast_in_dim3A_86 : vector<16xi1>, vector<16xi32>
        %broadcast_in_dim3A_848 = vector.shape_cast %select_n3A_847 : vector<16xi32> to vector<16x1xi32>
        %gather3A_849 = vector.shape_cast %broadcast_in_dim3A_848 : vector<16x1xi32> to vector<16xi32>
        %gather3A_850 = tpu.dynamic_gather %get3A_653[%gather3A_849] in [0] : vector<16xf32>, vector<16xi32> -> vector<16xf32>
        %mul3A_851 = arith.mulf %mul3A_663, %gather3A_850 : vector<16xf32>
        %add3A_852 = arith.addf %mul3A_840, %mul3A_851 : vector<16xf32>
        %lt3A_853 = arith.constant 0 : i32
        %lt3A_854 = vector.broadcast %lt3A_853 : i32 to vector<16xi32>
        %lt3A_855 = arith.cmpi slt, %broadcast_in_dim3A_94, %lt3A_854 : vector<16xi32>
        %add3A_856 = arith.constant 16 : i32
        %add3A_857 = vector.broadcast %add3A_856 : i32 to vector<16xi32>
        %add3A_858 = arith.addi %broadcast_in_dim3A_94, %add3A_857 : vector<16xi32>
        %select_n3A_859 = arith.select %lt3A_855, %add3A_858, %broadcast_in_dim3A_94 : vector<16xi1>, vector<16xi32>
        %broadcast_in_dim3A_860 = vector.shape_cast %select_n3A_859 : vector<16xi32> to vector<16x1xi32>
        %gather3A_861 = vector.shape_cast %broadcast_in_dim3A_860 : vector<16x1xi32> to vector<16xi32>
        %gather3A_862 = tpu.dynamic_gather %get3A_653[%gather3A_861] in [0] : vector<16xf32>, vector<16xi32> -> vector<16xf32>
        %mul3A_863 = arith.mulf %mul3A_668, %gather3A_862 : vector<16xf32>
        %add3A_864 = arith.addf %add3A_852, %mul3A_863 : vector<16xf32>
        %lt3A_865 = arith.constant 0 : i32
        %lt3A_866 = vector.broadcast %lt3A_865 : i32 to vector<16xi32>
        %lt3A_867 = arith.cmpi slt, %broadcast_in_dim3A_102, %lt3A_866 : vector<16xi32>
        %add3A_868 = arith.constant 16 : i32
        %add3A_869 = vector.broadcast %add3A_868 : i32 to vector<16xi32>
        %add3A_870 = arith.addi %broadcast_in_dim3A_102, %add3A_869 : vector<16xi32>
        %select_n3A_871 = arith.select %lt3A_867, %add3A_870, %broadcast_in_dim3A_102 : vector<16xi1>, vector<16xi32>
        %broadcast_in_dim3A_872 = vector.shape_cast %select_n3A_871 : vector<16xi32> to vector<16x1xi32>
        %gather3A_873 = vector.shape_cast %broadcast_in_dim3A_872 : vector<16x1xi32> to vector<16xi32>
        %gather3A_874 = tpu.dynamic_gather %get3A_653[%gather3A_873] in [0] : vector<16xf32>, vector<16xi32> -> vector<16xf32>
        %mul3A_875 = arith.mulf %mul3A_673, %gather3A_874 : vector<16xf32>
        %add3A_876 = arith.addf %add3A_864, %mul3A_875 : vector<16xf32>
        %swap3A_877 = arith.index_cast %add3A_645 : i32 to index
        %swap3A_878 = arith.constant 0 : index
        %swap3A_879 = tpu.vector_load %arg14[%swap3A_877, %swap3A_878] {strides = array<i32>} : memref<512x16xf32, #tpu.memory_space<vmem>>, vector<1x16xf32>,
        %swap3A_880 = vector.shape_cast %swap3A_879 : vector<1x16xf32> to vector<16xf32>
        %swap3A_881 = vector.shape_cast %add3A_876 : vector<16xf32> to vector<1x16xf32>
        tpu.vector_store %arg14[%swap3A_877, %swap3A_878], %swap3A_881 {strides = array<i32>} : memref<512x16xf32, #tpu.memory_space<vmem>>, vector<1x16xf32>,
        %mul3A_882 = arith.constant 8 : i32
        %mul3A_883 = arith.muli %mul3A_882, %scan3A_165 : i32
        %add3A_884 = arith.constant 3 : i32
        %add3A_885 = arith.addi %mul3A_883, %add3A_884 : i32
        %get3A_886 = arith.index_cast %scan3A_165 : i32 to index
        %get3A_887 = arith.constant 48 : index
        %get3A_888 = tpu.vector_load %arg9[%get3A_886, %get3A_887] {strides = array<i32>} : memref<64x128xf32, #tpu.memory_space<vmem>>, vector<1x16xf32>,
        %get3A_889 = vector.shape_cast %get3A_888 : vector<1x16xf32> to vector<16xf32>
        %get3A_890 = arith.index_cast %scan3A_165 : i32 to index
        %get3A_891 = arith.constant 48 : index
        %get3A_892 = tpu.vector_load %arg10[%get3A_890, %get3A_891] {strides = array<i32>} : memref<64x128xf32, #tpu.memory_space<vmem>>, vector<1x16xf32>,
        %get3A_893 = vector.shape_cast %get3A_892 : vector<1x16xf32> to vector<16xf32>
        %get3A_894 = arith.index_cast %add3A_885 : i32 to index
        %get3A_895 = arith.constant 0 : index
        %get3A_896 = tpu.vector_load %arg8[%get3A_894, %get3A_895] {strides = array<i32>} : memref<512x64xf32, #tpu.memory_space<vmem>>, vector<1x16xf32>,
        %get3A_897 = vector.shape_cast %get3A_896 : vector<1x16xf32> to vector<16xf32>
        %mul3A_898 = arith.mulf %get3A_897, %get3A_889 : vector<16xf32>
        %get3A_899 = arith.index_cast %add3A_885 : i32 to index
        %get3A_900 = arith.constant 16 : index
        %get3A_901 = tpu.vector_load %arg8[%get3A_899, %get3A_900] {strides = array<i32>} : memref<512x64xf32, #tpu.memory_space<vmem>>, vector<1x16xf32>,
        %get3A_902 = vector.shape_cast %get3A_901 : vector<1x16xf32> to vector<16xf32>
        %mul3A_903 = arith.mulf %get3A_902, %get3A_889 : vector<16xf32>
        %get3A_904 = arith.index_cast %add3A_885 : i32 to index
        %get3A_905 = arith.constant 32 : index
        %get3A_906 = tpu.vector_load %arg8[%get3A_904, %get3A_905] {strides = array<i32>} : memref<512x64xf32, #tpu.memory_space<vmem>>, vector<1x16xf32>,
        %get3A_907 = vector.shape_cast %get3A_906 : vector<1x16xf32> to vector<16xf32>
        %mul3A_908 = arith.mulf %get3A_907, %get3A_889 : vector<16xf32>
        %get3A_909 = arith.index_cast %add3A_885 : i32 to index
        %get3A_910 = arith.constant 48 : index
        %get3A_911 = tpu.vector_load %arg8[%get3A_909, %get3A_910] {strides = array<i32>} : memref<512x64xf32, #tpu.memory_space<vmem>>, vector<1x16xf32>,
        %get3A_912 = vector.shape_cast %get3A_911 : vector<1x16xf32> to vector<16xf32>
        %mul3A_913 = arith.mulf %get3A_912, %get3A_889 : vector<16xf32>
        %lt3A_914 = arith.constant 0 : i32
        %lt3A_915 = vector.broadcast %lt3A_914 : i32 to vector<16xi32>
        %lt3A_916 = arith.cmpi slt, %broadcast_in_dim3A_72, %lt3A_915 : vector<16xi32>
        %add3A_917 = arith.constant 16 : i32
        %add3A_918 = vector.broadcast %add3A_917 : i32 to vector<16xi32>
        %add3A_919 = arith.addi %broadcast_in_dim3A_72, %add3A_918 : vector<16xi32>
        %select_n3A_920 = arith.select %lt3A_916, %add3A_919, %broadcast_in_dim3A_72 : vector<16xi1>, vector<16xi32>
        %broadcast_in_dim3A_921 = vector.shape_cast %select_n3A_920 : vector<16xi32> to vector<16x1xi32>
        %gather3A_922 = vector.shape_cast %broadcast_in_dim3A_921 : vector<16x1xi32> to vector<16xi32>
        %gather3A_923 = tpu.dynamic_gather %get3A_893[%gather3A_922] in [0] : vector<16xf32>, vector<16xi32> -> vector<16xf32>
        %mul3A_924 = arith.mulf %mul3A_898, %gather3A_923 : vector<16xf32>
        %lt3A_925 = arith.constant 0 : i32
        %lt3A_926 = vector.broadcast %lt3A_925 : i32 to vector<16xi32>
        %lt3A_927 = arith.cmpi slt, %broadcast_in_dim3A_80, %lt3A_926 : vector<16xi32>
        %add3A_928 = arith.constant 16 : i32
        %add3A_929 = vector.broadcast %add3A_928 : i32 to vector<16xi32>
        %add3A_930 = arith.addi %broadcast_in_dim3A_80, %add3A_929 : vector<16xi32>
        %select_n3A_931 = arith.select %lt3A_927, %add3A_930, %broadcast_in_dim3A_80 : vector<16xi1>, vector<16xi32>
        %broadcast_in_dim3A_932 = vector.shape_cast %select_n3A_931 : vector<16xi32> to vector<16x1xi32>
        %gather3A_933 = vector.shape_cast %broadcast_in_dim3A_932 : vector<16x1xi32> to vector<16xi32>
        %gather3A_934 = tpu.dynamic_gather %get3A_893[%gather3A_933] in [0] : vector<16xf32>, vector<16xi32> -> vector<16xf32>
        %mul3A_935 = arith.mulf %mul3A_903, %gather3A_934 : vector<16xf32>
        %add3A_936 = arith.addf %mul3A_924, %mul3A_935 : vector<16xf32>
        %lt3A_937 = arith.constant 0 : i32
        %lt3A_938 = vector.broadcast %lt3A_937 : i32 to vector<16xi32>
        %lt3A_939 = arith.cmpi slt, %broadcast_in_dim3A_88, %lt3A_938 : vector<16xi32>
        %add3A_940 = arith.constant 16 : i32
        %add3A_941 = vector.broadcast %add3A_940 : i32 to vector<16xi32>
        %add3A_942 = arith.addi %broadcast_in_dim3A_88, %add3A_941 : vector<16xi32>
        %select_n3A_943 = arith.select %lt3A_939, %add3A_942, %broadcast_in_dim3A_88 : vector<16xi1>, vector<16xi32>
        %broadcast_in_dim3A_944 = vector.shape_cast %select_n3A_943 : vector<16xi32> to vector<16x1xi32>
        %gather3A_945 = vector.shape_cast %broadcast_in_dim3A_944 : vector<16x1xi32> to vector<16xi32>
        %gather3A_946 = tpu.dynamic_gather %get3A_893[%gather3A_945] in [0] : vector<16xf32>, vector<16xi32> -> vector<16xf32>
        %mul3A_947 = arith.mulf %mul3A_908, %gather3A_946 : vector<16xf32>
        %add3A_948 = arith.addf %add3A_936, %mul3A_947 : vector<16xf32>
        %lt3A_949 = arith.constant 0 : i32
        %lt3A_950 = vector.broadcast %lt3A_949 : i32 to vector<16xi32>
        %lt3A_951 = arith.cmpi slt, %broadcast_in_dim3A_96, %lt3A_950 : vector<16xi32>
        %add3A_952 = arith.constant 16 : i32
        %add3A_953 = vector.broadcast %add3A_952 : i32 to vector<16xi32>
        %add3A_954 = arith.addi %broadcast_in_dim3A_96, %add3A_953 : vector<16xi32>
        %select_n3A_955 = arith.select %lt3A_951, %add3A_954, %broadcast_in_dim3A_96 : vector<16xi1>, vector<16xi32>
        %broadcast_in_dim3A_956 = vector.shape_cast %select_n3A_955 : vector<16xi32> to vector<16x1xi32>
        %gather3A_957 = vector.shape_cast %broadcast_in_dim3A_956 : vector<16x1xi32> to vector<16xi32>
        %gather3A_958 = tpu.dynamic_gather %get3A_893[%gather3A_957] in [0] : vector<16xf32>, vector<16xi32> -> vector<16xf32>
        %mul3A_959 = arith.mulf %mul3A_913, %gather3A_958 : vector<16xf32>
        %add3A_960 = arith.addf %add3A_948, %mul3A_959 : vector<16xf32>
        %swap3A_961 = arith.index_cast %add3A_885 : i32 to index
        %swap3A_962 = arith.constant 0 : index
        %swap3A_963 = tpu.vector_load %arg11[%swap3A_961, %swap3A_962] {strides = array<i32>} : memref<512x16xf32, #tpu.memory_space<vmem>>, vector<1x16xf32>,
        %swap3A_964 = vector.shape_cast %swap3A_963 : vector<1x16xf32> to vector<16xf32>
        %swap3A_965 = vector.shape_cast %add3A_960 : vector<16xf32> to vector<1x16xf32>
        tpu.vector_store %arg11[%swap3A_961, %swap3A_962], %swap3A_965 {strides = array<i32>} : memref<512x16xf32, #tpu.memory_space<vmem>>, vector<1x16xf32>,
        %lt3A_966 = arith.constant 0 : i32
        %lt3A_967 = vector.broadcast %lt3A_966 : i32 to vector<16xi32>
        %lt3A_968 = arith.cmpi slt, %broadcast_in_dim3A_74, %lt3A_967 : vector<16xi32>
        %add3A_969 = arith.constant 16 : i32
        %add3A_970 = vector.broadcast %add3A_969 : i32 to vector<16xi32>
        %add3A_971 = arith.addi %broadcast_in_dim3A_74, %add3A_970 : vector<16xi32>
        %select_n3A_972 = arith.select %lt3A_968, %add3A_971, %broadcast_in_dim3A_74 : vector<16xi1>, vector<16xi32>
        %broadcast_in_dim3A_973 = vector.shape_cast %select_n3A_972 : vector<16xi32> to vector<16x1xi32>
        %gather3A_974 = vector.shape_cast %broadcast_in_dim3A_973 : vector<16x1xi32> to vector<16xi32>
        %gather3A_975 = tpu.dynamic_gather %get3A_893[%gather3A_974] in [0] : vector<16xf32>, vector<16xi32> -> vector<16xf32>
        %mul3A_976 = arith.mulf %mul3A_898, %gather3A_975 : vector<16xf32>
        %lt3A_977 = arith.constant 0 : i32
        %lt3A_978 = vector.broadcast %lt3A_977 : i32 to vector<16xi32>
        %lt3A_979 = arith.cmpi slt, %broadcast_in_dim3A_82, %lt3A_978 : vector<16xi32>
        %add3A_980 = arith.constant 16 : i32
        %add3A_981 = vector.broadcast %add3A_980 : i32 to vector<16xi32>
        %add3A_982 = arith.addi %broadcast_in_dim3A_82, %add3A_981 : vector<16xi32>
        %select_n3A_983 = arith.select %lt3A_979, %add3A_982, %broadcast_in_dim3A_82 : vector<16xi1>, vector<16xi32>
        %broadcast_in_dim3A_984 = vector.shape_cast %select_n3A_983 : vector<16xi32> to vector<16x1xi32>
        %gather3A_985 = vector.shape_cast %broadcast_in_dim3A_984 : vector<16x1xi32> to vector<16xi32>
        %gather3A_986 = tpu.dynamic_gather %get3A_893[%gather3A_985] in [0] : vector<16xf32>, vector<16xi32> -> vector<16xf32>
        %mul3A_987 = arith.mulf %mul3A_903, %gather3A_986 : vector<16xf32>
        %add3A_988 = arith.addf %mul3A_976, %mul3A_987 : vector<16xf32>
        %lt3A_989 = arith.constant 0 : i32
        %lt3A_990 = vector.broadcast %lt3A_989 : i32 to vector<16xi32>
        %lt3A_991 = arith.cmpi slt, %broadcast_in_dim3A_90, %lt3A_990 : vector<16xi32>
        %add3A_992 = arith.constant 16 : i32
        %add3A_993 = vector.broadcast %add3A_992 : i32 to vector<16xi32>
        %add3A_994 = arith.addi %broadcast_in_dim3A_90, %add3A_993 : vector<16xi32>
        %select_n3A_995 = arith.select %lt3A_991, %add3A_994, %broadcast_in_dim3A_90 : vector<16xi1>, vector<16xi32>
        %broadcast_in_dim3A_996 = vector.shape_cast %select_n3A_995 : vector<16xi32> to vector<16x1xi32>
        %gather3A_997 = vector.shape_cast %broadcast_in_dim3A_996 : vector<16x1xi32> to vector<16xi32>
        %gather3A_998 = tpu.dynamic_gather %get3A_893[%gather3A_997] in [0] : vector<16xf32>, vector<16xi32> -> vector<16xf32>
        %mul3A_999 = arith.mulf %mul3A_908, %gather3A_998 : vector<16xf32>
        %add3A_1000 = arith.addf %add3A_988, %mul3A_999 : vector<16xf32>
        %lt3A_1001 = arith.constant 0 : i32
        %lt3A_1002 = vector.broadcast %lt3A_1001 : i32 to vector<16xi32>
        %lt3A_1003 = arith.cmpi slt, %broadcast_in_dim3A_98, %lt3A_1002 : vector<16xi32>
        %add3A_1004 = arith.constant 16 : i32
        %add3A_1005 = vector.broadcast %add3A_1004 : i32 to vector<16xi32>
        %add3A_1006 = arith.addi %broadcast_in_dim3A_98, %add3A_1005 : vector<16xi32>
        %select_n3A_1007 = arith.select %lt3A_1003, %add3A_1006, %broadcast_in_dim3A_98 : vector<16xi1>, vector<16xi32>
        %broadcast_in_dim3A_1008 = vector.shape_cast %select_n3A_1007 : vector<16xi32> to vector<16x1xi32>
        %gather3A_1009 = vector.shape_cast %broadcast_in_dim3A_1008 : vector<16x1xi32> to vector<16xi32>
        %gather3A_1010 = tpu.dynamic_gather %get3A_893[%gather3A_1009] in [0] : vector<16xf32>, vector<16xi32> -> vector<16xf32>
        %mul3A_1011 = arith.mulf %mul3A_913, %gather3A_1010 : vector<16xf32>
        %add3A_1012 = arith.addf %add3A_1000, %mul3A_1011 : vector<16xf32>
        %swap3A_1013 = arith.index_cast %add3A_885 : i32 to index
        %swap3A_1014 = arith.constant 0 : index
        %swap3A_1015 = tpu.vector_load %arg12[%swap3A_1013, %swap3A_1014] {strides = array<i32>} : memref<512x16xf32, #tpu.memory_space<vmem>>, vector<1x16xf32>,
        %swap3A_1016 = vector.shape_cast %swap3A_1015 : vector<1x16xf32> to vector<16xf32>
        %swap3A_1017 = vector.shape_cast %add3A_1012 : vector<16xf32> to vector<1x16xf32>
        tpu.vector_store %arg12[%swap3A_1013, %swap3A_1014], %swap3A_1017 {strides = array<i32>} : memref<512x16xf32, #tpu.memory_space<vmem>>, vector<1x16xf32>,
        %lt3A_1018 = arith.constant 0 : i32
        %lt3A_1019 = vector.broadcast %lt3A_1018 : i32 to vector<16xi32>
        %lt3A_1020 = arith.cmpi slt, %broadcast_in_dim3A_76, %lt3A_1019 : vector<16xi32>
        %add3A_1021 = arith.constant 16 : i32
        %add3A_1022 = vector.broadcast %add3A_1021 : i32 to vector<16xi32>
        %add3A_1023 = arith.addi %broadcast_in_dim3A_76, %add3A_1022 : vector<16xi32>
        %select_n3A_1024 = arith.select %lt3A_1020, %add3A_1023, %broadcast_in_dim3A_76 : vector<16xi1>, vector<16xi32>
        %broadcast_in_dim3A_1025 = vector.shape_cast %select_n3A_1024 : vector<16xi32> to vector<16x1xi32>
        %gather3A_1026 = vector.shape_cast %broadcast_in_dim3A_1025 : vector<16x1xi32> to vector<16xi32>
        %gather3A_1027 = tpu.dynamic_gather %get3A_893[%gather3A_1026] in [0] : vector<16xf32>, vector<16xi32> -> vector<16xf32>
        %mul3A_1028 = arith.mulf %mul3A_898, %gather3A_1027 : vector<16xf32>
        %lt3A_1029 = arith.constant 0 : i32
        %lt3A_1030 = vector.broadcast %lt3A_1029 : i32 to vector<16xi32>
        %lt3A_1031 = arith.cmpi slt, %broadcast_in_dim3A_84, %lt3A_1030 : vector<16xi32>
        %add3A_1032 = arith.constant 16 : i32
        %add3A_1033 = vector.broadcast %add3A_1032 : i32 to vector<16xi32>
        %add3A_1034 = arith.addi %broadcast_in_dim3A_84, %add3A_1033 : vector<16xi32>
        %select_n3A_1035 = arith.select %lt3A_1031, %add3A_1034, %broadcast_in_dim3A_84 : vector<16xi1>, vector<16xi32>
        %broadcast_in_dim3A_1036 = vector.shape_cast %select_n3A_1035 : vector<16xi32> to vector<16x1xi32>
        %gather3A_1037 = vector.shape_cast %broadcast_in_dim3A_1036 : vector<16x1xi32> to vector<16xi32>
        %gather3A_1038 = tpu.dynamic_gather %get3A_893[%gather3A_1037] in [0] : vector<16xf32>, vector<16xi32> -> vector<16xf32>
        %mul3A_1039 = arith.mulf %mul3A_903, %gather3A_1038 : vector<16xf32>
        %add3A_1040 = arith.addf %mul3A_1028, %mul3A_1039 : vector<16xf32>
        %lt3A_1041 = arith.constant 0 : i32
        %lt3A_1042 = vector.broadcast %lt3A_1041 : i32 to vector<16xi32>
        %lt3A_1043 = arith.cmpi slt, %broadcast_in_dim3A_92, %lt3A_1042 : vector<16xi32>
        %add3A_1044 = arith.constant 16 : i32
        %add3A_1045 = vector.broadcast %add3A_1044 : i32 to vector<16xi32>
        %add3A_1046 = arith.addi %broadcast_in_dim3A_92, %add3A_1045 : vector<16xi32>
        %select_n3A_1047 = arith.select %lt3A_1043, %add3A_1046, %broadcast_in_dim3A_92 : vector<16xi1>, vector<16xi32>
        %broadcast_in_dim3A_1048 = vector.shape_cast %select_n3A_1047 : vector<16xi32> to vector<16x1xi32>
        %gather3A_1049 = vector.shape_cast %broadcast_in_dim3A_1048 : vector<16x1xi32> to vector<16xi32>
        %gather3A_1050 = tpu.dynamic_gather %get3A_893[%gather3A_1049] in [0] : vector<16xf32>, vector<16xi32> -> vector<16xf32>
        %mul3A_1051 = arith.mulf %mul3A_908, %gather3A_1050 : vector<16xf32>
        %add3A_1052 = arith.addf %add3A_1040, %mul3A_1051 : vector<16xf32>
        %lt3A_1053 = arith.constant 0 : i32
        %lt3A_1054 = vector.broadcast %lt3A_1053 : i32 to vector<16xi32>
        %lt3A_1055 = arith.cmpi slt, %broadcast_in_dim3A_100, %lt3A_1054 : vector<16xi32>
        %add3A_1056 = arith.constant 16 : i32
        %add3A_1057 = vector.broadcast %add3A_1056 : i32 to vector<16xi32>
        %add3A_1058 = arith.addi %broadcast_in_dim3A_100, %add3A_1057 : vector<16xi32>
        %select_n3A_1059 = arith.select %lt3A_1055, %add3A_1058, %broadcast_in_dim3A_100 : vector<16xi1>, vector<16xi32>
        %broadcast_in_dim3A_1060 = vector.shape_cast %select_n3A_1059 : vector<16xi32> to vector<16x1xi32>
        %gather3A_1061 = vector.shape_cast %broadcast_in_dim3A_1060 : vector<16x1xi32> to vector<16xi32>
        %gather3A_1062 = tpu.dynamic_gather %get3A_893[%gather3A_1061] in [0] : vector<16xf32>, vector<16xi32> -> vector<16xf32>
        %mul3A_1063 = arith.mulf %mul3A_913, %gather3A_1062 : vector<16xf32>
        %add3A_1064 = arith.addf %add3A_1052, %mul3A_1063 : vector<16xf32>
        %swap3A_1065 = arith.index_cast %add3A_885 : i32 to index
        %swap3A_1066 = arith.constant 0 : index
        %swap3A_1067 = tpu.vector_load %arg13[%swap3A_1065, %swap3A_1066] {strides = array<i32>} : memref<512x16xf32, #tpu.memory_space<vmem>>, vector<1x16xf32>,
        %swap3A_1068 = vector.shape_cast %swap3A_1067 : vector<1x16xf32> to vector<16xf32>
        %swap3A_1069 = vector.shape_cast %add3A_1064 : vector<16xf32> to vector<1x16xf32>
        tpu.vector_store %arg13[%swap3A_1065, %swap3A_1066], %swap3A_1069 {strides = array<i32>} : memref<512x16xf32, #tpu.memory_space<vmem>>, vector<1x16xf32>,
        %lt3A_1070 = arith.constant 0 : i32
        %lt3A_1071 = vector.broadcast %lt3A_1070 : i32 to vector<16xi32>
        %lt3A_1072 = arith.cmpi slt, %broadcast_in_dim3A_78, %lt3A_1071 : vector<16xi32>
        %add3A_1073 = arith.constant 16 : i32
        %add3A_1074 = vector.broadcast %add3A_1073 : i32 to vector<16xi32>
        %add3A_1075 = arith.addi %broadcast_in_dim3A_78, %add3A_1074 : vector<16xi32>
        %select_n3A_1076 = arith.select %lt3A_1072, %add3A_1075, %broadcast_in_dim3A_78 : vector<16xi1>, vector<16xi32>
        %broadcast_in_dim3A_1077 = vector.shape_cast %select_n3A_1076 : vector<16xi32> to vector<16x1xi32>
        %gather3A_1078 = vector.shape_cast %broadcast_in_dim3A_1077 : vector<16x1xi32> to vector<16xi32>
        %gather3A_1079 = tpu.dynamic_gather %get3A_893[%gather3A_1078] in [0] : vector<16xf32>, vector<16xi32> -> vector<16xf32>
        %mul3A_1080 = arith.mulf %mul3A_898, %gather3A_1079 : vector<16xf32>
        %lt3A_1081 = arith.constant 0 : i32
        %lt3A_1082 = vector.broadcast %lt3A_1081 : i32 to vector<16xi32>
        %lt3A_1083 = arith.cmpi slt, %broadcast_in_dim3A_86, %lt3A_1082 : vector<16xi32>
        %add3A_1084 = arith.constant 16 : i32
        %add3A_1085 = vector.broadcast %add3A_1084 : i32 to vector<16xi32>
        %add3A_1086 = arith.addi %broadcast_in_dim3A_86, %add3A_1085 : vector<16xi32>
        %select_n3A_1087 = arith.select %lt3A_1083, %add3A_1086, %broadcast_in_dim3A_86 : vector<16xi1>, vector<16xi32>
        %broadcast_in_dim3A_1088 = vector.shape_cast %select_n3A_1087 : vector<16xi32> to vector<16x1xi32>
        %gather3A_1089 = vector.shape_cast %broadcast_in_dim3A_1088 : vector<16x1xi32> to vector<16xi32>
        %gather3A_1090 = tpu.dynamic_gather %get3A_893[%gather3A_1089] in [0] : vector<16xf32>, vector<16xi32> -> vector<16xf32>
        %mul3A_1091 = arith.mulf %mul3A_903, %gather3A_1090 : vector<16xf32>
        %add3A_1092 = arith.addf %mul3A_1080, %mul3A_1091 : vector<16xf32>
        %lt3A_1093 = arith.constant 0 : i32
        %lt3A_1094 = vector.broadcast %lt3A_1093 : i32 to vector<16xi32>
        %lt3A_1095 = arith.cmpi slt, %broadcast_in_dim3A_94, %lt3A_1094 : vector<16xi32>
        %add3A_1096 = arith.constant 16 : i32
        %add3A_1097 = vector.broadcast %add3A_1096 : i32 to vector<16xi32>
        %add3A_1098 = arith.addi %broadcast_in_dim3A_94, %add3A_1097 : vector<16xi32>
        %select_n3A_1099 = arith.select %lt3A_1095, %add3A_1098, %broadcast_in_dim3A_94 : vector<16xi1>, vector<16xi32>
        %broadcast_in_dim3A_1100 = vector.shape_cast %select_n3A_1099 : vector<16xi32> to vector<16x1xi32>
        %gather3A_1101 = vector.shape_cast %broadcast_in_dim3A_1100 : vector<16x1xi32> to vector<16xi32>
        %gather3A_1102 = tpu.dynamic_gather %get3A_893[%gather3A_1101] in [0] : vector<16xf32>, vector<16xi32> -> vector<16xf32>
        %mul3A_1103 = arith.mulf %mul3A_908, %gather3A_1102 : vector<16xf32>
        %add3A_1104 = arith.addf %add3A_1092, %mul3A_1103 : vector<16xf32>
        %lt3A_1105 = arith.constant 0 : i32
        %lt3A_1106 = vector.broadcast %lt3A_1105 : i32 to vector<16xi32>
        %lt3A_1107 = arith.cmpi slt, %broadcast_in_dim3A_102, %lt3A_1106 : vector<16xi32>
        %add3A_1108 = arith.constant 16 : i32
        %add3A_1109 = vector.broadcast %add3A_1108 : i32 to vector<16xi32>
        %add3A_1110 = arith.addi %broadcast_in_dim3A_102, %add3A_1109 : vector<16xi32>
        %select_n3A_1111 = arith.select %lt3A_1107, %add3A_1110, %broadcast_in_dim3A_102 : vector<16xi1>, vector<16xi32>
        %broadcast_in_dim3A_1112 = vector.shape_cast %select_n3A_1111 : vector<16xi32> to vector<16x1xi32>
        %gather3A_1113 = vector.shape_cast %broadcast_in_dim3A_1112 : vector<16x1xi32> to vector<16xi32>
        %gather3A_1114 = tpu.dynamic_gather %get3A_893[%gather3A_1113] in [0] : vector<16xf32>, vector<16xi32> -> vector<16xf32>
        %mul3A_1115 = arith.mulf %mul3A_913, %gather3A_1114 : vector<16xf32>
        %add3A_1116 = arith.addf %add3A_1104, %mul3A_1115 : vector<16xf32>
        %swap3A_1117 = arith.index_cast %add3A_885 : i32 to index
        %swap3A_1118 = arith.constant 0 : index
        %swap3A_1119 = tpu.vector_load %arg14[%swap3A_1117, %swap3A_1118] {strides = array<i32>} : memref<512x16xf32, #tpu.memory_space<vmem>>, vector<1x16xf32>,
        %swap3A_1120 = vector.shape_cast %swap3A_1119 : vector<1x16xf32> to vector<16xf32>
        %swap3A_1121 = vector.shape_cast %add3A_1116 : vector<16xf32> to vector<1x16xf32>
        tpu.vector_store %arg14[%swap3A_1117, %swap3A_1118], %swap3A_1121 {strides = array<i32>} : memref<512x16xf32, #tpu.memory_space<vmem>>, vector<1x16xf32>,
        %mul3A_1122 = arith.constant 8 : i32
        %mul3A_1123 = arith.muli %mul3A_1122, %scan3A_165 : i32
        %add3A_1124 = arith.constant 4 : i32
        %add3A_1125 = arith.addi %mul3A_1123, %add3A_1124 : i32
        %get3A_1126 = arith.index_cast %scan3A_165 : i32 to index
        %get3A_1127 = arith.constant 64 : index
        %get3A_1128 = tpu.vector_load %arg9[%get3A_1126, %get3A_1127] {strides = array<i32>} : memref<64x128xf32, #tpu.memory_space<vmem>>, vector<1x16xf32>,
        %get3A_1129 = vector.shape_cast %get3A_1128 : vector<1x16xf32> to vector<16xf32>
        %get3A_1130 = arith.index_cast %scan3A_165 : i32 to index
        %get3A_1131 = arith.constant 64 : index
        %get3A_1132 = tpu.vector_load %arg10[%get3A_1130, %get3A_1131] {strides = array<i32>} : memref<64x128xf32, #tpu.memory_space<vmem>>, vector<1x16xf32>,
        %get3A_1133 = vector.shape_cast %get3A_1132 : vector<1x16xf32> to vector<16xf32>
        %get3A_1134 = arith.index_cast %add3A_1125 : i32 to index
        %get3A_1135 = arith.constant 0 : index
        %get3A_1136 = tpu.vector_load %arg8[%get3A_1134, %get3A_1135] {strides = array<i32>} : memref<512x64xf32, #tpu.memory_space<vmem>>, vector<1x16xf32>,
        %get3A_1137 = vector.shape_cast %get3A_1136 : vector<1x16xf32> to vector<16xf32>
        %mul3A_1138 = arith.mulf %get3A_1137, %get3A_1129 : vector<16xf32>
        %get3A_1139 = arith.index_cast %add3A_1125 : i32 to index
        %get3A_1140 = arith.constant 16 : index
        %get3A_1141 = tpu.vector_load %arg8[%get3A_1139, %get3A_1140] {strides = array<i32>} : memref<512x64xf32, #tpu.memory_space<vmem>>, vector<1x16xf32>,
        %get3A_1142 = vector.shape_cast %get3A_1141 : vector<1x16xf32> to vector<16xf32>
        %mul3A_1143 = arith.mulf %get3A_1142, %get3A_1129 : vector<16xf32>
        %get3A_1144 = arith.index_cast %add3A_1125 : i32 to index
        %get3A_1145 = arith.constant 32 : index
        %get3A_1146 = tpu.vector_load %arg8[%get3A_1144, %get3A_1145] {strides = array<i32>} : memref<512x64xf32, #tpu.memory_space<vmem>>, vector<1x16xf32>,
        %get3A_1147 = vector.shape_cast %get3A_1146 : vector<1x16xf32> to vector<16xf32>
        %mul3A_1148 = arith.mulf %get3A_1147, %get3A_1129 : vector<16xf32>
        %get3A_1149 = arith.index_cast %add3A_1125 : i32 to index
        %get3A_1150 = arith.constant 48 : index
        %get3A_1151 = tpu.vector_load %arg8[%get3A_1149, %get3A_1150] {strides = array<i32>} : memref<512x64xf32, #tpu.memory_space<vmem>>, vector<1x16xf32>,
        %get3A_1152 = vector.shape_cast %get3A_1151 : vector<1x16xf32> to vector<16xf32>
        %mul3A_1153 = arith.mulf %get3A_1152, %get3A_1129 : vector<16xf32>
        %lt3A_1154 = arith.constant 0 : i32
        %lt3A_1155 = vector.broadcast %lt3A_1154 : i32 to vector<16xi32>
        %lt3A_1156 = arith.cmpi slt, %broadcast_in_dim3A_72, %lt3A_1155 : vector<16xi32>
        %add3A_1157 = arith.constant 16 : i32
        %add3A_1158 = vector.broadcast %add3A_1157 : i32 to vector<16xi32>
        %add3A_1159 = arith.addi %broadcast_in_dim3A_72, %add3A_1158 : vector<16xi32>
        %select_n3A_1160 = arith.select %lt3A_1156, %add3A_1159, %broadcast_in_dim3A_72 : vector<16xi1>, vector<16xi32>
        %broadcast_in_dim3A_1161 = vector.shape_cast %select_n3A_1160 : vector<16xi32> to vector<16x1xi32>
        %gather3A_1162 = vector.shape_cast %broadcast_in_dim3A_1161 : vector<16x1xi32> to vector<16xi32>
        %gather3A_1163 = tpu.dynamic_gather %get3A_1133[%gather3A_1162] in [0] : vector<16xf32>, vector<16xi32> -> vector<16xf32>
        %mul3A_1164 = arith.mulf %mul3A_1138, %gather3A_1163 : vector<16xf32>
        %lt3A_1165 = arith.constant 0 : i32
        %lt3A_1166 = vector.broadcast %lt3A_1165 : i32 to vector<16xi32>
        %lt3A_1167 = arith.cmpi slt, %broadcast_in_dim3A_80, %lt3A_1166 : vector<16xi32>
        %add3A_1168 = arith.constant 16 : i32
        %add3A_1169 = vector.broadcast %add3A_1168 : i32 to vector<16xi32>
        %add3A_1170 = arith.addi %broadcast_in_dim3A_80, %add3A_1169 : vector<16xi32>
        %select_n3A_1171 = arith.select %lt3A_1167, %add3A_1170, %broadcast_in_dim3A_80 : vector<16xi1>, vector<16xi32>
        %broadcast_in_dim3A_1172 = vector.shape_cast %select_n3A_1171 : vector<16xi32> to vector<16x1xi32>
        %gather3A_1173 = vector.shape_cast %broadcast_in_dim3A_1172 : vector<16x1xi32> to vector<16xi32>
        %gather3A_1174 = tpu.dynamic_gather %get3A_1133[%gather3A_1173] in [0] : vector<16xf32>, vector<16xi32> -> vector<16xf32>
        %mul3A_1175 = arith.mulf %mul3A_1143, %gather3A_1174 : vector<16xf32>
        %add3A_1176 = arith.addf %mul3A_1164, %mul3A_1175 : vector<16xf32>
        %lt3A_1177 = arith.constant 0 : i32
        %lt3A_1178 = vector.broadcast %lt3A_1177 : i32 to vector<16xi32>
        %lt3A_1179 = arith.cmpi slt, %broadcast_in_dim3A_88, %lt3A_1178 : vector<16xi32>
        %add3A_1180 = arith.constant 16 : i32
        %add3A_1181 = vector.broadcast %add3A_1180 : i32 to vector<16xi32>
        %add3A_1182 = arith.addi %broadcast_in_dim3A_88, %add3A_1181 : vector<16xi32>
        %select_n3A_1183 = arith.select %lt3A_1179, %add3A_1182, %broadcast_in_dim3A_88 : vector<16xi1>, vector<16xi32>
        %broadcast_in_dim3A_1184 = vector.shape_cast %select_n3A_1183 : vector<16xi32> to vector<16x1xi32>
        %gather3A_1185 = vector.shape_cast %broadcast_in_dim3A_1184 : vector<16x1xi32> to vector<16xi32>
        %gather3A_1186 = tpu.dynamic_gather %get3A_1133[%gather3A_1185] in [0] : vector<16xf32>, vector<16xi32> -> vector<16xf32>
        %mul3A_1187 = arith.mulf %mul3A_1148, %gather3A_1186 : vector<16xf32>
        %add3A_1188 = arith.addf %add3A_1176, %mul3A_1187 : vector<16xf32>
        %lt3A_1189 = arith.constant 0 : i32
        %lt3A_1190 = vector.broadcast %lt3A_1189 : i32 to vector<16xi32>
        %lt3A_1191 = arith.cmpi slt, %broadcast_in_dim3A_96, %lt3A_1190 : vector<16xi32>
        %add3A_1192 = arith.constant 16 : i32
        %add3A_1193 = vector.broadcast %add3A_1192 : i32 to vector<16xi32>
        %add3A_1194 = arith.addi %broadcast_in_dim3A_96, %add3A_1193 : vector<16xi32>
        %select_n3A_1195 = arith.select %lt3A_1191, %add3A_1194, %broadcast_in_dim3A_96 : vector<16xi1>, vector<16xi32>
        %broadcast_in_dim3A_1196 = vector.shape_cast %select_n3A_1195 : vector<16xi32> to vector<16x1xi32>
        %gather3A_1197 = vector.shape_cast %broadcast_in_dim3A_1196 : vector<16x1xi32> to vector<16xi32>
        %gather3A_1198 = tpu.dynamic_gather %get3A_1133[%gather3A_1197] in [0] : vector<16xf32>, vector<16xi32> -> vector<16xf32>
        %mul3A_1199 = arith.mulf %mul3A_1153, %gather3A_1198 : vector<16xf32>
        %add3A_1200 = arith.addf %add3A_1188, %mul3A_1199 : vector<16xf32>
        %swap3A_1201 = arith.index_cast %add3A_1125 : i32 to index
        %swap3A_1202 = arith.constant 0 : index
        %swap3A_1203 = tpu.vector_load %arg11[%swap3A_1201, %swap3A_1202] {strides = array<i32>} : memref<512x16xf32, #tpu.memory_space<vmem>>, vector<1x16xf32>,
        %swap3A_1204 = vector.shape_cast %swap3A_1203 : vector<1x16xf32> to vector<16xf32>
        %swap3A_1205 = vector.shape_cast %add3A_1200 : vector<16xf32> to vector<1x16xf32>
        tpu.vector_store %arg11[%swap3A_1201, %swap3A_1202], %swap3A_1205 {strides = array<i32>} : memref<512x16xf32, #tpu.memory_space<vmem>>, vector<1x16xf32>,
        %lt3A_1206 = arith.constant 0 : i32
        %lt3A_1207 = vector.broadcast %lt3A_1206 : i32 to vector<16xi32>
        %lt3A_1208 = arith.cmpi slt, %broadcast_in_dim3A_74, %lt3A_1207 : vector<16xi32>
        %add3A_1209 = arith.constant 16 : i32
        %add3A_1210 = vector.broadcast %add3A_1209 : i32 to vector<16xi32>
        %add3A_1211 = arith.addi %broadcast_in_dim3A_74, %add3A_1210 : vector<16xi32>
        %select_n3A_1212 = arith.select %lt3A_1208, %add3A_1211, %broadcast_in_dim3A_74 : vector<16xi1>, vector<16xi32>
        %broadcast_in_dim3A_1213 = vector.shape_cast %select_n3A_1212 : vector<16xi32> to vector<16x1xi32>
        %gather3A_1214 = vector.shape_cast %broadcast_in_dim3A_1213 : vector<16x1xi32> to vector<16xi32>
        %gather3A_1215 = tpu.dynamic_gather %get3A_1133[%gather3A_1214] in [0] : vector<16xf32>, vector<16xi32> -> vector<16xf32>
        %mul3A_1216 = arith.mulf %mul3A_1138, %gather3A_1215 : vector<16xf32>
        %lt3A_1217 = arith.constant 0 : i32
        %lt3A_1218 = vector.broadcast %lt3A_1217 : i32 to vector<16xi32>
        %lt3A_1219 = arith.cmpi slt, %broadcast_in_dim3A_82, %lt3A_1218 : vector<16xi32>
        %add3A_1220 = arith.constant 16 : i32
        %add3A_1221 = vector.broadcast %add3A_1220 : i32 to vector<16xi32>
        %add3A_1222 = arith.addi %broadcast_in_dim3A_82, %add3A_1221 : vector<16xi32>
        %select_n3A_1223 = arith.select %lt3A_1219, %add3A_1222, %broadcast_in_dim3A_82 : vector<16xi1>, vector<16xi32>
        %broadcast_in_dim3A_1224 = vector.shape_cast %select_n3A_1223 : vector<16xi32> to vector<16x1xi32>
        %gather3A_1225 = vector.shape_cast %broadcast_in_dim3A_1224 : vector<16x1xi32> to vector<16xi32>
        %gather3A_1226 = tpu.dynamic_gather %get3A_1133[%gather3A_1225] in [0] : vector<16xf32>, vector<16xi32> -> vector<16xf32>
        %mul3A_1227 = arith.mulf %mul3A_1143, %gather3A_1226 : vector<16xf32>
        %add3A_1228 = arith.addf %mul3A_1216, %mul3A_1227 : vector<16xf32>
        %lt3A_1229 = arith.constant 0 : i32
        %lt3A_1230 = vector.broadcast %lt3A_1229 : i32 to vector<16xi32>
        %lt3A_1231 = arith.cmpi slt, %broadcast_in_dim3A_90, %lt3A_1230 : vector<16xi32>
        %add3A_1232 = arith.constant 16 : i32
        %add3A_1233 = vector.broadcast %add3A_1232 : i32 to vector<16xi32>
        %add3A_1234 = arith.addi %broadcast_in_dim3A_90, %add3A_1233 : vector<16xi32>
        %select_n3A_1235 = arith.select %lt3A_1231, %add3A_1234, %broadcast_in_dim3A_90 : vector<16xi1>, vector<16xi32>
        %broadcast_in_dim3A_1236 = vector.shape_cast %select_n3A_1235 : vector<16xi32> to vector<16x1xi32>
        %gather3A_1237 = vector.shape_cast %broadcast_in_dim3A_1236 : vector<16x1xi32> to vector<16xi32>
        %gather3A_1238 = tpu.dynamic_gather %get3A_1133[%gather3A_1237] in [0] : vector<16xf32>, vector<16xi32> -> vector<16xf32>
        %mul3A_1239 = arith.mulf %mul3A_1148, %gather3A_1238 : vector<16xf32>
        %add3A_1240 = arith.addf %add3A_1228, %mul3A_1239 : vector<16xf32>
        %lt3A_1241 = arith.constant 0 : i32
        %lt3A_1242 = vector.broadcast %lt3A_1241 : i32 to vector<16xi32>
        %lt3A_1243 = arith.cmpi slt, %broadcast_in_dim3A_98, %lt3A_1242 : vector<16xi32>
        %add3A_1244 = arith.constant 16 : i32
        %add3A_1245 = vector.broadcast %add3A_1244 : i32 to vector<16xi32>
        %add3A_1246 = arith.addi %broadcast_in_dim3A_98, %add3A_1245 : vector<16xi32>
        %select_n3A_1247 = arith.select %lt3A_1243, %add3A_1246, %broadcast_in_dim3A_98 : vector<16xi1>, vector<16xi32>
        %broadcast_in_dim3A_1248 = vector.shape_cast %select_n3A_1247 : vector<16xi32> to vector<16x1xi32>
        %gather3A_1249 = vector.shape_cast %broadcast_in_dim3A_1248 : vector<16x1xi32> to vector<16xi32>
        %gather3A_1250 = tpu.dynamic_gather %get3A_1133[%gather3A_1249] in [0] : vector<16xf32>, vector<16xi32> -> vector<16xf32>
        %mul3A_1251 = arith.mulf %mul3A_1153, %gather3A_1250 : vector<16xf32>
        %add3A_1252 = arith.addf %add3A_1240, %mul3A_1251 : vector<16xf32>
        %swap3A_1253 = arith.index_cast %add3A_1125 : i32 to index
        %swap3A_1254 = arith.constant 0 : index
        %swap3A_1255 = tpu.vector_load %arg12[%swap3A_1253, %swap3A_1254] {strides = array<i32>} : memref<512x16xf32, #tpu.memory_space<vmem>>, vector<1x16xf32>,
        %swap3A_1256 = vector.shape_cast %swap3A_1255 : vector<1x16xf32> to vector<16xf32>
        %swap3A_1257 = vector.shape_cast %add3A_1252 : vector<16xf32> to vector<1x16xf32>
        tpu.vector_store %arg12[%swap3A_1253, %swap3A_1254], %swap3A_1257 {strides = array<i32>} : memref<512x16xf32, #tpu.memory_space<vmem>>, vector<1x16xf32>,
        %lt3A_1258 = arith.constant 0 : i32
        %lt3A_1259 = vector.broadcast %lt3A_1258 : i32 to vector<16xi32>
        %lt3A_1260 = arith.cmpi slt, %broadcast_in_dim3A_76, %lt3A_1259 : vector<16xi32>
        %add3A_1261 = arith.constant 16 : i32
        %add3A_1262 = vector.broadcast %add3A_1261 : i32 to vector<16xi32>
        %add3A_1263 = arith.addi %broadcast_in_dim3A_76, %add3A_1262 : vector<16xi32>
        %select_n3A_1264 = arith.select %lt3A_1260, %add3A_1263, %broadcast_in_dim3A_76 : vector<16xi1>, vector<16xi32>
        %broadcast_in_dim3A_1265 = vector.shape_cast %select_n3A_1264 : vector<16xi32> to vector<16x1xi32>
        %gather3A_1266 = vector.shape_cast %broadcast_in_dim3A_1265 : vector<16x1xi32> to vector<16xi32>
        %gather3A_1267 = tpu.dynamic_gather %get3A_1133[%gather3A_1266] in [0] : vector<16xf32>, vector<16xi32> -> vector<16xf32>
        %mul3A_1268 = arith.mulf %mul3A_1138, %gather3A_1267 : vector<16xf32>
        %lt3A_1269 = arith.constant 0 : i32
        %lt3A_1270 = vector.broadcast %lt3A_1269 : i32 to vector<16xi32>
        %lt3A_1271 = arith.cmpi slt, %broadcast_in_dim3A_84, %lt3A_1270 : vector<16xi32>
        %add3A_1272 = arith.constant 16 : i32
        %add3A_1273 = vector.broadcast %add3A_1272 : i32 to vector<16xi32>
        %add3A_1274 = arith.addi %broadcast_in_dim3A_84, %add3A_1273 : vector<16xi32>
        %select_n3A_1275 = arith.select %lt3A_1271, %add3A_1274, %broadcast_in_dim3A_84 : vector<16xi1>, vector<16xi32>
        %broadcast_in_dim3A_1276 = vector.shape_cast %select_n3A_1275 : vector<16xi32> to vector<16x1xi32>
        %gather3A_1277 = vector.shape_cast %broadcast_in_dim3A_1276 : vector<16x1xi32> to vector<16xi32>
        %gather3A_1278 = tpu.dynamic_gather %get3A_1133[%gather3A_1277] in [0] : vector<16xf32>, vector<16xi32> -> vector<16xf32>
        %mul3A_1279 = arith.mulf %mul3A_1143, %gather3A_1278 : vector<16xf32>
        %add3A_1280 = arith.addf %mul3A_1268, %mul3A_1279 : vector<16xf32>
        %lt3A_1281 = arith.constant 0 : i32
        %lt3A_1282 = vector.broadcast %lt3A_1281 : i32 to vector<16xi32>
        %lt3A_1283 = arith.cmpi slt, %broadcast_in_dim3A_92, %lt3A_1282 : vector<16xi32>
        %add3A_1284 = arith.constant 16 : i32
        %add3A_1285 = vector.broadcast %add3A_1284 : i32 to vector<16xi32>
        %add3A_1286 = arith.addi %broadcast_in_dim3A_92, %add3A_1285 : vector<16xi32>
        %select_n3A_1287 = arith.select %lt3A_1283, %add3A_1286, %broadcast_in_dim3A_92 : vector<16xi1>, vector<16xi32>
        %broadcast_in_dim3A_1288 = vector.shape_cast %select_n3A_1287 : vector<16xi32> to vector<16x1xi32>
        %gather3A_1289 = vector.shape_cast %broadcast_in_dim3A_1288 : vector<16x1xi32> to vector<16xi32>
        %gather3A_1290 = tpu.dynamic_gather %get3A_1133[%gather3A_1289] in [0] : vector<16xf32>, vector<16xi32> -> vector<16xf32>
        %mul3A_1291 = arith.mulf %mul3A_1148, %gather3A_1290 : vector<16xf32>
        %add3A_1292 = arith.addf %add3A_1280, %mul3A_1291 : vector<16xf32>
        %lt3A_1293 = arith.constant 0 : i32
        %lt3A_1294 = vector.broadcast %lt3A_1293 : i32 to vector<16xi32>
        %lt3A_1295 = arith.cmpi slt, %broadcast_in_dim3A_100, %lt3A_1294 : vector<16xi32>
        %add3A_1296 = arith.constant 16 : i32
        %add3A_1297 = vector.broadcast %add3A_1296 : i32 to vector<16xi32>
        %add3A_1298 = arith.addi %broadcast_in_dim3A_100, %add3A_1297 : vector<16xi32>
        %select_n3A_1299 = arith.select %lt3A_1295, %add3A_1298, %broadcast_in_dim3A_100 : vector<16xi1>, vector<16xi32>
        %broadcast_in_dim3A_1300 = vector.shape_cast %select_n3A_1299 : vector<16xi32> to vector<16x1xi32>
        %gather3A_1301 = vector.shape_cast %broadcast_in_dim3A_1300 : vector<16x1xi32> to vector<16xi32>
        %gather3A_1302 = tpu.dynamic_gather %get3A_1133[%gather3A_1301] in [0] : vector<16xf32>, vector<16xi32> -> vector<16xf32>
        %mul3A_1303 = arith.mulf %mul3A_1153, %gather3A_1302 : vector<16xf32>
        %add3A_1304 = arith.addf %add3A_1292, %mul3A_1303 : vector<16xf32>
        %swap3A_1305 = arith.index_cast %add3A_1125 : i32 to index
        %swap3A_1306 = arith.constant 0 : index
        %swap3A_1307 = tpu.vector_load %arg13[%swap3A_1305, %swap3A_1306] {strides = array<i32>} : memref<512x16xf32, #tpu.memory_space<vmem>>, vector<1x16xf32>,
        %swap3A_1308 = vector.shape_cast %swap3A_1307 : vector<1x16xf32> to vector<16xf32>
        %swap3A_1309 = vector.shape_cast %add3A_1304 : vector<16xf32> to vector<1x16xf32>
        tpu.vector_store %arg13[%swap3A_1305, %swap3A_1306], %swap3A_1309 {strides = array<i32>} : memref<512x16xf32, #tpu.memory_space<vmem>>, vector<1x16xf32>,
        %lt3A_1310 = arith.constant 0 : i32
        %lt3A_1311 = vector.broadcast %lt3A_1310 : i32 to vector<16xi32>
        %lt3A_1312 = arith.cmpi slt, %broadcast_in_dim3A_78, %lt3A_1311 : vector<16xi32>
        %add3A_1313 = arith.constant 16 : i32
        %add3A_1314 = vector.broadcast %add3A_1313 : i32 to vector<16xi32>
        %add3A_1315 = arith.addi %broadcast_in_dim3A_78, %add3A_1314 : vector<16xi32>
        %select_n3A_1316 = arith.select %lt3A_1312, %add3A_1315, %broadcast_in_dim3A_78 : vector<16xi1>, vector<16xi32>
        %broadcast_in_dim3A_1317 = vector.shape_cast %select_n3A_1316 : vector<16xi32> to vector<16x1xi32>
        %gather3A_1318 = vector.shape_cast %broadcast_in_dim3A_1317 : vector<16x1xi32> to vector<16xi32>
        %gather3A_1319 = tpu.dynamic_gather %get3A_1133[%gather3A_1318] in [0] : vector<16xf32>, vector<16xi32> -> vector<16xf32>
        %mul3A_1320 = arith.mulf %mul3A_1138, %gather3A_1319 : vector<16xf32>
        %lt3A_1321 = arith.constant 0 : i32
        %lt3A_1322 = vector.broadcast %lt3A_1321 : i32 to vector<16xi32>
        %lt3A_1323 = arith.cmpi slt, %broadcast_in_dim3A_86, %lt3A_1322 : vector<16xi32>
        %add3A_1324 = arith.constant 16 : i32
        %add3A_1325 = vector.broadcast %add3A_1324 : i32 to vector<16xi32>
        %add3A_1326 = arith.addi %broadcast_in_dim3A_86, %add3A_1325 : vector<16xi32>
        %select_n3A_1327 = arith.select %lt3A_1323, %add3A_1326, %broadcast_in_dim3A_86 : vector<16xi1>, vector<16xi32>
        %broadcast_in_dim3A_1328 = vector.shape_cast %select_n3A_1327 : vector<16xi32> to vector<16x1xi32>
        %gather3A_1329 = vector.shape_cast %broadcast_in_dim3A_1328 : vector<16x1xi32> to vector<16xi32>
        %gather3A_1330 = tpu.dynamic_gather %get3A_1133[%gather3A_1329] in [0] : vector<16xf32>, vector<16xi32> -> vector<16xf32>
        %mul3A_1331 = arith.mulf %mul3A_1143, %gather3A_1330 : vector<16xf32>
        %add3A_1332 = arith.addf %mul3A_1320, %mul3A_1331 : vector<16xf32>
        %lt3A_1333 = arith.constant 0 : i32
        %lt3A_1334 = vector.broadcast %lt3A_1333 : i32 to vector<16xi32>
        %lt3A_1335 = arith.cmpi slt, %broadcast_in_dim3A_94, %lt3A_1334 : vector<16xi32>
        %add3A_1336 = arith.constant 16 : i32
        %add3A_1337 = vector.broadcast %add3A_1336 : i32 to vector<16xi32>
        %add3A_1338 = arith.addi %broadcast_in_dim3A_94, %add3A_1337 : vector<16xi32>
        %select_n3A_1339 = arith.select %lt3A_1335, %add3A_1338, %broadcast_in_dim3A_94 : vector<16xi1>, vector<16xi32>
        %broadcast_in_dim3A_1340 = vector.shape_cast %select_n3A_1339 : vector<16xi32> to vector<16x1xi32>
        %gather3A_1341 = vector.shape_cast %broadcast_in_dim3A_1340 : vector<16x1xi32> to vector<16xi32>
        %gather3A_1342 = tpu.dynamic_gather %get3A_1133[%gather3A_1341] in [0] : vector<16xf32>, vector<16xi32> -> vector<16xf32>
        %mul3A_1343 = arith.mulf %mul3A_1148, %gather3A_1342 : vector<16xf32>
        %add3A_1344 = arith.addf %add3A_1332, %mul3A_1343 : vector<16xf32>
        %lt3A_1345 = arith.constant 0 : i32
        %lt3A_1346 = vector.broadcast %lt3A_1345 : i32 to vector<16xi32>
        %lt3A_1347 = arith.cmpi slt, %broadcast_in_dim3A_102, %lt3A_1346 : vector<16xi32>
        %add3A_1348 = arith.constant 16 : i32
        %add3A_1349 = vector.broadcast %add3A_1348 : i32 to vector<16xi32>
        %add3A_1350 = arith.addi %broadcast_in_dim3A_102, %add3A_1349 : vector<16xi32>
        %select_n3A_1351 = arith.select %lt3A_1347, %add3A_1350, %broadcast_in_dim3A_102 : vector<16xi1>, vector<16xi32>
        %broadcast_in_dim3A_1352 = vector.shape_cast %select_n3A_1351 : vector<16xi32> to vector<16x1xi32>
        %gather3A_1353 = vector.shape_cast %broadcast_in_dim3A_1352 : vector<16x1xi32> to vector<16xi32>
        %gather3A_1354 = tpu.dynamic_gather %get3A_1133[%gather3A_1353] in [0] : vector<16xf32>, vector<16xi32> -> vector<16xf32>
        %mul3A_1355 = arith.mulf %mul3A_1153, %gather3A_1354 : vector<16xf32>
        %add3A_1356 = arith.addf %add3A_1344, %mul3A_1355 : vector<16xf32>
        %swap3A_1357 = arith.index_cast %add3A_1125 : i32 to index
        %swap3A_1358 = arith.constant 0 : index
        %swap3A_1359 = tpu.vector_load %arg14[%swap3A_1357, %swap3A_1358] {strides = array<i32>} : memref<512x16xf32, #tpu.memory_space<vmem>>, vector<1x16xf32>,
        %swap3A_1360 = vector.shape_cast %swap3A_1359 : vector<1x16xf32> to vector<16xf32>
        %swap3A_1361 = vector.shape_cast %add3A_1356 : vector<16xf32> to vector<1x16xf32>
        tpu.vector_store %arg14[%swap3A_1357, %swap3A_1358], %swap3A_1361 {strides = array<i32>} : memref<512x16xf32, #tpu.memory_space<vmem>>, vector<1x16xf32>,
        %mul3A_1362 = arith.constant 8 : i32
        %mul3A_1363 = arith.muli %mul3A_1362, %scan3A_165 : i32
        %add3A_1364 = arith.constant 5 : i32
        %add3A_1365 = arith.addi %mul3A_1363, %add3A_1364 : i32
        %get3A_1366 = arith.index_cast %scan3A_165 : i32 to index
        %get3A_1367 = arith.constant 80 : index
        %get3A_1368 = tpu.vector_load %arg9[%get3A_1366, %get3A_1367] {strides = array<i32>} : memref<64x128xf32, #tpu.memory_space<vmem>>, vector<1x16xf32>,
        %get3A_1369 = vector.shape_cast %get3A_1368 : vector<1x16xf32> to vector<16xf32>
        %get3A_1370 = arith.index_cast %scan3A_165 : i32 to index
        %get3A_1371 = arith.constant 80 : index
        %get3A_1372 = tpu.vector_load %arg10[%get3A_1370, %get3A_1371] {strides = array<i32>} : memref<64x128xf32, #tpu.memory_space<vmem>>, vector<1x16xf32>,
        %get3A_1373 = vector.shape_cast %get3A_1372 : vector<1x16xf32> to vector<16xf32>
        %get3A_1374 = arith.index_cast %add3A_1365 : i32 to index
        %get3A_1375 = arith.constant 0 : index
        %get3A_1376 = tpu.vector_load %arg8[%get3A_1374, %get3A_1375] {strides = array<i32>} : memref<512x64xf32, #tpu.memory_space<vmem>>, vector<1x16xf32>,
        %get3A_1377 = vector.shape_cast %get3A_1376 : vector<1x16xf32> to vector<16xf32>
        %mul3A_1378 = arith.mulf %get3A_1377, %get3A_1369 : vector<16xf32>
        %get3A_1379 = arith.index_cast %add3A_1365 : i32 to index
        %get3A_1380 = arith.constant 16 : index
        %get3A_1381 = tpu.vector_load %arg8[%get3A_1379, %get3A_1380] {strides = array<i32>} : memref<512x64xf32, #tpu.memory_space<vmem>>, vector<1x16xf32>,
        %get3A_1382 = vector.shape_cast %get3A_1381 : vector<1x16xf32> to vector<16xf32>
        %mul3A_1383 = arith.mulf %get3A_1382, %get3A_1369 : vector<16xf32>
        %get3A_1384 = arith.index_cast %add3A_1365 : i32 to index
        %get3A_1385 = arith.constant 32 : index
        %get3A_1386 = tpu.vector_load %arg8[%get3A_1384, %get3A_1385] {strides = array<i32>} : memref<512x64xf32, #tpu.memory_space<vmem>>, vector<1x16xf32>,
        %get3A_1387 = vector.shape_cast %get3A_1386 : vector<1x16xf32> to vector<16xf32>
        %mul3A_1388 = arith.mulf %get3A_1387, %get3A_1369 : vector<16xf32>
        %get3A_1389 = arith.index_cast %add3A_1365 : i32 to index
        %get3A_1390 = arith.constant 48 : index
        %get3A_1391 = tpu.vector_load %arg8[%get3A_1389, %get3A_1390] {strides = array<i32>} : memref<512x64xf32, #tpu.memory_space<vmem>>, vector<1x16xf32>,
        %get3A_1392 = vector.shape_cast %get3A_1391 : vector<1x16xf32> to vector<16xf32>
        %mul3A_1393 = arith.mulf %get3A_1392, %get3A_1369 : vector<16xf32>
        %lt3A_1394 = arith.constant 0 : i32
        %lt3A_1395 = vector.broadcast %lt3A_1394 : i32 to vector<16xi32>
        %lt3A_1396 = arith.cmpi slt, %broadcast_in_dim3A_72, %lt3A_1395 : vector<16xi32>
        %add3A_1397 = arith.constant 16 : i32
        %add3A_1398 = vector.broadcast %add3A_1397 : i32 to vector<16xi32>
        %add3A_1399 = arith.addi %broadcast_in_dim3A_72, %add3A_1398 : vector<16xi32>
        %select_n3A_1400 = arith.select %lt3A_1396, %add3A_1399, %broadcast_in_dim3A_72 : vector<16xi1>, vector<16xi32>
        %broadcast_in_dim3A_1401 = vector.shape_cast %select_n3A_1400 : vector<16xi32> to vector<16x1xi32>
        %gather3A_1402 = vector.shape_cast %broadcast_in_dim3A_1401 : vector<16x1xi32> to vector<16xi32>
        %gather3A_1403 = tpu.dynamic_gather %get3A_1373[%gather3A_1402] in [0] : vector<16xf32>, vector<16xi32> -> vector<16xf32>
        %mul3A_1404 = arith.mulf %mul3A_1378, %gather3A_1403 : vector<16xf32>
        %lt3A_1405 = arith.constant 0 : i32
        %lt3A_1406 = vector.broadcast %lt3A_1405 : i32 to vector<16xi32>
        %lt3A_1407 = arith.cmpi slt, %broadcast_in_dim3A_80, %lt3A_1406 : vector<16xi32>
        %add3A_1408 = arith.constant 16 : i32
        %add3A_1409 = vector.broadcast %add3A_1408 : i32 to vector<16xi32>
        %add3A_1410 = arith.addi %broadcast_in_dim3A_80, %add3A_1409 : vector<16xi32>
        %select_n3A_1411 = arith.select %lt3A_1407, %add3A_1410, %broadcast_in_dim3A_80 : vector<16xi1>, vector<16xi32>
        %broadcast_in_dim3A_1412 = vector.shape_cast %select_n3A_1411 : vector<16xi32> to vector<16x1xi32>
        %gather3A_1413 = vector.shape_cast %broadcast_in_dim3A_1412 : vector<16x1xi32> to vector<16xi32>
        %gather3A_1414 = tpu.dynamic_gather %get3A_1373[%gather3A_1413] in [0] : vector<16xf32>, vector<16xi32> -> vector<16xf32>
        %mul3A_1415 = arith.mulf %mul3A_1383, %gather3A_1414 : vector<16xf32>
        %add3A_1416 = arith.addf %mul3A_1404, %mul3A_1415 : vector<16xf32>
        %lt3A_1417 = arith.constant 0 : i32
        %lt3A_1418 = vector.broadcast %lt3A_1417 : i32 to vector<16xi32>
        %lt3A_1419 = arith.cmpi slt, %broadcast_in_dim3A_88, %lt3A_1418 : vector<16xi32>
        %add3A_1420 = arith.constant 16 : i32
        %add3A_1421 = vector.broadcast %add3A_1420 : i32 to vector<16xi32>
        %add3A_1422 = arith.addi %broadcast_in_dim3A_88, %add3A_1421 : vector<16xi32>
        %select_n3A_1423 = arith.select %lt3A_1419, %add3A_1422, %broadcast_in_dim3A_88 : vector<16xi1>, vector<16xi32>
        %broadcast_in_dim3A_1424 = vector.shape_cast %select_n3A_1423 : vector<16xi32> to vector<16x1xi32>
        %gather3A_1425 = vector.shape_cast %broadcast_in_dim3A_1424 : vector<16x1xi32> to vector<16xi32>
        %gather3A_1426 = tpu.dynamic_gather %get3A_1373[%gather3A_1425] in [0] : vector<16xf32>, vector<16xi32> -> vector<16xf32>
        %mul3A_1427 = arith.mulf %mul3A_1388, %gather3A_1426 : vector<16xf32>
        %add3A_1428 = arith.addf %add3A_1416, %mul3A_1427 : vector<16xf32>
        %lt3A_1429 = arith.constant 0 : i32
        %lt3A_1430 = vector.broadcast %lt3A_1429 : i32 to vector<16xi32>
        %lt3A_1431 = arith.cmpi slt, %broadcast_in_dim3A_96, %lt3A_1430 : vector<16xi32>
        %add3A_1432 = arith.constant 16 : i32
        %add3A_1433 = vector.broadcast %add3A_1432 : i32 to vector<16xi32>
        %add3A_1434 = arith.addi %broadcast_in_dim3A_96, %add3A_1433 : vector<16xi32>
        %select_n3A_1435 = arith.select %lt3A_1431, %add3A_1434, %broadcast_in_dim3A_96 : vector<16xi1>, vector<16xi32>
        %broadcast_in_dim3A_1436 = vector.shape_cast %select_n3A_1435 : vector<16xi32> to vector<16x1xi32>
        %gather3A_1437 = vector.shape_cast %broadcast_in_dim3A_1436 : vector<16x1xi32> to vector<16xi32>
        %gather3A_1438 = tpu.dynamic_gather %get3A_1373[%gather3A_1437] in [0] : vector<16xf32>, vector<16xi32> -> vector<16xf32>
        %mul3A_1439 = arith.mulf %mul3A_1393, %gather3A_1438 : vector<16xf32>
        %add3A_1440 = arith.addf %add3A_1428, %mul3A_1439 : vector<16xf32>
        %swap3A_1441 = arith.index_cast %add3A_1365 : i32 to index
        %swap3A_1442 = arith.constant 0 : index
        %swap3A_1443 = tpu.vector_load %arg11[%swap3A_1441, %swap3A_1442] {strides = array<i32>} : memref<512x16xf32, #tpu.memory_space<vmem>>, vector<1x16xf32>,
        %swap3A_1444 = vector.shape_cast %swap3A_1443 : vector<1x16xf32> to vector<16xf32>
        %swap3A_1445 = vector.shape_cast %add3A_1440 : vector<16xf32> to vector<1x16xf32>
        tpu.vector_store %arg11[%swap3A_1441, %swap3A_1442], %swap3A_1445 {strides = array<i32>} : memref<512x16xf32, #tpu.memory_space<vmem>>, vector<1x16xf32>,
        %lt3A_1446 = arith.constant 0 : i32
        %lt3A_1447 = vector.broadcast %lt3A_1446 : i32 to vector<16xi32>
        %lt3A_1448 = arith.cmpi slt, %broadcast_in_dim3A_74, %lt3A_1447 : vector<16xi32>
        %add3A_1449 = arith.constant 16 : i32
        %add3A_1450 = vector.broadcast %add3A_1449 : i32 to vector<16xi32>
        %add3A_1451 = arith.addi %broadcast_in_dim3A_74, %add3A_1450 : vector<16xi32>
        %select_n3A_1452 = arith.select %lt3A_1448, %add3A_1451, %broadcast_in_dim3A_74 : vector<16xi1>, vector<16xi32>
        %broadcast_in_dim3A_1453 = vector.shape_cast %select_n3A_1452 : vector<16xi32> to vector<16x1xi32>
        %gather3A_1454 = vector.shape_cast %broadcast_in_dim3A_1453 : vector<16x1xi32> to vector<16xi32>
        %gather3A_1455 = tpu.dynamic_gather %get3A_1373[%gather3A_1454] in [0] : vector<16xf32>, vector<16xi32> -> vector<16xf32>
        %mul3A_1456 = arith.mulf %mul3A_1378, %gather3A_1455 : vector<16xf32>
        %lt3A_1457 = arith.constant 0 : i32
        %lt3A_1458 = vector.broadcast %lt3A_1457 : i32 to vector<16xi32>
        %lt3A_1459 = arith.cmpi slt, %broadcast_in_dim3A_82, %lt3A_1458 : vector<16xi32>
        %add3A_1460 = arith.constant 16 : i32
        %add3A_1461 = vector.broadcast %add3A_1460 : i32 to vector<16xi32>
        %add3A_1462 = arith.addi %broadcast_in_dim3A_82, %add3A_1461 : vector<16xi32>
        %select_n3A_1463 = arith.select %lt3A_1459, %add3A_1462, %broadcast_in_dim3A_82 : vector<16xi1>, vector<16xi32>
        %broadcast_in_dim3A_1464 = vector.shape_cast %select_n3A_1463 : vector<16xi32> to vector<16x1xi32>
        %gather3A_1465 = vector.shape_cast %broadcast_in_dim3A_1464 : vector<16x1xi32> to vector<16xi32>
        %gather3A_1466 = tpu.dynamic_gather %get3A_1373[%gather3A_1465] in [0] : vector<16xf32>, vector<16xi32> -> vector<16xf32>
        %mul3A_1467 = arith.mulf %mul3A_1383, %gather3A_1466 : vector<16xf32>
        %add3A_1468 = arith.addf %mul3A_1456, %mul3A_1467 : vector<16xf32>
        %lt3A_1469 = arith.constant 0 : i32
        %lt3A_1470 = vector.broadcast %lt3A_1469 : i32 to vector<16xi32>
        %lt3A_1471 = arith.cmpi slt, %broadcast_in_dim3A_90, %lt3A_1470 : vector<16xi32>
        %add3A_1472 = arith.constant 16 : i32
        %add3A_1473 = vector.broadcast %add3A_1472 : i32 to vector<16xi32>
        %add3A_1474 = arith.addi %broadcast_in_dim3A_90, %add3A_1473 : vector<16xi32>
        %select_n3A_1475 = arith.select %lt3A_1471, %add3A_1474, %broadcast_in_dim3A_90 : vector<16xi1>, vector<16xi32>
        %broadcast_in_dim3A_1476 = vector.shape_cast %select_n3A_1475 : vector<16xi32> to vector<16x1xi32>
        %gather3A_1477 = vector.shape_cast %broadcast_in_dim3A_1476 : vector<16x1xi32> to vector<16xi32>
        %gather3A_1478 = tpu.dynamic_gather %get3A_1373[%gather3A_1477] in [0] : vector<16xf32>, vector<16xi32> -> vector<16xf32>
        %mul3A_1479 = arith.mulf %mul3A_1388, %gather3A_1478 : vector<16xf32>
        %add3A_1480 = arith.addf %add3A_1468, %mul3A_1479 : vector<16xf32>
        %lt3A_1481 = arith.constant 0 : i32
        %lt3A_1482 = vector.broadcast %lt3A_1481 : i32 to vector<16xi32>
        %lt3A_1483 = arith.cmpi slt, %broadcast_in_dim3A_98, %lt3A_1482 : vector<16xi32>
        %add3A_1484 = arith.constant 16 : i32
        %add3A_1485 = vector.broadcast %add3A_1484 : i32 to vector<16xi32>
        %add3A_1486 = arith.addi %broadcast_in_dim3A_98, %add3A_1485 : vector<16xi32>
        %select_n3A_1487 = arith.select %lt3A_1483, %add3A_1486, %broadcast_in_dim3A_98 : vector<16xi1>, vector<16xi32>
        %broadcast_in_dim3A_1488 = vector.shape_cast %select_n3A_1487 : vector<16xi32> to vector<16x1xi32>
        %gather3A_1489 = vector.shape_cast %broadcast_in_dim3A_1488 : vector<16x1xi32> to vector<16xi32>
        %gather3A_1490 = tpu.dynamic_gather %get3A_1373[%gather3A_1489] in [0] : vector<16xf32>, vector<16xi32> -> vector<16xf32>
        %mul3A_1491 = arith.mulf %mul3A_1393, %gather3A_1490 : vector<16xf32>
        %add3A_1492 = arith.addf %add3A_1480, %mul3A_1491 : vector<16xf32>
        %swap3A_1493 = arith.index_cast %add3A_1365 : i32 to index
        %swap3A_1494 = arith.constant 0 : index
        %swap3A_1495 = tpu.vector_load %arg12[%swap3A_1493, %swap3A_1494] {strides = array<i32>} : memref<512x16xf32, #tpu.memory_space<vmem>>, vector<1x16xf32>,
        %swap3A_1496 = vector.shape_cast %swap3A_1495 : vector<1x16xf32> to vector<16xf32>
        %swap3A_1497 = vector.shape_cast %add3A_1492 : vector<16xf32> to vector<1x16xf32>
        tpu.vector_store %arg12[%swap3A_1493, %swap3A_1494], %swap3A_1497 {strides = array<i32>} : memref<512x16xf32, #tpu.memory_space<vmem>>, vector<1x16xf32>,
        %lt3A_1498 = arith.constant 0 : i32
        %lt3A_1499 = vector.broadcast %lt3A_1498 : i32 to vector<16xi32>
        %lt3A_1500 = arith.cmpi slt, %broadcast_in_dim3A_76, %lt3A_1499 : vector<16xi32>
        %add3A_1501 = arith.constant 16 : i32
        %add3A_1502 = vector.broadcast %add3A_1501 : i32 to vector<16xi32>
        %add3A_1503 = arith.addi %broadcast_in_dim3A_76, %add3A_1502 : vector<16xi32>
        %select_n3A_1504 = arith.select %lt3A_1500, %add3A_1503, %broadcast_in_dim3A_76 : vector<16xi1>, vector<16xi32>
        %broadcast_in_dim3A_1505 = vector.shape_cast %select_n3A_1504 : vector<16xi32> to vector<16x1xi32>
        %gather3A_1506 = vector.shape_cast %broadcast_in_dim3A_1505 : vector<16x1xi32> to vector<16xi32>
        %gather3A_1507 = tpu.dynamic_gather %get3A_1373[%gather3A_1506] in [0] : vector<16xf32>, vector<16xi32> -> vector<16xf32>
        %mul3A_1508 = arith.mulf %mul3A_1378, %gather3A_1507 : vector<16xf32>
        %lt3A_1509 = arith.constant 0 : i32
        %lt3A_1510 = vector.broadcast %lt3A_1509 : i32 to vector<16xi32>
        %lt3A_1511 = arith.cmpi slt, %broadcast_in_dim3A_84, %lt3A_1510 : vector<16xi32>
        %add3A_1512 = arith.constant 16 : i32
        %add3A_1513 = vector.broadcast %add3A_1512 : i32 to vector<16xi32>
        %add3A_1514 = arith.addi %broadcast_in_dim3A_84, %add3A_1513 : vector<16xi32>
        %select_n3A_1515 = arith.select %lt3A_1511, %add3A_1514, %broadcast_in_dim3A_84 : vector<16xi1>, vector<16xi32>
        %broadcast_in_dim3A_1516 = vector.shape_cast %select_n3A_1515 : vector<16xi32> to vector<16x1xi32>
        %gather3A_1517 = vector.shape_cast %broadcast_in_dim3A_1516 : vector<16x1xi32> to vector<16xi32>
        %gather3A_1518 = tpu.dynamic_gather %get3A_1373[%gather3A_1517] in [0] : vector<16xf32>, vector<16xi32> -> vector<16xf32>
        %mul3A_1519 = arith.mulf %mul3A_1383, %gather3A_1518 : vector<16xf32>
        %add3A_1520 = arith.addf %mul3A_1508, %mul3A_1519 : vector<16xf32>
        %lt3A_1521 = arith.constant 0 : i32
        %lt3A_1522 = vector.broadcast %lt3A_1521 : i32 to vector<16xi32>
        %lt3A_1523 = arith.cmpi slt, %broadcast_in_dim3A_92, %lt3A_1522 : vector<16xi32>
        %add3A_1524 = arith.constant 16 : i32
        %add3A_1525 = vector.broadcast %add3A_1524 : i32 to vector<16xi32>
        %add3A_1526 = arith.addi %broadcast_in_dim3A_92, %add3A_1525 : vector<16xi32>
        %select_n3A_1527 = arith.select %lt3A_1523, %add3A_1526, %broadcast_in_dim3A_92 : vector<16xi1>, vector<16xi32>
        %broadcast_in_dim3A_1528 = vector.shape_cast %select_n3A_1527 : vector<16xi32> to vector<16x1xi32>
        %gather3A_1529 = vector.shape_cast %broadcast_in_dim3A_1528 : vector<16x1xi32> to vector<16xi32>
        %gather3A_1530 = tpu.dynamic_gather %get3A_1373[%gather3A_1529] in [0] : vector<16xf32>, vector<16xi32> -> vector<16xf32>
        %mul3A_1531 = arith.mulf %mul3A_1388, %gather3A_1530 : vector<16xf32>
        %add3A_1532 = arith.addf %add3A_1520, %mul3A_1531 : vector<16xf32>
        %lt3A_1533 = arith.constant 0 : i32
        %lt3A_1534 = vector.broadcast %lt3A_1533 : i32 to vector<16xi32>
        %lt3A_1535 = arith.cmpi slt, %broadcast_in_dim3A_100, %lt3A_1534 : vector<16xi32>
        %add3A_1536 = arith.constant 16 : i32
        %add3A_1537 = vector.broadcast %add3A_1536 : i32 to vector<16xi32>
        %add3A_1538 = arith.addi %broadcast_in_dim3A_100, %add3A_1537 : vector<16xi32>
        %select_n3A_1539 = arith.select %lt3A_1535, %add3A_1538, %broadcast_in_dim3A_100 : vector<16xi1>, vector<16xi32>
        %broadcast_in_dim3A_1540 = vector.shape_cast %select_n3A_1539 : vector<16xi32> to vector<16x1xi32>
        %gather3A_1541 = vector.shape_cast %broadcast_in_dim3A_1540 : vector<16x1xi32> to vector<16xi32>
        %gather3A_1542 = tpu.dynamic_gather %get3A_1373[%gather3A_1541] in [0] : vector<16xf32>, vector<16xi32> -> vector<16xf32>
        %mul3A_1543 = arith.mulf %mul3A_1393, %gather3A_1542 : vector<16xf32>
        %add3A_1544 = arith.addf %add3A_1532, %mul3A_1543 : vector<16xf32>
        %swap3A_1545 = arith.index_cast %add3A_1365 : i32 to index
        %swap3A_1546 = arith.constant 0 : index
        %swap3A_1547 = tpu.vector_load %arg13[%swap3A_1545, %swap3A_1546] {strides = array<i32>} : memref<512x16xf32, #tpu.memory_space<vmem>>, vector<1x16xf32>,
        %swap3A_1548 = vector.shape_cast %swap3A_1547 : vector<1x16xf32> to vector<16xf32>
        %swap3A_1549 = vector.shape_cast %add3A_1544 : vector<16xf32> to vector<1x16xf32>
        tpu.vector_store %arg13[%swap3A_1545, %swap3A_1546], %swap3A_1549 {strides = array<i32>} : memref<512x16xf32, #tpu.memory_space<vmem>>, vector<1x16xf32>,
        %lt3A_1550 = arith.constant 0 : i32
        %lt3A_1551 = vector.broadcast %lt3A_1550 : i32 to vector<16xi32>
        %lt3A_1552 = arith.cmpi slt, %broadcast_in_dim3A_78, %lt3A_1551 : vector<16xi32>
        %add3A_1553 = arith.constant 16 : i32
        %add3A_1554 = vector.broadcast %add3A_1553 : i32 to vector<16xi32>
        %add3A_1555 = arith.addi %broadcast_in_dim3A_78, %add3A_1554 : vector<16xi32>
        %select_n3A_1556 = arith.select %lt3A_1552, %add3A_1555, %broadcast_in_dim3A_78 : vector<16xi1>, vector<16xi32>
        %broadcast_in_dim3A_1557 = vector.shape_cast %select_n3A_1556 : vector<16xi32> to vector<16x1xi32>
        %gather3A_1558 = vector.shape_cast %broadcast_in_dim3A_1557 : vector<16x1xi32> to vector<16xi32>
        %gather3A_1559 = tpu.dynamic_gather %get3A_1373[%gather3A_1558] in [0] : vector<16xf32>, vector<16xi32> -> vector<16xf32>
        %mul3A_1560 = arith.mulf %mul3A_1378, %gather3A_1559 : vector<16xf32>
        %lt3A_1561 = arith.constant 0 : i32
        %lt3A_1562 = vector.broadcast %lt3A_1561 : i32 to vector<16xi32>
        %lt3A_1563 = arith.cmpi slt, %broadcast_in_dim3A_86, %lt3A_1562 : vector<16xi32>
        %add3A_1564 = arith.constant 16 : i32
        %add3A_1565 = vector.broadcast %add3A_1564 : i32 to vector<16xi32>
        %add3A_1566 = arith.addi %broadcast_in_dim3A_86, %add3A_1565 : vector<16xi32>
        %select_n3A_1567 = arith.select %lt3A_1563, %add3A_1566, %broadcast_in_dim3A_86 : vector<16xi1>, vector<16xi32>
        %broadcast_in_dim3A_1568 = vector.shape_cast %select_n3A_1567 : vector<16xi32> to vector<16x1xi32>
        %gather3A_1569 = vector.shape_cast %broadcast_in_dim3A_1568 : vector<16x1xi32> to vector<16xi32>
        %gather3A_1570 = tpu.dynamic_gather %get3A_1373[%gather3A_1569] in [0] : vector<16xf32>, vector<16xi32> -> vector<16xf32>
        %mul3A_1571 = arith.mulf %mul3A_1383, %gather3A_1570 : vector<16xf32>
        %add3A_1572 = arith.addf %mul3A_1560, %mul3A_1571 : vector<16xf32>
        %lt3A_1573 = arith.constant 0 : i32
        %lt3A_1574 = vector.broadcast %lt3A_1573 : i32 to vector<16xi32>
        %lt3A_1575 = arith.cmpi slt, %broadcast_in_dim3A_94, %lt3A_1574 : vector<16xi32>
        %add3A_1576 = arith.constant 16 : i32
        %add3A_1577 = vector.broadcast %add3A_1576 : i32 to vector<16xi32>
        %add3A_1578 = arith.addi %broadcast_in_dim3A_94, %add3A_1577 : vector<16xi32>
        %select_n3A_1579 = arith.select %lt3A_1575, %add3A_1578, %broadcast_in_dim3A_94 : vector<16xi1>, vector<16xi32>
        %broadcast_in_dim3A_1580 = vector.shape_cast %select_n3A_1579 : vector<16xi32> to vector<16x1xi32>
        %gather3A_1581 = vector.shape_cast %broadcast_in_dim3A_1580 : vector<16x1xi32> to vector<16xi32>
        %gather3A_1582 = tpu.dynamic_gather %get3A_1373[%gather3A_1581] in [0] : vector<16xf32>, vector<16xi32> -> vector<16xf32>
        %mul3A_1583 = arith.mulf %mul3A_1388, %gather3A_1582 : vector<16xf32>
        %add3A_1584 = arith.addf %add3A_1572, %mul3A_1583 : vector<16xf32>
        %lt3A_1585 = arith.constant 0 : i32
        %lt3A_1586 = vector.broadcast %lt3A_1585 : i32 to vector<16xi32>
        %lt3A_1587 = arith.cmpi slt, %broadcast_in_dim3A_102, %lt3A_1586 : vector<16xi32>
        %add3A_1588 = arith.constant 16 : i32
        %add3A_1589 = vector.broadcast %add3A_1588 : i32 to vector<16xi32>
        %add3A_1590 = arith.addi %broadcast_in_dim3A_102, %add3A_1589 : vector<16xi32>
        %select_n3A_1591 = arith.select %lt3A_1587, %add3A_1590, %broadcast_in_dim3A_102 : vector<16xi1>, vector<16xi32>
        %broadcast_in_dim3A_1592 = vector.shape_cast %select_n3A_1591 : vector<16xi32> to vector<16x1xi32>
        %gather3A_1593 = vector.shape_cast %broadcast_in_dim3A_1592 : vector<16x1xi32> to vector<16xi32>
        %gather3A_1594 = tpu.dynamic_gather %get3A_1373[%gather3A_1593] in [0] : vector<16xf32>, vector<16xi32> -> vector<16xf32>
        %mul3A_1595 = arith.mulf %mul3A_1393, %gather3A_1594 : vector<16xf32>
        %add3A_1596 = arith.addf %add3A_1584, %mul3A_1595 : vector<16xf32>
        %swap3A_1597 = arith.index_cast %add3A_1365 : i32 to index
        %swap3A_1598 = arith.constant 0 : index
        %swap3A_1599 = tpu.vector_load %arg14[%swap3A_1597, %swap3A_1598] {strides = array<i32>} : memref<512x16xf32, #tpu.memory_space<vmem>>, vector<1x16xf32>,
        %swap3A_1600 = vector.shape_cast %swap3A_1599 : vector<1x16xf32> to vector<16xf32>
        %swap3A_1601 = vector.shape_cast %add3A_1596 : vector<16xf32> to vector<1x16xf32>
        tpu.vector_store %arg14[%swap3A_1597, %swap3A_1598], %swap3A_1601 {strides = array<i32>} : memref<512x16xf32, #tpu.memory_space<vmem>>, vector<1x16xf32>,
        %mul3A_1602 = arith.constant 8 : i32
        %mul3A_1603 = arith.muli %mul3A_1602, %scan3A_165 : i32
        %add3A_1604 = arith.constant 6 : i32
        %add3A_1605 = arith.addi %mul3A_1603, %add3A_1604 : i32
        %get3A_1606 = arith.index_cast %scan3A_165 : i32 to index
        %get3A_1607 = arith.constant 96 : index
        %get3A_1608 = tpu.vector_load %arg9[%get3A_1606, %get3A_1607] {strides = array<i32>} : memref<64x128xf32, #tpu.memory_space<vmem>>, vector<1x16xf32>,
        %get3A_1609 = vector.shape_cast %get3A_1608 : vector<1x16xf32> to vector<16xf32>
        %get3A_1610 = arith.index_cast %scan3A_165 : i32 to index
        %get3A_1611 = arith.constant 96 : index
        %get3A_1612 = tpu.vector_load %arg10[%get3A_1610, %get3A_1611] {strides = array<i32>} : memref<64x128xf32, #tpu.memory_space<vmem>>, vector<1x16xf32>,
        %get3A_1613 = vector.shape_cast %get3A_1612 : vector<1x16xf32> to vector<16xf32>
        %get3A_1614 = arith.index_cast %add3A_1605 : i32 to index
        %get3A_1615 = arith.constant 0 : index
        %get3A_1616 = tpu.vector_load %arg8[%get3A_1614, %get3A_1615] {strides = array<i32>} : memref<512x64xf32, #tpu.memory_space<vmem>>, vector<1x16xf32>,
        %get3A_1617 = vector.shape_cast %get3A_1616 : vector<1x16xf32> to vector<16xf32>
        %mul3A_1618 = arith.mulf %get3A_1617, %get3A_1609 : vector<16xf32>
        %get3A_1619 = arith.index_cast %add3A_1605 : i32 to index
        %get3A_1620 = arith.constant 16 : index
        %get3A_1621 = tpu.vector_load %arg8[%get3A_1619, %get3A_1620] {strides = array<i32>} : memref<512x64xf32, #tpu.memory_space<vmem>>, vector<1x16xf32>,
        %get3A_1622 = vector.shape_cast %get3A_1621 : vector<1x16xf32> to vector<16xf32>
        %mul3A_1623 = arith.mulf %get3A_1622, %get3A_1609 : vector<16xf32>
        %get3A_1624 = arith.index_cast %add3A_1605 : i32 to index
        %get3A_1625 = arith.constant 32 : index
        %get3A_1626 = tpu.vector_load %arg8[%get3A_1624, %get3A_1625] {strides = array<i32>} : memref<512x64xf32, #tpu.memory_space<vmem>>, vector<1x16xf32>,
        %get3A_1627 = vector.shape_cast %get3A_1626 : vector<1x16xf32> to vector<16xf32>
        %mul3A_1628 = arith.mulf %get3A_1627, %get3A_1609 : vector<16xf32>
        %get3A_1629 = arith.index_cast %add3A_1605 : i32 to index
        %get3A_1630 = arith.constant 48 : index
        %get3A_1631 = tpu.vector_load %arg8[%get3A_1629, %get3A_1630] {strides = array<i32>} : memref<512x64xf32, #tpu.memory_space<vmem>>, vector<1x16xf32>,
        %get3A_1632 = vector.shape_cast %get3A_1631 : vector<1x16xf32> to vector<16xf32>
        %mul3A_1633 = arith.mulf %get3A_1632, %get3A_1609 : vector<16xf32>
        %lt3A_1634 = arith.constant 0 : i32
        %lt3A_1635 = vector.broadcast %lt3A_1634 : i32 to vector<16xi32>
        %lt3A_1636 = arith.cmpi slt, %broadcast_in_dim3A_72, %lt3A_1635 : vector<16xi32>
        %add3A_1637 = arith.constant 16 : i32
        %add3A_1638 = vector.broadcast %add3A_1637 : i32 to vector<16xi32>
        %add3A_1639 = arith.addi %broadcast_in_dim3A_72, %add3A_1638 : vector<16xi32>
        %select_n3A_1640 = arith.select %lt3A_1636, %add3A_1639, %broadcast_in_dim3A_72 : vector<16xi1>, vector<16xi32>
        %broadcast_in_dim3A_1641 = vector.shape_cast %select_n3A_1640 : vector<16xi32> to vector<16x1xi32>
        %gather3A_1642 = vector.shape_cast %broadcast_in_dim3A_1641 : vector<16x1xi32> to vector<16xi32>
        %gather3A_1643 = tpu.dynamic_gather %get3A_1613[%gather3A_1642] in [0] : vector<16xf32>, vector<16xi32> -> vector<16xf32>
        %mul3A_1644 = arith.mulf %mul3A_1618, %gather3A_1643 : vector<16xf32>
        %lt3A_1645 = arith.constant 0 : i32
        %lt3A_1646 = vector.broadcast %lt3A_1645 : i32 to vector<16xi32>
        %lt3A_1647 = arith.cmpi slt, %broadcast_in_dim3A_80, %lt3A_1646 : vector<16xi32>
        %add3A_1648 = arith.constant 16 : i32
        %add3A_1649 = vector.broadcast %add3A_1648 : i32 to vector<16xi32>
        %add3A_1650 = arith.addi %broadcast_in_dim3A_80, %add3A_1649 : vector<16xi32>
        %select_n3A_1651 = arith.select %lt3A_1647, %add3A_1650, %broadcast_in_dim3A_80 : vector<16xi1>, vector<16xi32>
        %broadcast_in_dim3A_1652 = vector.shape_cast %select_n3A_1651 : vector<16xi32> to vector<16x1xi32>
        %gather3A_1653 = vector.shape_cast %broadcast_in_dim3A_1652 : vector<16x1xi32> to vector<16xi32>
        %gather3A_1654 = tpu.dynamic_gather %get3A_1613[%gather3A_1653] in [0] : vector<16xf32>, vector<16xi32> -> vector<16xf32>
        %mul3A_1655 = arith.mulf %mul3A_1623, %gather3A_1654 : vector<16xf32>
        %add3A_1656 = arith.addf %mul3A_1644, %mul3A_1655 : vector<16xf32>
        %lt3A_1657 = arith.constant 0 : i32
        %lt3A_1658 = vector.broadcast %lt3A_1657 : i32 to vector<16xi32>
        %lt3A_1659 = arith.cmpi slt, %broadcast_in_dim3A_88, %lt3A_1658 : vector<16xi32>
        %add3A_1660 = arith.constant 16 : i32
        %add3A_1661 = vector.broadcast %add3A_1660 : i32 to vector<16xi32>
        %add3A_1662 = arith.addi %broadcast_in_dim3A_88, %add3A_1661 : vector<16xi32>
        %select_n3A_1663 = arith.select %lt3A_1659, %add3A_1662, %broadcast_in_dim3A_88 : vector<16xi1>, vector<16xi32>
        %broadcast_in_dim3A_1664 = vector.shape_cast %select_n3A_1663 : vector<16xi32> to vector<16x1xi32>
        %gather3A_1665 = vector.shape_cast %broadcast_in_dim3A_1664 : vector<16x1xi32> to vector<16xi32>
        %gather3A_1666 = tpu.dynamic_gather %get3A_1613[%gather3A_1665] in [0] : vector<16xf32>, vector<16xi32> -> vector<16xf32>
        %mul3A_1667 = arith.mulf %mul3A_1628, %gather3A_1666 : vector<16xf32>
        %add3A_1668 = arith.addf %add3A_1656, %mul3A_1667 : vector<16xf32>
        %lt3A_1669 = arith.constant 0 : i32
        %lt3A_1670 = vector.broadcast %lt3A_1669 : i32 to vector<16xi32>
        %lt3A_1671 = arith.cmpi slt, %broadcast_in_dim3A_96, %lt3A_1670 : vector<16xi32>
        %add3A_1672 = arith.constant 16 : i32
        %add3A_1673 = vector.broadcast %add3A_1672 : i32 to vector<16xi32>
        %add3A_1674 = arith.addi %broadcast_in_dim3A_96, %add3A_1673 : vector<16xi32>
        %select_n3A_1675 = arith.select %lt3A_1671, %add3A_1674, %broadcast_in_dim3A_96 : vector<16xi1>, vector<16xi32>
        %broadcast_in_dim3A_1676 = vector.shape_cast %select_n3A_1675 : vector<16xi32> to vector<16x1xi32>
        %gather3A_1677 = vector.shape_cast %broadcast_in_dim3A_1676 : vector<16x1xi32> to vector<16xi32>
        %gather3A_1678 = tpu.dynamic_gather %get3A_1613[%gather3A_1677] in [0] : vector<16xf32>, vector<16xi32> -> vector<16xf32>
        %mul3A_1679 = arith.mulf %mul3A_1633, %gather3A_1678 : vector<16xf32>
        %add3A_1680 = arith.addf %add3A_1668, %mul3A_1679 : vector<16xf32>
        %swap3A_1681 = arith.index_cast %add3A_1605 : i32 to index
        %swap3A_1682 = arith.constant 0 : index
        %swap3A_1683 = tpu.vector_load %arg11[%swap3A_1681, %swap3A_1682] {strides = array<i32>} : memref<512x16xf32, #tpu.memory_space<vmem>>, vector<1x16xf32>,
        %swap3A_1684 = vector.shape_cast %swap3A_1683 : vector<1x16xf32> to vector<16xf32>
        %swap3A_1685 = vector.shape_cast %add3A_1680 : vector<16xf32> to vector<1x16xf32>
        tpu.vector_store %arg11[%swap3A_1681, %swap3A_1682], %swap3A_1685 {strides = array<i32>} : memref<512x16xf32, #tpu.memory_space<vmem>>, vector<1x16xf32>,
        %lt3A_1686 = arith.constant 0 : i32
        %lt3A_1687 = vector.broadcast %lt3A_1686 : i32 to vector<16xi32>
        %lt3A_1688 = arith.cmpi slt, %broadcast_in_dim3A_74, %lt3A_1687 : vector<16xi32>
        %add3A_1689 = arith.constant 16 : i32
        %add3A_1690 = vector.broadcast %add3A_1689 : i32 to vector<16xi32>
        %add3A_1691 = arith.addi %broadcast_in_dim3A_74, %add3A_1690 : vector<16xi32>
        %select_n3A_1692 = arith.select %lt3A_1688, %add3A_1691, %broadcast_in_dim3A_74 : vector<16xi1>, vector<16xi32>
        %broadcast_in_dim3A_1693 = vector.shape_cast %select_n3A_1692 : vector<16xi32> to vector<16x1xi32>
        %gather3A_1694 = vector.shape_cast %broadcast_in_dim3A_1693 : vector<16x1xi32> to vector<16xi32>
        %gather3A_1695 = tpu.dynamic_gather %get3A_1613[%gather3A_1694] in [0] : vector<16xf32>, vector<16xi32> -> vector<16xf32>
        %mul3A_1696 = arith.mulf %mul3A_1618, %gather3A_1695 : vector<16xf32>
        %lt3A_1697 = arith.constant 0 : i32
        %lt3A_1698 = vector.broadcast %lt3A_1697 : i32 to vector<16xi32>
        %lt3A_1699 = arith.cmpi slt, %broadcast_in_dim3A_82, %lt3A_1698 : vector<16xi32>
        %add3A_1700 = arith.constant 16 : i32
        %add3A_1701 = vector.broadcast %add3A_1700 : i32 to vector<16xi32>
        %add3A_1702 = arith.addi %broadcast_in_dim3A_82, %add3A_1701 : vector<16xi32>
        %select_n3A_1703 = arith.select %lt3A_1699, %add3A_1702, %broadcast_in_dim3A_82 : vector<16xi1>, vector<16xi32>
        %broadcast_in_dim3A_1704 = vector.shape_cast %select_n3A_1703 : vector<16xi32> to vector<16x1xi32>
        %gather3A_1705 = vector.shape_cast %broadcast_in_dim3A_1704 : vector<16x1xi32> to vector<16xi32>
        %gather3A_1706 = tpu.dynamic_gather %get3A_1613[%gather3A_1705] in [0] : vector<16xf32>, vector<16xi32> -> vector<16xf32>
        %mul3A_1707 = arith.mulf %mul3A_1623, %gather3A_1706 : vector<16xf32>
        %add3A_1708 = arith.addf %mul3A_1696, %mul3A_1707 : vector<16xf32>
        %lt3A_1709 = arith.constant 0 : i32
        %lt3A_1710 = vector.broadcast %lt3A_1709 : i32 to vector<16xi32>
        %lt3A_1711 = arith.cmpi slt, %broadcast_in_dim3A_90, %lt3A_1710 : vector<16xi32>
        %add3A_1712 = arith.constant 16 : i32
        %add3A_1713 = vector.broadcast %add3A_1712 : i32 to vector<16xi32>
        %add3A_1714 = arith.addi %broadcast_in_dim3A_90, %add3A_1713 : vector<16xi32>
        %select_n3A_1715 = arith.select %lt3A_1711, %add3A_1714, %broadcast_in_dim3A_90 : vector<16xi1>, vector<16xi32>
        %broadcast_in_dim3A_1716 = vector.shape_cast %select_n3A_1715 : vector<16xi32> to vector<16x1xi32>
        %gather3A_1717 = vector.shape_cast %broadcast_in_dim3A_1716 : vector<16x1xi32> to vector<16xi32>
        %gather3A_1718 = tpu.dynamic_gather %get3A_1613[%gather3A_1717] in [0] : vector<16xf32>, vector<16xi32> -> vector<16xf32>
        %mul3A_1719 = arith.mulf %mul3A_1628, %gather3A_1718 : vector<16xf32>
        %add3A_1720 = arith.addf %add3A_1708, %mul3A_1719 : vector<16xf32>
        %lt3A_1721 = arith.constant 0 : i32
        %lt3A_1722 = vector.broadcast %lt3A_1721 : i32 to vector<16xi32>
        %lt3A_1723 = arith.cmpi slt, %broadcast_in_dim3A_98, %lt3A_1722 : vector<16xi32>
        %add3A_1724 = arith.constant 16 : i32
        %add3A_1725 = vector.broadcast %add3A_1724 : i32 to vector<16xi32>
        %add3A_1726 = arith.addi %broadcast_in_dim3A_98, %add3A_1725 : vector<16xi32>
        %select_n3A_1727 = arith.select %lt3A_1723, %add3A_1726, %broadcast_in_dim3A_98 : vector<16xi1>, vector<16xi32>
        %broadcast_in_dim3A_1728 = vector.shape_cast %select_n3A_1727 : vector<16xi32> to vector<16x1xi32>
        %gather3A_1729 = vector.shape_cast %broadcast_in_dim3A_1728 : vector<16x1xi32> to vector<16xi32>
        %gather3A_1730 = tpu.dynamic_gather %get3A_1613[%gather3A_1729] in [0] : vector<16xf32>, vector<16xi32> -> vector<16xf32>
        %mul3A_1731 = arith.mulf %mul3A_1633, %gather3A_1730 : vector<16xf32>
        %add3A_1732 = arith.addf %add3A_1720, %mul3A_1731 : vector<16xf32>
        %swap3A_1733 = arith.index_cast %add3A_1605 : i32 to index
        %swap3A_1734 = arith.constant 0 : index
        %swap3A_1735 = tpu.vector_load %arg12[%swap3A_1733, %swap3A_1734] {strides = array<i32>} : memref<512x16xf32, #tpu.memory_space<vmem>>, vector<1x16xf32>,
        %swap3A_1736 = vector.shape_cast %swap3A_1735 : vector<1x16xf32> to vector<16xf32>
        %swap3A_1737 = vector.shape_cast %add3A_1732 : vector<16xf32> to vector<1x16xf32>
        tpu.vector_store %arg12[%swap3A_1733, %swap3A_1734], %swap3A_1737 {strides = array<i32>} : memref<512x16xf32, #tpu.memory_space<vmem>>, vector<1x16xf32>,
        %lt3A_1738 = arith.constant 0 : i32
        %lt3A_1739 = vector.broadcast %lt3A_1738 : i32 to vector<16xi32>
        %lt3A_1740 = arith.cmpi slt, %broadcast_in_dim3A_76, %lt3A_1739 : vector<16xi32>
        %add3A_1741 = arith.constant 16 : i32
        %add3A_1742 = vector.broadcast %add3A_1741 : i32 to vector<16xi32>
        %add3A_1743 = arith.addi %broadcast_in_dim3A_76, %add3A_1742 : vector<16xi32>
        %select_n3A_1744 = arith.select %lt3A_1740, %add3A_1743, %broadcast_in_dim3A_76 : vector<16xi1>, vector<16xi32>
        %broadcast_in_dim3A_1745 = vector.shape_cast %select_n3A_1744 : vector<16xi32> to vector<16x1xi32>
        %gather3A_1746 = vector.shape_cast %broadcast_in_dim3A_1745 : vector<16x1xi32> to vector<16xi32>
        %gather3A_1747 = tpu.dynamic_gather %get3A_1613[%gather3A_1746] in [0] : vector<16xf32>, vector<16xi32> -> vector<16xf32>
        %mul3A_1748 = arith.mulf %mul3A_1618, %gather3A_1747 : vector<16xf32>
        %lt3A_1749 = arith.constant 0 : i32
        %lt3A_1750 = vector.broadcast %lt3A_1749 : i32 to vector<16xi32>
        %lt3A_1751 = arith.cmpi slt, %broadcast_in_dim3A_84, %lt3A_1750 : vector<16xi32>
        %add3A_1752 = arith.constant 16 : i32
        %add3A_1753 = vector.broadcast %add3A_1752 : i32 to vector<16xi32>
        %add3A_1754 = arith.addi %broadcast_in_dim3A_84, %add3A_1753 : vector<16xi32>
        %select_n3A_1755 = arith.select %lt3A_1751, %add3A_1754, %broadcast_in_dim3A_84 : vector<16xi1>, vector<16xi32>
        %broadcast_in_dim3A_1756 = vector.shape_cast %select_n3A_1755 : vector<16xi32> to vector<16x1xi32>
        %gather3A_1757 = vector.shape_cast %broadcast_in_dim3A_1756 : vector<16x1xi32> to vector<16xi32>
        %gather3A_1758 = tpu.dynamic_gather %get3A_1613[%gather3A_1757] in [0] : vector<16xf32>, vector<16xi32> -> vector<16xf32>
        %mul3A_1759 = arith.mulf %mul3A_1623, %gather3A_1758 : vector<16xf32>
        %add3A_1760 = arith.addf %mul3A_1748, %mul3A_1759 : vector<16xf32>
        %lt3A_1761 = arith.constant 0 : i32
        %lt3A_1762 = vector.broadcast %lt3A_1761 : i32 to vector<16xi32>
        %lt3A_1763 = arith.cmpi slt, %broadcast_in_dim3A_92, %lt3A_1762 : vector<16xi32>
        %add3A_1764 = arith.constant 16 : i32
        %add3A_1765 = vector.broadcast %add3A_1764 : i32 to vector<16xi32>
        %add3A_1766 = arith.addi %broadcast_in_dim3A_92, %add3A_1765 : vector<16xi32>
        %select_n3A_1767 = arith.select %lt3A_1763, %add3A_1766, %broadcast_in_dim3A_92 : vector<16xi1>, vector<16xi32>
        %broadcast_in_dim3A_1768 = vector.shape_cast %select_n3A_1767 : vector<16xi32> to vector<16x1xi32>
        %gather3A_1769 = vector.shape_cast %broadcast_in_dim3A_1768 : vector<16x1xi32> to vector<16xi32>
        %gather3A_1770 = tpu.dynamic_gather %get3A_1613[%gather3A_1769] in [0] : vector<16xf32>, vector<16xi32> -> vector<16xf32>
        %mul3A_1771 = arith.mulf %mul3A_1628, %gather3A_1770 : vector<16xf32>
        %add3A_1772 = arith.addf %add3A_1760, %mul3A_1771 : vector<16xf32>
        %lt3A_1773 = arith.constant 0 : i32
        %lt3A_1774 = vector.broadcast %lt3A_1773 : i32 to vector<16xi32>
        %lt3A_1775 = arith.cmpi slt, %broadcast_in_dim3A_100, %lt3A_1774 : vector<16xi32>
        %add3A_1776 = arith.constant 16 : i32
        %add3A_1777 = vector.broadcast %add3A_1776 : i32 to vector<16xi32>
        %add3A_1778 = arith.addi %broadcast_in_dim3A_100, %add3A_1777 : vector<16xi32>
        %select_n3A_1779 = arith.select %lt3A_1775, %add3A_1778, %broadcast_in_dim3A_100 : vector<16xi1>, vector<16xi32>
        %broadcast_in_dim3A_1780 = vector.shape_cast %select_n3A_1779 : vector<16xi32> to vector<16x1xi32>
        %gather3A_1781 = vector.shape_cast %broadcast_in_dim3A_1780 : vector<16x1xi32> to vector<16xi32>
        %gather3A_1782 = tpu.dynamic_gather %get3A_1613[%gather3A_1781] in [0] : vector<16xf32>, vector<16xi32> -> vector<16xf32>
        %mul3A_1783 = arith.mulf %mul3A_1633, %gather3A_1782 : vector<16xf32>
        %add3A_1784 = arith.addf %add3A_1772, %mul3A_1783 : vector<16xf32>
        %swap3A_1785 = arith.index_cast %add3A_1605 : i32 to index
        %swap3A_1786 = arith.constant 0 : index
        %swap3A_1787 = tpu.vector_load %arg13[%swap3A_1785, %swap3A_1786] {strides = array<i32>} : memref<512x16xf32, #tpu.memory_space<vmem>>, vector<1x16xf32>,
        %swap3A_1788 = vector.shape_cast %swap3A_1787 : vector<1x16xf32> to vector<16xf32>
        %swap3A_1789 = vector.shape_cast %add3A_1784 : vector<16xf32> to vector<1x16xf32>
        tpu.vector_store %arg13[%swap3A_1785, %swap3A_1786], %swap3A_1789 {strides = array<i32>} : memref<512x16xf32, #tpu.memory_space<vmem>>, vector<1x16xf32>,
        %lt3A_1790 = arith.constant 0 : i32
        %lt3A_1791 = vector.broadcast %lt3A_1790 : i32 to vector<16xi32>
        %lt3A_1792 = arith.cmpi slt, %broadcast_in_dim3A_78, %lt3A_1791 : vector<16xi32>
        %add3A_1793 = arith.constant 16 : i32
        %add3A_1794 = vector.broadcast %add3A_1793 : i32 to vector<16xi32>
        %add3A_1795 = arith.addi %broadcast_in_dim3A_78, %add3A_1794 : vector<16xi32>
        %select_n3A_1796 = arith.select %lt3A_1792, %add3A_1795, %broadcast_in_dim3A_78 : vector<16xi1>, vector<16xi32>
        %broadcast_in_dim3A_1797 = vector.shape_cast %select_n3A_1796 : vector<16xi32> to vector<16x1xi32>
        %gather3A_1798 = vector.shape_cast %broadcast_in_dim3A_1797 : vector<16x1xi32> to vector<16xi32>
        %gather3A_1799 = tpu.dynamic_gather %get3A_1613[%gather3A_1798] in [0] : vector<16xf32>, vector<16xi32> -> vector<16xf32>
        %mul3A_1800 = arith.mulf %mul3A_1618, %gather3A_1799 : vector<16xf32>
        %lt3A_1801 = arith.constant 0 : i32
        %lt3A_1802 = vector.broadcast %lt3A_1801 : i32 to vector<16xi32>
        %lt3A_1803 = arith.cmpi slt, %broadcast_in_dim3A_86, %lt3A_1802 : vector<16xi32>
        %add3A_1804 = arith.constant 16 : i32
        %add3A_1805 = vector.broadcast %add3A_1804 : i32 to vector<16xi32>
        %add3A_1806 = arith.addi %broadcast_in_dim3A_86, %add3A_1805 : vector<16xi32>
        %select_n3A_1807 = arith.select %lt3A_1803, %add3A_1806, %broadcast_in_dim3A_86 : vector<16xi1>, vector<16xi32>
        %broadcast_in_dim3A_1808 = vector.shape_cast %select_n3A_1807 : vector<16xi32> to vector<16x1xi32>
        %gather3A_1809 = vector.shape_cast %broadcast_in_dim3A_1808 : vector<16x1xi32> to vector<16xi32>
        %gather3A_1810 = tpu.dynamic_gather %get3A_1613[%gather3A_1809] in [0] : vector<16xf32>, vector<16xi32> -> vector<16xf32>
        %mul3A_1811 = arith.mulf %mul3A_1623, %gather3A_1810 : vector<16xf32>
        %add3A_1812 = arith.addf %mul3A_1800, %mul3A_1811 : vector<16xf32>
        %lt3A_1813 = arith.constant 0 : i32
        %lt3A_1814 = vector.broadcast %lt3A_1813 : i32 to vector<16xi32>
        %lt3A_1815 = arith.cmpi slt, %broadcast_in_dim3A_94, %lt3A_1814 : vector<16xi32>
        %add3A_1816 = arith.constant 16 : i32
        %add3A_1817 = vector.broadcast %add3A_1816 : i32 to vector<16xi32>
        %add3A_1818 = arith.addi %broadcast_in_dim3A_94, %add3A_1817 : vector<16xi32>
        %select_n3A_1819 = arith.select %lt3A_1815, %add3A_1818, %broadcast_in_dim3A_94 : vector<16xi1>, vector<16xi32>
        %broadcast_in_dim3A_1820 = vector.shape_cast %select_n3A_1819 : vector<16xi32> to vector<16x1xi32>
        %gather3A_1821 = vector.shape_cast %broadcast_in_dim3A_1820 : vector<16x1xi32> to vector<16xi32>
        %gather3A_1822 = tpu.dynamic_gather %get3A_1613[%gather3A_1821] in [0] : vector<16xf32>, vector<16xi32> -> vector<16xf32>
        %mul3A_1823 = arith.mulf %mul3A_1628, %gather3A_1822 : vector<16xf32>
        %add3A_1824 = arith.addf %add3A_1812, %mul3A_1823 : vector<16xf32>
        %lt3A_1825 = arith.constant 0 : i32
        %lt3A_1826 = vector.broadcast %lt3A_1825 : i32 to vector<16xi32>
        %lt3A_1827 = arith.cmpi slt, %broadcast_in_dim3A_102, %lt3A_1826 : vector<16xi32>
        %add3A_1828 = arith.constant 16 : i32
        %add3A_1829 = vector.broadcast %add3A_1828 : i32 to vector<16xi32>
        %add3A_1830 = arith.addi %broadcast_in_dim3A_102, %add3A_1829 : vector<16xi32>
        %select_n3A_1831 = arith.select %lt3A_1827, %add3A_1830, %broadcast_in_dim3A_102 : vector<16xi1>, vector<16xi32>
        %broadcast_in_dim3A_1832 = vector.shape_cast %select_n3A_1831 : vector<16xi32> to vector<16x1xi32>
        %gather3A_1833 = vector.shape_cast %broadcast_in_dim3A_1832 : vector<16x1xi32> to vector<16xi32>
        %gather3A_1834 = tpu.dynamic_gather %get3A_1613[%gather3A_1833] in [0] : vector<16xf32>, vector<16xi32> -> vector<16xf32>
        %mul3A_1835 = arith.mulf %mul3A_1633, %gather3A_1834 : vector<16xf32>
        %add3A_1836 = arith.addf %add3A_1824, %mul3A_1835 : vector<16xf32>
        %swap3A_1837 = arith.index_cast %add3A_1605 : i32 to index
        %swap3A_1838 = arith.constant 0 : index
        %swap3A_1839 = tpu.vector_load %arg14[%swap3A_1837, %swap3A_1838] {strides = array<i32>} : memref<512x16xf32, #tpu.memory_space<vmem>>, vector<1x16xf32>,
        %swap3A_1840 = vector.shape_cast %swap3A_1839 : vector<1x16xf32> to vector<16xf32>
        %swap3A_1841 = vector.shape_cast %add3A_1836 : vector<16xf32> to vector<1x16xf32>
        tpu.vector_store %arg14[%swap3A_1837, %swap3A_1838], %swap3A_1841 {strides = array<i32>} : memref<512x16xf32, #tpu.memory_space<vmem>>, vector<1x16xf32>,
        %mul3A_1842 = arith.constant 8 : i32
        %mul3A_1843 = arith.muli %mul3A_1842, %scan3A_165 : i32
        %add3A_1844 = arith.constant 7 : i32
        %add3A_1845 = arith.addi %mul3A_1843, %add3A_1844 : i32
        %get3A_1846 = arith.index_cast %scan3A_165 : i32 to index
        %get3A_1847 = arith.constant 112 : index
        %get3A_1848 = tpu.vector_load %arg9[%get3A_1846, %get3A_1847] {strides = array<i32>} : memref<64x128xf32, #tpu.memory_space<vmem>>, vector<1x16xf32>,
        %get3A_1849 = vector.shape_cast %get3A_1848 : vector<1x16xf32> to vector<16xf32>
        %get3A_1850 = arith.index_cast %scan3A_165 : i32 to index
        %get3A_1851 = arith.constant 112 : index
        %get3A_1852 = tpu.vector_load %arg10[%get3A_1850, %get3A_1851] {strides = array<i32>} : memref<64x128xf32, #tpu.memory_space<vmem>>, vector<1x16xf32>,
        %get3A_1853 = vector.shape_cast %get3A_1852 : vector<1x16xf32> to vector<16xf32>
        %get3A_1854 = arith.index_cast %add3A_1845 : i32 to index
        %get3A_1855 = arith.constant 0 : index
        %get3A_1856 = tpu.vector_load %arg8[%get3A_1854, %get3A_1855] {strides = array<i32>} : memref<512x64xf32, #tpu.memory_space<vmem>>, vector<1x16xf32>,
        %get3A_1857 = vector.shape_cast %get3A_1856 : vector<1x16xf32> to vector<16xf32>
        %mul3A_1858 = arith.mulf %get3A_1857, %get3A_1849 : vector<16xf32>
        %get3A_1859 = arith.index_cast %add3A_1845 : i32 to index
        %get3A_1860 = arith.constant 16 : index
        %get3A_1861 = tpu.vector_load %arg8[%get3A_1859, %get3A_1860] {strides = array<i32>} : memref<512x64xf32, #tpu.memory_space<vmem>>, vector<1x16xf32>,
        %get3A_1862 = vector.shape_cast %get3A_1861 : vector<1x16xf32> to vector<16xf32>
        %mul3A_1863 = arith.mulf %get3A_1862, %get3A_1849 : vector<16xf32>
        %get3A_1864 = arith.index_cast %add3A_1845 : i32 to index
        %get3A_1865 = arith.constant 32 : index
        %get3A_1866 = tpu.vector_load %arg8[%get3A_1864, %get3A_1865] {strides = array<i32>} : memref<512x64xf32, #tpu.memory_space<vmem>>, vector<1x16xf32>,
        %get3A_1867 = vector.shape_cast %get3A_1866 : vector<1x16xf32> to vector<16xf32>
        %mul3A_1868 = arith.mulf %get3A_1867, %get3A_1849 : vector<16xf32>
        %get3A_1869 = arith.index_cast %add3A_1845 : i32 to index
        %get3A_1870 = arith.constant 48 : index
        %get3A_1871 = tpu.vector_load %arg8[%get3A_1869, %get3A_1870] {strides = array<i32>} : memref<512x64xf32, #tpu.memory_space<vmem>>, vector<1x16xf32>,
        %get3A_1872 = vector.shape_cast %get3A_1871 : vector<1x16xf32> to vector<16xf32>
        %mul3A_1873 = arith.mulf %get3A_1872, %get3A_1849 : vector<16xf32>
        %lt3A_1874 = arith.constant 0 : i32
        %lt3A_1875 = vector.broadcast %lt3A_1874 : i32 to vector<16xi32>
        %lt3A_1876 = arith.cmpi slt, %broadcast_in_dim3A_72, %lt3A_1875 : vector<16xi32>
        %add3A_1877 = arith.constant 16 : i32
        %add3A_1878 = vector.broadcast %add3A_1877 : i32 to vector<16xi32>
        %add3A_1879 = arith.addi %broadcast_in_dim3A_72, %add3A_1878 : vector<16xi32>
        %select_n3A_1880 = arith.select %lt3A_1876, %add3A_1879, %broadcast_in_dim3A_72 : vector<16xi1>, vector<16xi32>
        %broadcast_in_dim3A_1881 = vector.shape_cast %select_n3A_1880 : vector<16xi32> to vector<16x1xi32>
        %gather3A_1882 = vector.shape_cast %broadcast_in_dim3A_1881 : vector<16x1xi32> to vector<16xi32>
        %gather3A_1883 = tpu.dynamic_gather %get3A_1853[%gather3A_1882] in [0] : vector<16xf32>, vector<16xi32> -> vector<16xf32>
        %mul3A_1884 = arith.mulf %mul3A_1858, %gather3A_1883 : vector<16xf32>
        %lt3A_1885 = arith.constant 0 : i32
        %lt3A_1886 = vector.broadcast %lt3A_1885 : i32 to vector<16xi32>
        %lt3A_1887 = arith.cmpi slt, %broadcast_in_dim3A_80, %lt3A_1886 : vector<16xi32>
        %add3A_1888 = arith.constant 16 : i32
        %add3A_1889 = vector.broadcast %add3A_1888 : i32 to vector<16xi32>
        %add3A_1890 = arith.addi %broadcast_in_dim3A_80, %add3A_1889 : vector<16xi32>
        %select_n3A_1891 = arith.select %lt3A_1887, %add3A_1890, %broadcast_in_dim3A_80 : vector<16xi1>, vector<16xi32>
        %broadcast_in_dim3A_1892 = vector.shape_cast %select_n3A_1891 : vector<16xi32> to vector<16x1xi32>
        %gather3A_1893 = vector.shape_cast %broadcast_in_dim3A_1892 : vector<16x1xi32> to vector<16xi32>
        %gather3A_1894 = tpu.dynamic_gather %get3A_1853[%gather3A_1893] in [0] : vector<16xf32>, vector<16xi32> -> vector<16xf32>
        %mul3A_1895 = arith.mulf %mul3A_1863, %gather3A_1894 : vector<16xf32>
        %add3A_1896 = arith.addf %mul3A_1884, %mul3A_1895 : vector<16xf32>
        %lt3A_1897 = arith.constant 0 : i32
        %lt3A_1898 = vector.broadcast %lt3A_1897 : i32 to vector<16xi32>
        %lt3A_1899 = arith.cmpi slt, %broadcast_in_dim3A_88, %lt3A_1898 : vector<16xi32>
        %add3A_1900 = arith.constant 16 : i32
        %add3A_1901 = vector.broadcast %add3A_1900 : i32 to vector<16xi32>
        %add3A_1902 = arith.addi %broadcast_in_dim3A_88, %add3A_1901 : vector<16xi32>
        %select_n3A_1903 = arith.select %lt3A_1899, %add3A_1902, %broadcast_in_dim3A_88 : vector<16xi1>, vector<16xi32>
        %broadcast_in_dim3A_1904 = vector.shape_cast %select_n3A_1903 : vector<16xi32> to vector<16x1xi32>
        %gather3A_1905 = vector.shape_cast %broadcast_in_dim3A_1904 : vector<16x1xi32> to vector<16xi32>
        %gather3A_1906 = tpu.dynamic_gather %get3A_1853[%gather3A_1905] in [0] : vector<16xf32>, vector<16xi32> -> vector<16xf32>
        %mul3A_1907 = arith.mulf %mul3A_1868, %gather3A_1906 : vector<16xf32>
        %add3A_1908 = arith.addf %add3A_1896, %mul3A_1907 : vector<16xf32>
        %lt3A_1909 = arith.constant 0 : i32
        %lt3A_1910 = vector.broadcast %lt3A_1909 : i32 to vector<16xi32>
        %lt3A_1911 = arith.cmpi slt, %broadcast_in_dim3A_96, %lt3A_1910 : vector<16xi32>
        %add3A_1912 = arith.constant 16 : i32
        %add3A_1913 = vector.broadcast %add3A_1912 : i32 to vector<16xi32>
        %add3A_1914 = arith.addi %broadcast_in_dim3A_96, %add3A_1913 : vector<16xi32>
        %select_n3A_1915 = arith.select %lt3A_1911, %add3A_1914, %broadcast_in_dim3A_96 : vector<16xi1>, vector<16xi32>
        %broadcast_in_dim3A_1916 = vector.shape_cast %select_n3A_1915 : vector<16xi32> to vector<16x1xi32>
        %gather3A_1917 = vector.shape_cast %broadcast_in_dim3A_1916 : vector<16x1xi32> to vector<16xi32>
        %gather3A_1918 = tpu.dynamic_gather %get3A_1853[%gather3A_1917] in [0] : vector<16xf32>, vector<16xi32> -> vector<16xf32>
        %mul3A_1919 = arith.mulf %mul3A_1873, %gather3A_1918 : vector<16xf32>
        %add3A_1920 = arith.addf %add3A_1908, %mul3A_1919 : vector<16xf32>
        %swap3A_1921 = arith.index_cast %add3A_1845 : i32 to index
        %swap3A_1922 = arith.constant 0 : index
        %swap3A_1923 = tpu.vector_load %arg11[%swap3A_1921, %swap3A_1922] {strides = array<i32>} : memref<512x16xf32, #tpu.memory_space<vmem>>, vector<1x16xf32>,
        %swap3A_1924 = vector.shape_cast %swap3A_1923 : vector<1x16xf32> to vector<16xf32>
        %swap3A_1925 = vector.shape_cast %add3A_1920 : vector<16xf32> to vector<1x16xf32>
        tpu.vector_store %arg11[%swap3A_1921, %swap3A_1922], %swap3A_1925 {strides = array<i32>} : memref<512x16xf32, #tpu.memory_space<vmem>>, vector<1x16xf32>,
        %lt3A_1926 = arith.constant 0 : i32
        %lt3A_1927 = vector.broadcast %lt3A_1926 : i32 to vector<16xi32>
        %lt3A_1928 = arith.cmpi slt, %broadcast_in_dim3A_74, %lt3A_1927 : vector<16xi32>
        %add3A_1929 = arith.constant 16 : i32
        %add3A_1930 = vector.broadcast %add3A_1929 : i32 to vector<16xi32>
        %add3A_1931 = arith.addi %broadcast_in_dim3A_74, %add3A_1930 : vector<16xi32>
        %select_n3A_1932 = arith.select %lt3A_1928, %add3A_1931, %broadcast_in_dim3A_74 : vector<16xi1>, vector<16xi32>
        %broadcast_in_dim3A_1933 = vector.shape_cast %select_n3A_1932 : vector<16xi32> to vector<16x1xi32>
        %gather3A_1934 = vector.shape_cast %broadcast_in_dim3A_1933 : vector<16x1xi32> to vector<16xi32>
        %gather3A_1935 = tpu.dynamic_gather %get3A_1853[%gather3A_1934] in [0] : vector<16xf32>, vector<16xi32> -> vector<16xf32>
        %mul3A_1936 = arith.mulf %mul3A_1858, %gather3A_1935 : vector<16xf32>
        %lt3A_1937 = arith.constant 0 : i32
        %lt3A_1938 = vector.broadcast %lt3A_1937 : i32 to vector<16xi32>
        %lt3A_1939 = arith.cmpi slt, %broadcast_in_dim3A_82, %lt3A_1938 : vector<16xi32>
        %add3A_1940 = arith.constant 16 : i32
        %add3A_1941 = vector.broadcast %add3A_1940 : i32 to vector<16xi32>
        %add3A_1942 = arith.addi %broadcast_in_dim3A_82, %add3A_1941 : vector<16xi32>
        %select_n3A_1943 = arith.select %lt3A_1939, %add3A_1942, %broadcast_in_dim3A_82 : vector<16xi1>, vector<16xi32>
        %broadcast_in_dim3A_1944 = vector.shape_cast %select_n3A_1943 : vector<16xi32> to vector<16x1xi32>
        %gather3A_1945 = vector.shape_cast %broadcast_in_dim3A_1944 : vector<16x1xi32> to vector<16xi32>
        %gather3A_1946 = tpu.dynamic_gather %get3A_1853[%gather3A_1945] in [0] : vector<16xf32>, vector<16xi32> -> vector<16xf32>
        %mul3A_1947 = arith.mulf %mul3A_1863, %gather3A_1946 : vector<16xf32>
        %add3A_1948 = arith.addf %mul3A_1936, %mul3A_1947 : vector<16xf32>
        %lt3A_1949 = arith.constant 0 : i32
        %lt3A_1950 = vector.broadcast %lt3A_1949 : i32 to vector<16xi32>
        %lt3A_1951 = arith.cmpi slt, %broadcast_in_dim3A_90, %lt3A_1950 : vector<16xi32>
        %add3A_1952 = arith.constant 16 : i32
        %add3A_1953 = vector.broadcast %add3A_1952 : i32 to vector<16xi32>
        %add3A_1954 = arith.addi %broadcast_in_dim3A_90, %add3A_1953 : vector<16xi32>
        %select_n3A_1955 = arith.select %lt3A_1951, %add3A_1954, %broadcast_in_dim3A_90 : vector<16xi1>, vector<16xi32>
        %broadcast_in_dim3A_1956 = vector.shape_cast %select_n3A_1955 : vector<16xi32> to vector<16x1xi32>
        %gather3A_1957 = vector.shape_cast %broadcast_in_dim3A_1956 : vector<16x1xi32> to vector<16xi32>
        %gather3A_1958 = tpu.dynamic_gather %get3A_1853[%gather3A_1957] in [0] : vector<16xf32>, vector<16xi32> -> vector<16xf32>
        %mul3A_1959 = arith.mulf %mul3A_1868, %gather3A_1958 : vector<16xf32>
        %add3A_1960 = arith.addf %add3A_1948, %mul3A_1959 : vector<16xf32>
        %lt3A_1961 = arith.constant 0 : i32
        %lt3A_1962 = vector.broadcast %lt3A_1961 : i32 to vector<16xi32>
        %lt3A_1963 = arith.cmpi slt, %broadcast_in_dim3A_98, %lt3A_1962 : vector<16xi32>
        %add3A_1964 = arith.constant 16 : i32
        %add3A_1965 = vector.broadcast %add3A_1964 : i32 to vector<16xi32>
        %add3A_1966 = arith.addi %broadcast_in_dim3A_98, %add3A_1965 : vector<16xi32>
        %select_n3A_1967 = arith.select %lt3A_1963, %add3A_1966, %broadcast_in_dim3A_98 : vector<16xi1>, vector<16xi32>
        %broadcast_in_dim3A_1968 = vector.shape_cast %select_n3A_1967 : vector<16xi32> to vector<16x1xi32>
        %gather3A_1969 = vector.shape_cast %broadcast_in_dim3A_1968 : vector<16x1xi32> to vector<16xi32>
        %gather3A_1970 = tpu.dynamic_gather %get3A_1853[%gather3A_1969] in [0] : vector<16xf32>, vector<16xi32> -> vector<16xf32>
        %mul3A_1971 = arith.mulf %mul3A_1873, %gather3A_1970 : vector<16xf32>
        %add3A_1972 = arith.addf %add3A_1960, %mul3A_1971 : vector<16xf32>
        %swap3A_1973 = arith.index_cast %add3A_1845 : i32 to index
        %swap3A_1974 = arith.constant 0 : index
        %swap3A_1975 = tpu.vector_load %arg12[%swap3A_1973, %swap3A_1974] {strides = array<i32>} : memref<512x16xf32, #tpu.memory_space<vmem>>, vector<1x16xf32>,
        %swap3A_1976 = vector.shape_cast %swap3A_1975 : vector<1x16xf32> to vector<16xf32>
        %swap3A_1977 = vector.shape_cast %add3A_1972 : vector<16xf32> to vector<1x16xf32>
        tpu.vector_store %arg12[%swap3A_1973, %swap3A_1974], %swap3A_1977 {strides = array<i32>} : memref<512x16xf32, #tpu.memory_space<vmem>>, vector<1x16xf32>,
        %lt3A_1978 = arith.constant 0 : i32
        %lt3A_1979 = vector.broadcast %lt3A_1978 : i32 to vector<16xi32>
        %lt3A_1980 = arith.cmpi slt, %broadcast_in_dim3A_76, %lt3A_1979 : vector<16xi32>
        %add3A_1981 = arith.constant 16 : i32
        %add3A_1982 = vector.broadcast %add3A_1981 : i32 to vector<16xi32>
        %add3A_1983 = arith.addi %broadcast_in_dim3A_76, %add3A_1982 : vector<16xi32>
        %select_n3A_1984 = arith.select %lt3A_1980, %add3A_1983, %broadcast_in_dim3A_76 : vector<16xi1>, vector<16xi32>
        %broadcast_in_dim3A_1985 = vector.shape_cast %select_n3A_1984 : vector<16xi32> to vector<16x1xi32>
        %gather3A_1986 = vector.shape_cast %broadcast_in_dim3A_1985 : vector<16x1xi32> to vector<16xi32>
        %gather3A_1987 = tpu.dynamic_gather %get3A_1853[%gather3A_1986] in [0] : vector<16xf32>, vector<16xi32> -> vector<16xf32>
        %mul3A_1988 = arith.mulf %mul3A_1858, %gather3A_1987 : vector<16xf32>
        %lt3A_1989 = arith.constant 0 : i32
        %lt3A_1990 = vector.broadcast %lt3A_1989 : i32 to vector<16xi32>
        %lt3A_1991 = arith.cmpi slt, %broadcast_in_dim3A_84, %lt3A_1990 : vector<16xi32>
        %add3A_1992 = arith.constant 16 : i32
        %add3A_1993 = vector.broadcast %add3A_1992 : i32 to vector<16xi32>
        %add3A_1994 = arith.addi %broadcast_in_dim3A_84, %add3A_1993 : vector<16xi32>
        %select_n3A_1995 = arith.select %lt3A_1991, %add3A_1994, %broadcast_in_dim3A_84 : vector<16xi1>, vector<16xi32>
        %broadcast_in_dim3A_1996 = vector.shape_cast %select_n3A_1995 : vector<16xi32> to vector<16x1xi32>
        %gather3A_1997 = vector.shape_cast %broadcast_in_dim3A_1996 : vector<16x1xi32> to vector<16xi32>
        %gather3A_1998 = tpu.dynamic_gather %get3A_1853[%gather3A_1997] in [0] : vector<16xf32>, vector<16xi32> -> vector<16xf32>
        %mul3A_1999 = arith.mulf %mul3A_1863, %gather3A_1998 : vector<16xf32>
        %add3A_2000 = arith.addf %mul3A_1988, %mul3A_1999 : vector<16xf32>
        %lt3A_2001 = arith.constant 0 : i32
        %lt3A_2002 = vector.broadcast %lt3A_2001 : i32 to vector<16xi32>
        %lt3A_2003 = arith.cmpi slt, %broadcast_in_dim3A_92, %lt3A_2002 : vector<16xi32>
        %add3A_2004 = arith.constant 16 : i32
        %add3A_2005 = vector.broadcast %add3A_2004 : i32 to vector<16xi32>
        %add3A_2006 = arith.addi %broadcast_in_dim3A_92, %add3A_2005 : vector<16xi32>
        %select_n3A_2007 = arith.select %lt3A_2003, %add3A_2006, %broadcast_in_dim3A_92 : vector<16xi1>, vector<16xi32>
        %broadcast_in_dim3A_2008 = vector.shape_cast %select_n3A_2007 : vector<16xi32> to vector<16x1xi32>
        %gather3A_2009 = vector.shape_cast %broadcast_in_dim3A_2008 : vector<16x1xi32> to vector<16xi32>
        %gather3A_2010 = tpu.dynamic_gather %get3A_1853[%gather3A_2009] in [0] : vector<16xf32>, vector<16xi32> -> vector<16xf32>
        %mul3A_2011 = arith.mulf %mul3A_1868, %gather3A_2010 : vector<16xf32>
        %add3A_2012 = arith.addf %add3A_2000, %mul3A_2011 : vector<16xf32>
        %lt3A_2013 = arith.constant 0 : i32
        %lt3A_2014 = vector.broadcast %lt3A_2013 : i32 to vector<16xi32>
        %lt3A_2015 = arith.cmpi slt, %broadcast_in_dim3A_100, %lt3A_2014 : vector<16xi32>
        %add3A_2016 = arith.constant 16 : i32
        %add3A_2017 = vector.broadcast %add3A_2016 : i32 to vector<16xi32>
        %add3A_2018 = arith.addi %broadcast_in_dim3A_100, %add3A_2017 : vector<16xi32>
        %select_n3A_2019 = arith.select %lt3A_2015, %add3A_2018, %broadcast_in_dim3A_100 : vector<16xi1>, vector<16xi32>
        %broadcast_in_dim3A_2020 = vector.shape_cast %select_n3A_2019 : vector<16xi32> to vector<16x1xi32>
        %gather3A_2021 = vector.shape_cast %broadcast_in_dim3A_2020 : vector<16x1xi32> to vector<16xi32>
        %gather3A_2022 = tpu.dynamic_gather %get3A_1853[%gather3A_2021] in [0] : vector<16xf32>, vector<16xi32> -> vector<16xf32>
        %mul3A_2023 = arith.mulf %mul3A_1873, %gather3A_2022 : vector<16xf32>
        %add3A_2024 = arith.addf %add3A_2012, %mul3A_2023 : vector<16xf32>
        %swap3A_2025 = arith.index_cast %add3A_1845 : i32 to index
        %swap3A_2026 = arith.constant 0 : index
        %swap3A_2027 = tpu.vector_load %arg13[%swap3A_2025, %swap3A_2026] {strides = array<i32>} : memref<512x16xf32, #tpu.memory_space<vmem>>, vector<1x16xf32>,
        %swap3A_2028 = vector.shape_cast %swap3A_2027 : vector<1x16xf32> to vector<16xf32>
        %swap3A_2029 = vector.shape_cast %add3A_2024 : vector<16xf32> to vector<1x16xf32>
        tpu.vector_store %arg13[%swap3A_2025, %swap3A_2026], %swap3A_2029 {strides = array<i32>} : memref<512x16xf32, #tpu.memory_space<vmem>>, vector<1x16xf32>,
        %lt3A_2030 = arith.constant 0 : i32
        %lt3A_2031 = vector.broadcast %lt3A_2030 : i32 to vector<16xi32>
        %lt3A_2032 = arith.cmpi slt, %broadcast_in_dim3A_78, %lt3A_2031 : vector<16xi32>
        %add3A_2033 = arith.constant 16 : i32
        %add3A_2034 = vector.broadcast %add3A_2033 : i32 to vector<16xi32>
        %add3A_2035 = arith.addi %broadcast_in_dim3A_78, %add3A_2034 : vector<16xi32>
        %select_n3A_2036 = arith.select %lt3A_2032, %add3A_2035, %broadcast_in_dim3A_78 : vector<16xi1>, vector<16xi32>
        %broadcast_in_dim3A_2037 = vector.shape_cast %select_n3A_2036 : vector<16xi32> to vector<16x1xi32>
        %gather3A_2038 = vector.shape_cast %broadcast_in_dim3A_2037 : vector<16x1xi32> to vector<16xi32>
        %gather3A_2039 = tpu.dynamic_gather %get3A_1853[%gather3A_2038] in [0] : vector<16xf32>, vector<16xi32> -> vector<16xf32>
        %mul3A_2040 = arith.mulf %mul3A_1858, %gather3A_2039 : vector<16xf32>
        %lt3A_2041 = arith.constant 0 : i32
        %lt3A_2042 = vector.broadcast %lt3A_2041 : i32 to vector<16xi32>
        %lt3A_2043 = arith.cmpi slt, %broadcast_in_dim3A_86, %lt3A_2042 : vector<16xi32>
        %add3A_2044 = arith.constant 16 : i32
        %add3A_2045 = vector.broadcast %add3A_2044 : i32 to vector<16xi32>
        %add3A_2046 = arith.addi %broadcast_in_dim3A_86, %add3A_2045 : vector<16xi32>
        %select_n3A_2047 = arith.select %lt3A_2043, %add3A_2046, %broadcast_in_dim3A_86 : vector<16xi1>, vector<16xi32>
        %broadcast_in_dim3A_2048 = vector.shape_cast %select_n3A_2047 : vector<16xi32> to vector<16x1xi32>
        %gather3A_2049 = vector.shape_cast %broadcast_in_dim3A_2048 : vector<16x1xi32> to vector<16xi32>
        %gather3A_2050 = tpu.dynamic_gather %get3A_1853[%gather3A_2049] in [0] : vector<16xf32>, vector<16xi32> -> vector<16xf32>
        %mul3A_2051 = arith.mulf %mul3A_1863, %gather3A_2050 : vector<16xf32>
        %add3A_2052 = arith.addf %mul3A_2040, %mul3A_2051 : vector<16xf32>
        %lt3A_2053 = arith.constant 0 : i32
        %lt3A_2054 = vector.broadcast %lt3A_2053 : i32 to vector<16xi32>
        %lt3A_2055 = arith.cmpi slt, %broadcast_in_dim3A_94, %lt3A_2054 : vector<16xi32>
        %add3A_2056 = arith.constant 16 : i32
        %add3A_2057 = vector.broadcast %add3A_2056 : i32 to vector<16xi32>
        %add3A_2058 = arith.addi %broadcast_in_dim3A_94, %add3A_2057 : vector<16xi32>
        %select_n3A_2059 = arith.select %lt3A_2055, %add3A_2058, %broadcast_in_dim3A_94 : vector<16xi1>, vector<16xi32>
        %broadcast_in_dim3A_2060 = vector.shape_cast %select_n3A_2059 : vector<16xi32> to vector<16x1xi32>
        %gather3A_2061 = vector.shape_cast %broadcast_in_dim3A_2060 : vector<16x1xi32> to vector<16xi32>
        %gather3A_2062 = tpu.dynamic_gather %get3A_1853[%gather3A_2061] in [0] : vector<16xf32>, vector<16xi32> -> vector<16xf32>
        %mul3A_2063 = arith.mulf %mul3A_1868, %gather3A_2062 : vector<16xf32>
        %add3A_2064 = arith.addf %add3A_2052, %mul3A_2063 : vector<16xf32>
        %lt3A_2065 = arith.constant 0 : i32
        %lt3A_2066 = vector.broadcast %lt3A_2065 : i32 to vector<16xi32>
        %lt3A_2067 = arith.cmpi slt, %broadcast_in_dim3A_102, %lt3A_2066 : vector<16xi32>
        %add3A_2068 = arith.constant 16 : i32
        %add3A_2069 = vector.broadcast %add3A_2068 : i32 to vector<16xi32>
        %add3A_2070 = arith.addi %broadcast_in_dim3A_102, %add3A_2069 : vector<16xi32>
        %select_n3A_2071 = arith.select %lt3A_2067, %add3A_2070, %broadcast_in_dim3A_102 : vector<16xi1>, vector<16xi32>
        %broadcast_in_dim3A_2072 = vector.shape_cast %select_n3A_2071 : vector<16xi32> to vector<16x1xi32>
        %gather3A_2073 = vector.shape_cast %broadcast_in_dim3A_2072 : vector<16x1xi32> to vector<16xi32>
        %gather3A_2074 = tpu.dynamic_gather %get3A_1853[%gather3A_2073] in [0] : vector<16xf32>, vector<16xi32> -> vector<16xf32>
        %mul3A_2075 = arith.mulf %mul3A_1873, %gather3A_2074 : vector<16xf32>
        %add3A_2076 = arith.addf %add3A_2064, %mul3A_2075 : vector<16xf32>
        %swap3A_2077 = arith.index_cast %add3A_1845 : i32 to index
        %swap3A_2078 = arith.constant 0 : index
        %swap3A_2079 = tpu.vector_load %arg14[%swap3A_2077, %swap3A_2078] {strides = array<i32>} : memref<512x16xf32, #tpu.memory_space<vmem>>, vector<1x16xf32>,
        %swap3A_2080 = vector.shape_cast %swap3A_2079 : vector<1x16xf32> to vector<16xf32>
        %swap3A_2081 = vector.shape_cast %add3A_2076 : vector<16xf32> to vector<1x16xf32>
        tpu.vector_store %arg14[%swap3A_2077, %swap3A_2078], %swap3A_2081 {strides = array<i32>} : memref<512x16xf32, #tpu.memory_space<vmem>>, vector<1x16xf32>,
      }
      %scan3A_108 = arith.constant 64 : i32
      %dma_start3A_109 = arith.constant 0 : i32
      %dma_start3A_110 = arith.constant 0 : i32
      %dma_start3A_111 = tpu.memref_slice %arg6[%dma_start3A_109, %add3A_11, %dma_start3A_110] : memref<4x819200x16xf32, #tpu.memory_space<hbm>> -> memref<1x512x16xf32, #tpu.memory_space<hbm>>
      %dma_start3A_112 = tpu.memref_squeeze %dma_start3A_111 : memref<1x512x16xf32, #tpu.memory_space<hbm>> -> memref<512x16xf32, #tpu.memory_space<hbm>>
      %dma_start3A_113 = arith.constant 0 : i32
      %dma_start3A_114 = tpu.memref_slice %arg6[%dma_start3A_109, %add3A_11, %dma_start3A_113] : memref<4x819200x16xf32, #tpu.memory_space<hbm>> -> memref<1x512x16xf32, #tpu.memory_space<hbm>>
      %dma_start3A_115 = tpu.memref_squeeze %dma_start3A_114 : memref<1x512x16xf32, #tpu.memory_space<hbm>> -> memref<512x16xf32, #tpu.memory_space<hbm>>
      tpu.enqueue_dma source(%arg11 : memref<512x16xf32, #tpu.memory_space<vmem>>) target(%dma_start3A_115 : memref<512x16xf32, #tpu.memory_space<hbm>>) target_semaphore(%arg15 : memref<!tpu.dma_semaphore, #tpu.memory_space<semaphore_mem>>)
      %dma_start3A_116 = arith.constant 1 : i32
      %dma_start3A_117 = arith.constant 0 : i32
      %dma_start3A_118 = tpu.memref_slice %arg6[%dma_start3A_116, %add3A_11, %dma_start3A_117] : memref<4x819200x16xf32, #tpu.memory_space<hbm>> -> memref<1x512x16xf32, #tpu.memory_space<hbm>>
      %dma_start3A_119 = tpu.memref_squeeze %dma_start3A_118 : memref<1x512x16xf32, #tpu.memory_space<hbm>> -> memref<512x16xf32, #tpu.memory_space<hbm>>
      %dma_start3A_120 = arith.constant 0 : i32
      %dma_start3A_121 = tpu.memref_slice %arg6[%dma_start3A_116, %add3A_11, %dma_start3A_120] : memref<4x819200x16xf32, #tpu.memory_space<hbm>> -> memref<1x512x16xf32, #tpu.memory_space<hbm>>
      %dma_start3A_122 = tpu.memref_squeeze %dma_start3A_121 : memref<1x512x16xf32, #tpu.memory_space<hbm>> -> memref<512x16xf32, #tpu.memory_space<hbm>>
      tpu.enqueue_dma source(%arg12 : memref<512x16xf32, #tpu.memory_space<vmem>>) target(%dma_start3A_122 : memref<512x16xf32, #tpu.memory_space<hbm>>) target_semaphore(%arg15 : memref<!tpu.dma_semaphore, #tpu.memory_space<semaphore_mem>>)
      %dma_start3A_123 = arith.constant 2 : i32
      %dma_start3A_124 = arith.constant 0 : i32
      %dma_start3A_125 = tpu.memref_slice %arg6[%dma_start3A_123, %add3A_11, %dma_start3A_124] : memref<4x819200x16xf32, #tpu.memory_space<hbm>> -> memref<1x512x16xf32, #tpu.memory_space<hbm>>
      %dma_start3A_126 = tpu.memref_squeeze %dma_start3A_125 : memref<1x512x16xf32, #tpu.memory_space<hbm>> -> memref<512x16xf32, #tpu.memory_space<hbm>>
      %dma_start3A_127 = arith.constant 0 : i32
      %dma_start3A_128 = tpu.memref_slice %arg6[%dma_start3A_123, %add3A_11, %dma_start3A_127] : memref<4x819200x16xf32, #tpu.memory_space<hbm>> -> memref<1x512x16xf32, #tpu.memory_space<hbm>>
      %dma_start3A_129 = tpu.memref_squeeze %dma_start3A_128 : memref<1x512x16xf32, #tpu.memory_space<hbm>> -> memref<512x16xf32, #tpu.memory_space<hbm>>
      tpu.enqueue_dma source(%arg13 : memref<512x16xf32, #tpu.memory_space<vmem>>) target(%dma_start3A_129 : memref<512x16xf32, #tpu.memory_space<hbm>>) target_semaphore(%arg15 : memref<!tpu.dma_semaphore, #tpu.memory_space<semaphore_mem>>)
      %dma_start3A_130 = arith.constant 3 : i32
      %dma_start3A_131 = arith.constant 0 : i32
      %dma_start3A_132 = tpu.memref_slice %arg6[%dma_start3A_130, %add3A_11, %dma_start3A_131] : memref<4x819200x16xf32, #tpu.memory_space<hbm>> -> memref<1x512x16xf32, #tpu.memory_space<hbm>>
      %dma_start3A_133 = tpu.memref_squeeze %dma_start3A_132 : memref<1x512x16xf32, #tpu.memory_space<hbm>> -> memref<512x16xf32, #tpu.memory_space<hbm>>
      %dma_start3A_134 = arith.constant 0 : i32
      %dma_start3A_135 = tpu.memref_slice %arg6[%dma_start3A_130, %add3A_11, %dma_start3A_134] : memref<4x819200x16xf32, #tpu.memory_space<hbm>> -> memref<1x512x16xf32, #tpu.memory_space<hbm>>
      %dma_start3A_136 = tpu.memref_squeeze %dma_start3A_135 : memref<1x512x16xf32, #tpu.memory_space<hbm>> -> memref<512x16xf32, #tpu.memory_space<hbm>>
      tpu.enqueue_dma source(%arg14 : memref<512x16xf32, #tpu.memory_space<vmem>>) target(%dma_start3A_136 : memref<512x16xf32, #tpu.memory_space<hbm>>) target_semaphore(%arg15 : memref<!tpu.dma_semaphore, #tpu.memory_space<semaphore_mem>>)
      %dma_wait3A_137 = arith.constant 0 : i32
      %dma_wait3A_138 = arith.constant 0 : i32
      %dma_wait3A_139 = tpu.memref_slice %arg6[%dma_wait3A_137, %add3A_11, %dma_wait3A_138] : memref<4x819200x16xf32, #tpu.memory_space<hbm>> -> memref<1x512x16xf32, #tpu.memory_space<hbm>>
      %dma_wait3A_140 = tpu.memref_squeeze %dma_wait3A_139 : memref<1x512x16xf32, #tpu.memory_space<hbm>> -> memref<512x16xf32, #tpu.memory_space<hbm>>
      %dma_wait3A_141 = arith.constant 0 : i32
      %dma_wait3A_142 = tpu.memref_slice %arg6[%dma_wait3A_137, %add3A_11, %dma_wait3A_141] : memref<4x819200x16xf32, #tpu.memory_space<hbm>> -> memref<1x512x16xf32, #tpu.memory_space<hbm>>
      %dma_wait3A_143 = tpu.memref_squeeze %dma_wait3A_142 : memref<1x512x16xf32, #tpu.memory_space<hbm>> -> memref<512x16xf32, #tpu.memory_space<hbm>>
      tpu.wait_dma2 semaphore(%arg15 : memref<!tpu.dma_semaphore, #tpu.memory_space<semaphore_mem>>) src(%arg11 : memref<512x16xf32, #tpu.memory_space<vmem>>) dst(%dma_wait3A_143 : memref<512x16xf32, #tpu.memory_space<hbm>>)
      %dma_wait3A_144 = arith.constant 1 : i32
      %dma_wait3A_145 = arith.constant 0 : i32
      %dma_wait3A_146 = tpu.memref_slice %arg6[%dma_wait3A_144, %add3A_11, %dma_wait3A_145] : memref<4x819200x16xf32, #tpu.memory_space<hbm>> -> memref<1x512x16xf32, #tpu.memory_space<hbm>>
      %dma_wait3A_147 = tpu.memref_squeeze %dma_wait3A_146 : memref<1x512x16xf32, #tpu.memory_space<hbm>> -> memref<512x16xf32, #tpu.memory_space<hbm>>
      %dma_wait3A_148 = arith.constant 0 : i32
      %dma_wait3A_149 = tpu.memref_slice %arg6[%dma_wait3A_144, %add3A_11, %dma_wait3A_148] : memref<4x819200x16xf32, #tpu.memory_space<hbm>> -> memref<1x512x16xf32, #tpu.memory_space<hbm>>
      %dma_wait3A_150 = tpu.memref_squeeze %dma_wait3A_149 : memref<1x512x16xf32, #tpu.memory_space<hbm>> -> memref<512x16xf32, #tpu.memory_space<hbm>>
      tpu.wait_dma2 semaphore(%arg15 : memref<!tpu.dma_semaphore, #tpu.memory_space<semaphore_mem>>) src(%arg12 : memref<512x16xf32, #tpu.memory_space<vmem>>) dst(%dma_wait3A_150 : memref<512x16xf32, #tpu.memory_space<hbm>>)
      %dma_wait3A_151 = arith.constant 2 : i32
      %dma_wait3A_152 = arith.constant 0 : i32
      %dma_wait3A_153 = tpu.memref_slice %arg6[%dma_wait3A_151, %add3A_11, %dma_wait3A_152] : memref<4x819200x16xf32, #tpu.memory_space<hbm>> -> memref<1x512x16xf32, #tpu.memory_space<hbm>>
      %dma_wait3A_154 = tpu.memref_squeeze %dma_wait3A_153 : memref<1x512x16xf32, #tpu.memory_space<hbm>> -> memref<512x16xf32, #tpu.memory_space<hbm>>
      %dma_wait3A_155 = arith.constant 0 : i32
      %dma_wait3A_156 = tpu.memref_slice %arg6[%dma_wait3A_151, %add3A_11, %dma_wait3A_155] : memref<4x819200x16xf32, #tpu.memory_space<hbm>> -> memref<1x512x16xf32, #tpu.memory_space<hbm>>
      %dma_wait3A_157 = tpu.memref_squeeze %dma_wait3A_156 : memref<1x512x16xf32, #tpu.memory_space<hbm>> -> memref<512x16xf32, #tpu.memory_space<hbm>>
      tpu.wait_dma2 semaphore(%arg15 : memref<!tpu.dma_semaphore, #tpu.memory_space<semaphore_mem>>) src(%arg13 : memref<512x16xf32, #tpu.memory_space<vmem>>) dst(%dma_wait3A_157 : memref<512x16xf32, #tpu.memory_space<hbm>>)
      %dma_wait3A_158 = arith.constant 3 : i32
      %dma_wait3A_159 = arith.constant 0 : i32
      %dma_wait3A_160 = tpu.memref_slice %arg6[%dma_wait3A_158, %add3A_11, %dma_wait3A_159] : memref<4x819200x16xf32, #tpu.memory_space<hbm>> -> memref<1x512x16xf32, #tpu.memory_space<hbm>>
      %dma_wait3A_161 = tpu.memref_squeeze %dma_wait3A_160 : memref<1x512x16xf32, #tpu.memory_space<hbm>> -> memref<512x16xf32, #tpu.memory_space<hbm>>
      %dma_wait3A_162 = arith.constant 0 : i32
      %dma_wait3A_163 = tpu.memref_slice %arg6[%dma_wait3A_158, %add3A_11, %dma_wait3A_162] : memref<4x819200x16xf32, #tpu.memory_space<hbm>> -> memref<1x512x16xf32, #tpu.memory_space<hbm>>
      %dma_wait3A_164 = tpu.memref_squeeze %dma_wait3A_163 : memref<1x512x16xf32, #tpu.memory_space<hbm>> -> memref<512x16xf32, #tpu.memory_space<hbm>>
      tpu.wait_dma2 semaphore(%arg15 : memref<!tpu.dma_semaphore, #tpu.memory_space<semaphore_mem>>) src(%arg14 : memref<512x16xf32, #tpu.memory_space<vmem>>) dst(%dma_wait3A_164 : memref<512x16xf32, #tpu.memory_space<hbm>>)
    }
    %scan3A_7 = arith.constant 50 : i32
    return
  }
}

#map = affine_map<(d0, d1) -> (0)>
#map1 = affine_map<(d0, d1) -> (0, 0)>
module attributes {stable_mosaic.version = 14 : i64} {
  func.func @k(%arg0: i32, %arg1: i32, %arg2: memref<819200xi32, #tpu.memory_space<hbm>>, %arg3: memref<50000x16xf32, #tpu.memory_space<hbm>>, %arg4: memref<819200x16xf32, #tpu.memory_space<hbm>>, %arg5: memref<1024xi32, #tpu.memory_space<vmem>>, %arg6: memref<1024x16xf32, #tpu.memory_space<vmem>>, %arg7: memref<!tpu.dma_semaphore, #tpu.memory_space<semaphore_mem>>) attributes {dimension_semantics = [#tpu.dimension_semantics<core_parallel>, #tpu.dimension_semantics<subcore_parallel>], iteration_bounds = array<i64: 2, 16>, scalar_prefetch = 0 : i64, scratch_operands = 3 : i64, tpu.core_type = #tpu.core_type<sc_vector_subcore>, window_params = [{transform_indices = #map}, {transform_indices = #map1}, {transform_indices = #map1}]} {
    %mul3A = arith.constant 2 : i32
    %mul3A_0 = arith.muli %arg1, %mul3A : i32
    %add3A = arith.addi %mul3A_0, %arg0 : i32
    %mul3A_1 = arith.constant 25600 : i32
    %mul3A_2 = arith.muli %add3A, %mul3A_1 : i32
    %scan3A = arith.constant 0 : i32
    %scan3A_3 = arith.constant 0 : i32
    %scan3A_4 = arith.constant 25 : i32
    %scan3A_5 = arith.addi %scan3A_3, %scan3A_4 : i32
    %scan3A_6 = arith.constant 1 : i32
    scf.for %scan3A_8 = %scan3A_3 to %scan3A_5 step %scan3A_6  : i32 {
      %mul3A_9 = arith.constant 1024 : i32
      %mul3A_10 = arith.muli %scan3A_8, %mul3A_9 : i32
      %add3A_11 = arith.addi %mul3A_2, %mul3A_10 : i32
      "tpu.region"() ({
        %run_scoped3A = tpu.sem_alloc : memref<!tpu.dma_semaphore, #tpu.memory_space<semaphore_mem>>
        %dma_start3A_16 = tpu.memref_slice %arg2[%add3A_11] : memref<819200xi32, #tpu.memory_space<hbm>> -> memref<1024xi32, #tpu.memory_space<hbm>>
        %dma_start3A_17 = tpu.memref_slice %arg2[%add3A_11] : memref<819200xi32, #tpu.memory_space<hbm>> -> memref<1024xi32, #tpu.memory_space<hbm>>
        tpu.enqueue_dma source(%dma_start3A_17 : memref<1024xi32, #tpu.memory_space<hbm>>) target(%arg5 : memref<1024xi32, #tpu.memory_space<vmem>>) target_semaphore(%run_scoped3A : memref<!tpu.dma_semaphore, #tpu.memory_space<semaphore_mem>>)
        %dma_wait3A_18 = tpu.memref_slice %arg2[%add3A_11] : memref<819200xi32, #tpu.memory_space<hbm>> -> memref<1024xi32, #tpu.memory_space<hbm>>
        %dma_wait3A_19 = tpu.memref_slice %arg2[%add3A_11] : memref<819200xi32, #tpu.memory_space<hbm>> -> memref<1024xi32, #tpu.memory_space<hbm>>
        tpu.wait_dma2 semaphore(%run_scoped3A : memref<!tpu.dma_semaphore, #tpu.memory_space<semaphore_mem>>) src(%dma_wait3A_19 : memref<1024xi32, #tpu.memory_space<hbm>>) dst(%arg5 : memref<1024xi32, #tpu.memory_space<vmem>>)
        tpu.yield
      }) : () -> ()
      %dma_start3A = arith.constant 0 : i32
      %dma_start3A_12 = arith.constant 0 : i32
      %dma_start3A_13 = tpu.memref_slice %arg3[%dma_start3A, %dma_start3A_12] : memref<50000x16xf32, #tpu.memory_space<hbm>> -> memref<50000x16xf32, #tpu.memory_space<hbm>>
      tpu.enqueue_indirect_dma source(%dma_start3A_13 : memref<50000x16xf32, #tpu.memory_space<hbm>>) target(%arg6 : memref<1024x16xf32, #tpu.memory_space<vmem>>) offsets(%arg5 : memref<1024xi32, #tpu.memory_space<vmem>>) semaphore(%arg7 : memref<!tpu.dma_semaphore, #tpu.memory_space<semaphore_mem>>)
      %dma_wait3A = arith.constant 0 : i32
      %dma_wait3A_14 = arith.constant 0 : i32
      %dma_wait3A_15 = tpu.memref_slice %arg3[%dma_wait3A, %dma_wait3A_14] : memref<50000x16xf32, #tpu.memory_space<hbm>> -> memref<50000x16xf32, #tpu.memory_space<hbm>>
      tpu.wait_indirect_dma semaphore(%arg7 : memref<!tpu.dma_semaphore, #tpu.memory_space<semaphore_mem>>) src(%dma_wait3A_15 : memref<50000x16xf32, #tpu.memory_space<hbm>>) dst(%arg6 : memref<1024x16xf32, #tpu.memory_space<vmem>>)
      "tpu.region"() ({
        %run_scoped3A = tpu.sem_alloc : memref<!tpu.dma_semaphore, #tpu.memory_space<semaphore_mem>>
        %dma_start3A_16 = arith.constant 0 : i32
        %dma_start3A_17 = tpu.memref_slice %arg4[%add3A_11, %dma_start3A_16] : memref<819200x16xf32, #tpu.memory_space<hbm>> -> memref<1024x16xf32, #tpu.memory_space<hbm>>
        %dma_start3A_18 = arith.constant 0 : i32
        %dma_start3A_19 = tpu.memref_slice %arg4[%add3A_11, %dma_start3A_18] : memref<819200x16xf32, #tpu.memory_space<hbm>> -> memref<1024x16xf32, #tpu.memory_space<hbm>>
        tpu.enqueue_dma source(%arg6 : memref<1024x16xf32, #tpu.memory_space<vmem>>) target(%dma_start3A_19 : memref<1024x16xf32, #tpu.memory_space<hbm>>) target_semaphore(%run_scoped3A : memref<!tpu.dma_semaphore, #tpu.memory_space<semaphore_mem>>)
        %dma_wait3A_20 = arith.constant 0 : i32
        %dma_wait3A_21 = tpu.memref_slice %arg4[%add3A_11, %dma_wait3A_20] : memref<819200x16xf32, #tpu.memory_space<hbm>> -> memref<1024x16xf32, #tpu.memory_space<hbm>>
        %dma_wait3A_22 = arith.constant 0 : i32
        %dma_wait3A_23 = tpu.memref_slice %arg4[%add3A_11, %dma_wait3A_22] : memref<819200x16xf32, #tpu.memory_space<hbm>> -> memref<1024x16xf32, #tpu.memory_space<hbm>>
        tpu.wait_dma2 semaphore(%run_scoped3A : memref<!tpu.dma_semaphore, #tpu.memory_space<semaphore_mem>>) src(%arg6 : memref<1024x16xf32, #tpu.memory_space<vmem>>) dst(%dma_wait3A_23 : memref<1024x16xf32, #tpu.memory_space<hbm>>)
        tpu.yield
      }) : () -> ()
    }
    %scan3A_7 = arith.constant 25 : i32
    return
  }
}

#map = affine_map<(d0, d1) -> (0)>
#map1 = affine_map<(d0, d1) -> (0, 0)>
#map2 = affine_map<(d0, d1) -> (0, 0, 0)>
module attributes {stable_mosaic.version = 14 : i64} {
  func.func @k(%arg0: i32, %arg1: i32, %arg2: memref<819200xi32, #tpu.memory_space<hbm>>, %arg3: memref<819200x16xf32, #tpu.memory_space<hbm>>, %arg4: memref<4x102400x128xf32, #tpu.memory_space<hbm>>, %arg5: memref<50000x16xf32, #tpu.memory_space<hbm>>, %arg6: memref<50000x64xf32, #tpu.memory_space<hbm>>, %arg7: memref<1024xi32, #tpu.memory_space<vmem>>, %arg8: memref<1024x16xf32, #tpu.memory_space<vmem>>, %arg9: memref<128x128xf32, #tpu.memory_space<vmem>>, %arg10: memref<1024x16xf32, #tpu.memory_space<vmem>>, %arg11: memref<50000x16xf32, #tpu.memory_space<vmem_shared>>, %arg12: memref<!tpu.dma_semaphore, #tpu.memory_space<semaphore_mem>>) attributes {dimension_semantics = [#tpu.dimension_semantics<core_parallel>, #tpu.dimension_semantics<subcore_parallel>], iteration_bounds = array<i64: 2, 16>, scalar_prefetch = 0 : i64, scratch_operands = 6 : i64, tpu.core_type = #tpu.core_type<sc_vector_subcore>, window_params = [{transform_indices = #map}, {transform_indices = #map1}, {transform_indices = #map2}, {transform_indices = #map1}, {transform_indices = #map1}]} {
    %mul3A = arith.constant 3125 : i32
    %mul3A_0 = arith.muli %arg1, %mul3A : i32
    %mul3A_1 = arith.constant 51200 : i32
    %mul3A_2 = arith.muli %arg1, %mul3A_1 : i32
    %mul3A_3 = arith.constant 2 : i32
    %mul3A_4 = arith.muli %mul3A_3, %arg0 : i32
    %add3A = arith.constant 0 : i32
    %add3A_5 = arith.addi %mul3A_4, %add3A : i32
    "tpu.region"() ({
      %run_scoped3A = tpu.sem_alloc : memref<!tpu.dma_semaphore, #tpu.memory_space<semaphore_mem>>
      %dma_start3A = arith.constant 0 : i32
      %dma_start3A_30 = tpu.memref_slice %arg11[%mul3A_0, %dma_start3A] : memref<50000x16xf32, #tpu.memory_space<vmem_shared>> -> memref<3125x16xf32, #tpu.memory_space<vmem_shared>>
      %dma_start3A_31 = arith.constant 0 : i32
      %dma_start3A_32 = tpu.memref_slice %arg5[%mul3A_0, %dma_start3A_31] : memref<50000x16xf32, #tpu.memory_space<hbm>> -> memref<3125x16xf32, #tpu.memory_space<hbm>>
      tpu.enqueue_dma source(%dma_start3A_32 : memref<3125x16xf32, #tpu.memory_space<hbm>>) target(%dma_start3A_30 : memref<3125x16xf32, #tpu.memory_space<vmem_shared>>) target_semaphore(%run_scoped3A : memref<!tpu.dma_semaphore, #tpu.memory_space<semaphore_mem>>)
      %dma_wait3A = arith.constant 0 : i32
      %dma_wait3A_33 = tpu.memref_slice %arg11[%mul3A_0, %dma_wait3A] : memref<50000x16xf32, #tpu.memory_space<vmem_shared>> -> memref<3125x16xf32, #tpu.memory_space<vmem_shared>>
      %dma_wait3A_34 = arith.constant 0 : i32
      %dma_wait3A_35 = tpu.memref_slice %arg5[%mul3A_0, %dma_wait3A_34] : memref<50000x16xf32, #tpu.memory_space<hbm>> -> memref<3125x16xf32, #tpu.memory_space<hbm>>
      tpu.wait_dma2 semaphore(%run_scoped3A : memref<!tpu.dma_semaphore, #tpu.memory_space<semaphore_mem>>) src(%dma_wait3A_35 : memref<3125x16xf32, #tpu.memory_space<hbm>>) dst(%dma_wait3A_33 : memref<3125x16xf32, #tpu.memory_space<vmem_shared>>)
      tpu.yield
    }) : () -> ()
    %barrier3A = arith.constant 0 : index
    tpu.barrier barrier_id(%barrier3A)
    %scan3A = arith.constant 0 : i32
    %scan3A_6 = arith.constant 0 : i32
    %scan3A_7 = arith.constant 50 : i32
    %scan3A_8 = arith.addi %scan3A_6, %scan3A_7 : i32
    %scan3A_9 = arith.constant 1 : i32
    scf.for %scan3A_30 = %scan3A_6 to %scan3A_8 step %scan3A_9  : i32 {
      %mul3A_31 = arith.constant 1024 : i32
      %mul3A_32 = arith.muli %scan3A_30, %mul3A_31 : i32
      %add3A_33 = arith.addi %mul3A_2, %mul3A_32 : i32
      %dma_start3A = tpu.memref_slice %arg2[%add3A_33] : memref<819200xi32, #tpu.memory_space<hbm>> -> memref<1024xi32, #tpu.memory_space<hbm>>
      %dma_start3A_34 = tpu.memref_slice %arg2[%add3A_33] : memref<819200xi32, #tpu.memory_space<hbm>> -> memref<1024xi32, #tpu.memory_space<hbm>>
      tpu.enqueue_dma source(%dma_start3A_34 : memref<1024xi32, #tpu.memory_space<hbm>>) target(%arg7 : memref<1024xi32, #tpu.memory_space<vmem>>) target_semaphore(%arg12 : memref<!tpu.dma_semaphore, #tpu.memory_space<semaphore_mem>>)
      %dma_start3A_35 = arith.constant 0 : i32
      %dma_start3A_36 = tpu.memref_slice %arg3[%add3A_33, %dma_start3A_35] : memref<819200x16xf32, #tpu.memory_space<hbm>> -> memref<1024x16xf32, #tpu.memory_space<hbm>>
      %dma_start3A_37 = arith.constant 0 : i32
      %dma_start3A_38 = tpu.memref_slice %arg3[%add3A_33, %dma_start3A_37] : memref<819200x16xf32, #tpu.memory_space<hbm>> -> memref<1024x16xf32, #tpu.memory_space<hbm>>
      tpu.enqueue_dma source(%dma_start3A_38 : memref<1024x16xf32, #tpu.memory_space<hbm>>) target(%arg8 : memref<1024x16xf32, #tpu.memory_space<vmem>>) target_semaphore(%arg12 : memref<!tpu.dma_semaphore, #tpu.memory_space<semaphore_mem>>)
      %jit3A = arith.constant 8 : i32
      %div3A = arith.divsi %add3A_33, %jit3A : i32
      %sign3A = arith.constant 0 : i32
      %sign3A_39 = arith.cmpi sgt, %add3A_33, %sign3A : i32
      %sign3A_40 = arith.extui %sign3A_39 : i1 to i32
      %sign3A_41 = arith.constant 0 : i32
      %sign3A_42 = arith.cmpi slt, %add3A_33, %sign3A_41 : i32
      %sign3A_43 = arith.extui %sign3A_42 : i1 to i32
      %sign3A_44 = arith.subi %sign3A_40, %sign3A_43 : i32
      %sign3A_45 = arith.constant 0 : i32
      %sign3A_46 = arith.cmpi sgt, %jit3A, %sign3A_45 : i32
      %sign3A_47 = arith.extui %sign3A_46 : i1 to i32
      %sign3A_48 = arith.constant 0 : i32
      %sign3A_49 = arith.cmpi slt, %jit3A, %sign3A_48 : i32
      %sign3A_50 = arith.extui %sign3A_49 : i1 to i32
      %sign3A_51 = arith.subi %sign3A_47, %sign3A_50 : i32
      %ne3A = arith.cmpi ne, %sign3A_44, %sign3A_51 : i32
      %rem3A = arith.remsi %add3A_33, %jit3A : i32
      %ne3A_52 = arith.constant 0 : i32
      %ne3A_53 = arith.cmpi ne, %rem3A, %ne3A_52 : i32
      %and3A = arith.andi %ne3A, %ne3A_53 : i1
      %sub3A = arith.constant 1 : i32
      %sub3A_54 = arith.subi %div3A, %sub3A : i32
      %select_n3A = arith.select %and3A, %sub3A_54, %div3A : i32
      %dma_start3A_55 = arith.constant 0 : i32
      %dma_start3A_56 = tpu.memref_slice %arg4[%add3A_5, %select_n3A, %dma_start3A_55] : memref<4x102400x128xf32, #tpu.memory_space<hbm>> -> memref<1x128x128xf32, #tpu.memory_space<hbm>>
      %dma_start3A_57 = tpu.memref_squeeze %dma_start3A_56 : memref<1x128x128xf32, #tpu.memory_space<hbm>> -> memref<128x128xf32, #tpu.memory_space<hbm>>
      %dma_start3A_58 = arith.constant 0 : i32
      %dma_start3A_59 = tpu.memref_slice %arg4[%add3A_5, %select_n3A, %dma_start3A_58] : memref<4x102400x128xf32, #tpu.memory_space<hbm>> -> memref<1x128x128xf32, #tpu.memory_space<hbm>>
      %dma_start3A_60 = tpu.memref_squeeze %dma_start3A_59 : memref<1x128x128xf32, #tpu.memory_space<hbm>> -> memref<128x128xf32, #tpu.memory_space<hbm>>
      tpu.enqueue_dma source(%dma_start3A_60 : memref<128x128xf32, #tpu.memory_space<hbm>>) target(%arg9 : memref<128x128xf32, #tpu.memory_space<vmem>>) target_semaphore(%arg12 : memref<!tpu.dma_semaphore, #tpu.memory_space<semaphore_mem>>)
      %dma_wait3A = tpu.memref_slice %arg2[%add3A_33] : memref<819200xi32, #tpu.memory_space<hbm>> -> memref<1024xi32, #tpu.memory_space<hbm>>
      %dma_wait3A_61 = tpu.memref_slice %arg2[%add3A_33] : memref<819200xi32, #tpu.memory_space<hbm>> -> memref<1024xi32, #tpu.memory_space<hbm>>
      tpu.wait_dma2 semaphore(%arg12 : memref<!tpu.dma_semaphore, #tpu.memory_space<semaphore_mem>>) src(%dma_wait3A_61 : memref<1024xi32, #tpu.memory_space<hbm>>) dst(%arg7 : memref<1024xi32, #tpu.memory_space<vmem>>)
      %dma_wait3A_62 = arith.constant 0 : i32
      %dma_wait3A_63 = tpu.memref_slice %arg3[%add3A_33, %dma_wait3A_62] : memref<819200x16xf32, #tpu.memory_space<hbm>> -> memref<1024x16xf32, #tpu.memory_space<hbm>>
      %dma_wait3A_64 = arith.constant 0 : i32
      %dma_wait3A_65 = tpu.memref_slice %arg3[%add3A_33, %dma_wait3A_64] : memref<819200x16xf32, #tpu.memory_space<hbm>> -> memref<1024x16xf32, #tpu.memory_space<hbm>>
      tpu.wait_dma2 semaphore(%arg12 : memref<!tpu.dma_semaphore, #tpu.memory_space<semaphore_mem>>) src(%dma_wait3A_65 : memref<1024x16xf32, #tpu.memory_space<hbm>>) dst(%arg8 : memref<1024x16xf32, #tpu.memory_space<vmem>>)
      %dma_wait3A_66 = arith.constant 0 : i32
      %dma_wait3A_67 = tpu.memref_slice %arg4[%add3A_5, %select_n3A, %dma_wait3A_66] : memref<4x102400x128xf32, #tpu.memory_space<hbm>> -> memref<1x128x128xf32, #tpu.memory_space<hbm>>
      %dma_wait3A_68 = tpu.memref_squeeze %dma_wait3A_67 : memref<1x128x128xf32, #tpu.memory_space<hbm>> -> memref<128x128xf32, #tpu.memory_space<hbm>>
      %dma_wait3A_69 = arith.constant 0 : i32
      %dma_wait3A_70 = tpu.memref_slice %arg4[%add3A_5, %select_n3A, %dma_wait3A_69] : memref<4x102400x128xf32, #tpu.memory_space<hbm>> -> memref<1x128x128xf32, #tpu.memory_space<hbm>>
      %dma_wait3A_71 = tpu.memref_squeeze %dma_wait3A_70 : memref<1x128x128xf32, #tpu.memory_space<hbm>> -> memref<128x128xf32, #tpu.memory_space<hbm>>
      tpu.wait_dma2 semaphore(%arg12 : memref<!tpu.dma_semaphore, #tpu.memory_space<semaphore_mem>>) src(%dma_wait3A_71 : memref<128x128xf32, #tpu.memory_space<hbm>>) dst(%arg9 : memref<128x128xf32, #tpu.memory_space<vmem>>)
      %scan3A_72 = arith.constant 0 : i32
      %scan3A_73 = arith.constant 0 : i32
      %scan3A_74 = arith.constant 128 : i32
      %scan3A_75 = arith.addi %scan3A_73, %scan3A_74 : i32
      %scan3A_76 = arith.constant 1 : i32
      scf.for %scan3A_78 = %scan3A_73 to %scan3A_75 step %scan3A_76  : i32 {
        %mul3A_79 = arith.constant 8 : i32
        %mul3A_80 = arith.muli %mul3A_79, %scan3A_78 : i32
        %add3A_81 = arith.constant 0 : i32
        %add3A_82 = arith.addi %mul3A_80, %add3A_81 : i32
        %get3A = arith.index_cast %add3A_82 : i32 to index
        %get3A_83 = arith.constant 0 : index
        %get3A_84 = tpu.vector_load %arg8[%get3A, %get3A_83] {strides = array<i32>} : memref<1024x16xf32, #tpu.memory_space<vmem>>, vector<1x16xf32>,
        %get3A_85 = vector.shape_cast %get3A_84 : vector<1x16xf32> to vector<16xf32>
        %get3A_86 = arith.index_cast %scan3A_78 : i32 to index
        %get3A_87 = arith.constant 0 : index
        %get3A_88 = tpu.vector_load %arg9[%get3A_86, %get3A_87] {strides = array<i32>} : memref<128x128xf32, #tpu.memory_space<vmem>>, vector<1x16xf32>,
        %get3A_89 = vector.shape_cast %get3A_88 : vector<1x16xf32> to vector<16xf32>
        %mul3A_90 = arith.mulf %get3A_85, %get3A_89 : vector<16xf32>
        %swap3A = arith.index_cast %add3A_82 : i32 to index
        %swap3A_91 = arith.constant 0 : index
        %swap3A_92 = tpu.vector_load %arg10[%swap3A, %swap3A_91] {strides = array<i32>} : memref<1024x16xf32, #tpu.memory_space<vmem>>, vector<1x16xf32>,
        %swap3A_93 = vector.shape_cast %swap3A_92 : vector<1x16xf32> to vector<16xf32>
        %swap3A_94 = vector.shape_cast %mul3A_90 : vector<16xf32> to vector<1x16xf32>
        tpu.vector_store %arg10[%swap3A, %swap3A_91], %swap3A_94 {strides = array<i32>} : memref<1024x16xf32, #tpu.memory_space<vmem>>, vector<1x16xf32>,
        %mul3A_95 = arith.constant 8 : i32
        %mul3A_96 = arith.muli %mul3A_95, %scan3A_78 : i32
        %add3A_97 = arith.constant 1 : i32
        %add3A_98 = arith.addi %mul3A_96, %add3A_97 : i32
        %get3A_99 = arith.index_cast %add3A_98 : i32 to index
        %get3A_100 = arith.constant 0 : index
        %get3A_101 = tpu.vector_load %arg8[%get3A_99, %get3A_100] {strides = array<i32>} : memref<1024x16xf32, #tpu.memory_space<vmem>>, vector<1x16xf32>,
        %get3A_102 = vector.shape_cast %get3A_101 : vector<1x16xf32> to vector<16xf32>
        %get3A_103 = arith.index_cast %scan3A_78 : i32 to index
        %get3A_104 = arith.constant 16 : index
        %get3A_105 = tpu.vector_load %arg9[%get3A_103, %get3A_104] {strides = array<i32>} : memref<128x128xf32, #tpu.memory_space<vmem>>, vector<1x16xf32>,
        %get3A_106 = vector.shape_cast %get3A_105 : vector<1x16xf32> to vector<16xf32>
        %mul3A_107 = arith.mulf %get3A_102, %get3A_106 : vector<16xf32>
        %swap3A_108 = arith.index_cast %add3A_98 : i32 to index
        %swap3A_109 = arith.constant 0 : index
        %swap3A_110 = tpu.vector_load %arg10[%swap3A_108, %swap3A_109] {strides = array<i32>} : memref<1024x16xf32, #tpu.memory_space<vmem>>, vector<1x16xf32>,
        %swap3A_111 = vector.shape_cast %swap3A_110 : vector<1x16xf32> to vector<16xf32>
        %swap3A_112 = vector.shape_cast %mul3A_107 : vector<16xf32> to vector<1x16xf32>
        tpu.vector_store %arg10[%swap3A_108, %swap3A_109], %swap3A_112 {strides = array<i32>} : memref<1024x16xf32, #tpu.memory_space<vmem>>, vector<1x16xf32>,
        %mul3A_113 = arith.constant 8 : i32
        %mul3A_114 = arith.muli %mul3A_113, %scan3A_78 : i32
        %add3A_115 = arith.constant 2 : i32
        %add3A_116 = arith.addi %mul3A_114, %add3A_115 : i32
        %get3A_117 = arith.index_cast %add3A_116 : i32 to index
        %get3A_118 = arith.constant 0 : index
        %get3A_119 = tpu.vector_load %arg8[%get3A_117, %get3A_118] {strides = array<i32>} : memref<1024x16xf32, #tpu.memory_space<vmem>>, vector<1x16xf32>,
        %get3A_120 = vector.shape_cast %get3A_119 : vector<1x16xf32> to vector<16xf32>
        %get3A_121 = arith.index_cast %scan3A_78 : i32 to index
        %get3A_122 = arith.constant 32 : index
        %get3A_123 = tpu.vector_load %arg9[%get3A_121, %get3A_122] {strides = array<i32>} : memref<128x128xf32, #tpu.memory_space<vmem>>, vector<1x16xf32>,
        %get3A_124 = vector.shape_cast %get3A_123 : vector<1x16xf32> to vector<16xf32>
        %mul3A_125 = arith.mulf %get3A_120, %get3A_124 : vector<16xf32>
        %swap3A_126 = arith.index_cast %add3A_116 : i32 to index
        %swap3A_127 = arith.constant 0 : index
        %swap3A_128 = tpu.vector_load %arg10[%swap3A_126, %swap3A_127] {strides = array<i32>} : memref<1024x16xf32, #tpu.memory_space<vmem>>, vector<1x16xf32>,
        %swap3A_129 = vector.shape_cast %swap3A_128 : vector<1x16xf32> to vector<16xf32>
        %swap3A_130 = vector.shape_cast %mul3A_125 : vector<16xf32> to vector<1x16xf32>
        tpu.vector_store %arg10[%swap3A_126, %swap3A_127], %swap3A_130 {strides = array<i32>} : memref<1024x16xf32, #tpu.memory_space<vmem>>, vector<1x16xf32>,
        %mul3A_131 = arith.constant 8 : i32
        %mul3A_132 = arith.muli %mul3A_131, %scan3A_78 : i32
        %add3A_133 = arith.constant 3 : i32
        %add3A_134 = arith.addi %mul3A_132, %add3A_133 : i32
        %get3A_135 = arith.index_cast %add3A_134 : i32 to index
        %get3A_136 = arith.constant 0 : index
        %get3A_137 = tpu.vector_load %arg8[%get3A_135, %get3A_136] {strides = array<i32>} : memref<1024x16xf32, #tpu.memory_space<vmem>>, vector<1x16xf32>,
        %get3A_138 = vector.shape_cast %get3A_137 : vector<1x16xf32> to vector<16xf32>
        %get3A_139 = arith.index_cast %scan3A_78 : i32 to index
        %get3A_140 = arith.constant 48 : index
        %get3A_141 = tpu.vector_load %arg9[%get3A_139, %get3A_140] {strides = array<i32>} : memref<128x128xf32, #tpu.memory_space<vmem>>, vector<1x16xf32>,
        %get3A_142 = vector.shape_cast %get3A_141 : vector<1x16xf32> to vector<16xf32>
        %mul3A_143 = arith.mulf %get3A_138, %get3A_142 : vector<16xf32>
        %swap3A_144 = arith.index_cast %add3A_134 : i32 to index
        %swap3A_145 = arith.constant 0 : index
        %swap3A_146 = tpu.vector_load %arg10[%swap3A_144, %swap3A_145] {strides = array<i32>} : memref<1024x16xf32, #tpu.memory_space<vmem>>, vector<1x16xf32>,
        %swap3A_147 = vector.shape_cast %swap3A_146 : vector<1x16xf32> to vector<16xf32>
        %swap3A_148 = vector.shape_cast %mul3A_143 : vector<16xf32> to vector<1x16xf32>
        tpu.vector_store %arg10[%swap3A_144, %swap3A_145], %swap3A_148 {strides = array<i32>} : memref<1024x16xf32, #tpu.memory_space<vmem>>, vector<1x16xf32>,
        %mul3A_149 = arith.constant 8 : i32
        %mul3A_150 = arith.muli %mul3A_149, %scan3A_78 : i32
        %add3A_151 = arith.constant 4 : i32
        %add3A_152 = arith.addi %mul3A_150, %add3A_151 : i32
        %get3A_153 = arith.index_cast %add3A_152 : i32 to index
        %get3A_154 = arith.constant 0 : index
        %get3A_155 = tpu.vector_load %arg8[%get3A_153, %get3A_154] {strides = array<i32>} : memref<1024x16xf32, #tpu.memory_space<vmem>>, vector<1x16xf32>,
        %get3A_156 = vector.shape_cast %get3A_155 : vector<1x16xf32> to vector<16xf32>
        %get3A_157 = arith.index_cast %scan3A_78 : i32 to index
        %get3A_158 = arith.constant 64 : index
        %get3A_159 = tpu.vector_load %arg9[%get3A_157, %get3A_158] {strides = array<i32>} : memref<128x128xf32, #tpu.memory_space<vmem>>, vector<1x16xf32>,
        %get3A_160 = vector.shape_cast %get3A_159 : vector<1x16xf32> to vector<16xf32>
        %mul3A_161 = arith.mulf %get3A_156, %get3A_160 : vector<16xf32>
        %swap3A_162 = arith.index_cast %add3A_152 : i32 to index
        %swap3A_163 = arith.constant 0 : index
        %swap3A_164 = tpu.vector_load %arg10[%swap3A_162, %swap3A_163] {strides = array<i32>} : memref<1024x16xf32, #tpu.memory_space<vmem>>, vector<1x16xf32>,
        %swap3A_165 = vector.shape_cast %swap3A_164 : vector<1x16xf32> to vector<16xf32>
        %swap3A_166 = vector.shape_cast %mul3A_161 : vector<16xf32> to vector<1x16xf32>
        tpu.vector_store %arg10[%swap3A_162, %swap3A_163], %swap3A_166 {strides = array<i32>} : memref<1024x16xf32, #tpu.memory_space<vmem>>, vector<1x16xf32>,
        %mul3A_167 = arith.constant 8 : i32
        %mul3A_168 = arith.muli %mul3A_167, %scan3A_78 : i32
        %add3A_169 = arith.constant 5 : i32
        %add3A_170 = arith.addi %mul3A_168, %add3A_169 : i32
        %get3A_171 = arith.index_cast %add3A_170 : i32 to index
        %get3A_172 = arith.constant 0 : index
        %get3A_173 = tpu.vector_load %arg8[%get3A_171, %get3A_172] {strides = array<i32>} : memref<1024x16xf32, #tpu.memory_space<vmem>>, vector<1x16xf32>,
        %get3A_174 = vector.shape_cast %get3A_173 : vector<1x16xf32> to vector<16xf32>
        %get3A_175 = arith.index_cast %scan3A_78 : i32 to index
        %get3A_176 = arith.constant 80 : index
        %get3A_177 = tpu.vector_load %arg9[%get3A_175, %get3A_176] {strides = array<i32>} : memref<128x128xf32, #tpu.memory_space<vmem>>, vector<1x16xf32>,
        %get3A_178 = vector.shape_cast %get3A_177 : vector<1x16xf32> to vector<16xf32>
        %mul3A_179 = arith.mulf %get3A_174, %get3A_178 : vector<16xf32>
        %swap3A_180 = arith.index_cast %add3A_170 : i32 to index
        %swap3A_181 = arith.constant 0 : index
        %swap3A_182 = tpu.vector_load %arg10[%swap3A_180, %swap3A_181] {strides = array<i32>} : memref<1024x16xf32, #tpu.memory_space<vmem>>, vector<1x16xf32>,
        %swap3A_183 = vector.shape_cast %swap3A_182 : vector<1x16xf32> to vector<16xf32>
        %swap3A_184 = vector.shape_cast %mul3A_179 : vector<16xf32> to vector<1x16xf32>
        tpu.vector_store %arg10[%swap3A_180, %swap3A_181], %swap3A_184 {strides = array<i32>} : memref<1024x16xf32, #tpu.memory_space<vmem>>, vector<1x16xf32>,
        %mul3A_185 = arith.constant 8 : i32
        %mul3A_186 = arith.muli %mul3A_185, %scan3A_78 : i32
        %add3A_187 = arith.constant 6 : i32
        %add3A_188 = arith.addi %mul3A_186, %add3A_187 : i32
        %get3A_189 = arith.index_cast %add3A_188 : i32 to index
        %get3A_190 = arith.constant 0 : index
        %get3A_191 = tpu.vector_load %arg8[%get3A_189, %get3A_190] {strides = array<i32>} : memref<1024x16xf32, #tpu.memory_space<vmem>>, vector<1x16xf32>,
        %get3A_192 = vector.shape_cast %get3A_191 : vector<1x16xf32> to vector<16xf32>
        %get3A_193 = arith.index_cast %scan3A_78 : i32 to index
        %get3A_194 = arith.constant 96 : index
        %get3A_195 = tpu.vector_load %arg9[%get3A_193, %get3A_194] {strides = array<i32>} : memref<128x128xf32, #tpu.memory_space<vmem>>, vector<1x16xf32>,
        %get3A_196 = vector.shape_cast %get3A_195 : vector<1x16xf32> to vector<16xf32>
        %mul3A_197 = arith.mulf %get3A_192, %get3A_196 : vector<16xf32>
        %swap3A_198 = arith.index_cast %add3A_188 : i32 to index
        %swap3A_199 = arith.constant 0 : index
        %swap3A_200 = tpu.vector_load %arg10[%swap3A_198, %swap3A_199] {strides = array<i32>} : memref<1024x16xf32, #tpu.memory_space<vmem>>, vector<1x16xf32>,
        %swap3A_201 = vector.shape_cast %swap3A_200 : vector<1x16xf32> to vector<16xf32>
        %swap3A_202 = vector.shape_cast %mul3A_197 : vector<16xf32> to vector<1x16xf32>
        tpu.vector_store %arg10[%swap3A_198, %swap3A_199], %swap3A_202 {strides = array<i32>} : memref<1024x16xf32, #tpu.memory_space<vmem>>, vector<1x16xf32>,
        %mul3A_203 = arith.constant 8 : i32
        %mul3A_204 = arith.muli %mul3A_203, %scan3A_78 : i32
        %add3A_205 = arith.constant 7 : i32
        %add3A_206 = arith.addi %mul3A_204, %add3A_205 : i32
        %get3A_207 = arith.index_cast %add3A_206 : i32 to index
        %get3A_208 = arith.constant 0 : index
        %get3A_209 = tpu.vector_load %arg8[%get3A_207, %get3A_208] {strides = array<i32>} : memref<1024x16xf32, #tpu.memory_space<vmem>>, vector<1x16xf32>,
        %get3A_210 = vector.shape_cast %get3A_209 : vector<1x16xf32> to vector<16xf32>
        %get3A_211 = arith.index_cast %scan3A_78 : i32 to index
        %get3A_212 = arith.constant 112 : index
        %get3A_213 = tpu.vector_load %arg9[%get3A_211, %get3A_212] {strides = array<i32>} : memref<128x128xf32, #tpu.memory_space<vmem>>, vector<1x16xf32>,
        %get3A_214 = vector.shape_cast %get3A_213 : vector<1x16xf32> to vector<16xf32>
        %mul3A_215 = arith.mulf %get3A_210, %get3A_214 : vector<16xf32>
        %swap3A_216 = arith.index_cast %add3A_206 : i32 to index
        %swap3A_217 = arith.constant 0 : index
        %swap3A_218 = tpu.vector_load %arg10[%swap3A_216, %swap3A_217] {strides = array<i32>} : memref<1024x16xf32, #tpu.memory_space<vmem>>, vector<1x16xf32>,
        %swap3A_219 = vector.shape_cast %swap3A_218 : vector<1x16xf32> to vector<16xf32>
        %swap3A_220 = vector.shape_cast %mul3A_215 : vector<16xf32> to vector<1x16xf32>
        tpu.vector_store %arg10[%swap3A_216, %swap3A_217], %swap3A_220 {strides = array<i32>} : memref<1024x16xf32, #tpu.memory_space<vmem>>, vector<1x16xf32>,
      }
      %scan3A_77 = arith.constant 128 : i32
      "tpu.region"() ({
        %run_scoped3A = tpu.sem_alloc : memref<!tpu.dma_semaphore, #tpu.memory_space<semaphore_mem>>
        %dma_start3A_78 = arith.constant 0 : i32
        %dma_start3A_79 = arith.constant 0 : i32
        %dma_start3A_80 = tpu.memref_slice %arg11[%dma_start3A_78, %dma_start3A_79] : memref<50000x16xf32, #tpu.memory_space<vmem_shared>> -> memref<50000x16xf32, #tpu.memory_space<vmem_shared>>
        tpu.enqueue_indirect_dma source(%arg10 : memref<1024x16xf32, #tpu.memory_space<vmem>>) target(%dma_start3A_80 : memref<50000x16xf32, #tpu.memory_space<vmem_shared>>) offsets(%arg7 : memref<1024xi32, #tpu.memory_space<vmem>>) semaphore(%run_scoped3A : memref<!tpu.dma_semaphore, #tpu.memory_space<semaphore_mem>>) {add = true}
        %dma_wait3A_81 = arith.constant 0 : i32
        %dma_wait3A_82 = arith.constant 0 : i32
        %dma_wait3A_83 = tpu.memref_slice %arg11[%dma_wait3A_81, %dma_wait3A_82] : memref<50000x16xf32, #tpu.memory_space<vmem_shared>> -> memref<50000x16xf32, #tpu.memory_space<vmem_shared>>
        tpu.wait_indirect_dma semaphore(%run_scoped3A : memref<!tpu.dma_semaphore, #tpu.memory_space<semaphore_mem>>) src(%arg10 : memref<1024x16xf32, #tpu.memory_space<vmem>>) dst(%dma_wait3A_83 : memref<50000x16xf32, #tpu.memory_space<vmem_shared>>)
        tpu.yield
      }) : () -> ()
    }
    %scan3A_10 = arith.constant 50 : i32
    %barrier3A_11 = arith.constant 0 : index
    tpu.barrier barrier_id(%barrier3A_11)
    %mul3A_12 = arith.constant 16 : i32
    %mul3A_13 = arith.muli %mul3A_12, %add3A_5 : i32
    "tpu.region"() ({
      %run_scoped3A = tpu.sem_alloc : memref<!tpu.dma_semaphore, #tpu.memory_space<semaphore_mem>>
      %dma_start3A = tpu.memref_slice %arg6[%mul3A_0, %mul3A_13] : memref<50000x64xf32, #tpu.memory_space<hbm>> -> memref<3125x16xf32, #tpu.memory_space<hbm>>
      %dma_start3A_30 = arith.constant 0 : i32
      %dma_start3A_31 = tpu.memref_slice %arg11[%mul3A_0, %dma_start3A_30] : memref<50000x16xf32, #tpu.memory_space<vmem_shared>> -> memref<3125x16xf32, #tpu.memory_space<vmem_shared>>
      tpu.enqueue_dma source(%dma_start3A_31 : memref<3125x16xf32, #tpu.memory_space<vmem_shared>>) target(%dma_start3A : memref<3125x16xf32, #tpu.memory_space<hbm>>) target_semaphore(%run_scoped3A : memref<!tpu.dma_semaphore, #tpu.memory_space<semaphore_mem>>)
      %dma_wait3A = tpu.memref_slice %arg6[%mul3A_0, %mul3A_13] : memref<50000x64xf32, #tpu.memory_space<hbm>> -> memref<3125x16xf32, #tpu.memory_space<hbm>>
      %dma_wait3A_32 = arith.constant 0 : i32
      %dma_wait3A_33 = tpu.memref_slice %arg11[%mul3A_0, %dma_wait3A_32] : memref<50000x16xf32, #tpu.memory_space<vmem_shared>> -> memref<3125x16xf32, #tpu.memory_space<vmem_shared>>
      tpu.wait_dma2 semaphore(%run_scoped3A : memref<!tpu.dma_semaphore, #tpu.memory_space<semaphore_mem>>) src(%dma_wait3A_33 : memref<3125x16xf32, #tpu.memory_space<vmem_shared>>) dst(%dma_wait3A : memref<3125x16xf32, #tpu.memory_space<hbm>>)
      tpu.yield
    }) : () -> ()
    %barrier3A_14 = arith.constant 0 : index
    tpu.barrier barrier_id(%barrier3A_14)
    %mul3A_15 = arith.constant 2 : i32
    %mul3A_16 = arith.muli %mul3A_15, %arg0 : i32
    %add3A_17 = arith.constant 1 : i32
    %add3A_18 = arith.addi %mul3A_16, %add3A_17 : i32
    "tpu.region"() ({
      %run_scoped3A = tpu.sem_alloc : memref<!tpu.dma_semaphore, #tpu.memory_space<semaphore_mem>>
      %dma_start3A = arith.constant 0 : i32
      %dma_start3A_30 = tpu.memref_slice %arg11[%mul3A_0, %dma_start3A] : memref<50000x16xf32, #tpu.memory_space<vmem_shared>> -> memref<3125x16xf32, #tpu.memory_space<vmem_shared>>
      %dma_start3A_31 = arith.constant 0 : i32
      %dma_start3A_32 = tpu.memref_slice %arg5[%mul3A_0, %dma_start3A_31] : memref<50000x16xf32, #tpu.memory_space<hbm>> -> memref<3125x16xf32, #tpu.memory_space<hbm>>
      tpu.enqueue_dma source(%dma_start3A_32 : memref<3125x16xf32, #tpu.memory_space<hbm>>) target(%dma_start3A_30 : memref<3125x16xf32, #tpu.memory_space<vmem_shared>>) target_semaphore(%run_scoped3A : memref<!tpu.dma_semaphore, #tpu.memory_space<semaphore_mem>>)
      %dma_wait3A = arith.constant 0 : i32
      %dma_wait3A_33 = tpu.memref_slice %arg11[%mul3A_0, %dma_wait3A] : memref<50000x16xf32, #tpu.memory_space<vmem_shared>> -> memref<3125x16xf32, #tpu.memory_space<vmem_shared>>
      %dma_wait3A_34 = arith.constant 0 : i32
      %dma_wait3A_35 = tpu.memref_slice %arg5[%mul3A_0, %dma_wait3A_34] : memref<50000x16xf32, #tpu.memory_space<hbm>> -> memref<3125x16xf32, #tpu.memory_space<hbm>>
      tpu.wait_dma2 semaphore(%run_scoped3A : memref<!tpu.dma_semaphore, #tpu.memory_space<semaphore_mem>>) src(%dma_wait3A_35 : memref<3125x16xf32, #tpu.memory_space<hbm>>) dst(%dma_wait3A_33 : memref<3125x16xf32, #tpu.memory_space<vmem_shared>>)
      tpu.yield
    }) : () -> ()
    %barrier3A_19 = arith.constant 0 : index
    tpu.barrier barrier_id(%barrier3A_19)
    %scan3A_20 = arith.constant 0 : i32
    %scan3A_21 = arith.constant 0 : i32
    %scan3A_22 = arith.constant 50 : i32
    %scan3A_23 = arith.addi %scan3A_21, %scan3A_22 : i32
    %scan3A_24 = arith.constant 1 : i32
    scf.for %scan3A_30 = %scan3A_21 to %scan3A_23 step %scan3A_24  : i32 {
      %mul3A_31 = arith.constant 1024 : i32
      %mul3A_32 = arith.muli %scan3A_30, %mul3A_31 : i32
      %add3A_33 = arith.addi %mul3A_2, %mul3A_32 : i32
      %dma_start3A = tpu.memref_slice %arg2[%add3A_33] : memref<819200xi32, #tpu.memory_space<hbm>> -> memref<1024xi32, #tpu.memory_space<hbm>>
      %dma_start3A_34 = tpu.memref_slice %arg2[%add3A_33] : memref<819200xi32, #tpu.memory_space<hbm>> -> memref<1024xi32, #tpu.memory_space<hbm>>
      tpu.enqueue_dma source(%dma_start3A_34 : memref<1024xi32, #tpu.memory_space<hbm>>) target(%arg7 : memref<1024xi32, #tpu.memory_space<vmem>>) target_semaphore(%arg12 : memref<!tpu.dma_semaphore, #tpu.memory_space<semaphore_mem>>)
      %dma_start3A_35 = arith.constant 0 : i32
      %dma_start3A_36 = tpu.memref_slice %arg3[%add3A_33, %dma_start3A_35] : memref<819200x16xf32, #tpu.memory_space<hbm>> -> memref<1024x16xf32, #tpu.memory_space<hbm>>
      %dma_start3A_37 = arith.constant 0 : i32
      %dma_start3A_38 = tpu.memref_slice %arg3[%add3A_33, %dma_start3A_37] : memref<819200x16xf32, #tpu.memory_space<hbm>> -> memref<1024x16xf32, #tpu.memory_space<hbm>>
      tpu.enqueue_dma source(%dma_start3A_38 : memref<1024x16xf32, #tpu.memory_space<hbm>>) target(%arg8 : memref<1024x16xf32, #tpu.memory_space<vmem>>) target_semaphore(%arg12 : memref<!tpu.dma_semaphore, #tpu.memory_space<semaphore_mem>>)
      %jit3A = arith.constant 8 : i32
      %div3A = arith.divsi %add3A_33, %jit3A : i32
      %sign3A = arith.constant 0 : i32
      %sign3A_39 = arith.cmpi sgt, %add3A_33, %sign3A : i32
      %sign3A_40 = arith.extui %sign3A_39 : i1 to i32
      %sign3A_41 = arith.constant 0 : i32
      %sign3A_42 = arith.cmpi slt, %add3A_33, %sign3A_41 : i32
      %sign3A_43 = arith.extui %sign3A_42 : i1 to i32
      %sign3A_44 = arith.subi %sign3A_40, %sign3A_43 : i32
      %sign3A_45 = arith.constant 0 : i32
      %sign3A_46 = arith.cmpi sgt, %jit3A, %sign3A_45 : i32
      %sign3A_47 = arith.extui %sign3A_46 : i1 to i32
      %sign3A_48 = arith.constant 0 : i32
      %sign3A_49 = arith.cmpi slt, %jit3A, %sign3A_48 : i32
      %sign3A_50 = arith.extui %sign3A_49 : i1 to i32
      %sign3A_51 = arith.subi %sign3A_47, %sign3A_50 : i32
      %ne3A = arith.cmpi ne, %sign3A_44, %sign3A_51 : i32
      %rem3A = arith.remsi %add3A_33, %jit3A : i32
      %ne3A_52 = arith.constant 0 : i32
      %ne3A_53 = arith.cmpi ne, %rem3A, %ne3A_52 : i32
      %and3A = arith.andi %ne3A, %ne3A_53 : i1
      %sub3A = arith.constant 1 : i32
      %sub3A_54 = arith.subi %div3A, %sub3A : i32
      %select_n3A = arith.select %and3A, %sub3A_54, %div3A : i32
      %dma_start3A_55 = arith.constant 0 : i32
      %dma_start3A_56 = tpu.memref_slice %arg4[%add3A_18, %select_n3A, %dma_start3A_55] : memref<4x102400x128xf32, #tpu.memory_space<hbm>> -> memref<1x128x128xf32, #tpu.memory_space<hbm>>
      %dma_start3A_57 = tpu.memref_squeeze %dma_start3A_56 : memref<1x128x128xf32, #tpu.memory_space<hbm>> -> memref<128x128xf32, #tpu.memory_space<hbm>>
      %dma_start3A_58 = arith.constant 0 : i32
      %dma_start3A_59 = tpu.memref_slice %arg4[%add3A_18, %select_n3A, %dma_start3A_58] : memref<4x102400x128xf32, #tpu.memory_space<hbm>> -> memref<1x128x128xf32, #tpu.memory_space<hbm>>
      %dma_start3A_60 = tpu.memref_squeeze %dma_start3A_59 : memref<1x128x128xf32, #tpu.memory_space<hbm>> -> memref<128x128xf32, #tpu.memory_space<hbm>>
      tpu.enqueue_dma source(%dma_start3A_60 : memref<128x128xf32, #tpu.memory_space<hbm>>) target(%arg9 : memref<128x128xf32, #tpu.memory_space<vmem>>) target_semaphore(%arg12 : memref<!tpu.dma_semaphore, #tpu.memory_space<semaphore_mem>>)
      %dma_wait3A = tpu.memref_slice %arg2[%add3A_33] : memref<819200xi32, #tpu.memory_space<hbm>> -> memref<1024xi32, #tpu.memory_space<hbm>>
      %dma_wait3A_61 = tpu.memref_slice %arg2[%add3A_33] : memref<819200xi32, #tpu.memory_space<hbm>> -> memref<1024xi32, #tpu.memory_space<hbm>>
      tpu.wait_dma2 semaphore(%arg12 : memref<!tpu.dma_semaphore, #tpu.memory_space<semaphore_mem>>) src(%dma_wait3A_61 : memref<1024xi32, #tpu.memory_space<hbm>>) dst(%arg7 : memref<1024xi32, #tpu.memory_space<vmem>>)
      %dma_wait3A_62 = arith.constant 0 : i32
      %dma_wait3A_63 = tpu.memref_slice %arg3[%add3A_33, %dma_wait3A_62] : memref<819200x16xf32, #tpu.memory_space<hbm>> -> memref<1024x16xf32, #tpu.memory_space<hbm>>
      %dma_wait3A_64 = arith.constant 0 : i32
      %dma_wait3A_65 = tpu.memref_slice %arg3[%add3A_33, %dma_wait3A_64] : memref<819200x16xf32, #tpu.memory_space<hbm>> -> memref<1024x16xf32, #tpu.memory_space<hbm>>
      tpu.wait_dma2 semaphore(%arg12 : memref<!tpu.dma_semaphore, #tpu.memory_space<semaphore_mem>>) src(%dma_wait3A_65 : memref<1024x16xf32, #tpu.memory_space<hbm>>) dst(%arg8 : memref<1024x16xf32, #tpu.memory_space<vmem>>)
      %dma_wait3A_66 = arith.constant 0 : i32
      %dma_wait3A_67 = tpu.memref_slice %arg4[%add3A_18, %select_n3A, %dma_wait3A_66] : memref<4x102400x128xf32, #tpu.memory_space<hbm>> -> memref<1x128x128xf32, #tpu.memory_space<hbm>>
      %dma_wait3A_68 = tpu.memref_squeeze %dma_wait3A_67 : memref<1x128x128xf32, #tpu.memory_space<hbm>> -> memref<128x128xf32, #tpu.memory_space<hbm>>
      %dma_wait3A_69 = arith.constant 0 : i32
      %dma_wait3A_70 = tpu.memref_slice %arg4[%add3A_18, %select_n3A, %dma_wait3A_69] : memref<4x102400x128xf32, #tpu.memory_space<hbm>> -> memref<1x128x128xf32, #tpu.memory_space<hbm>>
      %dma_wait3A_71 = tpu.memref_squeeze %dma_wait3A_70 : memref<1x128x128xf32, #tpu.memory_space<hbm>> -> memref<128x128xf32, #tpu.memory_space<hbm>>
      tpu.wait_dma2 semaphore(%arg12 : memref<!tpu.dma_semaphore, #tpu.memory_space<semaphore_mem>>) src(%dma_wait3A_71 : memref<128x128xf32, #tpu.memory_space<hbm>>) dst(%arg9 : memref<128x128xf32, #tpu.memory_space<vmem>>)
      %scan3A_72 = arith.constant 0 : i32
      %scan3A_73 = arith.constant 0 : i32
      %scan3A_74 = arith.constant 128 : i32
      %scan3A_75 = arith.addi %scan3A_73, %scan3A_74 : i32
      %scan3A_76 = arith.constant 1 : i32
      scf.for %scan3A_78 = %scan3A_73 to %scan3A_75 step %scan3A_76  : i32 {
        %mul3A_79 = arith.constant 8 : i32
        %mul3A_80 = arith.muli %mul3A_79, %scan3A_78 : i32
        %add3A_81 = arith.constant 0 : i32
        %add3A_82 = arith.addi %mul3A_80, %add3A_81 : i32
        %get3A = arith.index_cast %add3A_82 : i32 to index
        %get3A_83 = arith.constant 0 : index
        %get3A_84 = tpu.vector_load %arg8[%get3A, %get3A_83] {strides = array<i32>} : memref<1024x16xf32, #tpu.memory_space<vmem>>, vector<1x16xf32>,
        %get3A_85 = vector.shape_cast %get3A_84 : vector<1x16xf32> to vector<16xf32>
        %get3A_86 = arith.index_cast %scan3A_78 : i32 to index
        %get3A_87 = arith.constant 0 : index
        %get3A_88 = tpu.vector_load %arg9[%get3A_86, %get3A_87] {strides = array<i32>} : memref<128x128xf32, #tpu.memory_space<vmem>>, vector<1x16xf32>,
        %get3A_89 = vector.shape_cast %get3A_88 : vector<1x16xf32> to vector<16xf32>
        %mul3A_90 = arith.mulf %get3A_85, %get3A_89 : vector<16xf32>
        %swap3A = arith.index_cast %add3A_82 : i32 to index
        %swap3A_91 = arith.constant 0 : index
        %swap3A_92 = tpu.vector_load %arg10[%swap3A, %swap3A_91] {strides = array<i32>} : memref<1024x16xf32, #tpu.memory_space<vmem>>, vector<1x16xf32>,
        %swap3A_93 = vector.shape_cast %swap3A_92 : vector<1x16xf32> to vector<16xf32>
        %swap3A_94 = vector.shape_cast %mul3A_90 : vector<16xf32> to vector<1x16xf32>
        tpu.vector_store %arg10[%swap3A, %swap3A_91], %swap3A_94 {strides = array<i32>} : memref<1024x16xf32, #tpu.memory_space<vmem>>, vector<1x16xf32>,
        %mul3A_95 = arith.constant 8 : i32
        %mul3A_96 = arith.muli %mul3A_95, %scan3A_78 : i32
        %add3A_97 = arith.constant 1 : i32
        %add3A_98 = arith.addi %mul3A_96, %add3A_97 : i32
        %get3A_99 = arith.index_cast %add3A_98 : i32 to index
        %get3A_100 = arith.constant 0 : index
        %get3A_101 = tpu.vector_load %arg8[%get3A_99, %get3A_100] {strides = array<i32>} : memref<1024x16xf32, #tpu.memory_space<vmem>>, vector<1x16xf32>,
        %get3A_102 = vector.shape_cast %get3A_101 : vector<1x16xf32> to vector<16xf32>
        %get3A_103 = arith.index_cast %scan3A_78 : i32 to index
        %get3A_104 = arith.constant 16 : index
        %get3A_105 = tpu.vector_load %arg9[%get3A_103, %get3A_104] {strides = array<i32>} : memref<128x128xf32, #tpu.memory_space<vmem>>, vector<1x16xf32>,
        %get3A_106 = vector.shape_cast %get3A_105 : vector<1x16xf32> to vector<16xf32>
        %mul3A_107 = arith.mulf %get3A_102, %get3A_106 : vector<16xf32>
        %swap3A_108 = arith.index_cast %add3A_98 : i32 to index
        %swap3A_109 = arith.constant 0 : index
        %swap3A_110 = tpu.vector_load %arg10[%swap3A_108, %swap3A_109] {strides = array<i32>} : memref<1024x16xf32, #tpu.memory_space<vmem>>, vector<1x16xf32>,
        %swap3A_111 = vector.shape_cast %swap3A_110 : vector<1x16xf32> to vector<16xf32>
        %swap3A_112 = vector.shape_cast %mul3A_107 : vector<16xf32> to vector<1x16xf32>
        tpu.vector_store %arg10[%swap3A_108, %swap3A_109], %swap3A_112 {strides = array<i32>} : memref<1024x16xf32, #tpu.memory_space<vmem>>, vector<1x16xf32>,
        %mul3A_113 = arith.constant 8 : i32
        %mul3A_114 = arith.muli %mul3A_113, %scan3A_78 : i32
        %add3A_115 = arith.constant 2 : i32
        %add3A_116 = arith.addi %mul3A_114, %add3A_115 : i32
        %get3A_117 = arith.index_cast %add3A_116 : i32 to index
        %get3A_118 = arith.constant 0 : index
        %get3A_119 = tpu.vector_load %arg8[%get3A_117, %get3A_118] {strides = array<i32>} : memref<1024x16xf32, #tpu.memory_space<vmem>>, vector<1x16xf32>,
        %get3A_120 = vector.shape_cast %get3A_119 : vector<1x16xf32> to vector<16xf32>
        %get3A_121 = arith.index_cast %scan3A_78 : i32 to index
        %get3A_122 = arith.constant 32 : index
        %get3A_123 = tpu.vector_load %arg9[%get3A_121, %get3A_122] {strides = array<i32>} : memref<128x128xf32, #tpu.memory_space<vmem>>, vector<1x16xf32>,
        %get3A_124 = vector.shape_cast %get3A_123 : vector<1x16xf32> to vector<16xf32>
        %mul3A_125 = arith.mulf %get3A_120, %get3A_124 : vector<16xf32>
        %swap3A_126 = arith.index_cast %add3A_116 : i32 to index
        %swap3A_127 = arith.constant 0 : index
        %swap3A_128 = tpu.vector_load %arg10[%swap3A_126, %swap3A_127] {strides = array<i32>} : memref<1024x16xf32, #tpu.memory_space<vmem>>, vector<1x16xf32>,
        %swap3A_129 = vector.shape_cast %swap3A_128 : vector<1x16xf32> to vector<16xf32>
        %swap3A_130 = vector.shape_cast %mul3A_125 : vector<16xf32> to vector<1x16xf32>
        tpu.vector_store %arg10[%swap3A_126, %swap3A_127], %swap3A_130 {strides = array<i32>} : memref<1024x16xf32, #tpu.memory_space<vmem>>, vector<1x16xf32>,
        %mul3A_131 = arith.constant 8 : i32
        %mul3A_132 = arith.muli %mul3A_131, %scan3A_78 : i32
        %add3A_133 = arith.constant 3 : i32
        %add3A_134 = arith.addi %mul3A_132, %add3A_133 : i32
        %get3A_135 = arith.index_cast %add3A_134 : i32 to index
        %get3A_136 = arith.constant 0 : index
        %get3A_137 = tpu.vector_load %arg8[%get3A_135, %get3A_136] {strides = array<i32>} : memref<1024x16xf32, #tpu.memory_space<vmem>>, vector<1x16xf32>,
        %get3A_138 = vector.shape_cast %get3A_137 : vector<1x16xf32> to vector<16xf32>
        %get3A_139 = arith.index_cast %scan3A_78 : i32 to index
        %get3A_140 = arith.constant 48 : index
        %get3A_141 = tpu.vector_load %arg9[%get3A_139, %get3A_140] {strides = array<i32>} : memref<128x128xf32, #tpu.memory_space<vmem>>, vector<1x16xf32>,
        %get3A_142 = vector.shape_cast %get3A_141 : vector<1x16xf32> to vector<16xf32>
        %mul3A_143 = arith.mulf %get3A_138, %get3A_142 : vector<16xf32>
        %swap3A_144 = arith.index_cast %add3A_134 : i32 to index
        %swap3A_145 = arith.constant 0 : index
        %swap3A_146 = tpu.vector_load %arg10[%swap3A_144, %swap3A_145] {strides = array<i32>} : memref<1024x16xf32, #tpu.memory_space<vmem>>, vector<1x16xf32>,
        %swap3A_147 = vector.shape_cast %swap3A_146 : vector<1x16xf32> to vector<16xf32>
        %swap3A_148 = vector.shape_cast %mul3A_143 : vector<16xf32> to vector<1x16xf32>
        tpu.vector_store %arg10[%swap3A_144, %swap3A_145], %swap3A_148 {strides = array<i32>} : memref<1024x16xf32, #tpu.memory_space<vmem>>, vector<1x16xf32>,
        %mul3A_149 = arith.constant 8 : i32
        %mul3A_150 = arith.muli %mul3A_149, %scan3A_78 : i32
        %add3A_151 = arith.constant 4 : i32
        %add3A_152 = arith.addi %mul3A_150, %add3A_151 : i32
        %get3A_153 = arith.index_cast %add3A_152 : i32 to index
        %get3A_154 = arith.constant 0 : index
        %get3A_155 = tpu.vector_load %arg8[%get3A_153, %get3A_154] {strides = array<i32>} : memref<1024x16xf32, #tpu.memory_space<vmem>>, vector<1x16xf32>,
        %get3A_156 = vector.shape_cast %get3A_155 : vector<1x16xf32> to vector<16xf32>
        %get3A_157 = arith.index_cast %scan3A_78 : i32 to index
        %get3A_158 = arith.constant 64 : index
        %get3A_159 = tpu.vector_load %arg9[%get3A_157, %get3A_158] {strides = array<i32>} : memref<128x128xf32, #tpu.memory_space<vmem>>, vector<1x16xf32>,
        %get3A_160 = vector.shape_cast %get3A_159 : vector<1x16xf32> to vector<16xf32>
        %mul3A_161 = arith.mulf %get3A_156, %get3A_160 : vector<16xf32>
        %swap3A_162 = arith.index_cast %add3A_152 : i32 to index
        %swap3A_163 = arith.constant 0 : index
        %swap3A_164 = tpu.vector_load %arg10[%swap3A_162, %swap3A_163] {strides = array<i32>} : memref<1024x16xf32, #tpu.memory_space<vmem>>, vector<1x16xf32>,
        %swap3A_165 = vector.shape_cast %swap3A_164 : vector<1x16xf32> to vector<16xf32>
        %swap3A_166 = vector.shape_cast %mul3A_161 : vector<16xf32> to vector<1x16xf32>
        tpu.vector_store %arg10[%swap3A_162, %swap3A_163], %swap3A_166 {strides = array<i32>} : memref<1024x16xf32, #tpu.memory_space<vmem>>, vector<1x16xf32>,
        %mul3A_167 = arith.constant 8 : i32
        %mul3A_168 = arith.muli %mul3A_167, %scan3A_78 : i32
        %add3A_169 = arith.constant 5 : i32
        %add3A_170 = arith.addi %mul3A_168, %add3A_169 : i32
        %get3A_171 = arith.index_cast %add3A_170 : i32 to index
        %get3A_172 = arith.constant 0 : index
        %get3A_173 = tpu.vector_load %arg8[%get3A_171, %get3A_172] {strides = array<i32>} : memref<1024x16xf32, #tpu.memory_space<vmem>>, vector<1x16xf32>,
        %get3A_174 = vector.shape_cast %get3A_173 : vector<1x16xf32> to vector<16xf32>
        %get3A_175 = arith.index_cast %scan3A_78 : i32 to index
        %get3A_176 = arith.constant 80 : index
        %get3A_177 = tpu.vector_load %arg9[%get3A_175, %get3A_176] {strides = array<i32>} : memref<128x128xf32, #tpu.memory_space<vmem>>, vector<1x16xf32>,
        %get3A_178 = vector.shape_cast %get3A_177 : vector<1x16xf32> to vector<16xf32>
        %mul3A_179 = arith.mulf %get3A_174, %get3A_178 : vector<16xf32>
        %swap3A_180 = arith.index_cast %add3A_170 : i32 to index
        %swap3A_181 = arith.constant 0 : index
        %swap3A_182 = tpu.vector_load %arg10[%swap3A_180, %swap3A_181] {strides = array<i32>} : memref<1024x16xf32, #tpu.memory_space<vmem>>, vector<1x16xf32>,
        %swap3A_183 = vector.shape_cast %swap3A_182 : vector<1x16xf32> to vector<16xf32>
        %swap3A_184 = vector.shape_cast %mul3A_179 : vector<16xf32> to vector<1x16xf32>
        tpu.vector_store %arg10[%swap3A_180, %swap3A_181], %swap3A_184 {strides = array<i32>} : memref<1024x16xf32, #tpu.memory_space<vmem>>, vector<1x16xf32>,
        %mul3A_185 = arith.constant 8 : i32
        %mul3A_186 = arith.muli %mul3A_185, %scan3A_78 : i32
        %add3A_187 = arith.constant 6 : i32
        %add3A_188 = arith.addi %mul3A_186, %add3A_187 : i32
        %get3A_189 = arith.index_cast %add3A_188 : i32 to index
        %get3A_190 = arith.constant 0 : index
        %get3A_191 = tpu.vector_load %arg8[%get3A_189, %get3A_190] {strides = array<i32>} : memref<1024x16xf32, #tpu.memory_space<vmem>>, vector<1x16xf32>,
        %get3A_192 = vector.shape_cast %get3A_191 : vector<1x16xf32> to vector<16xf32>
        %get3A_193 = arith.index_cast %scan3A_78 : i32 to index
        %get3A_194 = arith.constant 96 : index
        %get3A_195 = tpu.vector_load %arg9[%get3A_193, %get3A_194] {strides = array<i32>} : memref<128x128xf32, #tpu.memory_space<vmem>>, vector<1x16xf32>,
        %get3A_196 = vector.shape_cast %get3A_195 : vector<1x16xf32> to vector<16xf32>
        %mul3A_197 = arith.mulf %get3A_192, %get3A_196 : vector<16xf32>
        %swap3A_198 = arith.index_cast %add3A_188 : i32 to index
        %swap3A_199 = arith.constant 0 : index
        %swap3A_200 = tpu.vector_load %arg10[%swap3A_198, %swap3A_199] {strides = array<i32>} : memref<1024x16xf32, #tpu.memory_space<vmem>>, vector<1x16xf32>,
        %swap3A_201 = vector.shape_cast %swap3A_200 : vector<1x16xf32> to vector<16xf32>
        %swap3A_202 = vector.shape_cast %mul3A_197 : vector<16xf32> to vector<1x16xf32>
        tpu.vector_store %arg10[%swap3A_198, %swap3A_199], %swap3A_202 {strides = array<i32>} : memref<1024x16xf32, #tpu.memory_space<vmem>>, vector<1x16xf32>,
        %mul3A_203 = arith.constant 8 : i32
        %mul3A_204 = arith.muli %mul3A_203, %scan3A_78 : i32
        %add3A_205 = arith.constant 7 : i32
        %add3A_206 = arith.addi %mul3A_204, %add3A_205 : i32
        %get3A_207 = arith.index_cast %add3A_206 : i32 to index
        %get3A_208 = arith.constant 0 : index
        %get3A_209 = tpu.vector_load %arg8[%get3A_207, %get3A_208] {strides = array<i32>} : memref<1024x16xf32, #tpu.memory_space<vmem>>, vector<1x16xf32>,
        %get3A_210 = vector.shape_cast %get3A_209 : vector<1x16xf32> to vector<16xf32>
        %get3A_211 = arith.index_cast %scan3A_78 : i32 to index
        %get3A_212 = arith.constant 112 : index
        %get3A_213 = tpu.vector_load %arg9[%get3A_211, %get3A_212] {strides = array<i32>} : memref<128x128xf32, #tpu.memory_space<vmem>>, vector<1x16xf32>,
        %get3A_214 = vector.shape_cast %get3A_213 : vector<1x16xf32> to vector<16xf32>
        %mul3A_215 = arith.mulf %get3A_210, %get3A_214 : vector<16xf32>
        %swap3A_216 = arith.index_cast %add3A_206 : i32 to index
        %swap3A_217 = arith.constant 0 : index
        %swap3A_218 = tpu.vector_load %arg10[%swap3A_216, %swap3A_217] {strides = array<i32>} : memref<1024x16xf32, #tpu.memory_space<vmem>>, vector<1x16xf32>,
        %swap3A_219 = vector.shape_cast %swap3A_218 : vector<1x16xf32> to vector<16xf32>
        %swap3A_220 = vector.shape_cast %mul3A_215 : vector<16xf32> to vector<1x16xf32>
        tpu.vector_store %arg10[%swap3A_216, %swap3A_217], %swap3A_220 {strides = array<i32>} : memref<1024x16xf32, #tpu.memory_space<vmem>>, vector<1x16xf32>,
      }
      %scan3A_77 = arith.constant 128 : i32
      "tpu.region"() ({
        %run_scoped3A = tpu.sem_alloc : memref<!tpu.dma_semaphore, #tpu.memory_space<semaphore_mem>>
        %dma_start3A_78 = arith.constant 0 : i32
        %dma_start3A_79 = arith.constant 0 : i32
        %dma_start3A_80 = tpu.memref_slice %arg11[%dma_start3A_78, %dma_start3A_79] : memref<50000x16xf32, #tpu.memory_space<vmem_shared>> -> memref<50000x16xf32, #tpu.memory_space<vmem_shared>>
        tpu.enqueue_indirect_dma source(%arg10 : memref<1024x16xf32, #tpu.memory_space<vmem>>) target(%dma_start3A_80 : memref<50000x16xf32, #tpu.memory_space<vmem_shared>>) offsets(%arg7 : memref<1024xi32, #tpu.memory_space<vmem>>) semaphore(%run_scoped3A : memref<!tpu.dma_semaphore, #tpu.memory_space<semaphore_mem>>) {add = true}
        %dma_wait3A_81 = arith.constant 0 : i32
        %dma_wait3A_82 = arith.constant 0 : i32
        %dma_wait3A_83 = tpu.memref_slice %arg11[%dma_wait3A_81, %dma_wait3A_82] : memref<50000x16xf32, #tpu.memory_space<vmem_shared>> -> memref<50000x16xf32, #tpu.memory_space<vmem_shared>>
        tpu.wait_indirect_dma semaphore(%run_scoped3A : memref<!tpu.dma_semaphore, #tpu.memory_space<semaphore_mem>>) src(%arg10 : memref<1024x16xf32, #tpu.memory_space<vmem>>) dst(%dma_wait3A_83 : memref<50000x16xf32, #tpu.memory_space<vmem_shared>>)
        tpu.yield
      }) : () -> ()
    }
    %scan3A_25 = arith.constant 50 : i32
    %barrier3A_26 = arith.constant 0 : index
    tpu.barrier barrier_id(%barrier3A_26)
    %mul3A_27 = arith.constant 16 : i32
    %mul3A_28 = arith.muli %mul3A_27, %add3A_18 : i32
    "tpu.region"() ({
      %run_scoped3A = tpu.sem_alloc : memref<!tpu.dma_semaphore, #tpu.memory_space<semaphore_mem>>
      %dma_start3A = tpu.memref_slice %arg6[%mul3A_0, %mul3A_28] : memref<50000x64xf32, #tpu.memory_space<hbm>> -> memref<3125x16xf32, #tpu.memory_space<hbm>>
      %dma_start3A_30 = arith.constant 0 : i32
      %dma_start3A_31 = tpu.memref_slice %arg11[%mul3A_0, %dma_start3A_30] : memref<50000x16xf32, #tpu.memory_space<vmem_shared>> -> memref<3125x16xf32, #tpu.memory_space<vmem_shared>>
      tpu.enqueue_dma source(%dma_start3A_31 : memref<3125x16xf32, #tpu.memory_space<vmem_shared>>) target(%dma_start3A : memref<3125x16xf32, #tpu.memory_space<hbm>>) target_semaphore(%run_scoped3A : memref<!tpu.dma_semaphore, #tpu.memory_space<semaphore_mem>>)
      %dma_wait3A = tpu.memref_slice %arg6[%mul3A_0, %mul3A_28] : memref<50000x64xf32, #tpu.memory_space<hbm>> -> memref<3125x16xf32, #tpu.memory_space<hbm>>
      %dma_wait3A_32 = arith.constant 0 : i32
      %dma_wait3A_33 = tpu.memref_slice %arg11[%mul3A_0, %dma_wait3A_32] : memref<50000x16xf32, #tpu.memory_space<vmem_shared>> -> memref<3125x16xf32, #tpu.memory_space<vmem_shared>>
      tpu.wait_dma2 semaphore(%run_scoped3A : memref<!tpu.dma_semaphore, #tpu.memory_space<semaphore_mem>>) src(%dma_wait3A_33 : memref<3125x16xf32, #tpu.memory_space<vmem_shared>>) dst(%dma_wait3A : memref<3125x16xf32, #tpu.memory_space<hbm>>)
      tpu.yield
    }) : () -> ()
    %barrier3A_29 = arith.constant 0 : index
    tpu.barrier barrier_id(%barrier3A_29)
    return
  }
}

#map = affine_map<(d0, d1) -> (0)>
#map1 = affine_map<(d0, d1) -> (0, 0, 0)>
#map2 = affine_map<(d0, d1) -> (0, 0)>
module attributes {stable_mosaic.version = 14 : i64} {
  func.func @k(%arg0: i32, %arg1: i32, %arg2: memref<819200xi32, #tpu.memory_space<hbm>>, %arg3: memref<4x819200x16xf32, #tpu.memory_space<hbm>>, %arg4: memref<50000x16xf32, #tpu.memory_space<hbm>>, %arg5: memref<50000x64xf32, #tpu.memory_space<hbm>>, %arg6: memref<1024xi32, #tpu.memory_space<vmem>>, %arg7: memref<1024x16xf32, #tpu.memory_space<vmem>>, %arg8: memref<50000x16xf32, #tpu.memory_space<vmem_shared>>, %arg9: memref<!tpu.dma_semaphore, #tpu.memory_space<semaphore_mem>>) attributes {dimension_semantics = [#tpu.dimension_semantics<core_parallel>, #tpu.dimension_semantics<subcore_parallel>], iteration_bounds = array<i64: 2, 16>, scalar_prefetch = 0 : i64, scratch_operands = 4 : i64, tpu.core_type = #tpu.core_type<sc_vector_subcore>, window_params = [{transform_indices = #map}, {transform_indices = #map1}, {transform_indices = #map2}, {transform_indices = #map2}]} {
    %mul3A = arith.constant 3125 : i32
    %mul3A_0 = arith.muli %arg1, %mul3A : i32
    %mul3A_1 = arith.constant 51200 : i32
    %mul3A_2 = arith.muli %arg1, %mul3A_1 : i32
    %mul3A_3 = arith.constant 2 : i32
    %mul3A_4 = arith.muli %mul3A_3, %arg0 : i32
    %add3A = arith.constant 0 : i32
    %add3A_5 = arith.addi %mul3A_4, %add3A : i32
    "tpu.region"() ({
      %run_scoped3A = tpu.sem_alloc : memref<!tpu.dma_semaphore, #tpu.memory_space<semaphore_mem>>
      %dma_start3A = arith.constant 0 : i32
      %dma_start3A_30 = tpu.memref_slice %arg8[%mul3A_0, %dma_start3A] : memref<50000x16xf32, #tpu.memory_space<vmem_shared>> -> memref<3125x16xf32, #tpu.memory_space<vmem_shared>>
      %dma_start3A_31 = arith.constant 0 : i32
      %dma_start3A_32 = tpu.memref_slice %arg4[%mul3A_0, %dma_start3A_31] : memref<50000x16xf32, #tpu.memory_space<hbm>> -> memref<3125x16xf32, #tpu.memory_space<hbm>>
      tpu.enqueue_dma source(%dma_start3A_32 : memref<3125x16xf32, #tpu.memory_space<hbm>>) target(%dma_start3A_30 : memref<3125x16xf32, #tpu.memory_space<vmem_shared>>) target_semaphore(%run_scoped3A : memref<!tpu.dma_semaphore, #tpu.memory_space<semaphore_mem>>)
      %dma_wait3A = arith.constant 0 : i32
      %dma_wait3A_33 = tpu.memref_slice %arg8[%mul3A_0, %dma_wait3A] : memref<50000x16xf32, #tpu.memory_space<vmem_shared>> -> memref<3125x16xf32, #tpu.memory_space<vmem_shared>>
      %dma_wait3A_34 = arith.constant 0 : i32
      %dma_wait3A_35 = tpu.memref_slice %arg4[%mul3A_0, %dma_wait3A_34] : memref<50000x16xf32, #tpu.memory_space<hbm>> -> memref<3125x16xf32, #tpu.memory_space<hbm>>
      tpu.wait_dma2 semaphore(%run_scoped3A : memref<!tpu.dma_semaphore, #tpu.memory_space<semaphore_mem>>) src(%dma_wait3A_35 : memref<3125x16xf32, #tpu.memory_space<hbm>>) dst(%dma_wait3A_33 : memref<3125x16xf32, #tpu.memory_space<vmem_shared>>)
      tpu.yield
    }) : () -> ()
    %barrier3A = arith.constant 0 : index
    tpu.barrier barrier_id(%barrier3A)
    %scan3A = arith.constant 0 : i32
    %scan3A_6 = arith.constant 0 : i32
    %scan3A_7 = arith.constant 50 : i32
    %scan3A_8 = arith.addi %scan3A_6, %scan3A_7 : i32
    %scan3A_9 = arith.constant 1 : i32
    scf.for %scan3A_30 = %scan3A_6 to %scan3A_8 step %scan3A_9  : i32 {
      %mul3A_31 = arith.constant 1024 : i32
      %mul3A_32 = arith.muli %scan3A_30, %mul3A_31 : i32
      %add3A_33 = arith.addi %mul3A_2, %mul3A_32 : i32
      %dma_start3A = tpu.memref_slice %arg2[%add3A_33] : memref<819200xi32, #tpu.memory_space<hbm>> -> memref<1024xi32, #tpu.memory_space<hbm>>
      %dma_start3A_34 = tpu.memref_slice %arg2[%add3A_33] : memref<819200xi32, #tpu.memory_space<hbm>> -> memref<1024xi32, #tpu.memory_space<hbm>>
      tpu.enqueue_dma source(%dma_start3A_34 : memref<1024xi32, #tpu.memory_space<hbm>>) target(%arg6 : memref<1024xi32, #tpu.memory_space<vmem>>) target_semaphore(%arg9 : memref<!tpu.dma_semaphore, #tpu.memory_space<semaphore_mem>>)
      %dma_start3A_35 = arith.constant 0 : i32
      %dma_start3A_36 = tpu.memref_slice %arg3[%add3A_5, %add3A_33, %dma_start3A_35] : memref<4x819200x16xf32, #tpu.memory_space<hbm>> -> memref<1x1024x16xf32, #tpu.memory_space<hbm>>
      %dma_start3A_37 = tpu.memref_squeeze %dma_start3A_36 : memref<1x1024x16xf32, #tpu.memory_space<hbm>> -> memref<1024x16xf32, #tpu.memory_space<hbm>>
      %dma_start3A_38 = arith.constant 0 : i32
      %dma_start3A_39 = tpu.memref_slice %arg3[%add3A_5, %add3A_33, %dma_start3A_38] : memref<4x819200x16xf32, #tpu.memory_space<hbm>> -> memref<1x1024x16xf32, #tpu.memory_space<hbm>>
      %dma_start3A_40 = tpu.memref_squeeze %dma_start3A_39 : memref<1x1024x16xf32, #tpu.memory_space<hbm>> -> memref<1024x16xf32, #tpu.memory_space<hbm>>
      tpu.enqueue_dma source(%dma_start3A_40 : memref<1024x16xf32, #tpu.memory_space<hbm>>) target(%arg7 : memref<1024x16xf32, #tpu.memory_space<vmem>>) target_semaphore(%arg9 : memref<!tpu.dma_semaphore, #tpu.memory_space<semaphore_mem>>)
      %dma_wait3A = tpu.memref_slice %arg2[%add3A_33] : memref<819200xi32, #tpu.memory_space<hbm>> -> memref<1024xi32, #tpu.memory_space<hbm>>
      %dma_wait3A_41 = tpu.memref_slice %arg2[%add3A_33] : memref<819200xi32, #tpu.memory_space<hbm>> -> memref<1024xi32, #tpu.memory_space<hbm>>
      tpu.wait_dma2 semaphore(%arg9 : memref<!tpu.dma_semaphore, #tpu.memory_space<semaphore_mem>>) src(%dma_wait3A_41 : memref<1024xi32, #tpu.memory_space<hbm>>) dst(%arg6 : memref<1024xi32, #tpu.memory_space<vmem>>)
      %dma_wait3A_42 = arith.constant 0 : i32
      %dma_wait3A_43 = tpu.memref_slice %arg3[%add3A_5, %add3A_33, %dma_wait3A_42] : memref<4x819200x16xf32, #tpu.memory_space<hbm>> -> memref<1x1024x16xf32, #tpu.memory_space<hbm>>
      %dma_wait3A_44 = tpu.memref_squeeze %dma_wait3A_43 : memref<1x1024x16xf32, #tpu.memory_space<hbm>> -> memref<1024x16xf32, #tpu.memory_space<hbm>>
      %dma_wait3A_45 = arith.constant 0 : i32
      %dma_wait3A_46 = tpu.memref_slice %arg3[%add3A_5, %add3A_33, %dma_wait3A_45] : memref<4x819200x16xf32, #tpu.memory_space<hbm>> -> memref<1x1024x16xf32, #tpu.memory_space<hbm>>
      %dma_wait3A_47 = tpu.memref_squeeze %dma_wait3A_46 : memref<1x1024x16xf32, #tpu.memory_space<hbm>> -> memref<1024x16xf32, #tpu.memory_space<hbm>>
      tpu.wait_dma2 semaphore(%arg9 : memref<!tpu.dma_semaphore, #tpu.memory_space<semaphore_mem>>) src(%dma_wait3A_47 : memref<1024x16xf32, #tpu.memory_space<hbm>>) dst(%arg7 : memref<1024x16xf32, #tpu.memory_space<vmem>>)
      "tpu.region"() ({
        %run_scoped3A = tpu.sem_alloc : memref<!tpu.dma_semaphore, #tpu.memory_space<semaphore_mem>>
        %dma_start3A_48 = arith.constant 0 : i32
        %dma_start3A_49 = arith.constant 0 : i32
        %dma_start3A_50 = tpu.memref_slice %arg8[%dma_start3A_48, %dma_start3A_49] : memref<50000x16xf32, #tpu.memory_space<vmem_shared>> -> memref<50000x16xf32, #tpu.memory_space<vmem_shared>>
        tpu.enqueue_indirect_dma source(%arg7 : memref<1024x16xf32, #tpu.memory_space<vmem>>) target(%dma_start3A_50 : memref<50000x16xf32, #tpu.memory_space<vmem_shared>>) offsets(%arg6 : memref<1024xi32, #tpu.memory_space<vmem>>) semaphore(%run_scoped3A : memref<!tpu.dma_semaphore, #tpu.memory_space<semaphore_mem>>) {add = true}
        %dma_wait3A_51 = arith.constant 0 : i32
        %dma_wait3A_52 = arith.constant 0 : i32
        %dma_wait3A_53 = tpu.memref_slice %arg8[%dma_wait3A_51, %dma_wait3A_52] : memref<50000x16xf32, #tpu.memory_space<vmem_shared>> -> memref<50000x16xf32, #tpu.memory_space<vmem_shared>>
        tpu.wait_indirect_dma semaphore(%run_scoped3A : memref<!tpu.dma_semaphore, #tpu.memory_space<semaphore_mem>>) src(%arg7 : memref<1024x16xf32, #tpu.memory_space<vmem>>) dst(%dma_wait3A_53 : memref<50000x16xf32, #tpu.memory_space<vmem_shared>>)
        tpu.yield
      }) : () -> ()
    }
    %scan3A_10 = arith.constant 50 : i32
    %barrier3A_11 = arith.constant 0 : index
    tpu.barrier barrier_id(%barrier3A_11)
    %mul3A_12 = arith.constant 16 : i32
    %mul3A_13 = arith.muli %mul3A_12, %add3A_5 : i32
    "tpu.region"() ({
      %run_scoped3A = tpu.sem_alloc : memref<!tpu.dma_semaphore, #tpu.memory_space<semaphore_mem>>
      %dma_start3A = tpu.memref_slice %arg5[%mul3A_0, %mul3A_13] : memref<50000x64xf32, #tpu.memory_space<hbm>> -> memref<3125x16xf32, #tpu.memory_space<hbm>>
      %dma_start3A_30 = arith.constant 0 : i32
      %dma_start3A_31 = tpu.memref_slice %arg8[%mul3A_0, %dma_start3A_30] : memref<50000x16xf32, #tpu.memory_space<vmem_shared>> -> memref<3125x16xf32, #tpu.memory_space<vmem_shared>>
      tpu.enqueue_dma source(%dma_start3A_31 : memref<3125x16xf32, #tpu.memory_space<vmem_shared>>) target(%dma_start3A : memref<3125x16xf32, #tpu.memory_space<hbm>>) target_semaphore(%run_scoped3A : memref<!tpu.dma_semaphore, #tpu.memory_space<semaphore_mem>>)
      %dma_wait3A = tpu.memref_slice %arg5[%mul3A_0, %mul3A_13] : memref<50000x64xf32, #tpu.memory_space<hbm>> -> memref<3125x16xf32, #tpu.memory_space<hbm>>
      %dma_wait3A_32 = arith.constant 0 : i32
      %dma_wait3A_33 = tpu.memref_slice %arg8[%mul3A_0, %dma_wait3A_32] : memref<50000x16xf32, #tpu.memory_space<vmem_shared>> -> memref<3125x16xf32, #tpu.memory_space<vmem_shared>>
      tpu.wait_dma2 semaphore(%run_scoped3A : memref<!tpu.dma_semaphore, #tpu.memory_space<semaphore_mem>>) src(%dma_wait3A_33 : memref<3125x16xf32, #tpu.memory_space<vmem_shared>>) dst(%dma_wait3A : memref<3125x16xf32, #tpu.memory_space<hbm>>)
      tpu.yield
    }) : () -> ()
    %barrier3A_14 = arith.constant 0 : index
    tpu.barrier barrier_id(%barrier3A_14)
    %mul3A_15 = arith.constant 2 : i32
    %mul3A_16 = arith.muli %mul3A_15, %arg0 : i32
    %add3A_17 = arith.constant 1 : i32
    %add3A_18 = arith.addi %mul3A_16, %add3A_17 : i32
    "tpu.region"() ({
      %run_scoped3A = tpu.sem_alloc : memref<!tpu.dma_semaphore, #tpu.memory_space<semaphore_mem>>
      %dma_start3A = arith.constant 0 : i32
      %dma_start3A_30 = tpu.memref_slice %arg8[%mul3A_0, %dma_start3A] : memref<50000x16xf32, #tpu.memory_space<vmem_shared>> -> memref<3125x16xf32, #tpu.memory_space<vmem_shared>>
      %dma_start3A_31 = arith.constant 0 : i32
      %dma_start3A_32 = tpu.memref_slice %arg4[%mul3A_0, %dma_start3A_31] : memref<50000x16xf32, #tpu.memory_space<hbm>> -> memref<3125x16xf32, #tpu.memory_space<hbm>>
      tpu.enqueue_dma source(%dma_start3A_32 : memref<3125x16xf32, #tpu.memory_space<hbm>>) target(%dma_start3A_30 : memref<3125x16xf32, #tpu.memory_space<vmem_shared>>) target_semaphore(%run_scoped3A : memref<!tpu.dma_semaphore, #tpu.memory_space<semaphore_mem>>)
      %dma_wait3A = arith.constant 0 : i32
      %dma_wait3A_33 = tpu.memref_slice %arg8[%mul3A_0, %dma_wait3A] : memref<50000x16xf32, #tpu.memory_space<vmem_shared>> -> memref<3125x16xf32, #tpu.memory_space<vmem_shared>>
      %dma_wait3A_34 = arith.constant 0 : i32
      %dma_wait3A_35 = tpu.memref_slice %arg4[%mul3A_0, %dma_wait3A_34] : memref<50000x16xf32, #tpu.memory_space<hbm>> -> memref<3125x16xf32, #tpu.memory_space<hbm>>
      tpu.wait_dma2 semaphore(%run_scoped3A : memref<!tpu.dma_semaphore, #tpu.memory_space<semaphore_mem>>) src(%dma_wait3A_35 : memref<3125x16xf32, #tpu.memory_space<hbm>>) dst(%dma_wait3A_33 : memref<3125x16xf32, #tpu.memory_space<vmem_shared>>)
      tpu.yield
    }) : () -> ()
    %barrier3A_19 = arith.constant 0 : index
    tpu.barrier barrier_id(%barrier3A_19)
    %scan3A_20 = arith.constant 0 : i32
    %scan3A_21 = arith.constant 0 : i32
    %scan3A_22 = arith.constant 50 : i32
    %scan3A_23 = arith.addi %scan3A_21, %scan3A_22 : i32
    %scan3A_24 = arith.constant 1 : i32
    scf.for %scan3A_30 = %scan3A_21 to %scan3A_23 step %scan3A_24  : i32 {
      %mul3A_31 = arith.constant 1024 : i32
      %mul3A_32 = arith.muli %scan3A_30, %mul3A_31 : i32
      %add3A_33 = arith.addi %mul3A_2, %mul3A_32 : i32
      %dma_start3A = tpu.memref_slice %arg2[%add3A_33] : memref<819200xi32, #tpu.memory_space<hbm>> -> memref<1024xi32, #tpu.memory_space<hbm>>
      %dma_start3A_34 = tpu.memref_slice %arg2[%add3A_33] : memref<819200xi32, #tpu.memory_space<hbm>> -> memref<1024xi32, #tpu.memory_space<hbm>>
      tpu.enqueue_dma source(%dma_start3A_34 : memref<1024xi32, #tpu.memory_space<hbm>>) target(%arg6 : memref<1024xi32, #tpu.memory_space<vmem>>) target_semaphore(%arg9 : memref<!tpu.dma_semaphore, #tpu.memory_space<semaphore_mem>>)
      %dma_start3A_35 = arith.constant 0 : i32
      %dma_start3A_36 = tpu.memref_slice %arg3[%add3A_18, %add3A_33, %dma_start3A_35] : memref<4x819200x16xf32, #tpu.memory_space<hbm>> -> memref<1x1024x16xf32, #tpu.memory_space<hbm>>
      %dma_start3A_37 = tpu.memref_squeeze %dma_start3A_36 : memref<1x1024x16xf32, #tpu.memory_space<hbm>> -> memref<1024x16xf32, #tpu.memory_space<hbm>>
      %dma_start3A_38 = arith.constant 0 : i32
      %dma_start3A_39 = tpu.memref_slice %arg3[%add3A_18, %add3A_33, %dma_start3A_38] : memref<4x819200x16xf32, #tpu.memory_space<hbm>> -> memref<1x1024x16xf32, #tpu.memory_space<hbm>>
      %dma_start3A_40 = tpu.memref_squeeze %dma_start3A_39 : memref<1x1024x16xf32, #tpu.memory_space<hbm>> -> memref<1024x16xf32, #tpu.memory_space<hbm>>
      tpu.enqueue_dma source(%dma_start3A_40 : memref<1024x16xf32, #tpu.memory_space<hbm>>) target(%arg7 : memref<1024x16xf32, #tpu.memory_space<vmem>>) target_semaphore(%arg9 : memref<!tpu.dma_semaphore, #tpu.memory_space<semaphore_mem>>)
      %dma_wait3A = tpu.memref_slice %arg2[%add3A_33] : memref<819200xi32, #tpu.memory_space<hbm>> -> memref<1024xi32, #tpu.memory_space<hbm>>
      %dma_wait3A_41 = tpu.memref_slice %arg2[%add3A_33] : memref<819200xi32, #tpu.memory_space<hbm>> -> memref<1024xi32, #tpu.memory_space<hbm>>
      tpu.wait_dma2 semaphore(%arg9 : memref<!tpu.dma_semaphore, #tpu.memory_space<semaphore_mem>>) src(%dma_wait3A_41 : memref<1024xi32, #tpu.memory_space<hbm>>) dst(%arg6 : memref<1024xi32, #tpu.memory_space<vmem>>)
      %dma_wait3A_42 = arith.constant 0 : i32
      %dma_wait3A_43 = tpu.memref_slice %arg3[%add3A_18, %add3A_33, %dma_wait3A_42] : memref<4x819200x16xf32, #tpu.memory_space<hbm>> -> memref<1x1024x16xf32, #tpu.memory_space<hbm>>
      %dma_wait3A_44 = tpu.memref_squeeze %dma_wait3A_43 : memref<1x1024x16xf32, #tpu.memory_space<hbm>> -> memref<1024x16xf32, #tpu.memory_space<hbm>>
      %dma_wait3A_45 = arith.constant 0 : i32
      %dma_wait3A_46 = tpu.memref_slice %arg3[%add3A_18, %add3A_33, %dma_wait3A_45] : memref<4x819200x16xf32, #tpu.memory_space<hbm>> -> memref<1x1024x16xf32, #tpu.memory_space<hbm>>
      %dma_wait3A_47 = tpu.memref_squeeze %dma_wait3A_46 : memref<1x1024x16xf32, #tpu.memory_space<hbm>> -> memref<1024x16xf32, #tpu.memory_space<hbm>>
      tpu.wait_dma2 semaphore(%arg9 : memref<!tpu.dma_semaphore, #tpu.memory_space<semaphore_mem>>) src(%dma_wait3A_47 : memref<1024x16xf32, #tpu.memory_space<hbm>>) dst(%arg7 : memref<1024x16xf32, #tpu.memory_space<vmem>>)
      "tpu.region"() ({
        %run_scoped3A = tpu.sem_alloc : memref<!tpu.dma_semaphore, #tpu.memory_space<semaphore_mem>>
        %dma_start3A_48 = arith.constant 0 : i32
        %dma_start3A_49 = arith.constant 0 : i32
        %dma_start3A_50 = tpu.memref_slice %arg8[%dma_start3A_48, %dma_start3A_49] : memref<50000x16xf32, #tpu.memory_space<vmem_shared>> -> memref<50000x16xf32, #tpu.memory_space<vmem_shared>>
        tpu.enqueue_indirect_dma source(%arg7 : memref<1024x16xf32, #tpu.memory_space<vmem>>) target(%dma_start3A_50 : memref<50000x16xf32, #tpu.memory_space<vmem_shared>>) offsets(%arg6 : memref<1024xi32, #tpu.memory_space<vmem>>) semaphore(%run_scoped3A : memref<!tpu.dma_semaphore, #tpu.memory_space<semaphore_mem>>) {add = true}
        %dma_wait3A_51 = arith.constant 0 : i32
        %dma_wait3A_52 = arith.constant 0 : i32
        %dma_wait3A_53 = tpu.memref_slice %arg8[%dma_wait3A_51, %dma_wait3A_52] : memref<50000x16xf32, #tpu.memory_space<vmem_shared>> -> memref<50000x16xf32, #tpu.memory_space<vmem_shared>>
        tpu.wait_indirect_dma semaphore(%run_scoped3A : memref<!tpu.dma_semaphore, #tpu.memory_space<semaphore_mem>>) src(%arg7 : memref<1024x16xf32, #tpu.memory_space<vmem>>) dst(%dma_wait3A_53 : memref<50000x16xf32, #tpu.memory_space<vmem_shared>>)
        tpu.yield
      }) : () -> ()
    }
    %scan3A_25 = arith.constant 50 : i32
    %barrier3A_26 = arith.constant 0 : index
    tpu.barrier barrier_id(%barrier3A_26)
    %mul3A_27 = arith.constant 16 : i32
    %mul3A_28 = arith.muli %mul3A_27, %add3A_18 : i32
    "tpu.region"() ({
      %run_scoped3A = tpu.sem_alloc : memref<!tpu.dma_semaphore, #tpu.memory_space<semaphore_mem>>
      %dma_start3A = tpu.memref_slice %arg5[%mul3A_0, %mul3A_28] : memref<50000x64xf32, #tpu.memory_space<hbm>> -> memref<3125x16xf32, #tpu.memory_space<hbm>>
      %dma_start3A_30 = arith.constant 0 : i32
      %dma_start3A_31 = tpu.memref_slice %arg8[%mul3A_0, %dma_start3A_30] : memref<50000x16xf32, #tpu.memory_space<vmem_shared>> -> memref<3125x16xf32, #tpu.memory_space<vmem_shared>>
      tpu.enqueue_dma source(%dma_start3A_31 : memref<3125x16xf32, #tpu.memory_space<vmem_shared>>) target(%dma_start3A : memref<3125x16xf32, #tpu.memory_space<hbm>>) target_semaphore(%run_scoped3A : memref<!tpu.dma_semaphore, #tpu.memory_space<semaphore_mem>>)
      %dma_wait3A = tpu.memref_slice %arg5[%mul3A_0, %mul3A_28] : memref<50000x64xf32, #tpu.memory_space<hbm>> -> memref<3125x16xf32, #tpu.memory_space<hbm>>
      %dma_wait3A_32 = arith.constant 0 : i32
      %dma_wait3A_33 = tpu.memref_slice %arg8[%mul3A_0, %dma_wait3A_32] : memref<50000x16xf32, #tpu.memory_space<vmem_shared>> -> memref<3125x16xf32, #tpu.memory_space<vmem_shared>>
      tpu.wait_dma2 semaphore(%run_scoped3A : memref<!tpu.dma_semaphore, #tpu.memory_space<semaphore_mem>>) src(%dma_wait3A_33 : memref<3125x16xf32, #tpu.memory_space<vmem_shared>>) dst(%dma_wait3A : memref<3125x16xf32, #tpu.memory_space<hbm>>)
      tpu.yield
    }) : () -> ()
    %barrier3A_29 = arith.constant 0 : index
    tpu.barrier barrier_id(%barrier3A_29)
    return
  }
}

module attributes {stable_mosaic.version = 14 : i64} {
  func.func @_node_prep_body(%arg0: i32, %arg1: memref<2000x4xf32, #tpu.memory_space<vmem>>, %arg2: memref<4x16xf32, #tpu.memory_space<vmem>>, %arg3: memref<4x16xf32, #tpu.memory_space<vmem>>, %arg4: memref<2000x16xf32, #tpu.memory_space<vmem>>, %arg5: memref<2000x16xf32, #tpu.memory_space<vmem>>) attributes {dimension_semantics = [#tpu.dimension_semantics<arbitrary>], iteration_bounds = array<i64: 25>, scalar_prefetch = 0 : i64, scratch_operands = 0 : i64, tpu.core_type = #tpu.core_type<tc>, window_params = [{transform_indices = @transform_0, window_bounds = array<i64: 2000, 4>}, {pipeline_mode = #tpu.pipeline_mode<synchronous>, transform_indices = @transform_1, window_bounds = array<i64: 4, 16>}, {pipeline_mode = #tpu.pipeline_mode<synchronous>, transform_indices = @transform_2, window_bounds = array<i64: 4, 16>}, {transform_indices = @transform_3, window_bounds = array<i64: 2000, 16>}, {transform_indices = @transform_4, window_bounds = array<i64: 2000, 16>}]} {
    %get3A = arith.constant 0 : index
    %get3A_0 = arith.constant 0 : index
    %get3A_1 = vector.load %arg1[%get3A, %get3A_0] : memref<2000x4xf32, #tpu.memory_space<vmem>>, vector<2000x4xf32>
    %get3A_2 = arith.constant 0 : index
    %get3A_3 = arith.constant 0 : index
    %get3A_4 = vector.load %arg2[%get3A_2, %get3A_3] : memref<4x16xf32, #tpu.memory_space<vmem>>, vector<4x16xf32>
    %dot_general3A = arith.constant dense<0.000000e+00> : vector<2000x16xf32>
    %dot_general3A_5 = tpu.matmul %get3A_1, %get3A_4, %dot_general3A {dimension_numbers = #tpu.dot_dimension_numbers<[1], [0], [0], [1], [0, 0, 1, 1], [], []>, transpose_lhs_hint = false} : vector<2000x4xf32>, vector<4x16xf32>, vector<2000x16xf32> -> vector<2000x16xf32>
    %swap3A = arith.constant 0 : index
    %swap3A_6 = arith.constant 0 : index
    %swap3A_7 = vector.load %arg4[%swap3A, %swap3A_6] : memref<2000x16xf32, #tpu.memory_space<vmem>>, vector<2000x16xf32>
    tpu.vector_store %arg4[%swap3A, %swap3A_6], %dot_general3A_5 {strides = array<i32>} : memref<2000x16xf32, #tpu.memory_space<vmem>>, vector<2000x16xf32>,
    %get3A_8 = arith.constant 0 : index
    %get3A_9 = arith.constant 0 : index
    %get3A_10 = vector.load %arg3[%get3A_8, %get3A_9] : memref<4x16xf32, #tpu.memory_space<vmem>>, vector<4x16xf32>
    %dot_general3A_11 = arith.constant dense<0.000000e+00> : vector<2000x16xf32>
    %dot_general3A_12 = tpu.matmul %get3A_1, %get3A_10, %dot_general3A_11 {dimension_numbers = #tpu.dot_dimension_numbers<[1], [0], [0], [1], [0, 0, 1, 1], [], []>, transpose_lhs_hint = false} : vector<2000x4xf32>, vector<4x16xf32>, vector<2000x16xf32> -> vector<2000x16xf32>
    %swap3A_13 = arith.constant 0 : index
    %swap3A_14 = arith.constant 0 : index
    %swap3A_15 = vector.load %arg5[%swap3A_13, %swap3A_14] : memref<2000x16xf32, #tpu.memory_space<vmem>>, vector<2000x16xf32>
    tpu.vector_store %arg5[%swap3A_13, %swap3A_14], %dot_general3A_12 {strides = array<i32>} : memref<2000x16xf32, #tpu.memory_space<vmem>>, vector<2000x16xf32>,
    return
  }
  func.func @transform_0(%arg0: i32) -> (i32, i32) {
    %c0_i32 = arith.constant 0 : i32
    %c0_i32_0 = arith.constant 0 : i32
    return %arg0, %c0_i32 : i32, i32
  }
  func.func @transform_1(%arg0: i32) -> (i32, i32) {
    %c0_i32 = arith.constant 0 : i32
    %c0_i32_0 = arith.constant 0 : i32
    %c0_i32_1 = arith.constant 0 : i32
    return %c0_i32, %c0_i32_0 : i32, i32
  }
  func.func @transform_2(%arg0: i32) -> (i32, i32) {
    %c0_i32 = arith.constant 0 : i32
    %c0_i32_0 = arith.constant 0 : i32
    %c0_i32_1 = arith.constant 0 : i32
    return %c0_i32, %c0_i32_0 : i32, i32
  }
  func.func @transform_3(%arg0: i32) -> (i32, i32) {
    %c0_i32 = arith.constant 0 : i32
    %c0_i32_0 = arith.constant 0 : i32
    return %arg0, %c0_i32 : i32, i32
  }
  func.func @transform_4(%arg0: i32) -> (i32, i32) {
    %c0_i32 = arith.constant 0 : i32
    %c0_i32_0 = arith.constant 0 : i32
    return %arg0, %c0_i32 : i32, i32
  }
}

module attributes {stable_mosaic.version = 14 : i64} {
  func.func @_edge_prep_body(%arg0: i32, %arg1: memref<256x8xf32, #tpu.memory_space<vmem>>, %arg2: memref<256x32xf32, #tpu.memory_space<vmem>>, %arg3: memref<8x64xf32, #tpu.memory_space<vmem>>, %arg4: memref<1x64xf32, #tpu.memory_space<vmem>>, %arg5: memref<4x32x128xf32, #tpu.memory_space<vmem>>, %arg6: memref<64x512xf32, #tpu.memory_space<vmem>>, %arg7: memref<1x512xf32, #tpu.memory_space<vmem>>, %arg8: memref<512x128xf32, #tpu.memory_space<vmem>>, %arg9: memref<64x512xf32, #tpu.memory_space<vmem>>, %arg10: memref<1x512xf32, #tpu.memory_space<vmem>>, %arg11: memref<512x128xf32, #tpu.memory_space<vmem>>, %arg12: memref<32x128xf32, #tpu.memory_space<vmem>>, %arg13: memref<4x256x128xf32, #tpu.memory_space<vmem>>, %arg14: memref<256x128xf32, #tpu.memory_space<vmem>>, %arg15: memref<256x128xf32, #tpu.memory_space<vmem>>) attributes {dimension_semantics = [#tpu.dimension_semantics<arbitrary>], iteration_bounds = array<i64: 400>, scalar_prefetch = 0 : i64, scratch_operands = 0 : i64, tpu.core_type = #tpu.core_type<tc>, window_params = [{transform_indices = @transform_0, window_bounds = array<i64: 256, 8>}, {transform_indices = @transform_1, window_bounds = array<i64: 256, 32>}, {pipeline_mode = #tpu.pipeline_mode<synchronous>, transform_indices = @transform_2, window_bounds = array<i64: 8, 64>}, {pipeline_mode = #tpu.pipeline_mode<synchronous>, transform_indices = @transform_3, window_bounds = array<i64: 1, 64>}, {pipeline_mode = #tpu.pipeline_mode<synchronous>, transform_indices = @transform_4, window_bounds = array<i64: 4, 32, 128>}, {pipeline_mode = #tpu.pipeline_mode<synchronous>, transform_indices = @transform_5, window_bounds = array<i64: 64, 512>}, {pipeline_mode = #tpu.pipeline_mode<synchronous>, transform_indices = @transform_6, window_bounds = array<i64: 1, 512>}, {pipeline_mode = #tpu.pipeline_mode<synchronous>, transform_indices = @transform_7, window_bounds = array<i64: 512, 128>}, {pipeline_mode = #tpu.pipeline_mode<synchronous>, transform_indices = @transform_8, window_bounds = array<i64: 64, 512>}, {pipeline_mode = #tpu.pipeline_mode<synchronous>, transform_indices = @transform_9, window_bounds = array<i64: 1, 512>}, {pipeline_mode = #tpu.pipeline_mode<synchronous>, transform_indices = @transform_10, window_bounds = array<i64: 512, 128>}, {pipeline_mode = #tpu.pipeline_mode<synchronous>, transform_indices = @transform_11, window_bounds = array<i64: 32, 128>}, {transform_indices = @transform_12, window_bounds = array<i64: 4, 256, 128>}, {transform_indices = @transform_13, window_bounds = array<i64: 256, 128>}, {transform_indices = @transform_14, window_bounds = array<i64: 256, 128>}]} {
    %get3A = arith.constant 0 : index
    %get3A_0 = arith.constant 0 : index
    %get3A_1 = vector.load %arg1[%get3A, %get3A_0] : memref<256x8xf32, #tpu.memory_space<vmem>>, vector<256x8xf32>
    %add3A = arith.constant 9.99999997E-7 : f32
    %add3A_2 = vector.broadcast %add3A : f32 to vector<256x8xf32>
    %add3A_3 = arith.addf %get3A_1, %add3A_2 : vector<256x8xf32>
    %get3A_4 = arith.constant 0 : index
    %get3A_5 = arith.constant 0 : index
    %get3A_6 = vector.load %arg3[%get3A_4, %get3A_5] : memref<8x64xf32, #tpu.memory_space<vmem>>, vector<8x64xf32>
    %dot_general3A = arith.constant dense<0.000000e+00> : vector<256x64xf32>
    %dot_general3A_7 = tpu.matmul %add3A_3, %get3A_6, %dot_general3A {dimension_numbers = #tpu.dot_dimension_numbers<[1], [0], [0], [1], [0, 0, 1, 1], [], []>, precision = #tpu.contract_precision<fp32>, transpose_lhs_hint = false} : vector<256x8xf32>, vector<8x64xf32>, vector<256x64xf32> -> vector<256x64xf32>
    %get3A_8 = arith.constant 0 : index
    %get3A_9 = arith.constant 0 : index
    %get3A_10 = vector.load %arg4[%get3A_8, %get3A_9] : memref<1x64xf32, #tpu.memory_space<vmem>>, vector<1x64xf32>
    %mul3A = arith.constant 3.14159274 : f32
    %mul3A_11 = vector.broadcast %mul3A : f32 to vector<1x64xf32>
    %mul3A_12 = arith.mulf %get3A_10, %mul3A_11 : vector<1x64xf32>
    %mul3A_13 = vector.broadcast %mul3A_12 : vector<1x64xf32> to vector<256x64xf32>
    %mul3A_14 = arith.mulf %mul3A_13, %dot_general3A_7 : vector<256x64xf32>
    %sin3A = math.sin %mul3A_14 : vector<256x64xf32>
    %mul3A_15 = arith.constant 1.41421354 : f32
    %mul3A_16 = vector.broadcast %mul3A_15 : f32 to vector<256x64xf32>
    %mul3A_17 = arith.mulf %mul3A_16, %sin3A : vector<256x64xf32>
    %div3A = arith.divf %mul3A_17, %dot_general3A_7 : vector<256x64xf32>
    %get3A_18 = arith.constant 0 : index
    %get3A_19 = arith.constant 0 : index
    %get3A_20 = vector.load %arg6[%get3A_18, %get3A_19] : memref<64x512xf32, #tpu.memory_space<vmem>>, vector<64x512xf32>
    %dot_general3A_21 = arith.constant dense<0.000000e+00> : vector<256x512xf32>
    %dot_general3A_22 = tpu.matmul %div3A, %get3A_20, %dot_general3A_21 {dimension_numbers = #tpu.dot_dimension_numbers<[1], [0], [0], [1], [0, 0, 1, 1], [], []>, transpose_lhs_hint = false} : vector<256x64xf32>, vector<64x512xf32>, vector<256x512xf32> -> vector<256x512xf32>
    %get3A_23 = arith.constant 0 : index
    %get3A_24 = arith.constant 0 : index
    %get3A_25 = vector.load %arg7[%get3A_23, %get3A_24] : memref<1x512xf32, #tpu.memory_space<vmem>>, vector<1x512xf32>
    %add3A_26 = vector.broadcast %get3A_25 : vector<1x512xf32> to vector<256x512xf32>
    %add3A_27 = arith.addf %dot_general3A_22, %add3A_26 : vector<256x512xf32>
    %tanh3A = math.tanh %add3A_27 : vector<256x512xf32>
    %get3A_28 = arith.constant 0 : index
    %get3A_29 = arith.constant 0 : index
    %get3A_30 = vector.load %arg8[%get3A_28, %get3A_29] : memref<512x128xf32, #tpu.memory_space<vmem>>, vector<512x128xf32>
    %dot_general3A_31 = arith.constant dense<0.000000e+00> : vector<256x128xf32>
    %dot_general3A_32 = tpu.matmul %tanh3A, %get3A_30, %dot_general3A_31 {dimension_numbers = #tpu.dot_dimension_numbers<[1], [0], [0], [1], [0, 0, 1, 1], [], []>, transpose_lhs_hint = false} : vector<256x512xf32>, vector<512x128xf32>, vector<256x128xf32> -> vector<256x128xf32>
    %get3A_33 = arith.constant 0 : index
    %get3A_34 = arith.constant 0 : index
    %get3A_35 = vector.load %arg9[%get3A_33, %get3A_34] : memref<64x512xf32, #tpu.memory_space<vmem>>, vector<64x512xf32>
    %dot_general3A_36 = arith.constant dense<0.000000e+00> : vector<256x512xf32>
    %dot_general3A_37 = tpu.matmul %div3A, %get3A_35, %dot_general3A_36 {dimension_numbers = #tpu.dot_dimension_numbers<[1], [0], [0], [1], [0, 0, 1, 1], [], []>, transpose_lhs_hint = false} : vector<256x64xf32>, vector<64x512xf32>, vector<256x512xf32> -> vector<256x512xf32>
    %get3A_38 = arith.constant 0 : index
    %get3A_39 = arith.constant 0 : index
    %get3A_40 = vector.load %arg10[%get3A_38, %get3A_39] : memref<1x512xf32, #tpu.memory_space<vmem>>, vector<1x512xf32>
    %add3A_41 = vector.broadcast %get3A_40 : vector<1x512xf32> to vector<256x512xf32>
    %add3A_42 = arith.addf %dot_general3A_37, %add3A_41 : vector<256x512xf32>
    %tanh3A_43 = math.tanh %add3A_42 : vector<256x512xf32>
    %get3A_44 = arith.constant 0 : index
    %get3A_45 = arith.constant 0 : index
    %get3A_46 = vector.load %arg11[%get3A_44, %get3A_45] : memref<512x128xf32, #tpu.memory_space<vmem>>, vector<512x128xf32>
    %dot_general3A_47 = arith.constant dense<0.000000e+00> : vector<256x128xf32>
    %dot_general3A_48 = tpu.matmul %tanh3A_43, %get3A_46, %dot_general3A_47 {dimension_numbers = #tpu.dot_dimension_numbers<[1], [0], [0], [1], [0, 0, 1, 1], [], []>, transpose_lhs_hint = false} : vector<256x512xf32>, vector<512x128xf32>, vector<256x128xf32> -> vector<256x128xf32>
    %swap3A = arith.constant 0 : index
    %swap3A_49 = arith.constant 0 : index
    %swap3A_50 = vector.load %arg14[%swap3A, %swap3A_49] : memref<256x128xf32, #tpu.memory_space<vmem>>, vector<256x128xf32>
    tpu.vector_store %arg14[%swap3A, %swap3A_49], %dot_general3A_48 {strides = array<i32>} : memref<256x128xf32, #tpu.memory_space<vmem>>, vector<256x128xf32>,
    %get3A_51 = arith.constant 0 : index
    %get3A_52 = arith.constant 0 : index
    %get3A_53 = vector.load %arg2[%get3A_51, %get3A_52] : memref<256x32xf32, #tpu.memory_space<vmem>>, vector<256x32xf32>
    %get3A_54 = arith.constant 0 : index
    %get3A_55 = arith.constant 0 : index
    %get3A_56 = vector.load %arg12[%get3A_54, %get3A_55] : memref<32x128xf32, #tpu.memory_space<vmem>>, vector<32x128xf32>
    %dot_general3A_57 = arith.constant dense<0.000000e+00> : vector<256x128xf32>
    %dot_general3A_58 = tpu.matmul %get3A_53, %get3A_56, %dot_general3A_57 {dimension_numbers = #tpu.dot_dimension_numbers<[1], [0], [0], [1], [0, 0, 1, 1], [], []>, transpose_lhs_hint = false} : vector<256x32xf32>, vector<32x128xf32>, vector<256x128xf32> -> vector<256x128xf32>
    %swap3A_59 = arith.constant 0 : index
    %swap3A_60 = arith.constant 0 : index
    %swap3A_61 = vector.load %arg15[%swap3A_59, %swap3A_60] : memref<256x128xf32, #tpu.memory_space<vmem>>, vector<256x128xf32>
    tpu.vector_store %arg15[%swap3A_59, %swap3A_60], %dot_general3A_58 {strides = array<i32>} : memref<256x128xf32, #tpu.memory_space<vmem>>, vector<256x128xf32>,
    %get3A_62 = arith.constant 0 : index
    %get3A_63 = arith.constant 0 : index
    %get3A_64 = vector.load %arg2[%get3A_62, %get3A_63] : memref<256x32xf32, #tpu.memory_space<vmem>>, vector<256x32xf32>
    %get3A_65 = arith.constant 0 : index
    %get3A_66 = arith.constant 0 : index
    %get3A_67 = arith.constant 0 : index
    %get3A_68 = vector.load %arg5[%get3A_65, %get3A_66, %get3A_67] : memref<4x32x128xf32, #tpu.memory_space<vmem>>, vector<1x32x128xf32>
    %get3A_69 = vector.shape_cast %get3A_68 : vector<1x32x128xf32> to vector<32x128xf32>
    %dot_general3A_70 = arith.constant dense<0.000000e+00> : vector<256x128xf32>
    %dot_general3A_71 = tpu.matmul %get3A_64, %get3A_69, %dot_general3A_70 {dimension_numbers = #tpu.dot_dimension_numbers<[1], [0], [0], [1], [0, 0, 1, 1], [], []>, precision = #tpu.contract_precision<fp32>, transpose_lhs_hint = false} : vector<256x32xf32>, vector<32x128xf32>, vector<256x128xf32> -> vector<256x128xf32>
    %mul3A_72 = arith.mulf %dot_general3A_32, %dot_general3A_71 : vector<256x128xf32>
    %swap3A_73 = arith.constant 0 : index
    %swap3A_74 = arith.constant 0 : index
    %swap3A_75 = arith.constant 0 : index
    %swap3A_76 = vector.load %arg13[%swap3A_73, %swap3A_74, %swap3A_75] : memref<4x256x128xf32, #tpu.memory_space<vmem>>, vector<1x256x128xf32>
    %swap3A_77 = vector.shape_cast %swap3A_76 : vector<1x256x128xf32> to vector<256x128xf32>
    %swap3A_78 = vector.shape_cast %mul3A_72 : vector<256x128xf32> to vector<1x256x128xf32>
    tpu.vector_store %arg13[%swap3A_73, %swap3A_74, %swap3A_75], %swap3A_78 {strides = array<i32>} : memref<4x256x128xf32, #tpu.memory_space<vmem>>, vector<1x256x128xf32>,
    %get3A_79 = arith.constant 1 : index
    %get3A_80 = arith.constant 0 : index
    %get3A_81 = arith.constant 0 : index
    %get3A_82 = vector.load %arg5[%get3A_79, %get3A_80, %get3A_81] : memref<4x32x128xf32, #tpu.memory_space<vmem>>, vector<1x32x128xf32>
    %get3A_83 = vector.shape_cast %get3A_82 : vector<1x32x128xf32> to vector<32x128xf32>
    %dot_general3A_84 = arith.constant dense<0.000000e+00> : vector<256x128xf32>
    %dot_general3A_85 = tpu.matmul %get3A_64, %get3A_83, %dot_general3A_84 {dimension_numbers = #tpu.dot_dimension_numbers<[1], [0], [0], [1], [0, 0, 1, 1], [], []>, precision = #tpu.contract_precision<fp32>, transpose_lhs_hint = false} : vector<256x32xf32>, vector<32x128xf32>, vector<256x128xf32> -> vector<256x128xf32>
    %mul3A_86 = arith.mulf %dot_general3A_32, %dot_general3A_85 : vector<256x128xf32>
    %swap3A_87 = arith.constant 1 : index
    %swap3A_88 = arith.constant 0 : index
    %swap3A_89 = arith.constant 0 : index
    %swap3A_90 = vector.load %arg13[%swap3A_87, %swap3A_88, %swap3A_89] : memref<4x256x128xf32, #tpu.memory_space<vmem>>, vector<1x256x128xf32>
    %swap3A_91 = vector.shape_cast %swap3A_90 : vector<1x256x128xf32> to vector<256x128xf32>
    %swap3A_92 = vector.shape_cast %mul3A_86 : vector<256x128xf32> to vector<1x256x128xf32>
    tpu.vector_store %arg13[%swap3A_87, %swap3A_88, %swap3A_89], %swap3A_92 {strides = array<i32>} : memref<4x256x128xf32, #tpu.memory_space<vmem>>, vector<1x256x128xf32>,
    %get3A_93 = arith.constant 2 : index
    %get3A_94 = arith.constant 0 : index
    %get3A_95 = arith.constant 0 : index
    %get3A_96 = vector.load %arg5[%get3A_93, %get3A_94, %get3A_95] : memref<4x32x128xf32, #tpu.memory_space<vmem>>, vector<1x32x128xf32>
    %get3A_97 = vector.shape_cast %get3A_96 : vector<1x32x128xf32> to vector<32x128xf32>
    %dot_general3A_98 = arith.constant dense<0.000000e+00> : vector<256x128xf32>
    %dot_general3A_99 = tpu.matmul %get3A_64, %get3A_97, %dot_general3A_98 {dimension_numbers = #tpu.dot_dimension_numbers<[1], [0], [0], [1], [0, 0, 1, 1], [], []>, precision = #tpu.contract_precision<fp32>, transpose_lhs_hint = false} : vector<256x32xf32>, vector<32x128xf32>, vector<256x128xf32> -> vector<256x128xf32>
    %mul3A_100 = arith.mulf %dot_general3A_32, %dot_general3A_99 : vector<256x128xf32>
    %swap3A_101 = arith.constant 2 : index
    %swap3A_102 = arith.constant 0 : index
    %swap3A_103 = arith.constant 0 : index
    %swap3A_104 = vector.load %arg13[%swap3A_101, %swap3A_102, %swap3A_103] : memref<4x256x128xf32, #tpu.memory_space<vmem>>, vector<1x256x128xf32>
    %swap3A_105 = vector.shape_cast %swap3A_104 : vector<1x256x128xf32> to vector<256x128xf32>
    %swap3A_106 = vector.shape_cast %mul3A_100 : vector<256x128xf32> to vector<1x256x128xf32>
    tpu.vector_store %arg13[%swap3A_101, %swap3A_102, %swap3A_103], %swap3A_106 {strides = array<i32>} : memref<4x256x128xf32, #tpu.memory_space<vmem>>, vector<1x256x128xf32>,
    %get3A_107 = arith.constant 3 : index
    %get3A_108 = arith.constant 0 : index
    %get3A_109 = arith.constant 0 : index
    %get3A_110 = vector.load %arg5[%get3A_107, %get3A_108, %get3A_109] : memref<4x32x128xf32, #tpu.memory_space<vmem>>, vector<1x32x128xf32>
    %get3A_111 = vector.shape_cast %get3A_110 : vector<1x32x128xf32> to vector<32x128xf32>
    %dot_general3A_112 = arith.constant dense<0.000000e+00> : vector<256x128xf32>
    %dot_general3A_113 = tpu.matmul %get3A_64, %get3A_111, %dot_general3A_112 {dimension_numbers = #tpu.dot_dimension_numbers<[1], [0], [0], [1], [0, 0, 1, 1], [], []>, precision = #tpu.contract_precision<fp32>, transpose_lhs_hint = false} : vector<256x32xf32>, vector<32x128xf32>, vector<256x128xf32> -> vector<256x128xf32>
    %mul3A_114 = arith.mulf %dot_general3A_32, %dot_general3A_113 : vector<256x128xf32>
    %swap3A_115 = arith.constant 3 : index
    %swap3A_116 = arith.constant 0 : index
    %swap3A_117 = arith.constant 0 : index
    %swap3A_118 = vector.load %arg13[%swap3A_115, %swap3A_116, %swap3A_117] : memref<4x256x128xf32, #tpu.memory_space<vmem>>, vector<1x256x128xf32>
    %swap3A_119 = vector.shape_cast %swap3A_118 : vector<1x256x128xf32> to vector<256x128xf32>
    %swap3A_120 = vector.shape_cast %mul3A_114 : vector<256x128xf32> to vector<1x256x128xf32>
    tpu.vector_store %arg13[%swap3A_115, %swap3A_116, %swap3A_117], %swap3A_120 {strides = array<i32>} : memref<4x256x128xf32, #tpu.memory_space<vmem>>, vector<1x256x128xf32>,
    return
  }
  func.func @transform_0(%arg0: i32) -> (i32, i32) {
    %c0_i32 = arith.constant 0 : i32
    %c0_i32_0 = arith.constant 0 : i32
    return %arg0, %c0_i32 : i32, i32
  }
  func.func @transform_1(%arg0: i32) -> (i32, i32) {
    %c0_i32 = arith.constant 0 : i32
    %c0_i32_0 = arith.constant 0 : i32
    return %arg0, %c0_i32 : i32, i32
  }
  func.func @transform_2(%arg0: i32) -> (i32, i32) {
    %c0_i32 = arith.constant 0 : i32
    %c0_i32_0 = arith.constant 0 : i32
    %c0_i32_1 = arith.constant 0 : i32
    return %c0_i32, %c0_i32_0 : i32, i32
  }
  func.func @transform_3(%arg0: i32) -> (i32, i32) {
    %c0_i32 = arith.constant 0 : i32
    %c0_i32_0 = arith.constant 0 : i32
    %c0_i32_1 = arith.constant 0 : i32
    return %c0_i32, %c0_i32_0 : i32, i32
  }
  func.func @transform_4(%arg0: i32) -> (i32, i32, i32) {
    %c0_i32 = arith.constant 0 : i32
    %c0_i32_0 = arith.constant 0 : i32
    %c0_i32_1 = arith.constant 0 : i32
    %c0_i32_2 = arith.constant 0 : i32
    return %c0_i32, %c0_i32_0, %c0_i32_1 : i32, i32, i32
  }
  func.func @transform_5(%arg0: i32) -> (i32, i32) {
    %c0_i32 = arith.constant 0 : i32
    %c0_i32_0 = arith.constant 0 : i32
    %c0_i32_1 = arith.constant 0 : i32
    return %c0_i32, %c0_i32_0 : i32, i32
  }
  func.func @transform_6(%arg0: i32) -> (i32, i32) {
    %c0_i32 = arith.constant 0 : i32
    %c0_i32_0 = arith.constant 0 : i32
    %c0_i32_1 = arith.constant 0 : i32
    return %c0_i32, %c0_i32_0 : i32, i32
  }
  func.func @transform_7(%arg0: i32) -> (i32, i32) {
    %c0_i32 = arith.constant 0 : i32
    %c0_i32_0 = arith.constant 0 : i32
    %c0_i32_1 = arith.constant 0 : i32
    return %c0_i32, %c0_i32_0 : i32, i32
  }
  func.func @transform_8(%arg0: i32) -> (i32, i32) {
    %c0_i32 = arith.constant 0 : i32
    %c0_i32_0 = arith.constant 0 : i32
    %c0_i32_1 = arith.constant 0 : i32
    return %c0_i32, %c0_i32_0 : i32, i32
  }
  func.func @transform_9(%arg0: i32) -> (i32, i32) {
    %c0_i32 = arith.constant 0 : i32
    %c0_i32_0 = arith.constant 0 : i32
    %c0_i32_1 = arith.constant 0 : i32
    return %c0_i32, %c0_i32_0 : i32, i32
  }
  func.func @transform_10(%arg0: i32) -> (i32, i32) {
    %c0_i32 = arith.constant 0 : i32
    %c0_i32_0 = arith.constant 0 : i32
    %c0_i32_1 = arith.constant 0 : i32
    return %c0_i32, %c0_i32_0 : i32, i32
  }
  func.func @transform_11(%arg0: i32) -> (i32, i32) {
    %c0_i32 = arith.constant 0 : i32
    %c0_i32_0 = arith.constant 0 : i32
    %c0_i32_1 = arith.constant 0 : i32
    return %c0_i32, %c0_i32_0 : i32, i32
  }
  func.func @transform_12(%arg0: i32) -> (i32, i32, i32) {
    %c0_i32 = arith.constant 0 : i32
    %c0_i32_0 = arith.constant 0 : i32
    %c0_i32_1 = arith.constant 0 : i32
    return %c0_i32, %arg0, %c0_i32_0 : i32, i32, i32
  }
  func.func @transform_13(%arg0: i32) -> (i32, i32) {
    %c0_i32 = arith.constant 0 : i32
    %c0_i32_0 = arith.constant 0 : i32
    return %arg0, %c0_i32 : i32, i32
  }
  func.func @transform_14(%arg0: i32) -> (i32, i32) {
    %c0_i32 = arith.constant 0 : i32
    %c0_i32_0 = arith.constant 0 : i32
    return %arg0, %c0_i32 : i32, i32
  }
}

module attributes {stable_mosaic.version = 14 : i64} {
  func.func @_node1_body(%arg0: i32, %arg1: memref<2000x64xf32, #tpu.memory_space<vmem>>, %arg2: memref<2000x16xf32, #tpu.memory_space<vmem>>, %arg3: memref<10x64xf32, #tpu.memory_space<vmem>>, %arg4: memref<64x64xf32, #tpu.memory_space<vmem>>, %arg5: memref<4x64x64xf32, #tpu.memory_space<vmem>>, %arg6: memref<16x64xf32, #tpu.memory_space<vmem>>, %arg7: memref<2000x64xf32, #tpu.memory_space<vmem>>, %arg8: memref<1x64xf32, #tpu.memory_space<vmem>>) attributes {dimension_semantics = [#tpu.dimension_semantics<arbitrary>], iteration_bounds = array<i64: 25>, scalar_prefetch = 0 : i64, scratch_operands = 0 : i64, tpu.core_type = #tpu.core_type<tc>, window_params = [{transform_indices = @transform_0, window_bounds = array<i64: 2000, 64>}, {transform_indices = @transform_1, window_bounds = array<i64: 2000, 16>}, {pipeline_mode = #tpu.pipeline_mode<synchronous>, transform_indices = @transform_2, window_bounds = array<i64: 10, 64>}, {pipeline_mode = #tpu.pipeline_mode<synchronous>, transform_indices = @transform_3, window_bounds = array<i64: 64, 64>}, {pipeline_mode = #tpu.pipeline_mode<synchronous>, transform_indices = @transform_4, window_bounds = array<i64: 4, 64, 64>}, {pipeline_mode = #tpu.pipeline_mode<synchronous>, transform_indices = @transform_5, window_bounds = array<i64: 16, 64>}, {transform_indices = @transform_6, window_bounds = array<i64: 2000, 64>}, {pipeline_mode = #tpu.pipeline_mode<synchronous>, transform_indices = @transform_7, window_bounds = array<i64: 1, 64>}]} {
    %get3A = arith.constant 0 : index
    %get3A_0 = arith.constant 0 : index
    %get3A_1 = vector.load %arg1[%get3A, %get3A_0] : memref<2000x64xf32, #tpu.memory_space<vmem>>, vector<2000x64xf32>
    %get3A_2 = arith.constant 0 : index
    %get3A_3 = arith.constant 0 : index
    %get3A_4 = vector.load %arg6[%get3A_2, %get3A_3] : memref<16x64xf32, #tpu.memory_space<vmem>>, vector<16x64xf32>
    %get3A_5 = arith.constant 0 : index
    %get3A_6 = arith.constant 0 : index
    %get3A_7 = arith.constant 0 : index
    %get3A_8 = vector.load %arg5[%get3A_5, %get3A_6, %get3A_7] : memref<4x64x64xf32, #tpu.memory_space<vmem>>, vector<1x64x64xf32>
    %get3A_9 = vector.shape_cast %get3A_8 : vector<1x64x64xf32> to vector<64x64xf32>
    %dot_general3A = arith.constant dense<0.000000e+00> : vector<2000x64xf32>
    %dot_general3A_10 = tpu.matmul %get3A_1, %get3A_9, %dot_general3A {dimension_numbers = #tpu.dot_dimension_numbers<[1], [0], [0], [1], [0, 0, 1, 1], [], []>, precision = #tpu.contract_precision<fp32>, transpose_lhs_hint = false} : vector<2000x64xf32>, vector<64x64xf32>, vector<2000x64xf32> -> vector<2000x64xf32>
    %get3A_11 = arith.constant 1 : index
    %get3A_12 = arith.constant 0 : index
    %get3A_13 = arith.constant 0 : index
    %get3A_14 = vector.load %arg5[%get3A_11, %get3A_12, %get3A_13] : memref<4x64x64xf32, #tpu.memory_space<vmem>>, vector<1x64x64xf32>
    %get3A_15 = vector.shape_cast %get3A_14 : vector<1x64x64xf32> to vector<64x64xf32>
    %dot_general3A_16 = arith.constant dense<0.000000e+00> : vector<2000x64xf32>
    %dot_general3A_17 = tpu.matmul %get3A_1, %get3A_15, %dot_general3A_16 {dimension_numbers = #tpu.dot_dimension_numbers<[1], [0], [0], [1], [0, 0, 1, 1], [], []>, precision = #tpu.contract_precision<fp32>, transpose_lhs_hint = false} : vector<2000x64xf32>, vector<64x64xf32>, vector<2000x64xf32> -> vector<2000x64xf32>
    %get3A_18 = arith.constant 2 : index
    %get3A_19 = arith.constant 0 : index
    %get3A_20 = arith.constant 0 : index
    %get3A_21 = vector.load %arg5[%get3A_18, %get3A_19, %get3A_20] : memref<4x64x64xf32, #tpu.memory_space<vmem>>, vector<1x64x64xf32>
    %get3A_22 = vector.shape_cast %get3A_21 : vector<1x64x64xf32> to vector<64x64xf32>
    %dot_general3A_23 = arith.constant dense<0.000000e+00> : vector<2000x64xf32>
    %dot_general3A_24 = tpu.matmul %get3A_1, %get3A_22, %dot_general3A_23 {dimension_numbers = #tpu.dot_dimension_numbers<[1], [0], [0], [1], [0, 0, 1, 1], [], []>, precision = #tpu.contract_precision<fp32>, transpose_lhs_hint = false} : vector<2000x64xf32>, vector<64x64xf32>, vector<2000x64xf32> -> vector<2000x64xf32>
    %get3A_25 = arith.constant 3 : index
    %get3A_26 = arith.constant 0 : index
    %get3A_27 = arith.constant 0 : index
    %get3A_28 = vector.load %arg5[%get3A_25, %get3A_26, %get3A_27] : memref<4x64x64xf32, #tpu.memory_space<vmem>>, vector<1x64x64xf32>
    %get3A_29 = vector.shape_cast %get3A_28 : vector<1x64x64xf32> to vector<64x64xf32>
    %dot_general3A_30 = arith.constant dense<0.000000e+00> : vector<2000x64xf32>
    %dot_general3A_31 = tpu.matmul %get3A_1, %get3A_29, %dot_general3A_30 {dimension_numbers = #tpu.dot_dimension_numbers<[1], [0], [0], [1], [0, 0, 1, 1], [], []>, precision = #tpu.contract_precision<fp32>, transpose_lhs_hint = false} : vector<2000x64xf32>, vector<64x64xf32>, vector<2000x64xf32> -> vector<2000x64xf32>
    %mul3A = arith.mulf %dot_general3A_10, %dot_general3A_10 : vector<2000x64xf32>
    %get3A_32 = arith.constant 0 : index
    %get3A_33 = arith.constant 0 : index
    %get3A_34 = vector.load %arg3[%get3A_32, %get3A_33] : memref<10x64xf32, #tpu.memory_space<vmem>>, vector<1x64xf32>
    %mul3A_35 = vector.broadcast %get3A_34 : vector<1x64xf32> to vector<2000x64xf32>
    %mul3A_36 = arith.mulf %mul3A, %mul3A_35 : vector<2000x64xf32>
    %mul3A_37 = arith.mulf %dot_general3A_10, %dot_general3A_17 : vector<2000x64xf32>
    %get3A_38 = arith.constant 1 : index
    %get3A_39 = arith.constant 0 : index
    %get3A_40 = vector.load %arg3[%get3A_38, %get3A_39] : memref<10x64xf32, #tpu.memory_space<vmem>>, vector<1x64xf32>
    %mul3A_41 = vector.broadcast %get3A_40 : vector<1x64xf32> to vector<2000x64xf32>
    %mul3A_42 = arith.mulf %mul3A_37, %mul3A_41 : vector<2000x64xf32>
    %add3A = arith.addf %mul3A_36, %mul3A_42 : vector<2000x64xf32>
    %mul3A_43 = arith.mulf %dot_general3A_10, %dot_general3A_24 : vector<2000x64xf32>
    %get3A_44 = arith.constant 2 : index
    %get3A_45 = arith.constant 0 : index
    %get3A_46 = vector.load %arg3[%get3A_44, %get3A_45] : memref<10x64xf32, #tpu.memory_space<vmem>>, vector<1x64xf32>
    %mul3A_47 = vector.broadcast %get3A_46 : vector<1x64xf32> to vector<2000x64xf32>
    %mul3A_48 = arith.mulf %mul3A_43, %mul3A_47 : vector<2000x64xf32>
    %add3A_49 = arith.addf %add3A, %mul3A_48 : vector<2000x64xf32>
    %mul3A_50 = arith.mulf %dot_general3A_10, %dot_general3A_31 : vector<2000x64xf32>
    %get3A_51 = arith.constant 3 : index
    %get3A_52 = arith.constant 0 : index
    %get3A_53 = vector.load %arg3[%get3A_51, %get3A_52] : memref<10x64xf32, #tpu.memory_space<vmem>>, vector<1x64xf32>
    %mul3A_54 = vector.broadcast %get3A_53 : vector<1x64xf32> to vector<2000x64xf32>
    %mul3A_55 = arith.mulf %mul3A_50, %mul3A_54 : vector<2000x64xf32>
    %add3A_56 = arith.addf %add3A_49, %mul3A_55 : vector<2000x64xf32>
    %mul3A_57 = arith.mulf %dot_general3A_17, %dot_general3A_17 : vector<2000x64xf32>
    %get3A_58 = arith.constant 4 : index
    %get3A_59 = arith.constant 0 : index
    %get3A_60 = vector.load %arg3[%get3A_58, %get3A_59] : memref<10x64xf32, #tpu.memory_space<vmem>>, vector<1x64xf32>
    %mul3A_61 = vector.broadcast %get3A_60 : vector<1x64xf32> to vector<2000x64xf32>
    %mul3A_62 = arith.mulf %mul3A_57, %mul3A_61 : vector<2000x64xf32>
    %add3A_63 = arith.addf %add3A_56, %mul3A_62 : vector<2000x64xf32>
    %mul3A_64 = arith.mulf %dot_general3A_17, %dot_general3A_24 : vector<2000x64xf32>
    %get3A_65 = arith.constant 5 : index
    %get3A_66 = arith.constant 0 : index
    %get3A_67 = vector.load %arg3[%get3A_65, %get3A_66] : memref<10x64xf32, #tpu.memory_space<vmem>>, vector<1x64xf32>
    %mul3A_68 = vector.broadcast %get3A_67 : vector<1x64xf32> to vector<2000x64xf32>
    %mul3A_69 = arith.mulf %mul3A_64, %mul3A_68 : vector<2000x64xf32>
    %add3A_70 = arith.addf %add3A_63, %mul3A_69 : vector<2000x64xf32>
    %mul3A_71 = arith.mulf %dot_general3A_17, %dot_general3A_31 : vector<2000x64xf32>
    %get3A_72 = arith.constant 6 : index
    %get3A_73 = arith.constant 0 : index
    %get3A_74 = vector.load %arg3[%get3A_72, %get3A_73] : memref<10x64xf32, #tpu.memory_space<vmem>>, vector<1x64xf32>
    %mul3A_75 = vector.broadcast %get3A_74 : vector<1x64xf32> to vector<2000x64xf32>
    %mul3A_76 = arith.mulf %mul3A_71, %mul3A_75 : vector<2000x64xf32>
    %add3A_77 = arith.addf %add3A_70, %mul3A_76 : vector<2000x64xf32>
    %mul3A_78 = arith.mulf %dot_general3A_24, %dot_general3A_24 : vector<2000x64xf32>
    %get3A_79 = arith.constant 7 : index
    %get3A_80 = arith.constant 0 : index
    %get3A_81 = vector.load %arg3[%get3A_79, %get3A_80] : memref<10x64xf32, #tpu.memory_space<vmem>>, vector<1x64xf32>
    %mul3A_82 = vector.broadcast %get3A_81 : vector<1x64xf32> to vector<2000x64xf32>
    %mul3A_83 = arith.mulf %mul3A_78, %mul3A_82 : vector<2000x64xf32>
    %add3A_84 = arith.addf %add3A_77, %mul3A_83 : vector<2000x64xf32>
    %mul3A_85 = arith.mulf %dot_general3A_24, %dot_general3A_31 : vector<2000x64xf32>
    %get3A_86 = arith.constant 8 : index
    %get3A_87 = arith.constant 0 : index
    %get3A_88 = vector.load %arg3[%get3A_86, %get3A_87] : memref<10x64xf32, #tpu.memory_space<vmem>>, vector<1x64xf32>
    %mul3A_89 = vector.broadcast %get3A_88 : vector<1x64xf32> to vector<2000x64xf32>
    %mul3A_90 = arith.mulf %mul3A_85, %mul3A_89 : vector<2000x64xf32>
    %add3A_91 = arith.addf %add3A_84, %mul3A_90 : vector<2000x64xf32>
    %mul3A_92 = arith.mulf %dot_general3A_31, %dot_general3A_31 : vector<2000x64xf32>
    %get3A_93 = arith.constant 9 : index
    %get3A_94 = arith.constant 0 : index
    %get3A_95 = vector.load %arg3[%get3A_93, %get3A_94] : memref<10x64xf32, #tpu.memory_space<vmem>>, vector<1x64xf32>
    %mul3A_96 = vector.broadcast %get3A_95 : vector<1x64xf32> to vector<2000x64xf32>
    %mul3A_97 = arith.mulf %mul3A_92, %mul3A_96 : vector<2000x64xf32>
    %add3A_98 = arith.addf %add3A_91, %mul3A_97 : vector<2000x64xf32>
    %get3A_99 = arith.constant 0 : index
    %get3A_100 = arith.constant 0 : index
    %get3A_101 = vector.load %arg2[%get3A_99, %get3A_100] : memref<2000x16xf32, #tpu.memory_space<vmem>>, vector<2000x16xf32>
    %dot_general3A_102 = arith.constant dense<0.000000e+00> : vector<2000x64xf32>
    %dot_general3A_103 = tpu.matmul %get3A_101, %get3A_4, %dot_general3A_102 {dimension_numbers = #tpu.dot_dimension_numbers<[1], [0], [0], [1], [0, 0, 1, 1], [], []>, precision = #tpu.contract_precision<fp32>, transpose_lhs_hint = false} : vector<2000x16xf32>, vector<16x64xf32>, vector<2000x64xf32> -> vector<2000x64xf32>
    %mul3A_104 = arith.mulf %dot_general3A_103, %add3A_98 : vector<2000x64xf32>
    %add3A_105 = arith.addf %get3A_1, %mul3A_104 : vector<2000x64xf32>
    %eq3A = arith.constant 0 : i32
    %eq3A_106 = arith.cmpi eq, %arg0, %eq3A : i32
    %convert_element_type3A = arith.extui %eq3A_106 : i1 to i32
    %cond3A = arith.constant 0 : i32
    %cond3A_107 = arith.cmpi ne, %convert_element_type3A, %cond3A : i32
    scf.if %cond3A_107 {
      %broadcast_in_dim3A_123 = arith.constant 0.000000e+00 : f32
      %broadcast_in_dim3A_124 = vector.broadcast %broadcast_in_dim3A_123 : f32 to vector<1x64xf32>
      %swap3A_125 = arith.constant 0 : index
      %swap3A_126 = arith.constant 0 : index
      %swap3A_127 = vector.load %arg8[%swap3A_125, %swap3A_126] : memref<1x64xf32, #tpu.memory_space<vmem>>, vector<1x64xf32>
      tpu.vector_store %arg8[%swap3A_125, %swap3A_126], %broadcast_in_dim3A_124 {strides = array<i32>} : memref<1x64xf32, #tpu.memory_space<vmem>>, vector<1x64xf32>,
    } else {
    }
    %get3A_108 = arith.constant 0 : index
    %get3A_109 = arith.constant 0 : index
    %get3A_110 = vector.load %arg8[%get3A_108, %get3A_109] : memref<1x64xf32, #tpu.memory_space<vmem>>, vector<1x64xf32>
    %reduce_sum3A = arith.constant dense<0.000000e+00> : vector<64xf32>
    %reduce_sum3A_111 = vector.multi_reduction <add>, %add3A_105, %reduce_sum3A [0] : vector<2000x64xf32> to vector<64xf32>
    %broadcast_in_dim3A = vector.shape_cast %reduce_sum3A_111 : vector<64xf32> to vector<1x64xf32>
    %add3A_112 = arith.addf %get3A_110, %broadcast_in_dim3A : vector<1x64xf32>
    %swap3A = arith.constant 0 : index
    %swap3A_113 = arith.constant 0 : index
    %swap3A_114 = vector.load %arg8[%swap3A, %swap3A_113] : memref<1x64xf32, #tpu.memory_space<vmem>>, vector<1x64xf32>
    tpu.vector_store %arg8[%swap3A, %swap3A_113], %add3A_112 {strides = array<i32>} : memref<1x64xf32, #tpu.memory_space<vmem>>, vector<1x64xf32>,
    %get3A_115 = arith.constant 0 : index
    %get3A_116 = arith.constant 0 : index
    %get3A_117 = vector.load %arg4[%get3A_115, %get3A_116] : memref<64x64xf32, #tpu.memory_space<vmem>>, vector<64x64xf32>
    %dot_general3A_118 = arith.constant dense<0.000000e+00> : vector<2000x64xf32>
    %dot_general3A_119 = tpu.matmul %add3A_105, %get3A_117, %dot_general3A_118 {dimension_numbers = #tpu.dot_dimension_numbers<[1], [0], [0], [1], [0, 0, 1, 1], [], []>, precision = #tpu.contract_precision<fp32>, transpose_lhs_hint = false} : vector<2000x64xf32>, vector<64x64xf32>, vector<2000x64xf32> -> vector<2000x64xf32>
    %swap3A_120 = arith.constant 0 : index
    %swap3A_121 = arith.constant 0 : index
    %swap3A_122 = vector.load %arg7[%swap3A_120, %swap3A_121] : memref<2000x64xf32, #tpu.memory_space<vmem>>, vector<2000x64xf32>
    tpu.vector_store %arg7[%swap3A_120, %swap3A_121], %dot_general3A_119 {strides = array<i32>} : memref<2000x64xf32, #tpu.memory_space<vmem>>, vector<2000x64xf32>,
    return
  }
  func.func @transform_0(%arg0: i32) -> (i32, i32) {
    %c0_i32 = arith.constant 0 : i32
    %c0_i32_0 = arith.constant 0 : i32
    return %arg0, %c0_i32 : i32, i32
  }
  func.func @transform_1(%arg0: i32) -> (i32, i32) {
    %c0_i32 = arith.constant 0 : i32
    %c0_i32_0 = arith.constant 0 : i32
    return %arg0, %c0_i32 : i32, i32
  }
  func.func @transform_2(%arg0: i32) -> (i32, i32) {
    %c0_i32 = arith.constant 0 : i32
    %c0_i32_0 = arith.constant 0 : i32
    %c0_i32_1 = arith.constant 0 : i32
    return %c0_i32, %c0_i32_0 : i32, i32
  }
  func.func @transform_3(%arg0: i32) -> (i32, i32) {
    %c0_i32 = arith.constant 0 : i32
    %c0_i32_0 = arith.constant 0 : i32
    %c0_i32_1 = arith.constant 0 : i32
    return %c0_i32, %c0_i32_0 : i32, i32
  }
  func.func @transform_4(%arg0: i32) -> (i32, i32, i32) {
    %c0_i32 = arith.constant 0 : i32
    %c0_i32_0 = arith.constant 0 : i32
    %c0_i32_1 = arith.constant 0 : i32
    %c0_i32_2 = arith.constant 0 : i32
    return %c0_i32, %c0_i32_0, %c0_i32_1 : i32, i32, i32
  }
  func.func @transform_5(%arg0: i32) -> (i32, i32) {
    %c0_i32 = arith.constant 0 : i32
    %c0_i32_0 = arith.constant 0 : i32
    %c0_i32_1 = arith.constant 0 : i32
    return %c0_i32, %c0_i32_0 : i32, i32
  }
  func.func @transform_6(%arg0: i32) -> (i32, i32) {
    %c0_i32 = arith.constant 0 : i32
    %c0_i32_0 = arith.constant 0 : i32
    return %arg0, %c0_i32 : i32, i32
  }
  func.func @transform_7(%arg0: i32) -> (i32, i32) {
    %c0_i32 = arith.constant 0 : i32
    %c0_i32_0 = arith.constant 0 : i32
    %c0_i32_1 = arith.constant 0 : i32
    return %c0_i32, %c0_i32_0 : i32, i32
  }
}

module attributes {stable_mosaic.version = 14 : i64} {
  func.func @_node2_body(%arg0: i32, %arg1: memref<2000x64xf32, #tpu.memory_space<vmem>>, %arg2: memref<2000x16xf32, #tpu.memory_space<vmem>>, %arg3: memref<10x64xf32, #tpu.memory_space<vmem>>, %arg4: memref<1x64xf32, #tpu.memory_space<vmem>>, %arg5: memref<64x9xf32, #tpu.memory_space<vmem>>, %arg6: memref<64x9xf32, #tpu.memory_space<vmem>>, %arg7: memref<4x64x64xf32, #tpu.memory_space<vmem>>, %arg8: memref<16x64xf32, #tpu.memory_space<vmem>>, %arg9: memref<1x9xf32, #tpu.memory_space<vmem>>, %arg10: memref<1x64xf32, #tpu.memory_space<vmem>>) attributes {dimension_semantics = [#tpu.dimension_semantics<arbitrary>], iteration_bounds = array<i64: 25>, scalar_prefetch = 0 : i64, scratch_operands = 1 : i64, tpu.core_type = #tpu.core_type<tc>, window_params = [{transform_indices = @transform_0, window_bounds = array<i64: 2000, 64>}, {transform_indices = @transform_1, window_bounds = array<i64: 2000, 16>}, {pipeline_mode = #tpu.pipeline_mode<synchronous>, transform_indices = @transform_2, window_bounds = array<i64: 10, 64>}, {pipeline_mode = #tpu.pipeline_mode<synchronous>, transform_indices = @transform_3, window_bounds = array<i64: 1, 64>}, {pipeline_mode = #tpu.pipeline_mode<synchronous>, transform_indices = @transform_4, window_bounds = array<i64: 64, 9>}, {pipeline_mode = #tpu.pipeline_mode<synchronous>, transform_indices = @transform_5, window_bounds = array<i64: 64, 9>}, {pipeline_mode = #tpu.pipeline_mode<synchronous>, transform_indices = @transform_6, window_bounds = array<i64: 4, 64, 64>}, {pipeline_mode = #tpu.pipeline_mode<synchronous>, transform_indices = @transform_7, window_bounds = array<i64: 16, 64>}, {pipeline_mode = #tpu.pipeline_mode<synchronous>, transform_indices = @transform_8, window_bounds = array<i64: 1, 9>}]} {
    %get3A = arith.constant 0 : index
    %get3A_0 = arith.constant 0 : index
    %get3A_1 = vector.load %arg1[%get3A, %get3A_0] : memref<2000x64xf32, #tpu.memory_space<vmem>>, vector<2000x64xf32>
    %get3A_2 = arith.constant 0 : index
    %get3A_3 = arith.constant 0 : index
    %get3A_4 = vector.load %arg8[%get3A_2, %get3A_3] : memref<16x64xf32, #tpu.memory_space<vmem>>, vector<16x64xf32>
    %get3A_5 = arith.constant 0 : index
    %get3A_6 = arith.constant 0 : index
    %get3A_7 = arith.constant 0 : index
    %get3A_8 = vector.load %arg7[%get3A_5, %get3A_6, %get3A_7] : memref<4x64x64xf32, #tpu.memory_space<vmem>>, vector<1x64x64xf32>
    %get3A_9 = vector.shape_cast %get3A_8 : vector<1x64x64xf32> to vector<64x64xf32>
    %dot_general3A = arith.constant dense<0.000000e+00> : vector<2000x64xf32>
    %dot_general3A_10 = tpu.matmul %get3A_1, %get3A_9, %dot_general3A {dimension_numbers = #tpu.dot_dimension_numbers<[1], [0], [0], [1], [0, 0, 1, 1], [], []>, precision = #tpu.contract_precision<fp32>, transpose_lhs_hint = false} : vector<2000x64xf32>, vector<64x64xf32>, vector<2000x64xf32> -> vector<2000x64xf32>
    %get3A_11 = arith.constant 1 : index
    %get3A_12 = arith.constant 0 : index
    %get3A_13 = arith.constant 0 : index
    %get3A_14 = vector.load %arg7[%get3A_11, %get3A_12, %get3A_13] : memref<4x64x64xf32, #tpu.memory_space<vmem>>, vector<1x64x64xf32>
    %get3A_15 = vector.shape_cast %get3A_14 : vector<1x64x64xf32> to vector<64x64xf32>
    %dot_general3A_16 = arith.constant dense<0.000000e+00> : vector<2000x64xf32>
    %dot_general3A_17 = tpu.matmul %get3A_1, %get3A_15, %dot_general3A_16 {dimension_numbers = #tpu.dot_dimension_numbers<[1], [0], [0], [1], [0, 0, 1, 1], [], []>, precision = #tpu.contract_precision<fp32>, transpose_lhs_hint = false} : vector<2000x64xf32>, vector<64x64xf32>, vector<2000x64xf32> -> vector<2000x64xf32>
    %get3A_18 = arith.constant 2 : index
    %get3A_19 = arith.constant 0 : index
    %get3A_20 = arith.constant 0 : index
    %get3A_21 = vector.load %arg7[%get3A_18, %get3A_19, %get3A_20] : memref<4x64x64xf32, #tpu.memory_space<vmem>>, vector<1x64x64xf32>
    %get3A_22 = vector.shape_cast %get3A_21 : vector<1x64x64xf32> to vector<64x64xf32>
    %dot_general3A_23 = arith.constant dense<0.000000e+00> : vector<2000x64xf32>
    %dot_general3A_24 = tpu.matmul %get3A_1, %get3A_22, %dot_general3A_23 {dimension_numbers = #tpu.dot_dimension_numbers<[1], [0], [0], [1], [0, 0, 1, 1], [], []>, precision = #tpu.contract_precision<fp32>, transpose_lhs_hint = false} : vector<2000x64xf32>, vector<64x64xf32>, vector<2000x64xf32> -> vector<2000x64xf32>
    %get3A_25 = arith.constant 3 : index
    %get3A_26 = arith.constant 0 : index
    %get3A_27 = arith.constant 0 : index
    %get3A_28 = vector.load %arg7[%get3A_25, %get3A_26, %get3A_27] : memref<4x64x64xf32, #tpu.memory_space<vmem>>, vector<1x64x64xf32>
    %get3A_29 = vector.shape_cast %get3A_28 : vector<1x64x64xf32> to vector<64x64xf32>
    %dot_general3A_30 = arith.constant dense<0.000000e+00> : vector<2000x64xf32>
    %dot_general3A_31 = tpu.matmul %get3A_1, %get3A_29, %dot_general3A_30 {dimension_numbers = #tpu.dot_dimension_numbers<[1], [0], [0], [1], [0, 0, 1, 1], [], []>, precision = #tpu.contract_precision<fp32>, transpose_lhs_hint = false} : vector<2000x64xf32>, vector<64x64xf32>, vector<2000x64xf32> -> vector<2000x64xf32>
    %mul3A = arith.mulf %dot_general3A_10, %dot_general3A_10 : vector<2000x64xf32>
    %get3A_32 = arith.constant 0 : index
    %get3A_33 = arith.constant 0 : index
    %get3A_34 = vector.load %arg3[%get3A_32, %get3A_33] : memref<10x64xf32, #tpu.memory_space<vmem>>, vector<1x64xf32>
    %mul3A_35 = vector.broadcast %get3A_34 : vector<1x64xf32> to vector<2000x64xf32>
    %mul3A_36 = arith.mulf %mul3A, %mul3A_35 : vector<2000x64xf32>
    %mul3A_37 = arith.mulf %dot_general3A_10, %dot_general3A_17 : vector<2000x64xf32>
    %get3A_38 = arith.constant 1 : index
    %get3A_39 = arith.constant 0 : index
    %get3A_40 = vector.load %arg3[%get3A_38, %get3A_39] : memref<10x64xf32, #tpu.memory_space<vmem>>, vector<1x64xf32>
    %mul3A_41 = vector.broadcast %get3A_40 : vector<1x64xf32> to vector<2000x64xf32>
    %mul3A_42 = arith.mulf %mul3A_37, %mul3A_41 : vector<2000x64xf32>
    %add3A = arith.addf %mul3A_36, %mul3A_42 : vector<2000x64xf32>
    %mul3A_43 = arith.mulf %dot_general3A_10, %dot_general3A_24 : vector<2000x64xf32>
    %get3A_44 = arith.constant 2 : index
    %get3A_45 = arith.constant 0 : index
    %get3A_46 = vector.load %arg3[%get3A_44, %get3A_45] : memref<10x64xf32, #tpu.memory_space<vmem>>, vector<1x64xf32>
    %mul3A_47 = vector.broadcast %get3A_46 : vector<1x64xf32> to vector<2000x64xf32>
    %mul3A_48 = arith.mulf %mul3A_43, %mul3A_47 : vector<2000x64xf32>
    %add3A_49 = arith.addf %add3A, %mul3A_48 : vector<2000x64xf32>
    %mul3A_50 = arith.mulf %dot_general3A_10, %dot_general3A_31 : vector<2000x64xf32>
    %get3A_51 = arith.constant 3 : index
    %get3A_52 = arith.constant 0 : index
    %get3A_53 = vector.load %arg3[%get3A_51, %get3A_52] : memref<10x64xf32, #tpu.memory_space<vmem>>, vector<1x64xf32>
    %mul3A_54 = vector.broadcast %get3A_53 : vector<1x64xf32> to vector<2000x64xf32>
    %mul3A_55 = arith.mulf %mul3A_50, %mul3A_54 : vector<2000x64xf32>
    %add3A_56 = arith.addf %add3A_49, %mul3A_55 : vector<2000x64xf32>
    %mul3A_57 = arith.mulf %dot_general3A_17, %dot_general3A_17 : vector<2000x64xf32>
    %get3A_58 = arith.constant 4 : index
    %get3A_59 = arith.constant 0 : index
    %get3A_60 = vector.load %arg3[%get3A_58, %get3A_59] : memref<10x64xf32, #tpu.memory_space<vmem>>, vector<1x64xf32>
    %mul3A_61 = vector.broadcast %get3A_60 : vector<1x64xf32> to vector<2000x64xf32>
    %mul3A_62 = arith.mulf %mul3A_57, %mul3A_61 : vector<2000x64xf32>
    %add3A_63 = arith.addf %add3A_56, %mul3A_62 : vector<2000x64xf32>
    %mul3A_64 = arith.mulf %dot_general3A_17, %dot_general3A_24 : vector<2000x64xf32>
    %get3A_65 = arith.constant 5 : index
    %get3A_66 = arith.constant 0 : index
    %get3A_67 = vector.load %arg3[%get3A_65, %get3A_66] : memref<10x64xf32, #tpu.memory_space<vmem>>, vector<1x64xf32>
    %mul3A_68 = vector.broadcast %get3A_67 : vector<1x64xf32> to vector<2000x64xf32>
    %mul3A_69 = arith.mulf %mul3A_64, %mul3A_68 : vector<2000x64xf32>
    %add3A_70 = arith.addf %add3A_63, %mul3A_69 : vector<2000x64xf32>
    %mul3A_71 = arith.mulf %dot_general3A_17, %dot_general3A_31 : vector<2000x64xf32>
    %get3A_72 = arith.constant 6 : index
    %get3A_73 = arith.constant 0 : index
    %get3A_74 = vector.load %arg3[%get3A_72, %get3A_73] : memref<10x64xf32, #tpu.memory_space<vmem>>, vector<1x64xf32>
    %mul3A_75 = vector.broadcast %get3A_74 : vector<1x64xf32> to vector<2000x64xf32>
    %mul3A_76 = arith.mulf %mul3A_71, %mul3A_75 : vector<2000x64xf32>
    %add3A_77 = arith.addf %add3A_70, %mul3A_76 : vector<2000x64xf32>
    %mul3A_78 = arith.mulf %dot_general3A_24, %dot_general3A_24 : vector<2000x64xf32>
    %get3A_79 = arith.constant 7 : index
    %get3A_80 = arith.constant 0 : index
    %get3A_81 = vector.load %arg3[%get3A_79, %get3A_80] : memref<10x64xf32, #tpu.memory_space<vmem>>, vector<1x64xf32>
    %mul3A_82 = vector.broadcast %get3A_81 : vector<1x64xf32> to vector<2000x64xf32>
    %mul3A_83 = arith.mulf %mul3A_78, %mul3A_82 : vector<2000x64xf32>
    %add3A_84 = arith.addf %add3A_77, %mul3A_83 : vector<2000x64xf32>
    %mul3A_85 = arith.mulf %dot_general3A_24, %dot_general3A_31 : vector<2000x64xf32>
    %get3A_86 = arith.constant 8 : index
    %get3A_87 = arith.constant 0 : index
    %get3A_88 = vector.load %arg3[%get3A_86, %get3A_87] : memref<10x64xf32, #tpu.memory_space<vmem>>, vector<1x64xf32>
    %mul3A_89 = vector.broadcast %get3A_88 : vector<1x64xf32> to vector<2000x64xf32>
    %mul3A_90 = arith.mulf %mul3A_85, %mul3A_89 : vector<2000x64xf32>
    %add3A_91 = arith.addf %add3A_84, %mul3A_90 : vector<2000x64xf32>
    %mul3A_92 = arith.mulf %dot_general3A_31, %dot_general3A_31 : vector<2000x64xf32>
    %get3A_93 = arith.constant 9 : index
    %get3A_94 = arith.constant 0 : index
    %get3A_95 = vector.load %arg3[%get3A_93, %get3A_94] : memref<10x64xf32, #tpu.memory_space<vmem>>, vector<1x64xf32>
    %mul3A_96 = vector.broadcast %get3A_95 : vector<1x64xf32> to vector<2000x64xf32>
    %mul3A_97 = arith.mulf %mul3A_92, %mul3A_96 : vector<2000x64xf32>
    %add3A_98 = arith.addf %add3A_91, %mul3A_97 : vector<2000x64xf32>
    %get3A_99 = arith.constant 0 : index
    %get3A_100 = arith.constant 0 : index
    %get3A_101 = vector.load %arg2[%get3A_99, %get3A_100] : memref<2000x16xf32, #tpu.memory_space<vmem>>, vector<2000x16xf32>
    %dot_general3A_102 = arith.constant dense<0.000000e+00> : vector<2000x64xf32>
    %dot_general3A_103 = tpu.matmul %get3A_101, %get3A_4, %dot_general3A_102 {dimension_numbers = #tpu.dot_dimension_numbers<[1], [0], [0], [1], [0, 0, 1, 1], [], []>, precision = #tpu.contract_precision<fp32>, transpose_lhs_hint = false} : vector<2000x16xf32>, vector<16x64xf32>, vector<2000x64xf32> -> vector<2000x64xf32>
    %mul3A_104 = arith.mulf %dot_general3A_103, %add3A_98 : vector<2000x64xf32>
    %add3A_105 = arith.addf %get3A_1, %mul3A_104 : vector<2000x64xf32>
    %eq3A = arith.constant 0 : i32
    %eq3A_106 = arith.cmpi eq, %arg0, %eq3A : i32
    %convert_element_type3A = arith.extui %eq3A_106 : i1 to i32
    %cond3A = arith.constant 0 : i32
    %cond3A_107 = arith.cmpi ne, %convert_element_type3A, %cond3A : i32
    scf.if %cond3A_107 {
      %broadcast_in_dim3A_120 = arith.constant 0.000000e+00 : f32
      %broadcast_in_dim3A_121 = vector.broadcast %broadcast_in_dim3A_120 : f32 to vector<1x64xf32>
      %swap3A_122 = arith.constant 0 : index
      %swap3A_123 = arith.constant 0 : index
      %swap3A_124 = vector.load %arg10[%swap3A_122, %swap3A_123] : memref<1x64xf32, #tpu.memory_space<vmem>>, vector<1x64xf32>
      tpu.vector_store %arg10[%swap3A_122, %swap3A_123], %broadcast_in_dim3A_121 {strides = array<i32>} : memref<1x64xf32, #tpu.memory_space<vmem>>, vector<1x64xf32>,
    } else {
    }
    %get3A_108 = arith.constant 0 : index
    %get3A_109 = arith.constant 0 : index
    %get3A_110 = vector.load %arg10[%get3A_108, %get3A_109] : memref<1x64xf32, #tpu.memory_space<vmem>>, vector<1x64xf32>
    %reduce_sum3A = arith.constant dense<0.000000e+00> : vector<64xf32>
    %reduce_sum3A_111 = vector.multi_reduction <add>, %add3A_105, %reduce_sum3A [0] : vector<2000x64xf32> to vector<64xf32>
    %broadcast_in_dim3A = vector.shape_cast %reduce_sum3A_111 : vector<64xf32> to vector<1x64xf32>
    %add3A_112 = arith.addf %get3A_110, %broadcast_in_dim3A : vector<1x64xf32>
    %swap3A = arith.constant 0 : index
    %swap3A_113 = arith.constant 0 : index
    %swap3A_114 = vector.load %arg10[%swap3A, %swap3A_113] : memref<1x64xf32, #tpu.memory_space<vmem>>, vector<1x64xf32>
    tpu.vector_store %arg10[%swap3A, %swap3A_113], %add3A_112 {strides = array<i32>} : memref<1x64xf32, #tpu.memory_space<vmem>>, vector<1x64xf32>,
    %eq3A_115 = arith.constant 24 : i32
    %eq3A_116 = arith.cmpi eq, %arg0, %eq3A_115 : i32
    %convert_element_type3A_117 = arith.extui %eq3A_116 : i1 to i32
    %cond3A_118 = arith.constant 0 : i32
    %cond3A_119 = arith.cmpi ne, %convert_element_type3A_117, %cond3A_118 : i32
    scf.if %cond3A_119 {
      %get3A_120 = arith.constant 0 : index
      %get3A_121 = arith.constant 0 : index
      %get3A_122 = vector.load %arg4[%get3A_120, %get3A_121] : memref<1x64xf32, #tpu.memory_space<vmem>>, vector<1x64xf32>
      %get3A_123 = arith.constant 0 : index
      %get3A_124 = arith.constant 0 : index
      %get3A_125 = vector.load %arg5[%get3A_123, %get3A_124] : memref<64x9xf32, #tpu.memory_space<vmem>>, vector<64x9xf32>
      %dot_general3A_126 = arith.constant dense<0.000000e+00> : vector<1x9xf32>
      %dot_general3A_127 = tpu.matmul %get3A_122, %get3A_125, %dot_general3A_126 {dimension_numbers = #tpu.dot_dimension_numbers<[1], [0], [0], [1], [0, 0, 1, 1], [], []>, precision = #tpu.contract_precision<fp32>, transpose_lhs_hint = false} : vector<1x64xf32>, vector<64x9xf32>, vector<1x9xf32> -> vector<1x9xf32>
      %get3A_128 = arith.constant 0 : index
      %get3A_129 = arith.constant 0 : index
      %get3A_130 = vector.load %arg10[%get3A_128, %get3A_129] : memref<1x64xf32, #tpu.memory_space<vmem>>, vector<1x64xf32>
      %get3A_131 = arith.constant 0 : index
      %get3A_132 = arith.constant 0 : index
      %get3A_133 = vector.load %arg6[%get3A_131, %get3A_132] : memref<64x9xf32, #tpu.memory_space<vmem>>, vector<64x9xf32>
      %dot_general3A_134 = arith.constant dense<0.000000e+00> : vector<1x9xf32>
      %dot_general3A_135 = tpu.matmul %get3A_130, %get3A_133, %dot_general3A_134 {dimension_numbers = #tpu.dot_dimension_numbers<[1], [0], [0], [1], [0, 0, 1, 1], [], []>, precision = #tpu.contract_precision<fp32>, transpose_lhs_hint = false} : vector<1x64xf32>, vector<64x9xf32>, vector<1x9xf32> -> vector<1x9xf32>
      %add3A_136 = arith.addf %dot_general3A_127, %dot_general3A_135 : vector<1x9xf32>
      %swap3A_137 = arith.constant 0 : index
      %swap3A_138 = arith.constant 0 : index
      %swap3A_139 = vector.load %arg9[%swap3A_137, %swap3A_138] : memref<1x9xf32, #tpu.memory_space<vmem>>, vector<1x9xf32>
      tpu.vector_store %arg9[%swap3A_137, %swap3A_138], %add3A_136 {strides = array<i32>} : memref<1x9xf32, #tpu.memory_space<vmem>>, vector<1x9xf32>,
    } else {
    }
    return
  }
  func.func @transform_0(%arg0: i32) -> (i32, i32) {
    %c0_i32 = arith.constant 0 : i32
    %c0_i32_0 = arith.constant 0 : i32
    return %arg0, %c0_i32 : i32, i32
  }
  func.func @transform_1(%arg0: i32) -> (i32, i32) {
    %c0_i32 = arith.constant 0 : i32
    %c0_i32_0 = arith.constant 0 : i32
    return %arg0, %c0_i32 : i32, i32
  }
  func.func @transform_2(%arg0: i32) -> (i32, i32) {
    %c0_i32 = arith.constant 0 : i32
    %c0_i32_0 = arith.constant 0 : i32
    %c0_i32_1 = arith.constant 0 : i32
    return %c0_i32, %c0_i32_0 : i32, i32
  }
  func.func @transform_3(%arg0: i32) -> (i32, i32) {
    %c0_i32 = arith.constant 0 : i32
    %c0_i32_0 = arith.constant 0 : i32
    %c0_i32_1 = arith.constant 0 : i32
    return %c0_i32, %c0_i32_0 : i32, i32
  }
  func.func @transform_4(%arg0: i32) -> (i32, i32) {
    %c0_i32 = arith.constant 0 : i32
    %c0_i32_0 = arith.constant 0 : i32
    %c0_i32_1 = arith.constant 0 : i32
    return %c0_i32, %c0_i32_0 : i32, i32
  }
  func.func @transform_5(%arg0: i32) -> (i32, i32) {
    %c0_i32 = arith.constant 0 : i32
    %c0_i32_0 = arith.constant 0 : i32
    %c0_i32_1 = arith.constant 0 : i32
    return %c0_i32, %c0_i32_0 : i32, i32
  }
  func.func @transform_6(%arg0: i32) -> (i32, i32, i32) {
    %c0_i32 = arith.constant 0 : i32
    %c0_i32_0 = arith.constant 0 : i32
    %c0_i32_1 = arith.constant 0 : i32
    %c0_i32_2 = arith.constant 0 : i32
    return %c0_i32, %c0_i32_0, %c0_i32_1 : i32, i32, i32
  }
  func.func @transform_7(%arg0: i32) -> (i32, i32) {
    %c0_i32 = arith.constant 0 : i32
    %c0_i32_0 = arith.constant 0 : i32
    %c0_i32_1 = arith.constant 0 : i32
    return %c0_i32, %c0_i32_0 : i32, i32
  }
  func.func @transform_8(%arg0: i32) -> (i32, i32) {
    %c0_i32 = arith.constant 0 : i32
    %c0_i32_0 = arith.constant 0 : i32
    %c0_i32_1 = arith.constant 0 : i32
    return %c0_i32, %c0_i32_0 : i32, i32
  }
}

</mosaic_0001>

<sc_bundles>
// kernel: kernel.10.cloned.1.call-start
scs
__scs_entry_jumppad:
0x0: {  	(pc) =	sbr.rel $0x88, $3  }
0x1: {  	(tag) =	ssettag $0x0;
	lr =	simm.s32 $0x1  }
0x2: {  	[smem:$0x3F8F] =	sst lr;
	_ =	strace $0xD0000000  }
0x3: {  	_ = 	snop  }
0x4: {  	_ = 	snop  }
0x5: {  	_ = 	snop  }
0x6: {  	_ = 	snop  }
0x7: {  	_ = 	snop  }
__scs_overlays_trampoline_lowered:
0x8: {  	[smem:$0x3F9E] =	sst s0  }
0x9: {  	[smem:$0x3F9F] =	sst s1  }
0xa: {  	[smem:$0x3FA0] =	sst s2  }
0xb: {  	[smem:$0x3FA1] =	sst s3  }
0xc: {  	[smem:$0x3FA2] =	sst s4  }
0xd: {  	[smem:$0x3FA3] =	sst s5  }
0xe: {  	[smem:$0x3FA4] =	sst s6  }
0xf: {  	[smem:$0x3FA5] =	sst s7  }
0x10: {  	[smem:$0x3FA6] =	sst s8  }
0x11: {  	[smem:$0x3FA7] =	sst s9;
	s0 =	simm.s32 @!p0 $0x0  }
0x12: {  	s1 =	sld [smem:$0x3F8D];
	s0 =	simm.s32 @p0 $0x1  }
0x13: {  	[smem:$0x3FA8] =	sst s0;
	s0 =	simm.s32 @!p1 $0x0  }
0x14: {  	s2 =	sld [smem:$0x3F8C];
	s0 =	simm.s32 @p1 $0x1  }
0x15: {  	[smem:$0x3FA9] =	sst s0;
	s0 =	simm.s32 @!p2 $0x0  }
0x16: {  	s3 =	sld [smem:$0x3FDB];
	s0 =	simm.s32 @p2 $0x1  }
0x17: {  	s4 =	simm.s32 $0x1BF5;
	[smem:$0x3FAB] =	sst s0  }
0x18: {  	s0 =	sld [smem:$0x3F8E];
	_ =	swait.ge [sflag:s4], $0x0  }
0x19: {  	s7 =	sld [smem:$0x3F8F]  }
0x1a: {  	s8 =	sadd.s32 $0xFFFFE003, lr  }
0x1b: {  	s9 =	sadd.s32 $0xFFFFFEF7, lr;
	s5 =	simm.s32 $0xFFFFFFFF;
	p2 =	slt.u32 s8, $0xFFFFF086  }
0x1c: {  	p1 =	slt.u32 s9, $0xF7A;
	s5 =	simm.s32 @!p2 $0x0  }
0x1d: {  	s5 =	simm.s32 @p1 $0x1;
	p0 =	seq.s32 s7, s2  }
0x1e: {  	s7 =	smul.u32 @!p0 $0xF7A, s2;
	p2 =	seq.s32 @!p0 s5, $0x0  }
0x1f: {  	s9 =	smul.u32 $0xF7A, s1;
	s8 =	simm.s32 @!p0 $0x1BF5;
	p2 =	por !p2, p0  }
0x20: {  	[sflag:s8] =	ssyncset.s32 @!p0 $0xFFFFF086;
	s6 =	sadd.s32 @!p0 s3, s7;
	s7 =	simm.s32 @!p0 $0x108  }
0x21: {  	s3 =	sadd.s32 s3, s9;
	s6 =	sadd.s32 @!p0 $0x88, s6;
	s7 =	simm.s32 @p2 $0x1082  }
0x22: {  	[simem:s7], [sflag:s8] =	dma.local @!p0 [hbm:s6], $0xF7A  }
0x23: {  	s9 =	sor.u32 $0xD0000000, s2;
	s6 =	simm.s32 $0x108;
	_ =	swait.ge @!p0 [sflag:s8], $0x0  }
0x24: {  	s3 =	sadd.s32 $0x88, s3;
	s6 =	simm.s32 @!p1 $0x1082;
	[sflag:s4] =	ssyncset.s32 $0xFFFFF086  }
0x25: {  	[simem:s6], [sflag:s4] =	dma.local [hbm:s3], $0xF7A  }
0x26: {  	[smem:$0x3F8F] =	sst s1;
	(tag) =	ssettag s2;
	_ =	strace s9  }
0x27: {  	s1 =	sld [smem:$0x3F9F]  }
0x28: {  	s2 =	sld [smem:$0x3FA0]  }
0x29: {  	s4 =	sld [smem:$0x3FA2]  }
0x2a: {  	p0 =	seq.s32 s5, $0x0;
	s5 =	sld [smem:$0x3FA3]  }
0x2b: {  	s6 =	sld [smem:$0x3FA4]  }
0x2c: {  	s7 =	sld [smem:$0x3FA5]  }
0x2d: {  	s3 =	simm.s32 $0x108;
	s8 =	sld [smem:$0x3FA6]  }
0x2e: {  	s3 =	simm.s32 @!p0 $0x1082;
	s9 =	sld [smem:$0x3FA7]  }
0x2f: {  	lr =	sadd.s32 s0, s3;
	s0 =	sld [smem:$0x3F9E]  }
0x30: {  	s3 =	sld [smem:$0x3FA1]  }
0x31: {  	[smem:$0x3FAA] =	sst s10  }
0x32: {  	s10 =	sld [smem:$0x3FA8];
	_ =	sdelay $0x3  }
0x33: {  	p0 =	seq.s32 s10, $0x1;
	s10 =	sld [smem:$0x3FAA];
	_ =	sdelay $0x3  }
0x34: {  	[smem:$0x3FAA] =	sst s10  }
0x35: {  	s10 =	sld [smem:$0x3FA9];
	_ =	sdelay $0x3  }
0x36: {  	p1 =	seq.s32 s10, $0x1;
	s10 =	sld [smem:$0x3FAA];
	_ =	sdelay $0x3  }
0x37: {  	[smem:$0x3FAA] =	sst s10  }
0x38: {  	s10 =	sld [smem:$0x3FAB]  }
0x39: {  	_ = 	snop;
	(pc) =	sbr.ind lr, $3  }
0x3a: {  	_ = 	snop  }
0x3b: {  	_ = 	snop  }
0x3c: {  	p2 =	seq.s32 s10, $0x1;
	s10 =	sld [smem:$0x3FAA]  }
0x3d: {  	_ =	shalt  }
0x3e: {  	_ =	shalt  }
0x3f: {  	_ =	shalt  }
0x40: {  	_ =	shalt  }
0x41: {  	_ =	shalt  }
0x42: {  	_ =	shalt  }
0x43: {  	_ =	shalt  }
0x44: {  	_ =	shalt  }
0x45: {  	_ =	shalt  }
0x46: {  	_ =	shalt  }
0x47: {  	_ =	shalt  }
0x48: {  	_ =	shalt  }
0x49: {  	_ =	shalt  }
0x4a: {  	_ =	shalt  }
0x4b: {  	_ =	shalt  }
0x4c: {  	_ =	shalt  }
0x4d: {  	_ =	shalt  }
0x4e: {  	_ =	shalt  }
0x4f: {  	_ =	shalt  }
0x50: {  	_ =	shalt  }
0x51: {  	_ =	shalt  }
0x52: {  	_ =	shalt  }
0x53: {  	_ =	shalt  }
0x54: {  	_ =	shalt  }
0x55: {  	_ =	shalt  }
0x56: {  	_ =	shalt  }
0x57: {  	_ =	shalt  }
0x58: {  	_ =	shalt  }
0x59: {  	_ =	shalt  }
0x5a: {  	_ =	shalt  }
0x5b: {  	_ =	shalt  }
0x5c: {  	_ =	shalt  }
0x5d: {  	_ =	shalt  }
0x5e: {  	_ =	shalt  }
0x5f: {  	_ =	shalt  }
0x60: {  	_ =	shalt  }
0x61: {  	_ =	shalt  }
0x62: {  	_ =	shalt  }
0x63: {  	_ =	shalt  }
0x64: {  	_ =	shalt  }
0x65: {  	_ =	shalt  }
0x66: {  	_ =	shalt  }
0x67: {  	_ =	shalt  }
0x68: {  	_ =	shalt  }
0x69: {  	_ =	shalt  }
0x6a: {  	_ =	shalt  }
0x6b: {  	_ =	shalt  }
0x6c: {  	_ =	shalt  }
0x6d: {  	_ =	shalt  }
0x6e: {  	_ =	shalt  }
0x6f: {  	_ =	shalt  }
0x70: {  	_ =	shalt  }
0x71: {  	_ =	shalt  }
0x72: {  	_ =	shalt  }
0x73: {  	_ =	shalt  }
0x74: {  	_ =	shalt  }
0x75: {  	_ =	shalt  }
0x76: {  	_ =	shalt  }
0x77: {  	_ =	shalt  }
0x78: {  	_ =	shalt  }
0x79: {  	_ =	shalt  }
0x7a: {  	_ =	shalt  }
0x7b: {  	_ =	shalt  }
0x7c: {  	_ =	shalt  }
0x7d: {  	_ =	shalt  }
0x7e: {  	_ =	shalt  }
0x7f: {  	_ =	shalt  }
0x80: {  	_ =	shalt  }
0x81: {  	_ =	shalt  }
0x82: {  	_ =	shalt  }
0x83: {  	_ =	shalt  }
0x84: {  	_ =	shalt  }
0x85: {  	_ =	shalt  }
0x86: {  	_ =	shalt  }
0x87: {  	_ =	shalt  }
.Lfunc_end0:
.L_simem_size_0:
called_computation_lowered:
.L_overlay_start_0:
0x88: {  	s2 =	sld [smem:$0x3FD9]  }
0x89: {  	s3 =	sld [smem:$0x3FFE];
	_ =	sdelay $0x1  }
0x8a: {  	s1 =	srdreg.scid  }
0x8b: {  	s0 =	sand.u32 $0x1, s1  }
0x8c: {  	s16 =	sshll.u32 s0, $0xA;
	s2 =	sadd.s32 s3, s2  }
0x8d: {  	s2 =	sadd.s32 s2, s16  }
0x8e: {  	[smem:$0x3FB6] =	sst s2  }
0x8f: {  	_ = 	snop  }
0x90: {  	(tm) =	ssettm $0x1  }
0x91: {  	s17 =	sld [smem:$0x3FFB];
	_ =	sdelay $0x3  }
0x92: {  	_ =	strace s17  }
0x93: {  	s2 =	sld [smem:$0x3FFC];
	_ =	sdelay $0x3  }
0x94: {  	_ =	strace s2  }
0x95: {  	s2 =	sld [smem:$0x3FFD];
	_ =	sdelay $0x3  }
0x96: {  	_ =	strace s2  }
0x97: {  	_ =	strace $0x8FFFFFFF  }
0x98: {  	s18 =	sld [smem:$0x3FDB];
	_ =	sdelay $0x1  }
0x99: {  	s19 =	simm.s32 $_scs_section_size  }
0x9a: {  	s4 =	simm.s32 $_size__tile_overlayer_lowered;
	s5 =	simm.s32 $_tile_overlayer_lowered  }
0x9b: {  	s22 =	simm.s32 $0x1BFF;
	s21 =	sshll.u32 s5, $0x1;
	s2 =	sadd.s32 s19, s18  }
0x9c: {  	s6 =	simm.s32 $0x0;
	s20 =	sshll.u32 s4, $0x1;
	s4 =	sadd.s32 s21, s2  }
0x9d: {  	[timem:s6], [sflag:s22] =	dma.local [hbm:s4], s20  }
0x9e: {  	_ =	swait.ge [sflag:s22], s20  }
0x9f: {  	s3 =	ssub.s32 $0x0, s20;
	[sflag:s22] =	ssyncset.done $0x0  }
0xa0: {  	[sflag:s22] =	ssyncadd.s32 s3;
	_ =	sdelay $0x1  }
0xa1: {  	s23 =	simm.s32 $0x1B8B  }
0xa2: {  	_ =	swait.ge [sflag:s23], $0x1  }
0xa3: {  	[sflag:s23] =	ssyncset.done $0x0  }
0xa4: {  	s25 =	simm.s32 $0x1B8E;
	s24 =	sld [smem:$0x3FFE];
	[sflag:s23] =	ssyncadd.s32 $0xFFFFFFFF  }
0xa5: {  	s26 =	simm.s32 $execute0_lowered;
	[smem:$0x3FD2] =	sst s25  }
0xa6: {  	s4 =	sshll.u32 s26, $0x1;
	_ =	strace $0x80000046;
	[dreg:$0x1] =	wrdreg $0xFFFFFFFF  }
0xa7: {  	s28 =	simm.s32 $_size_execute0_lowered;
	s2 =	sadd.s32 s2, s4;
	[dreg:$0x0] =	wrdreg $0x0  }
0xa8: {  	s4 =	sshll.u32 s28, $0x1;
	[dreg:$0x2] =	wrdreg s2  }
0xa9: {  	[dreg:$0x3] =	wrdreg s4  }
0xaa: {  	[dreg:$0x4] =	wrdreg $0xC0  }
0xab: {  	_ =	task [dreg:s6], $0x5FFFF  }
0xac: {  	[dreg:$0x1] =	wrdreg $0xFFFFFFFF  }
0xad: {  	[dreg:$0x0] =	wrdreg $0x60  }
0xae: {  	[dreg:$0x2] =	wrdreg s24  }
0xaf: {  	[dreg:$0x3] =	wrdreg $0x9  }
0xb0: {  	_ =	task.clear_ibuf [dreg:s6], $0x4FFFF;
	_ =	strace $0x90000046  }
0xb1: {  	s29 =	simm.s32 $0x9;
	_ =	strace $0x80000048  }
0xb2: {  	_ =	swait.ge [sflag:s29], $0x1  }
0xb3: {  	[sflag:s29] =	ssyncadd.s32 $0xFFFFFFFF  }
0xb4: {  	_ =	strace $0x90000048  }
0xb5: {  	_ =	sfence  }
0xb6: {  	s30 =	sld [smem:$0x0];
	_ =	sdelay $0x2  }
0xb7: {  	s31 =	sshll.u32 s1, $0xD;
	s1 =	sshrl.u32 s1, $0x2  }
0xb8: {  	s3 =	sand.u32 $0x4000, s31;
	s1 =	sadd.s32 s1, s30  }
0xb9: {  	s0 =	sor.u32 s3, s0;
	s1 =	sshll.u32 s1, $0x11  }
0xba: {  	s0 =	sor.u32 s1, s0  }
0xbb: {  	s0 =	sadd.s32 $0x8F2B, s0  }
0xbc: {  	[sflag:s0] =	ssyncadd.remote.s32 $0x1  }
0xbd: {  	_ =	sfence.sel $0xFFFF  }
0xbe: {  	[dreg:$0x0] =	wrdreg $0xFFFFFFFF;
	(pc) =	sbr.abs _section_cstart, $3  }
0xbf: {  	[dreg:$0x1] =	wrdreg $0xFFFFFFFF  }
0xc0: {  	_ =	task.clear_ibuf [dreg:s6], $0x2FFFF;
	_ =	strace $0x9FFFFFFF  }
0xc1: {  	(tm) =	ssettm $0x7FFFFFFF  }
tec
execute0_lowered:
.L_overlay_start_1:
0x0: {  	(tag) =	ssettag $0x1  }
0x1: {  	s3 =	rddreg [dreg:$0x0]  }
0x2: {  	s0 =	rddreg [dreg:$0x1];
	s1 =	stileid.u32  }
0x3: {  	s4 =	srdreg.scid;
	s5 =	smul.u32 $0xC800, s1  }
0x4: {  	s2 =	simm.s32 $0x0;
	s4 =	sand.u32 $0x1, s4;
	s29 =	smul.u32 $0x19000, s1  }
0x5: {  	[smem:$0x7FF] =	sst s2;
	s6 =	smul.u32 $0x6400, s4  }
0x6: {  	_ =	strace $0x80000047;
	s7 =	ssub.s32 $0x2, s4;
	s9 =	smul.u32 $0xC800, s4  }
0x7: {  	s8 =	sshrl.u32 s7, $0x1;
	s30 =	sadd.s32 s29, s3;
	s5 =	sadd.s32 s6, s5  }
0x8: {  	s31 =	ssub.s32 s7, s8;
	s7 =	simm.s32 $0x2;
	s5 =	sshrl.u32 s5, $0x3  }
0x9: {  	s8 =	simm.s32 $0x400;
	s4 =	smax.u32 s31, $0x1;
	s10 =	sadd.s32 s5, s3  }
0xa: {  	s3 =	sadd.s32 $0x5C00, s3;
	s5 =	sadd.s32 s9, s30;
	s9 =	simm.s32 $0x1  }
0xb: {  	s5 =	sadd.s32 $0x24FE00, s5;
	s6 =	sadd.s32 $0x1E400, s10;
	s10 =	simm.s32 $0x0  }
.LBB2_1:
0xc: {  	s11 =	sadd.s32 $0x0, s6  }
0xd: {  	[tilespmem:s2], [sflag:$0x2] =	stream.linear.gather [hbm4b:s11+s2], $0x400, $0x38;
	[tilespmem:$0x4400] =	vst v63  }
0xe: {  	_ =	swait.ge [sflag:s7], $0x400  }
0xf: {  	[sflag:s7] =	ssyncset.done $0x0  }
0x10: {  	[sflag:s7] =	ssyncadd.s32 $0xFFFFFC00  }
0x11: {  	[tilespmem:s8], [sflag:$0x1] =	stream.indirect.gather [hbm4b:s3+s8], $0x10, s2, s8, $0xb8;
	[tilespmem:$0x4400] =	vst v63  }
0x12: {  	_ =	swait.ge [sflag:s9], $0x4000  }
0x13: {  	[sflag:s9] =	ssyncset.done $0x0  }
0x14: {  	[sflag:s9] =	ssyncadd.s32 $0xFFFFC000  }
0x15: {  	[hbm4b:s5+s2] =	stream.linear.scatter [tilespmem:s8], [sflag:$0x2], $0x4000, $0x38;
	[tilespmem:$0x4400] =	vst v63  }
0x16: {  	s12 =	simm.s32 $0x80;
	_ =	swait.ge [sflag:s7], $0x4000  }
0x17: {  	s13 =	simm.s32 $0x100;
	s11 =	sadd.s32 $0x800, s5;
	[sflag:s7] =	ssyncset.done $0x0  }
.LBB2_2:
0x18: {  	s14 =	sadd.s32 s12, s6  }
0x19: {  	[sflag:s7] =	ssyncadd.s32 $0xFFFFC000;
	s12 =	smov.u32 s13;
	s15 =	sadd.s32 $0x80, s13  }
0x1a: {  	[tilespmem:s2], [sflag:$0x2] =	stream.linear.gather [hbm4b:s14+s2], $0x400, $0x38;
	[tilespmem:$0x4400] =	vst v63  }
0x1b: {  	p0 =	sne.s32 s13, $0xC00;
	_ =	swait.ge [sflag:s7], $0x400  }
0x1c: {  	[sflag:s7] =	ssyncset.done $0x0  }
0x1d: {  	[sflag:s7] =	ssyncadd.s32 $0xFFFFFC00  }
0x1e: {  	[tilespmem:s8], [sflag:$0x1] =	stream.indirect.gather [hbm4b:s3+s8], $0x10, s2, s8, $0xb8;
	[tilespmem:$0x4400] =	vst v63  }
0x1f: {  	_ =	swait.ge [sflag:s9], $0x4000  }
.Ltmp0:
0x20: {  	[sflag:s9] =	ssyncset.done $0x0;
	(pc) =	sbr.rel @p0 .LBB2_2-.Ltmp0, $4  }
0x21: {  	[sflag:s9] =	ssyncadd.s32 $0xFFFFC000  }
0x22: {  	[hbm4b:s11+s2] =	stream.linear.scatter [tilespmem:s8], [sflag:$0x2], $0x4000, $0x38;
	[tilespmem:$0x4400] =	vst v63  }
0x23: {  	_ =	swait.ge [sflag:s7], $0x4000  }
0x24: {  	s13 =	smov.u32 s15;
	s11 =	sadd.s32 $0x800, s11;
	[sflag:s7] =	ssyncset.done $0x0  }
0x25: {  	s12 =	sadd.s32 s12, s6;
	[sflag:s7] =	ssyncadd.s32 $0xFFFFC000  }
0x26: {  	[tilespmem:s2], [sflag:$0x2] =	stream.linear.gather [hbm4b:s12+s2], $0x400, $0x38;
	[tilespmem:$0x4400] =	vst v63  }
0x27: {  	_ =	swait.ge [sflag:s7], $0x400  }
0x28: {  	[sflag:s7] =	ssyncset.done $0x0  }
0x29: {  	[sflag:s7] =	ssyncadd.s32 $0xFFFFFC00  }
0x2a: {  	[tilespmem:s8], [sflag:$0x1] =	stream.indirect.gather [hbm4b:s3+s8], $0x10, s2, s8, $0xb8;
	[tilespmem:$0x4400] =	vst v63  }
0x2b: {  	s10 =	sadd.s32 $0x1, s10;
	_ =	swait.ge [sflag:s9], $0x4000  }
0x2c: {  	p0 =	sne.s32 s10, s4;
	[sflag:s9] =	ssyncset.done $0x0  }
.Ltmp1:
0x2d: {  	[sflag:s9] =	ssyncadd.s32 $0xFFFFC000;
	(pc) =	sbr.rel @p0 .LBB2_1-.Ltmp1, $4  }
0x2e: {  	[hbm4b:s11+s2] =	stream.linear.scatter [tilespmem:s8], [sflag:$0x2], $0x4000, $0x38;
	[tilespmem:$0x4400] =	vst v63  }
0x2f: {  	_ =	swait.ge [sflag:s7], $0x4000  }
0x30: {  	[sflag:s7] =	ssyncset.done $0x0  }
0x31: {  	[sflag:s7] =	ssyncadd.s32 $0xFFFFC000  }
0x32: {  	_ =	sfence.sel $0x180000  }
0x33: {  	[bflag:$0x0] =	sbarrier.arrive $0xFFFF  }
0x34: {  	p0 =	sne.s32 s1, $0x0;
	_ =	strace $0x90000047  }
0x35: {  	s0 =	sadd.s32 @!p0 $0x100000, s0;
	[bflag:$0x2] =	sbarrier.arrive $0xFFFF  }
0x36: {  	[sflag:s0] =	ssyncadd.tile.s32 @!p0 $0x1;
	_ =	shalt  }
.Lfunc_end2:
_tile_overlayer_lowered:
.L_overlay_start_2:
0x37: {  	(tag) =	ssettag $0x2  }
0x38: {  	s0 =	rddreg [dreg:$0x0];
	s2 =	stileid.u32  }
0x39: {  	s1 =	rddreg [dreg:$0x1];
	p0 =	sne.s32 s2, $0x0  }
0x3a: {  	s3 =	rddreg [dreg:$0x2];
	[bflag:$0x3] =	sbarrier.arrive $0xFFFF;
	s2 =	simm.s32 @!p0 $0x1C02  }
0x3b: {  	[timem:s3], [sflag:s2] =	dma.local @!p0 [hbm:s0], s1  }
0x3c: {  	s0 =	simm.s32 @!p0 $0x2  }
0x3d: {  	_ =	swait.ge @!p0 [sflag:s0], s1  }
0x3e: {  	s1 =	ssub.s32 @!p0 $0x0, s1;
	[sflag:s0] =	ssyncset.done @!p0 $0x0  }
0x3f: {  	[sflag:s0] =	ssyncadd.s32 @!p0 s1  }
0x40: {  	[bflag:$0x3] =	sbarrier.arrive $0xFFFF  }
0x41: {  	_ =	shalt  }

// kernel: kernel.13.cloned.1.call-start
scs
__scs_entry_jumppad:
0x0: {  	(pc) =	sbr.rel $0x88, $3  }
0x1: {  	(tag) =	ssettag $0x0;
	lr =	simm.s32 $0x1  }
0x2: {  	[smem:$0x3F8F] =	sst lr;
	_ =	strace $0xD0000000  }
0x3: {  	_ = 	snop  }
0x4: {  	_ = 	snop  }
0x5: {  	_ = 	snop  }
0x6: {  	_ = 	snop  }
0x7: {  	_ = 	snop  }
__scs_overlays_trampoline_lowered:
0x8: {  	[smem:$0x3F9E] =	sst s0  }
0x9: {  	[smem:$0x3F9F] =	sst s1  }
0xa: {  	[smem:$0x3FA0] =	sst s2  }
0xb: {  	[smem:$0x3FA1] =	sst s3  }
0xc: {  	[smem:$0x3FA2] =	sst s4  }
0xd: {  	[smem:$0x3FA3] =	sst s5  }
0xe: {  	[smem:$0x3FA4] =	sst s6  }
0xf: {  	[smem:$0x3FA5] =	sst s7  }
0x10: {  	[smem:$0x3FA6] =	sst s8  }
0x11: {  	[smem:$0x3FA7] =	sst s9;
	s0 =	simm.s32 @!p0 $0x0  }
0x12: {  	s1 =	sld [smem:$0x3F8D];
	s0 =	simm.s32 @p0 $0x1  }
0x13: {  	[smem:$0x3FA8] =	sst s0;
	s0 =	simm.s32 @!p1 $0x0  }
0x14: {  	s2 =	sld [smem:$0x3F8C];
	s0 =	simm.s32 @p1 $0x1  }
0x15: {  	[smem:$0x3FA9] =	sst s0;
	s0 =	simm.s32 @!p2 $0x0  }
0x16: {  	s3 =	sld [smem:$0x3FDB];
	s0 =	simm.s32 @p2 $0x1  }
0x17: {  	s4 =	simm.s32 $0x1BF5;
	[smem:$0x3FAB] =	sst s0  }
0x18: {  	s0 =	sld [smem:$0x3F8E];
	_ =	swait.ge [sflag:s4], $0x0  }
0x19: {  	s7 =	sld [smem:$0x3F8F]  }
0x1a: {  	s8 =	sadd.s32 $0xFFFFE003, lr  }
0x1b: {  	s9 =	sadd.s32 $0xFFFFFEF7, lr;
	s5 =	simm.s32 $0xFFFFFFFF;
	p2 =	slt.u32 s8, $0xFFFFF086  }
0x1c: {  	p1 =	slt.u32 s9, $0xF7A;
	s5 =	simm.s32 @!p2 $0x0  }
0x1d: {  	s5 =	simm.s32 @p1 $0x1;
	p0 =	seq.s32 s7, s2  }
0x1e: {  	s7 =	smul.u32 @!p0 $0xF7A, s2;
	p2 =	seq.s32 @!p0 s5, $0x0  }
0x1f: {  	s9 =	smul.u32 $0xF7A, s1;
	s8 =	simm.s32 @!p0 $0x1BF5;
	p2 =	por !p2, p0  }
0x20: {  	[sflag:s8] =	ssyncset.s32 @!p0 $0xFFFFF086;
	s6 =	sadd.s32 @!p0 s3, s7;
	s7 =	simm.s32 @!p0 $0x108  }
0x21: {  	s3 =	sadd.s32 s3, s9;
	s6 =	sadd.s32 @!p0 $0x88, s6;
	s7 =	simm.s32 @p2 $0x1082  }
0x22: {  	[simem:s7], [sflag:s8] =	dma.local @!p0 [hbm:s6], $0xF7A  }
0x23: {  	s9 =	sor.u32 $0xD0000000, s2;
	s6 =	simm.s32 $0x108;
	_ =	swait.ge @!p0 [sflag:s8], $0x0  }
0x24: {  	s3 =	sadd.s32 $0x88, s3;
	s6 =	simm.s32 @!p1 $0x1082;
	[sflag:s4] =	ssyncset.s32 $0xFFFFF086  }
0x25: {  	[simem:s6], [sflag:s4] =	dma.local [hbm:s3], $0xF7A  }
0x26: {  	[smem:$0x3F8F] =	sst s1;
	(tag) =	ssettag s2;
	_ =	strace s9  }
0x27: {  	s1 =	sld [smem:$0x3F9F]  }
0x28: {  	s2 =	sld [smem:$0x3FA0]  }
0x29: {  	s4 =	sld [smem:$0x3FA2]  }
0x2a: {  	p0 =	seq.s32 s5, $0x0;
	s5 =	sld [smem:$0x3FA3]  }
0x2b: {  	s6 =	sld [smem:$0x3FA4]  }
0x2c: {  	s7 =	sld [smem:$0x3FA5]  }
0x2d: {  	s3 =	simm.s32 $0x108;
	s8 =	sld [smem:$0x3FA6]  }
0x2e: {  	s3 =	simm.s32 @!p0 $0x1082;
	s9 =	sld [smem:$0x3FA7]  }
0x2f: {  	lr =	sadd.s32 s0, s3;
	s0 =	sld [smem:$0x3F9E]  }
0x30: {  	s3 =	sld [smem:$0x3FA1]  }
0x31: {  	[smem:$0x3FAA] =	sst s10  }
0x32: {  	s10 =	sld [smem:$0x3FA8];
	_ =	sdelay $0x3  }
0x33: {  	p0 =	seq.s32 s10, $0x1;
	s10 =	sld [smem:$0x3FAA];
	_ =	sdelay $0x3  }
0x34: {  	[smem:$0x3FAA] =	sst s10  }
0x35: {  	s10 =	sld [smem:$0x3FA9];
	_ =	sdelay $0x3  }
0x36: {  	p1 =	seq.s32 s10, $0x1;
	s10 =	sld [smem:$0x3FAA];
	_ =	sdelay $0x3  }
0x37: {  	[smem:$0x3FAA] =	sst s10  }
0x38: {  	s10 =	sld [smem:$0x3FAB]  }
0x39: {  	_ = 	snop;
	(pc) =	sbr.ind lr, $3  }
0x3a: {  	_ = 	snop  }
0x3b: {  	_ = 	snop  }
0x3c: {  	p2 =	seq.s32 s10, $0x1;
	s10 =	sld [smem:$0x3FAA]  }
0x3d: {  	_ =	shalt  }
0x3e: {  	_ =	shalt  }
0x3f: {  	_ =	shalt  }
0x40: {  	_ =	shalt  }
0x41: {  	_ =	shalt  }
0x42: {  	_ =	shalt  }
0x43: {  	_ =	shalt  }
0x44: {  	_ =	shalt  }
0x45: {  	_ =	shalt  }
0x46: {  	_ =	shalt  }
0x47: {  	_ =	shalt  }
0x48: {  	_ =	shalt  }
0x49: {  	_ =	shalt  }
0x4a: {  	_ =	shalt  }
0x4b: {  	_ =	shalt  }
0x4c: {  	_ =	shalt  }
0x4d: {  	_ =	shalt  }
0x4e: {  	_ =	shalt  }
0x4f: {  	_ =	shalt  }
0x50: {  	_ =	shalt  }
0x51: {  	_ =	shalt  }
0x52: {  	_ =	shalt  }
0x53: {  	_ =	shalt  }
0x54: {  	_ =	shalt  }
0x55: {  	_ =	shalt  }
0x56: {  	_ =	shalt  }
0x57: {  	_ =	shalt  }
0x58: {  	_ =	shalt  }
0x59: {  	_ =	shalt  }
0x5a: {  	_ =	shalt  }
0x5b: {  	_ =	shalt  }
0x5c: {  	_ =	shalt  }
0x5d: {  	_ =	shalt  }
0x5e: {  	_ =	shalt  }
0x5f: {  	_ =	shalt  }
0x60: {  	_ =	shalt  }
0x61: {  	_ =	shalt  }
0x62: {  	_ =	shalt  }
0x63: {  	_ =	shalt  }
0x64: {  	_ =	shalt  }
0x65: {  	_ =	shalt  }
0x66: {  	_ =	shalt  }
0x67: {  	_ =	shalt  }
0x68: {  	_ =	shalt  }
0x69: {  	_ =	shalt  }
0x6a: {  	_ =	shalt  }
0x6b: {  	_ =	shalt  }
0x6c: {  	_ =	shalt  }
0x6d: {  	_ =	shalt  }
0x6e: {  	_ =	shalt  }
0x6f: {  	_ =	shalt  }
0x70: {  	_ =	shalt  }
0x71: {  	_ =	shalt  }
0x72: {  	_ =	shalt  }
0x73: {  	_ =	shalt  }
0x74: {  	_ =	shalt  }
0x75: {  	_ =	shalt  }
0x76: {  	_ =	shalt  }
0x77: {  	_ =	shalt  }
0x78: {  	_ =	shalt  }
0x79: {  	_ =	shalt  }
0x7a: {  	_ =	shalt  }
0x7b: {  	_ =	shalt  }
0x7c: {  	_ =	shalt  }
0x7d: {  	_ =	shalt  }
0x7e: {  	_ =	shalt  }
0x7f: {  	_ =	shalt  }
0x80: {  	_ =	shalt  }
0x81: {  	_ =	shalt  }
0x82: {  	_ =	shalt  }
0x83: {  	_ =	shalt  }
0x84: {  	_ =	shalt  }
0x85: {  	_ =	shalt  }
0x86: {  	_ =	shalt  }
0x87: {  	_ =	shalt  }
.Lfunc_end0:
.L_simem_size_0:
called_computation.1_lowered:
.L_overlay_start_0:
0x88: {  	s2 =	sld [smem:$0x3FD9]  }
0x89: {  	s3 =	sld [smem:$0x3FFE];
	_ =	sdelay $0x1  }
0x8a: {  	s1 =	srdreg.scid  }
0x8b: {  	s0 =	sand.u32 $0x1, s1  }
0x8c: {  	s16 =	sshll.u32 s0, $0xA;
	s2 =	sadd.s32 s3, s2  }
0x8d: {  	s2 =	sadd.s32 s2, s16  }
0x8e: {  	[smem:$0x3FB6] =	sst s2  }
0x8f: {  	_ = 	snop  }
0x90: {  	(tm) =	ssettm $0x1  }
0x91: {  	s17 =	sld [smem:$0x3FFB];
	_ =	sdelay $0x3  }
0x92: {  	_ =	strace s17  }
0x93: {  	s2 =	sld [smem:$0x3FFC];
	_ =	sdelay $0x3  }
0x94: {  	_ =	strace s2  }
0x95: {  	s2 =	sld [smem:$0x3FFD];
	_ =	sdelay $0x3  }
0x96: {  	_ =	strace s2  }
0x97: {  	_ =	strace $0x8FFFFFFF  }
0x98: {  	s18 =	sld [smem:$0x3FDB];
	_ =	sdelay $0x1  }
0x99: {  	s19 =	simm.s32 $_scs_section_size  }
0x9a: {  	s4 =	simm.s32 $_size__tile_overlayer_lowered;
	s5 =	simm.s32 $_tile_overlayer_lowered  }
0x9b: {  	s22 =	simm.s32 $0x1BFF;
	s21 =	sshll.u32 s5, $0x1;
	s2 =	sadd.s32 s19, s18  }
0x9c: {  	s6 =	simm.s32 $0x0;
	s20 =	sshll.u32 s4, $0x1;
	s4 =	sadd.s32 s21, s2  }
0x9d: {  	[timem:s6], [sflag:s22] =	dma.local [hbm:s4], s20  }
0x9e: {  	_ =	swait.ge [sflag:s22], s20  }
0x9f: {  	s3 =	ssub.s32 $0x0, s20;
	[sflag:s22] =	ssyncset.done $0x0  }
0xa0: {  	[sflag:s22] =	ssyncadd.s32 s3;
	_ =	sdelay $0x1  }
0xa1: {  	s23 =	simm.s32 $0x1B8B  }
0xa2: {  	_ =	swait.ge [sflag:s23], $0x1  }
0xa3: {  	[sflag:s23] =	ssyncset.done $0x0  }
0xa4: {  	s25 =	simm.s32 $0x1B8E;
	s24 =	sld [smem:$0x3FFE];
	[sflag:s23] =	ssyncadd.s32 $0xFFFFFFFF  }
0xa5: {  	s26 =	simm.s32 $execute0_lowered;
	[smem:$0x3FD2] =	sst s25  }
0xa6: {  	s4 =	sshll.u32 s26, $0x1;
	_ =	strace $0x80000049;
	[dreg:$0x1] =	wrdreg $0xFFFFFFFF  }
0xa7: {  	s28 =	simm.s32 $_size_execute0_lowered;
	s2 =	sadd.s32 s2, s4;
	[dreg:$0x0] =	wrdreg $0x0  }
0xa8: {  	s4 =	sshll.u32 s28, $0x1;
	[dreg:$0x2] =	wrdreg s2  }
0xa9: {  	[dreg:$0x3] =	wrdreg s4  }
0xaa: {  	[dreg:$0x4] =	wrdreg $0xC0  }
0xab: {  	_ =	task [dreg:s6], $0x5FFFF  }
0xac: {  	[dreg:$0x1] =	wrdreg $0xFFFFFFFF  }
0xad: {  	[dreg:$0x0] =	wrdreg $0x60  }
0xae: {  	[dreg:$0x2] =	wrdreg s24  }
0xaf: {  	[dreg:$0x3] =	wrdreg $0xC4000  }
0xb0: {  	[dreg:$0x4] =	wrdreg $0x9  }
0xb1: {  	_ =	task.clear_ibuf [dreg:s6], $0x5FFFF;
	_ =	strace $0x90000049  }
0xb2: {  	s29 =	simm.s32 $0x9;
	_ =	strace $0x8000004B  }
0xb3: {  	_ =	swait.ge [sflag:s29], $0x1  }
0xb4: {  	[sflag:s29] =	ssyncadd.s32 $0xFFFFFFFF  }
0xb5: {  	_ =	strace $0x9000004B  }
0xb6: {  	_ =	sfence  }
0xb7: {  	s30 =	sld [smem:$0x0];
	_ =	sdelay $0x2  }
0xb8: {  	s31 =	sshll.u32 s1, $0xD;
	s1 =	sshrl.u32 s1, $0x2  }
0xb9: {  	s3 =	sand.u32 $0x4000, s31;
	s1 =	sadd.s32 s1, s30  }
0xba: {  	s0 =	sor.u32 s3, s0;
	s1 =	sshll.u32 s1, $0x11  }
0xbb: {  	s0 =	sor.u32 s1, s0  }
0xbc: {  	s0 =	sadd.s32 $0x8F2B, s0  }
0xbd: {  	[sflag:s0] =	ssyncadd.remote.s32 $0x1  }
0xbe: {  	_ =	sfence.sel $0xFFFF  }
0xbf: {  	[dreg:$0x0] =	wrdreg $0xFFFFFFFF;
	(pc) =	sbr.abs _section_cstart, $3  }
0xc0: {  	[dreg:$0x1] =	wrdreg $0xFFFFFFFF  }
0xc1: {  	_ =	task.clear_ibuf [dreg:s6], $0x2FFFF;
	_ =	strace $0x9FFFFFFF  }
0xc2: {  	(tm) =	ssettm $0x7FFFFFFF  }
0xc3: {  	_ =	shalt  }
tec
execute0_lowered:
.L_overlay_start_1:
0x0: {  	(tag) =	ssettag $0x1  }
0x1: {  	s7 =	rddreg [dreg:$0x0]  }
0x2: {  	s2 =	rddreg [dreg:$0x1]  }
0x3: {  	s0 =	rddreg [dreg:$0x2]  }
0x4: {  	s3 =	simm.s32 $0x0;
	s1 =	stileid.u32;
	s6 =	srdreg.scid  }
0x5: {  	s18 =	simm.s32 $0x4400;
	s19 =	simm.s32 $0x1;
	s20 =	simm.s32 $0x8400  }
0x6: {  	s21 =	simm.s32 $0x8;
	s22 =	simm.s32 $0x0;
	[smem:$0x7FF] =	sst s3  }
0x7: {  	s8 =	smul.u32 $0xC350, s1;
	s4 =	sadd.s32 $0x37400, s7;
	s5 =	sadd.s32 $0x24FE00, s7  }
0x8: {  	s10 =	sand.u32 $0x1, s6;
	s6 =	sadd.s32 $0x6FFE00, s7;
	s13 =	sadd.s32 $0x50400, s7  }
0x9: {  	s30 =	smul.u32 $0x30D40, s1;
	s31 =	sshll.u32 s1, $0x6;
	_ =	strace $0x8000004A  }
0xa: {  	s11 =	ssub.s32 $0x2, s10;
	s12 =	sshllo.u32 s10, $0x1;
	s16 =	sshll.u32 s10, $0x5  }
0xb: {  	s10 =	smul.u32 $0x1900000, s10;
	s9 =	sshrl.u32 s8, $0x3;
	s29 =	sshrl.u32 s11, $0x1  }
0xc: {  	s15 =	sadd.s32 s8, s2;
	s17 =	sshll.u32 s12, $0x4;
	s16 =	sor.u32 s16, s30  }
0xd: {  	s12 =	smul.u32 $0xC80000, s12;
	s9 =	sadd.s32 s9, s7;
	s14 =	ssub.s32 s11, s29  }
0xe: {  	s7 =	smul.u32 $0xC800, s1;
	s11 =	sor.u32 s30, s17;
	s16 =	sshrl.u32 s16, $0x3  }
0xf: {  	s15 =	sshrl.u32 s15, $0x3;
	s8 =	sadd.s32 $0x5C00, s9;
	s9 =	sor.u32 $0x1C02, s31  }
0x10: {  	s17 =	sshrl.u32 s11, $0x3;
	s11 =	sadd.s32 s13, s16;
	s14 =	smax.u32 s14, $0x1  }
0x11: {  	s16 =	simm.s32 $0x2;
	s13 =	sadd.s32 s13, s17;
	s17 =	simm.s32 $0x400  }
.LBB2_1:
0x12: {  	[spmem:s15], [sflag:s9] =	dma.local [hbm:s8], $0x186A  }
0x13: {  	_ =	swait.ge [sflag:s16], $0x186A  }
0x14: {  	[sflag:s16] =	ssyncset.done $0x0  }
0x15: {  	[sflag:s16] =	ssyncadd.s32 $0xFFFFE796  }
0x16: {  	s23 =	simm.s32 $0x0;
	[bflag:$0x0] =	sbarrier.arrive $0xFFFF  }
.LBB2_2:
0x17: {  	s24 =	sshll.u32 s23, $0xA  }
0x18: {  	s24 =	sadd.s32 s7, s24  }
0x19: {  	s25 =	sshrl.u32 s24, $0x3;
	s31 =	sshll.u32 s24, $0x1;
	s24 =	sshll.u32 s24, $0x4  }
0x1a: {  	s26 =	simm.s32 $0x0;
	s25 =	sadd.s32 s4, s25;
	s24 =	sadd.s32 s10, s24  }
0x1b: {  	[tilespmem:s26], [sflag:$0x1] =	stream.linear.gather [hbm4b:s25+s26], $0x400, $0x38;
	[tilespmem:$0x18750] =	vst v63  }
0x1c: {  	s25 =	sadd.s32 s5, s31;
	s24 =	sshrl.u32 s24, $0x3  }
0x1d: {  	[tilespmem:s17], [sflag:$0x1] =	stream.linear.gather [hbm4b:s25+s26], $0x4000, $0x38;
	[tilespmem:$0x18750] =	vst v63  }
0x1e: {  	s24 =	sadd.s32 s6, s24  }
0x1f: {  	[tilespmem:s18], [sflag:$0x1] =	stream.linear.gather [hbm4b:s24+s26], $0x4000, $0x38;
	[tilespmem:$0x18750] =	vst v63  }
0x20: {  	_ =	swait.ge [sflag:s19], $0x400  }
0x21: {  	[sflag:s19] =	ssyncset.done $0x0  }
0x22: {  	[sflag:s19] =	ssyncadd.s32 $0xFFFFFC00  }
0x23: {  	_ =	swait.ge [sflag:s19], $0x4000  }
0x24: {  	[sflag:s19] =	ssyncset.done $0x0  }
0x25: {  	[sflag:s19] =	ssyncadd.s32 $0xFFFFC000  }
0x26: {  	_ =	swait.ge [sflag:s19], $0x4000  }
0x27: {  	[sflag:s19] =	ssyncset.done $0x0  }
0x28: {  	s24 =	simm.s32 $0x0;
	[sflag:s19] =	ssyncadd.s32 $0xFFFFC000  }
0x29: {  	v0 =	vld [tilespmem:s24+$0x470]  }
0x2a: {  	v1 =	vld [tilespmem:s24+$0x4470]  }
0x2b: {  	v2 =	vld [tilespmem:s24+$0x400]  }
0x2c: {  	v3 =	vld [tilespmem:s24+$0x4400]  }
0x2d: {  	v4 =	vld [tilespmem:s24+$0x410]  }
0x2e: {  	v5 =	vld [tilespmem:s24+$0x4410]  }
0x2f: {  	v6 =	vld [tilespmem:s24+$0x420]  }
0x30: {  	v7 =	vld [tilespmem:s24+$0x430]  }
0x31: {  	v0 =	vmul.f32 v1, v0;
	v1 =	vld [tilespmem:s24+$0x4420]  }
0x32: {  	v8 =	vld [tilespmem:s24+$0x4430]  }
0x33: {  	v9 =	vld [tilespmem:s24+$0x4440];
	v2 =	vmul.f32 v3, v2  }
0x34: {  	[tilespmem:s24+$0x8470] =	vst v0;
	v0 =	vmul.f32 v5, v4;
	v5 =	vld [tilespmem:s24+$0x440]  }
0x35: {  	v3 =	vld [tilespmem:s24+$0x4450];
	[tilespmem:s24+$0x8400] =	vst v2  }
0x36: {  	v2 =	vld [tilespmem:s24+$0x450];
	[tilespmem:s24+$0x8410] =	vst v0;
	v0 =	vmul.f32 v1, v6  }
0x37: {  	v4 =	vld [tilespmem:s24+$0x4460];
	v6 =	vmul.f32 v8, v7  }
0x38: {  	s25 =	simm.s32 $0x80;
	[tilespmem:s24+$0x8420] =	vst v0;
	v0 =	vld [tilespmem:s24+$0x460]  }
0x39: {  	s26 =	simm.s32 $0x400;
	v5 =	vmul.f32 v9, v5;
	v1 =	vld [tilespmem:s25+$0x470];
	[tilespmem:s24+$0x8430] =	vst v6  }
.LBB2_3:
0x3a: {  	p0 =	sne.s32 s26, $0xFE00;
	v6 =	vld [tilespmem:s25+$0x4470]  }
0x3b: {  	v7 =	vld [tilespmem:s25+$0x400];
	[tilespmem:s24+$0x8440] =	vst v5;
	v2 =	vmul.f32 v3, v2  }
0x3c: {  	v3 =	vld [tilespmem:s25+$0x4400]  }
0x3d: {  	v5 =	vld [tilespmem:s25+$0x410];
	[tilespmem:s24+$0x8450] =	vst v2;
	v0 =	vmul.f32 v4, v0  }
0x3e: {  	v2 =	vld [tilespmem:s25+$0x4410]  }
0x3f: {  	v4 =	vld [tilespmem:s25+$0x420];
	v1 =	vmul.f32 v6, v1;
	[tilespmem:s24+$0x8460] =	vst v0;
	s24 =	smov.u32 s25  }
0x40: {  	v0 =	vld [tilespmem:s24+$0x4420]  }
0x41: {  	v3 =	vmul.f32 v3, v7;
	v6 =	vld [tilespmem:s24+$0x430];
	[tilespmem:s24+$0x8470] =	vst v1  }
0x42: {  	v1 =	vld [tilespmem:s24+$0x4430]  }
0x43: {  	[tilespmem:s24+$0x8400] =	vst v3;
	v2 =	vmul.f32 v2, v5;
	v5 =	vld [tilespmem:s24+$0x440]  }
0x44: {  	v7 =	vld [tilespmem:s24+$0x4440]  }
.Ltmp0:
0x45: {  	[tilespmem:s24+$0x8410] =	vst v2;
	v0 =	vmul.f32 v0, v4;
	v2 =	vld [tilespmem:s24+$0x450];
	(pc) =	sbr.rel @p0 .LBB2_3-.Ltmp0, $4  }
0x46: {  	v3 =	vld [tilespmem:s24+$0x4450]  }
0x47: {  	[tilespmem:s24+$0x8420] =	vst v0;
	v6 =	vmul.f32 v1, v6;
	v0 =	vld [tilespmem:s24+$0x460]  }
0x48: {  	s25 =	sshra.s32 s26, $0x2;
	v4 =	vld [tilespmem:s24+$0x4460]  }
0x49: {  	s26 =	sadd.s32 $0x200, s26;
	v1 =	vld [tilespmem:s25+$0x470];
	[tilespmem:s24+$0x8430] =	vst v6;
	v5 =	vmul.f32 v7, v5  }
0x4a: {  	v6 =	vld [tilespmem:s25+$0x4470]  }
0x4b: {  	v7 =	vld [tilespmem:s25+$0x400];
	[tilespmem:s24+$0x8440] =	vst v5;
	v2 =	vmul.f32 v3, v2  }
0x4c: {  	v51 =	vld [tilespmem:s25+$0x4400]  }
0x4d: {  	v5 =	vld [tilespmem:s25+$0x410];
	[tilespmem:s24+$0x8450] =	vst v2;
	v0 =	vmul.f32 v4, v0  }
0x4e: {  	v2 =	vld [tilespmem:s25+$0x4410]  }
0x4f: {  	v52 =	vld [tilespmem:s25+$0x420];
	[tilespmem:s24+$0x8460] =	vst v0  }
0x50: {  	v54 =	vld [tilespmem:s25+$0x4420]  }
0x51: {  	v55 =	vld [tilespmem:s25+$0x430]  }
0x52: {  	v56 =	vld [tilespmem:s25+$0x4430]  }
0x53: {  	v57 =	vld [tilespmem:s25+$0x440]  }
0x54: {  	v58 =	vld [tilespmem:s25+$0x4440]  }
0x55: {  	v59 =	vld [tilespmem:s25+$0x450]  }
0x56: {  	v53 =	vmul.f32 v6, v1;
	v60 =	vld [tilespmem:s25+$0x4450]  }
0x57: {  	v61 =	vld [tilespmem:s25+$0x460];
	v3 =	vmul.f32 v51, v7  }
0x58: {  	v62 =	vld [tilespmem:s25+$0x4460];
	[tilespmem:s25+$0x8470] =	vst v53;
	v2 =	vmul.f32 v2, v5  }
0x59: {  	[tilespmem:s25+$0x8400] =	vst v3;
	v1 =	vmul.f32 v54, v52  }
0x5a: {  	[tilespmem:s25+$0x8410] =	vst v2;
	v0 =	vmul.f32 v56, v55  }
0x5b: {  	v3 =	vmul.f32 v58, v57;
	[tilespmem:s25+$0x8420] =	vst v1  }
0x5c: {  	v63 =	vmul.f32 v60, v59;
	[tilespmem:s25+$0x8430] =	vst v0  }
0x5d: {  	s23 =	sadd.s32 $0x1, s23;
	[tilespmem:s25+$0x8440] =	vst v3;
	v1 =	vmul.f32 v62, v61  }
0x5e: {  	p0 =	sne.s32 s23, $0x32;
	[tilespmem:s25+$0x8450] =	vst v63  }
.Ltmp1:
0x5f: {  	[tilespmem:s25+$0x8460] =	vst v1;
	(pc) =	sbr.rel @p0 .LBB2_2-.Ltmp1, $4  }
0x60: {  	[spmem:s2] =	stream.indirect.scatter.add.f32 [tilespmem:s20], [sflag:$0x2], $0x10, s3, s17, $0xb8;
	[tilespmem:$0x18750] =	vst v63  }
0x61: {  	_ =	swait.ge [sflag:s16], $0x4000  }
0x62: {  	[sflag:s16] =	ssyncset.done $0x0  }
0x63: {  	[sflag:s16] =	ssyncadd.s32 $0xFFFFC000  }
0x64: {  	[bflag:$0x0] =	sbarrier.arrive $0xFFFF  }
0x65: {  	[hbm:s11@s21], [sflag:s9] =	dma.strided [spmem:s15@s16], $0x186A, s19, $0x2   }
0x66: {  	_ =	swait.ge [sflag:s16], $0x186A  }
0x67: {  	[sflag:s16] =	ssyncset.done $0x0  }
0x68: {  	[sflag:s16] =	ssyncadd.s32 $0xFFFFE796  }
0x69: {  	[bflag:$0x0] =	sbarrier.arrive $0xFFFF  }
0x6a: {  	[spmem:s15], [sflag:s9] =	dma.local [hbm:s8], $0x186A  }
0x6b: {  	_ =	swait.ge [sflag:s16], $0x186A  }
0x6c: {  	[sflag:s16] =	ssyncset.done $0x0  }
0x6d: {  	[sflag:s16] =	ssyncadd.s32 $0xFFFFE796  }
0x6e: {  	s23 =	simm.s32 $0x0;
	s24 =	simm.s32 $0x0;
	[bflag:$0x0] =	sbarrier.arrive $0xFFFF  }
.LBB2_6:
0x6f: {  	s25 =	sshll.u32 s24, $0xA  }
0x70: {  	s25 =	sadd.s32 s7, s25  }
0x71: {  	s26 =	sshrl.u32 s25, $0x3;
	s31 =	sshll.u32 s25, $0x1;
	s25 =	sshll.u32 s25, $0x4  }
0x72: {  	s26 =	sadd.s32 s4, s26;
	s25 =	sadd.s32 s12, s25  }
0x73: {  	[tilespmem:s23], [sflag:$0x1] =	stream.linear.gather [hbm4b:s26+s23], $0x400, $0x38;
	[tilespmem:$0x18750] =	vst v63  }
0x74: {  	s26 =	sadd.s32 s5, s31;
	s25 =	sshrl.u32 s25, $0x3  }
0x75: {  	[tilespmem:s17], [sflag:$0x1] =	stream.linear.gather [hbm4b:s26+s23], $0x4000, $0x38;
	[tilespmem:$0x18750] =	vst v63  }
0x76: {  	s25 =	sadd.s32 s6, s25  }
0x77: {  	[tilespmem:s18], [sflag:$0x1] =	stream.linear.gather [hbm4b:s25+s23], $0x4000, $0x38;
	[tilespmem:$0x18750] =	vst v63  }
0x78: {  	_ =	swait.ge [sflag:s19], $0x400  }
0x79: {  	[sflag:s19] =	ssyncset.done $0x0  }
0x7a: {  	[sflag:s19] =	ssyncadd.s32 $0xFFFFFC00  }
0x7b: {  	_ =	swait.ge [sflag:s19], $0x4000  }
0x7c: {  	[sflag:s19] =	ssyncset.done $0x0  }
0x7d: {  	[sflag:s19] =	ssyncadd.s32 $0xFFFFC000  }
0x7e: {  	_ =	swait.ge [sflag:s19], $0x4000  }
0x7f: {  	[sflag:s19] =	ssyncset.done $0x0  }
0x80: {  	s25 =	simm.s32 $0x0;
	[sflag:s19] =	ssyncadd.s32 $0xFFFFC000  }
0x81: {  	v0 =	vld [tilespmem:s25+$0x470]  }
0x82: {  	v1 =	vld [tilespmem:s25+$0x4470]  }
0x83: {  	v2 =	vld [tilespmem:s25+$0x400]  }
0x84: {  	v3 =	vld [tilespmem:s25+$0x4400]  }
0x85: {  	v4 =	vld [tilespmem:s25+$0x410]  }
0x86: {  	v5 =	vld [tilespmem:s25+$0x4410]  }
0x87: {  	v6 =	vld [tilespmem:s25+$0x420]  }
0x88: {  	v7 =	vld [tilespmem:s25+$0x430]  }
0x89: {  	v0 =	vmul.f32 v1, v0;
	v1 =	vld [tilespmem:s25+$0x4420]  }
0x8a: {  	v8 =	vld [tilespmem:s25+$0x4430]  }
0x8b: {  	v9 =	vld [tilespmem:s25+$0x4440];
	v2 =	vmul.f32 v3, v2  }
0x8c: {  	[tilespmem:s25+$0x8470] =	vst v0;
	v0 =	vmul.f32 v5, v4;
	v5 =	vld [tilespmem:s25+$0x440]  }
0x8d: {  	v3 =	vld [tilespmem:s25+$0x4450];
	[tilespmem:s25+$0x8400] =	vst v2  }
0x8e: {  	v2 =	vld [tilespmem:s25+$0x450];
	[tilespmem:s25+$0x8410] =	vst v0;
	v0 =	vmul.f32 v1, v6  }
0x8f: {  	v4 =	vld [tilespmem:s25+$0x4460];
	v6 =	vmul.f32 v8, v7  }
0x90: {  	s26 =	simm.s32 $0x80;
	[tilespmem:s25+$0x8420] =	vst v0;
	v0 =	vld [tilespmem:s25+$0x460]  }
0x91: {  	s28 =	simm.s32 $0x400;
	v5 =	vmul.f32 v9, v5;
	v1 =	vld [tilespmem:s26+$0x470];
	[tilespmem:s25+$0x8430] =	vst v6  }
.LBB2_7:
0x92: {  	p0 =	sne.s32 s28, $0xFE00;
	v6 =	vld [tilespmem:s26+$0x4470]  }
0x93: {  	v7 =	vld [tilespmem:s26+$0x400];
	[tilespmem:s25+$0x8440] =	vst v5;
	v2 =	vmul.f32 v3, v2  }
0x94: {  	v3 =	vld [tilespmem:s26+$0x4400]  }
0x95: {  	v5 =	vld [tilespmem:s26+$0x410];
	[tilespmem:s25+$0x8450] =	vst v2;
	v0 =	vmul.f32 v4, v0  }
0x96: {  	v2 =	vld [tilespmem:s26+$0x4410]  }
0x97: {  	v4 =	vld [tilespmem:s26+$0x420];
	v1 =	vmul.f32 v6, v1;
	[tilespmem:s25+$0x8460] =	vst v0;
	s25 =	smov.u32 s26  }
0x98: {  	v0 =	vld [tilespmem:s25+$0x4420]  }
0x99: {  	v3 =	vmul.f32 v3, v7;
	v6 =	vld [tilespmem:s25+$0x430];
	[tilespmem:s25+$0x8470] =	vst v1  }
0x9a: {  	v1 =	vld [tilespmem:s25+$0x4430]  }
0x9b: {  	[tilespmem:s25+$0x8400] =	vst v3;
	v2 =	vmul.f32 v2, v5;
	v5 =	vld [tilespmem:s25+$0x440]  }
0x9c: {  	v7 =	vld [tilespmem:s25+$0x4440]  }
.Ltmp2:
0x9d: {  	[tilespmem:s25+$0x8410] =	vst v2;
	v0 =	vmul.f32 v0, v4;
	v2 =	vld [tilespmem:s25+$0x450];
	(pc) =	sbr.rel @p0 .LBB2_7-.Ltmp2, $4  }
0x9e: {  	v3 =	vld [tilespmem:s25+$0x4450]  }
0x9f: {  	[tilespmem:s25+$0x8420] =	vst v0;
	v6 =	vmul.f32 v1, v6;
	v0 =	vld [tilespmem:s25+$0x460]  }
0xa0: {  	s26 =	sshra.s32 s28, $0x2;
	v4 =	vld [tilespmem:s25+$0x4460]  }
0xa1: {  	s28 =	sadd.s32 $0x200, s28;
	v1 =	vld [tilespmem:s26+$0x470];
	[tilespmem:s25+$0x8430] =	vst v6;
	v5 =	vmul.f32 v7, v5  }
0xa2: {  	v6 =	vld [tilespmem:s26+$0x4470]  }
0xa3: {  	v7 =	vld [tilespmem:s26+$0x400];
	[tilespmem:s25+$0x8440] =	vst v5;
	v2 =	vmul.f32 v3, v2  }
0xa4: {  	v51 =	vld [tilespmem:s26+$0x4400]  }
0xa5: {  	v5 =	vld [tilespmem:s26+$0x410];
	[tilespmem:s25+$0x8450] =	vst v2;
	v0 =	vmul.f32 v4, v0  }
0xa6: {  	v2 =	vld [tilespmem:s26+$0x4410]  }
0xa7: {  	v52 =	vld [tilespmem:s26+$0x420];
	[tilespmem:s25+$0x8460] =	vst v0  }
0xa8: {  	v54 =	vld [tilespmem:s26+$0x4420]  }
0xa9: {  	v55 =	vld [tilespmem:s26+$0x430]  }
0xaa: {  	v56 =	vld [tilespmem:s26+$0x4430]  }
0xab: {  	v57 =	vld [tilespmem:s26+$0x440]  }
0xac: {  	v58 =	vld [tilespmem:s26+$0x4440]  }
0xad: {  	v59 =	vld [tilespmem:s26+$0x450]  }
0xae: {  	v53 =	vmul.f32 v6, v1;
	v60 =	vld [tilespmem:s26+$0x4450]  }
0xaf: {  	v61 =	vld [tilespmem:s26+$0x460];
	v3 =	vmul.f32 v51, v7  }
0xb0: {  	v62 =	vld [tilespmem:s26+$0x4460];
	[tilespmem:s26+$0x8470] =	vst v53;
	v2 =	vmul.f32 v2, v5  }
0xb1: {  	[tilespmem:s26+$0x8400] =	vst v3;
	v1 =	vmul.f32 v54, v52  }
0xb2: {  	[tilespmem:s26+$0x8410] =	vst v2;
	v0 =	vmul.f32 v56, v55  }
0xb3: {  	v3 =	vmul.f32 v58, v57;
	[tilespmem:s26+$0x8420] =	vst v1  }
0xb4: {  	v63 =	vmul.f32 v60, v59;
	[tilespmem:s26+$0x8430] =	vst v0  }
0xb5: {  	s24 =	sadd.s32 $0x1, s24;
	[tilespmem:s26+$0x8440] =	vst v3;
	v1 =	vmul.f32 v62, v61  }
0xb6: {  	p0 =	sne.s32 s24, $0x32;
	[tilespmem:s26+$0x8450] =	vst v63  }
.Ltmp3:
0xb7: {  	[tilespmem:s26+$0x8460] =	vst v1;
	(pc) =	sbr.rel @p0 .LBB2_6-.Ltmp3, $4  }
0xb8: {  	[spmem:s2] =	stream.indirect.scatter.add.f32 [tilespmem:s20], [sflag:$0x2], $0x10, s3, s17, $0xb8;
	[tilespmem:$0x18750] =	vst v63  }
0xb9: {  	_ =	swait.ge [sflag:s16], $0x4000  }
0xba: {  	[sflag:s16] =	ssyncset.done $0x0  }
0xbb: {  	[sflag:s16] =	ssyncadd.s32 $0xFFFFC000  }
0xbc: {  	[bflag:$0x0] =	sbarrier.arrive $0xFFFF;
	s22 =	sadd.s32 $0x1, s22  }
0xbd: {  	[hbm:s13@s21], [sflag:s9] =	dma.strided [spmem:s15@s16], $0x186A, s19, $0x2   }
0xbe: {  	p0 =	sne.s32 s22, s14  }
.Ltmp4:
0xbf: {  	_ =	swait.ge [sflag:s16], $0x186A;
	(pc) =	sbr.rel @p0 .LBB2_1-.Ltmp4, $3  }
0xc0: {  	[sflag:s16] =	ssyncset.done $0x0  }
0xc1: {  	[sflag:s16] =	ssyncadd.s32 $0xFFFFE796  }
0xc2: {  	[bflag:$0x0] =	sbarrier.arrive $0xFFFF;
	_ =	sdelay $0x1  }
0xc3: {  	_ =	sfence.sel $0x180000  }
0xc4: {  	[bflag:$0x0] =	sbarrier.arrive $0xFFFF  }
0xc5: {  	p0 =	sne.s32 s1, $0x0;
	_ =	strace $0x9000004A  }
0xc6: {  	s0 =	sadd.s32 @!p0 $0x100000, s0;
	[bflag:$0x2] =	sbarrier.arrive $0xFFFF  }
0xc7: {  	[sflag:s0] =	ssyncadd.tile.s32 @!p0 $0x1;
	_ =	shalt  }
.Lfunc_end2:
_tile_overlayer_lowered:
.L_overlay_start_2:
0xc8: {  	(tag) =	ssettag $0x2  }
0xc9: {  	s0 =	rddreg [dreg:$0x0];
	s2 =	stileid.u32  }
0xca: {  	s1 =	rddreg [dreg:$0x1];
	p0 =	sne.s32 s2, $0x0  }
0xcb: {  	s3 =	rddreg [dreg:$0x2];
	[bflag:$0x3] =	sbarrier.arrive $0xFFFF;
	s2 =	simm.s32 @!p0 $0x1C02  }
0xcc: {  	[timem:s3], [sflag:s2] =	dma.local @!p0 [hbm:s0], s1  }
0xcd: {  	s0 =	simm.s32 @!p0 $0x2  }
0xce: {  	_ =	swait.ge @!p0 [sflag:s0], s1  }
0xcf: {  	s1 =	ssub.s32 @!p0 $0x0, s1;
	[sflag:s0] =	ssyncset.done @!p0 $0x0  }
0xd0: {  	[sflag:s0] =	ssyncadd.s32 @!p0 s1  }
0xd1: {  	[bflag:$0x3] =	sbarrier.arrive $0xFFFF  }
0xd2: {  	_ =	shalt  }

// kernel: kernel.16.cloned.1.call-start
scs
__scs_entry_jumppad:
0x0: {  	(pc) =	sbr.rel $0x88, $3  }
0x1: {  	(tag) =	ssettag $0x0;
	lr =	simm.s32 $0x1  }
0x2: {  	[smem:$0x3F8F] =	sst lr;
	_ =	strace $0xD0000000  }
0x3: {  	_ = 	snop  }
0x4: {  	_ = 	snop  }
0x5: {  	_ = 	snop  }
0x6: {  	_ = 	snop  }
0x7: {  	_ = 	snop  }
__scs_overlays_trampoline_lowered:
0x8: {  	[smem:$0x3F9E] =	sst s0  }
0x9: {  	[smem:$0x3F9F] =	sst s1  }
0xa: {  	[smem:$0x3FA0] =	sst s2  }
0xb: {  	[smem:$0x3FA1] =	sst s3  }
0xc: {  	[smem:$0x3FA2] =	sst s4  }
0xd: {  	[smem:$0x3FA3] =	sst s5  }
0xe: {  	[smem:$0x3FA4] =	sst s6  }
0xf: {  	[smem:$0x3FA5] =	sst s7  }
0x10: {  	[smem:$0x3FA6] =	sst s8  }
0x11: {  	[smem:$0x3FA7] =	sst s9;
	s0 =	simm.s32 @!p0 $0x0  }
0x12: {  	s1 =	sld [smem:$0x3F8D];
	s0 =	simm.s32 @p0 $0x1  }
0x13: {  	[smem:$0x3FA8] =	sst s0;
	s0 =	simm.s32 @!p1 $0x0  }
0x14: {  	s2 =	sld [smem:$0x3F8C];
	s0 =	simm.s32 @p1 $0x1  }
0x15: {  	[smem:$0x3FA9] =	sst s0;
	s0 =	simm.s32 @!p2 $0x0  }
0x16: {  	s3 =	sld [smem:$0x3FDB];
	s0 =	simm.s32 @p2 $0x1  }
0x17: {  	s4 =	simm.s32 $0x1BF5;
	[smem:$0x3FAB] =	sst s0  }
0x18: {  	s0 =	sld [smem:$0x3F8E];
	_ =	swait.ge [sflag:s4], $0x0  }
0x19: {  	s7 =	sld [smem:$0x3F8F]  }
0x1a: {  	s8 =	sadd.s32 $0xFFFFE003, lr  }
0x1b: {  	s9 =	sadd.s32 $0xFFFFFEF7, lr;
	s5 =	simm.s32 $0xFFFFFFFF;
	p2 =	slt.u32 s8, $0xFFFFF086  }
0x1c: {  	p1 =	slt.u32 s9, $0xF7A;
	s5 =	simm.s32 @!p2 $0x0  }
0x1d: {  	s5 =	simm.s32 @p1 $0x1;
	p0 =	seq.s32 s7, s2  }
0x1e: {  	s7 =	smul.u32 @!p0 $0xF7A, s2;
	p2 =	seq.s32 @!p0 s5, $0x0  }
0x1f: {  	s9 =	smul.u32 $0xF7A, s1;
	s8 =	simm.s32 @!p0 $0x1BF5;
	p2 =	por !p2, p0  }
0x20: {  	[sflag:s8] =	ssyncset.s32 @!p0 $0xFFFFF086;
	s6 =	sadd.s32 @!p0 s3, s7;
	s7 =	simm.s32 @!p0 $0x108  }
0x21: {  	s3 =	sadd.s32 s3, s9;
	s6 =	sadd.s32 @!p0 $0x88, s6;
	s7 =	simm.s32 @p2 $0x1082  }
0x22: {  	[simem:s7], [sflag:s8] =	dma.local @!p0 [hbm:s6], $0xF7A  }
0x23: {  	s9 =	sor.u32 $0xD0000000, s2;
	s6 =	simm.s32 $0x108;
	_ =	swait.ge @!p0 [sflag:s8], $0x0  }
0x24: {  	s3 =	sadd.s32 $0x88, s3;
	s6 =	simm.s32 @!p1 $0x1082;
	[sflag:s4] =	ssyncset.s32 $0xFFFFF086  }
0x25: {  	[simem:s6], [sflag:s4] =	dma.local [hbm:s3], $0xF7A  }
0x26: {  	[smem:$0x3F8F] =	sst s1;
	(tag) =	ssettag s2;
	_ =	strace s9  }
0x27: {  	s1 =	sld [smem:$0x3F9F]  }
0x28: {  	s2 =	sld [smem:$0x3FA0]  }
0x29: {  	s4 =	sld [smem:$0x3FA2]  }
0x2a: {  	p0 =	seq.s32 s5, $0x0;
	s5 =	sld [smem:$0x3FA3]  }
0x2b: {  	s6 =	sld [smem:$0x3FA4]  }
0x2c: {  	s7 =	sld [smem:$0x3FA5]  }
0x2d: {  	s3 =	simm.s32 $0x108;
	s8 =	sld [smem:$0x3FA6]  }
0x2e: {  	s3 =	simm.s32 @!p0 $0x1082;
	s9 =	sld [smem:$0x3FA7]  }
0x2f: {  	lr =	sadd.s32 s0, s3;
	s0 =	sld [smem:$0x3F9E]  }
0x30: {  	s3 =	sld [smem:$0x3FA1]  }
0x31: {  	[smem:$0x3FAA] =	sst s10  }
0x32: {  	s10 =	sld [smem:$0x3FA8];
	_ =	sdelay $0x3  }
0x33: {  	p0 =	seq.s32 s10, $0x1;
	s10 =	sld [smem:$0x3FAA];
	_ =	sdelay $0x3  }
0x34: {  	[smem:$0x3FAA] =	sst s10  }
0x35: {  	s10 =	sld [smem:$0x3FA9];
	_ =	sdelay $0x3  }
0x36: {  	p1 =	seq.s32 s10, $0x1;
	s10 =	sld [smem:$0x3FAA];
	_ =	sdelay $0x3  }
0x37: {  	[smem:$0x3FAA] =	sst s10  }
0x38: {  	s10 =	sld [smem:$0x3FAB]  }
0x39: {  	_ = 	snop;
	(pc) =	sbr.ind lr, $3  }
0x3a: {  	_ = 	snop  }
0x3b: {  	_ = 	snop  }
0x3c: {  	p2 =	seq.s32 s10, $0x1;
	s10 =	sld [smem:$0x3FAA]  }
0x3d: {  	_ =	shalt  }
0x3e: {  	_ =	shalt  }
0x3f: {  	_ =	shalt  }
0x40: {  	_ =	shalt  }
0x41: {  	_ =	shalt  }
0x42: {  	_ =	shalt  }
0x43: {  	_ =	shalt  }
0x44: {  	_ =	shalt  }
0x45: {  	_ =	shalt  }
0x46: {  	_ =	shalt  }
0x47: {  	_ =	shalt  }
0x48: {  	_ =	shalt  }
0x49: {  	_ =	shalt  }
0x4a: {  	_ =	shalt  }
0x4b: {  	_ =	shalt  }
0x4c: {  	_ =	shalt  }
0x4d: {  	_ =	shalt  }
0x4e: {  	_ =	shalt  }
0x4f: {  	_ =	shalt  }
0x50: {  	_ =	shalt  }
0x51: {  	_ =	shalt  }
0x52: {  	_ =	shalt  }
0x53: {  	_ =	shalt  }
0x54: {  	_ =	shalt  }
0x55: {  	_ =	shalt  }
0x56: {  	_ =	shalt  }
0x57: {  	_ =	shalt  }
0x58: {  	_ =	shalt  }
0x59: {  	_ =	shalt  }
0x5a: {  	_ =	shalt  }
0x5b: {  	_ =	shalt  }
0x5c: {  	_ =	shalt  }
0x5d: {  	_ =	shalt  }
0x5e: {  	_ =	shalt  }
0x5f: {  	_ =	shalt  }
0x60: {  	_ =	shalt  }
0x61: {  	_ =	shalt  }
0x62: {  	_ =	shalt  }
0x63: {  	_ =	shalt  }
0x64: {  	_ =	shalt  }
0x65: {  	_ =	shalt  }
0x66: {  	_ =	shalt  }
0x67: {  	_ =	shalt  }
0x68: {  	_ =	shalt  }
0x69: {  	_ =	shalt  }
0x6a: {  	_ =	shalt  }
0x6b: {  	_ =	shalt  }
0x6c: {  	_ =	shalt  }
0x6d: {  	_ =	shalt  }
0x6e: {  	_ =	shalt  }
0x6f: {  	_ =	shalt  }
0x70: {  	_ =	shalt  }
0x71: {  	_ =	shalt  }
0x72: {  	_ =	shalt  }
0x73: {  	_ =	shalt  }
0x74: {  	_ =	shalt  }
0x75: {  	_ =	shalt  }
0x76: {  	_ =	shalt  }
0x77: {  	_ =	shalt  }
0x78: {  	_ =	shalt  }
0x79: {  	_ =	shalt  }
0x7a: {  	_ =	shalt  }
0x7b: {  	_ =	shalt  }
0x7c: {  	_ =	shalt  }
0x7d: {  	_ =	shalt  }
0x7e: {  	_ =	shalt  }
0x7f: {  	_ =	shalt  }
0x80: {  	_ =	shalt  }
0x81: {  	_ =	shalt  }
0x82: {  	_ =	shalt  }
0x83: {  	_ =	shalt  }
0x84: {  	_ =	shalt  }
0x85: {  	_ =	shalt  }
0x86: {  	_ =	shalt  }
0x87: {  	_ =	shalt  }
.Lfunc_end0:
.L_simem_size_0:
called_computation.2_lowered:
.L_overlay_start_0:
0x88: {  	s2 =	sld [smem:$0x3FD9]  }
0x89: {  	s3 =	sld [smem:$0x3FFE];
	_ =	sdelay $0x1  }
0x8a: {  	s1 =	srdreg.scid  }
0x8b: {  	s0 =	sand.u32 $0x1, s1  }
0x8c: {  	s16 =	sshll.u32 s0, $0xA;
	s2 =	sadd.s32 s3, s2  }
0x8d: {  	s2 =	sadd.s32 s2, s16  }
0x8e: {  	[smem:$0x3FB6] =	sst s2  }
0x8f: {  	_ = 	snop  }
0x90: {  	(tm) =	ssettm $0x1  }
0x91: {  	s17 =	sld [smem:$0x3FFB];
	_ =	sdelay $0x3  }
0x92: {  	_ =	strace s17  }
0x93: {  	s2 =	sld [smem:$0x3FFC];
	_ =	sdelay $0x3  }
0x94: {  	_ =	strace s2  }
0x95: {  	s2 =	sld [smem:$0x3FFD];
	_ =	sdelay $0x3  }
0x96: {  	_ =	strace s2  }
0x97: {  	_ =	strace $0x8FFFFFFF  }
0x98: {  	s18 =	sld [smem:$0x3FDB];
	_ =	sdelay $0x1  }
0x99: {  	s19 =	simm.s32 $_scs_section_size  }
0x9a: {  	s4 =	simm.s32 $_size__tile_overlayer_lowered;
	s5 =	simm.s32 $_tile_overlayer_lowered  }
0x9b: {  	s22 =	simm.s32 $0x1BFF;
	s21 =	sshll.u32 s5, $0x1;
	s2 =	sadd.s32 s19, s18  }
0x9c: {  	s6 =	simm.s32 $0x0;
	s20 =	sshll.u32 s4, $0x1;
	s4 =	sadd.s32 s21, s2  }
0x9d: {  	[timem:s6], [sflag:s22] =	dma.local [hbm:s4], s20  }
0x9e: {  	_ =	swait.ge [sflag:s22], s20  }
0x9f: {  	s3 =	ssub.s32 $0x0, s20;
	[sflag:s22] =	ssyncset.done $0x0  }
0xa0: {  	[sflag:s22] =	ssyncadd.s32 s3;
	_ =	sdelay $0x1  }
0xa1: {  	s23 =	simm.s32 $0x1B8B  }
0xa2: {  	_ =	swait.ge [sflag:s23], $0x1  }
0xa3: {  	[sflag:s23] =	ssyncset.done $0x0  }
0xa4: {  	s25 =	simm.s32 $0x1B8E;
	s24 =	sld [smem:$0x3FFE];
	[sflag:s23] =	ssyncadd.s32 $0xFFFFFFFF  }
0xa5: {  	s26 =	simm.s32 $execute0_lowered;
	[smem:$0x3FD2] =	sst s25  }
0xa6: {  	s4 =	sshll.u32 s26, $0x1;
	_ =	strace $0x8000004C;
	[dreg:$0x1] =	wrdreg $0xFFFFFFFF  }
0xa7: {  	s28 =	simm.s32 $_size_execute0_lowered;
	s2 =	sadd.s32 s2, s4;
	[dreg:$0x0] =	wrdreg $0x0  }
0xa8: {  	s4 =	sshll.u32 s28, $0x1;
	[dreg:$0x2] =	wrdreg s2  }
0xa9: {  	[dreg:$0x3] =	wrdreg s4  }
0xaa: {  	[dreg:$0x4] =	wrdreg $0xC0  }
0xab: {  	_ =	task [dreg:s6], $0x5FFFF  }
0xac: {  	[dreg:$0x1] =	wrdreg $0xFFFFFFFF  }
0xad: {  	[dreg:$0x0] =	wrdreg $0x60  }
0xae: {  	[dreg:$0x2] =	wrdreg s24  }
0xaf: {  	[dreg:$0x3] =	wrdreg $0x9  }
0xb0: {  	_ =	task.clear_ibuf [dreg:s6], $0x4FFFF;
	_ =	strace $0x9000004C  }
0xb1: {  	s29 =	simm.s32 $0x9;
	_ =	strace $0x8000004E  }
0xb2: {  	_ =	swait.ge [sflag:s29], $0x1  }
0xb3: {  	[sflag:s29] =	ssyncadd.s32 $0xFFFFFFFF  }
0xb4: {  	_ =	strace $0x9000004E  }
0xb5: {  	_ =	sfence  }
0xb6: {  	s30 =	sld [smem:$0x0];
	_ =	sdelay $0x2  }
0xb7: {  	s31 =	sshll.u32 s1, $0xD;
	s1 =	sshrl.u32 s1, $0x2  }
0xb8: {  	s3 =	sand.u32 $0x4000, s31;
	s1 =	sadd.s32 s1, s30  }
0xb9: {  	s0 =	sor.u32 s3, s0;
	s1 =	sshll.u32 s1, $0x11  }
0xba: {  	s0 =	sor.u32 s1, s0  }
0xbb: {  	s0 =	sadd.s32 $0x8F2B, s0  }
0xbc: {  	[sflag:s0] =	ssyncadd.remote.s32 $0x1  }
0xbd: {  	_ =	sfence.sel $0xFFFF  }
0xbe: {  	[dreg:$0x0] =	wrdreg $0xFFFFFFFF;
	(pc) =	sbr.abs _section_cstart, $3  }
0xbf: {  	[dreg:$0x1] =	wrdreg $0xFFFFFFFF  }
0xc0: {  	_ =	task.clear_ibuf [dreg:s6], $0x2FFFF;
	_ =	strace $0x9FFFFFFF  }
0xc1: {  	(tm) =	ssettm $0x7FFFFFFF  }
tec
execute0_lowered:
.L_overlay_start_1:
0x0: {  	(tag) =	ssettag $0x1  }
0x1: {  	s7 =	rddreg [dreg:$0x0]  }
0x2: {  	s0 =	rddreg [dreg:$0x1];
	s1 =	simm.s32 $0x0  }
0x3: {  	s2 =	srdreg.scid;
	s12 =	simm.s32 $0x8200;
	s13 =	simm.s32 $0xA200  }
0x4: {  	s14 =	simm.s32 $0x1;
	s15 =	simm.s32 $0xC200;
	s16 =	simm.s32 $0xE200  }
0x5: {  	s17 =	simm.s32 $0x10200;
	s18 =	simm.s32 $0x12200;
	s19 =	simm.s32 $0x0  }
0x6: {  	v0 =	vimm.s32 $0x0;
	[smem:$0x7FF] =	sst s1;
	s3 =	sadd.s32 $0x1E400, s7;
	s4 =	sadd.s32 $0x50400, s7  }
0x7: {  	v1 =	vimm.s32 $0x4;
	v2 =	vimm.s32 $0x8;
	v3 =	vimm.s32 $0xC;
	s8 =	sand.u32 $0x1, s2;
	s5 =	sadd.s32 $0xD3FE00, s7;
	s2 =	stileid.u32  }
0x8: {  	v4 =	vimm.s32 $0x1;
	v5 =	vimm.s32 $0x5;
	v6 =	vimm.s32 $0x9;
	s6 =	sadd.s32 $0xECFE00, s7;
	s7 =	sadd.s32 $0x24FE00, s7;
	s9 =	ssub.s32 $0x2, s8  }
0x9: {  	v7 =	vimm.s32 $0xD;
	v8 =	vimm.s32 $0x2;
	v9 =	vimm.s32 $0x6;
	_ =	strace $0x8000004D;
	s11 =	sshll.u32 s2, $0x1;
	s10 =	sshrl.u32 s9, $0x1  }
0xa: {  	v10 =	vimm.s32 $0xA;
	v11 =	vimm.s32 $0xE;
	v12 =	vimm.s32 $0x3;
	s8 =	sor.u32 s8, s11;
	s11 =	simm.s32 $0x200;
	s9 =	ssub.s32 s9, s10  }
0xb: {  	v13 =	vimm.s32 $0x7;
	v14 =	vimm.s32 $0xB;
	v15 =	vimm.s32 $0xF;
	s8 =	smul.u32 $0x6400, s8;
	s10 =	simm.s32 $0x2;
	s9 =	smax.u32 s9, $0x1  }
.LBB2_1:
0xc: {  	s20 =	simm.s32 $0x0  }
.LBB2_2:
0xd: {  	s21 =	sshll.u32 s20, $0x9  }
0xe: {  	s22 =	sadd.s32 s8, s21  }
0xf: {  	s21 =	sshrl.u32 s22, $0x3  }
0x10: {  	s23 =	sadd.s32 s3, s21;
	s21 =	simm.s32 $0x0  }
0x11: {  	[tilespmem:s21], [sflag:$0x2] =	stream.linear.gather [hbm4b:s23+s21], $0x200, $0x38;
	[tilespmem:$0x14200] =	vst v63  }
0x12: {  	_ =	swait.ge [sflag:s10], $0x200  }
0x13: {  	[sflag:s10] =	ssyncset.done $0x0  }
0x14: {  	s22 =	sshll.u32 s22, $0x1;
	[sflag:s10] =	ssyncadd.s32 $0xFFFFFE00  }
0x15: {  	[tilespmem:s11], [sflag:$0x1] =	stream.indirect.gather [hbm4b:s4+s11], $0x40, s21, s11, $0xb8;
	[tilespmem:$0x14200] =	vst v63  }
0x16: {  	s30 =	sadd.s32 s5, s22  }
0x17: {  	[tilespmem:s12], [sflag:$0x1] =	stream.linear.gather [hbm4b:s30+s21], $0x2000, $0x38;
	[tilespmem:$0x14200] =	vst v63  }
0x18: {  	s31 =	sadd.s32 s6, s22  }
0x19: {  	[tilespmem:s13], [sflag:$0x1] =	stream.linear.gather [hbm4b:s31+s21], $0x2000, $0x38;
	[tilespmem:$0x14200] =	vst v63  }
0x1a: {  	_ =	swait.ge [sflag:s14], $0x8000  }
0x1b: {  	[sflag:s14] =	ssyncset.done $0x0  }
0x1c: {  	[sflag:s14] =	ssyncadd.s32 $0xFFFF8000  }
0x1d: {  	_ =	swait.ge [sflag:s14], $0x2000  }
0x1e: {  	[sflag:s14] =	ssyncset.done $0x0  }
0x1f: {  	[sflag:s14] =	ssyncadd.s32 $0xFFFFE000  }
0x20: {  	_ =	swait.ge [sflag:s14], $0x2000  }
0x21: {  	[sflag:s14] =	ssyncset.done $0x0  }
0x22: {  	s23 =	simm.s32 $0x300;
	[sflag:s14] =	ssyncadd.s32 $0xFFFFE000  }
.LBB2_3:
0x23: {  	v18 =	vld [tilespmem:s23+$0xFFFFFF00]  }
0x24: {  	v19 =	vld [tilespmem:s23+$0xFFFFFF10]  }
0x25: {  	s24 =	sshra.s32 s21, $0x2;
	v20 =	vld [tilespmem:s23+$0xFFFFFF20]  }
0x26: {  	v16 =	vld [tilespmem:s24+$0x8200]  }
0x27: {  	v17 =	vld [tilespmem:s24+$0xA200]  }
0x28: {  	v21 =	vld [tilespmem:s23+$0xFFFFFF30];
	_ =	sdelay $0x2  }
0x29: {  	v18 =	vmul.f32 v18, v16;
	v19 =	vmul.f32 v19, v16  }
0x2a: {  	v20 =	vmul.f32 v20, v16;
	v22 =	vperm.xlane v17, v0  }
0x2b: {  	v16 =	vmul.f32 v21, v16;
	v54 =	vperm.xlane v17, v1  }
0x2c: {  	v23 =	vperm.xlane v17, v2;
	v24 =	vperm.xlane v17, v3  }
0x2d: {  	v25 =	vperm.xlane v17, v4;
	v26 =	vperm.xlane v17, v5  }
0x2e: {  	v27 =	vperm.xlane v17, v6;
	v28 =	vperm.xlane v17, v7  }
0x2f: {  	v29 =	vperm.xlane v17, v8;
	v30 =	vperm.xlane v17, v9  }
0x30: {  	v56 =	vperm.xlane v17, v12;
	v58 =	vperm.xlane v17, v13  }
0x31: {  	v59 =	vperm.xlane v17, v10;
	v60 =	vperm.xlane v17, v14  }
0x32: {  	v22 =	vmul.f32 v22, v18;
	v21 =	vmul.f32 v54, v19  }
0x33: {  	v25 =	vmul.f32 v25, v18;
	v26 =	vmul.f32 v26, v19  }
0x34: {  	v55 =	vmul.f32 v29, v18;
	v57 =	vmul.f32 v30, v19  }
0x35: {  	v18 =	vmul.f32 v56, v18;
	v19 =	vmul.f32 v58, v19  }
0x36: {  	v61 =	vperm.xlane v17, v11;
	v27 =	vmul.f32 v27, v20;
	v25 =	vadd.f32 v26, v25  }
0x37: {  	v17 =	vperm.xlane v17, v15;
	v62 =	vmul.f32 v60, v20;
	v18 =	vadd.f32 v19, v18  }
0x38: {  	v24 =	vmul.f32 v24, v16;
	v28 =	vmul.f32 v28, v16;
	v25 =	vadd.f32 v27, v25  }
0x39: {  	v27 =	vmul.f32 v61, v16;
	v18 =	vadd.f32 v62, v18;
	v16 =	vmul.f32 v17, v16  }
0x3a: {  	v23 =	vmul.f32 v23, v20;
	v21 =	vadd.f32 v21, v22  }
0x3b: {  	v16 =	vadd.f32 v16, v18  }
0x3c: {  	v22 =	vadd.f32 v57, v55;
	v21 =	vadd.f32 v23, v21;
	v23 =	vmul.f32 v59, v20  }
0x3d: {  	[tilespmem:s24+$0x12200] =	vst v16;
	v16 =	vld [tilespmem:s24+$0xA210]  }
0x3e: {  	v63 =	vadd.f32 v24, v21;
	v24 =	vadd.f32 v23, v22  }
0x3f: {  	v28 =	vadd.f32 v28, v25  }
0x40: {  	[tilespmem:s24+$0xC200] =	vst v63;
	v17 =	vadd.f32 v27, v24  }
0x41: {  	[tilespmem:s24+$0xE200] =	vst v28  }
0x42: {  	[tilespmem:s24+$0x10200] =	vst v17;
	v17 =	vld [tilespmem:s24+$0x8210];
	v32 =	vperm.xlane v16, v0  }
0x43: {  	v29 =	vld [tilespmem:s23+$0xFFFFFF40];
	v33 =	vperm.xlane v16, v1;
	v34 =	vperm.xlane v16, v2  }
0x44: {  	v30 =	vld [tilespmem:s23+$0xFFFFFF50];
	v35 =	vperm.xlane v16, v3;
	v36 =	vperm.xlane v16, v4  }
0x45: {  	v20 =	vld [tilespmem:s23+$0xFFFFFF60];
	v37 =	vperm.xlane v16, v5;
	v38 =	vperm.xlane v16, v6  }
0x46: {  	v39 =	vperm.xlane v16, v7;
	v40 =	vperm.xlane v16, v8  }
0x47: {  	v41 =	vperm.xlane v16, v9;
	v43 =	vperm.xlane v16, v12  }
0x48: {  	v45 =	vperm.xlane v16, v13;
	v46 =	vperm.xlane v16, v10  }
0x49: {  	v18 =	vmul.f32 v29, v17;
	v19 =	vmul.f32 v30, v17  }
0x4a: {  	v47 =	vperm.xlane v16, v14;
	v20 =	vmul.f32 v20, v17  }
0x4b: {  	v31 =	vld [tilespmem:s23+$0xFFFFFF70];
	v22 =	vmul.f32 v32, v18;
	v21 =	vmul.f32 v33, v19  }
0x4c: {  	v25 =	vmul.f32 v36, v18;
	v26 =	vmul.f32 v37, v19  }
0x4d: {  	v42 =	vmul.f32 v40, v18;
	v44 =	vmul.f32 v41, v19  }
0x4e: {  	v18 =	vmul.f32 v43, v18;
	v19 =	vmul.f32 v45, v19  }
0x4f: {  	v48 =	vperm.xlane v16, v11;
	v16 =	vperm.xlane v16, v15  }
0x50: {  	v17 =	vmul.f32 v31, v17;
	v49 =	vmul.f32 v47, v20;
	v18 =	vadd.f32 v19, v18;
	_ =	sdelay $0x1  }
0x51: {  	v16 =	vmul.f32 v16, v17;
	v18 =	vadd.f32 v49, v18  }
0x52: {  	v23 =	vmul.f32 v34, v20;
	v24 =	vmul.f32 v35, v17;
	v21 =	vadd.f32 v21, v22  }
0x53: {  	v27 =	vmul.f32 v38, v20;
	v25 =	vadd.f32 v26, v25;
	v16 =	vadd.f32 v16, v18  }
0x54: {  	v22 =	vadd.f32 v44, v42;
	v21 =	vadd.f32 v23, v21;
	v23 =	vmul.f32 v46, v20  }
0x55: {  	v28 =	vmul.f32 v39, v17;
	v25 =	vadd.f32 v27, v25;
	[tilespmem:s24+$0x12210] =	vst v16;
	v16 =	vld [tilespmem:s24+$0xA220]  }
0x56: {  	v52 =	vmul.f32 v48, v17;
	v50 =	vadd.f32 v24, v21;
	v51 =	vadd.f32 v23, v22  }
0x57: {  	v53 =	vadd.f32 v28, v25  }
0x58: {  	[tilespmem:s24+$0xC210] =	vst v50;
	v17 =	vadd.f32 v52, v51  }
0x59: {  	[tilespmem:s24+$0xE210] =	vst v53  }
0x5a: {  	[tilespmem:s24+$0x10210] =	vst v17;
	v17 =	vld [tilespmem:s24+$0x8220];
	v57 =	vperm.xlane v16, v0  }
0x5b: {  	v54 =	vld [tilespmem:s23+$0xFFFFFF80];
	v58 =	vperm.xlane v16, v1;
	v59 =	vperm.xlane v16, v2  }
0x5c: {  	v55 =	vld [tilespmem:s23+$0xFFFFFF90];
	v60 =	vperm.xlane v16, v3;
	v61 =	vperm.xlane v16, v4  }
0x5d: {  	v20 =	vld [tilespmem:s23+$0xFFFFFFA0];
	v62 =	vperm.xlane v16, v5;
	v63 =	vperm.xlane v16, v6  }
0x5e: {  	v32 =	vperm.xlane v16, v7;
	v33 =	vperm.xlane v16, v8  }
0x5f: {  	v34 =	vperm.xlane v16, v9;
	v36 =	vperm.xlane v16, v12  }
0x60: {  	v38 =	vperm.xlane v16, v13;
	v39 =	vperm.xlane v16, v10  }
0x61: {  	v18 =	vmul.f32 v54, v17;
	v19 =	vmul.f32 v55, v17  }
0x62: {  	v40 =	vperm.xlane v16, v14;
	v20 =	vmul.f32 v20, v17  }
0x63: {  	v56 =	vld [tilespmem:s23+$0xFFFFFFB0];
	v22 =	vmul.f32 v57, v18;
	v21 =	vmul.f32 v58, v19  }
0x64: {  	v25 =	vmul.f32 v61, v18;
	v26 =	vmul.f32 v62, v19  }
0x65: {  	v35 =	vmul.f32 v33, v18;
	v37 =	vmul.f32 v34, v19  }
0x66: {  	v18 =	vmul.f32 v36, v18;
	v19 =	vmul.f32 v38, v19  }
0x67: {  	v41 =	vperm.xlane v16, v11;
	v16 =	vperm.xlane v16, v15  }
0x68: {  	v17 =	vmul.f32 v56, v17;
	v42 =	vmul.f32 v40, v20;
	v18 =	vadd.f32 v19, v18;
	_ =	sdelay $0x1  }
0x69: {  	v16 =	vmul.f32 v16, v17;
	v18 =	vadd.f32 v42, v18  }
0x6a: {  	v23 =	vmul.f32 v59, v20;
	v24 =	vmul.f32 v60, v17;
	v21 =	vadd.f32 v21, v22  }
0x6b: {  	v27 =	vmul.f32 v63, v20;
	v25 =	vadd.f32 v26, v25;
	v16 =	vadd.f32 v16, v18  }
0x6c: {  	v22 =	vadd.f32 v37, v35;
	v21 =	vadd.f32 v23, v21;
	v23 =	vmul.f32 v39, v20  }
0x6d: {  	v28 =	vmul.f32 v32, v17;
	v25 =	vadd.f32 v27, v25;
	[tilespmem:s24+$0x12220] =	vst v16;
	v16 =	vld [tilespmem:s24+$0xA230]  }
0x6e: {  	v45 =	vmul.f32 v41, v17;
	v43 =	vadd.f32 v24, v21;
	v44 =	vadd.f32 v23, v22  }
0x6f: {  	v46 =	vadd.f32 v28, v25  }
0x70: {  	[tilespmem:s24+$0xC220] =	vst v43;
	v17 =	vadd.f32 v45, v44  }
0x71: {  	[tilespmem:s24+$0xE220] =	vst v46  }
0x72: {  	[tilespmem:s24+$0x10220] =	vst v17;
	v17 =	vld [tilespmem:s24+$0x8230];
	v50 =	vperm.xlane v16, v0  }
0x73: {  	v47 =	vld [tilespmem:s23+$0xFFFFFFC0];
	v51 =	vperm.xlane v16, v1;
	v52 =	vperm.xlane v16, v2  }
0x74: {  	v48 =	vld [tilespmem:s23+$0xFFFFFFD0];
	v53 =	vperm.xlane v16, v3;
	v54 =	vperm.xlane v16, v4  }
0x75: {  	v20 =	vld [tilespmem:s23+$0xFFFFFFE0];
	v55 =	vperm.xlane v16, v5;
	v56 =	vperm.xlane v16, v6  }
0x76: {  	v57 =	vperm.xlane v16, v7;
	v58 =	vperm.xlane v16, v8  }
0x77: {  	v59 =	vperm.xlane v16, v9;
	v61 =	vperm.xlane v16, v12  }
0x78: {  	v63 =	vperm.xlane v16, v13;
	v32 =	vperm.xlane v16, v10  }
0x79: {  	v18 =	vmul.f32 v47, v17;
	v19 =	vmul.f32 v48, v17  }
0x7a: {  	v33 =	vperm.xlane v16, v14;
	v20 =	vmul.f32 v20, v17  }
0x7b: {  	v49 =	vld [tilespmem:s23+$0xFFFFFFF0];
	v22 =	vmul.f32 v50, v18;
	v21 =	vmul.f32 v51, v19  }
0x7c: {  	v25 =	vmul.f32 v54, v18;
	v26 =	vmul.f32 v55, v19  }
0x7d: {  	v60 =	vmul.f32 v58, v18;
	v62 =	vmul.f32 v59, v19  }
0x7e: {  	v18 =	vmul.f32 v61, v18;
	v19 =	vmul.f32 v63, v19  }
0x7f: {  	v34 =	vperm.xlane v16, v11;
	v16 =	vperm.xlane v16, v15  }
0x80: {  	v17 =	vmul.f32 v49, v17;
	v35 =	vmul.f32 v33, v20;
	v18 =	vadd.f32 v19, v18;
	_ =	sdelay $0x1  }
0x81: {  	v16 =	vmul.f32 v16, v17;
	v18 =	vadd.f32 v35, v18  }
0x82: {  	v23 =	vmul.f32 v52, v20;
	v24 =	vmul.f32 v53, v17;
	v21 =	vadd.f32 v21, v22  }
0x83: {  	v27 =	vmul.f32 v56, v20;
	v25 =	vadd.f32 v26, v25;
	v16 =	vadd.f32 v16, v18  }
0x84: {  	v22 =	vadd.f32 v62, v60;
	v21 =	vadd.f32 v23, v21;
	v23 =	vmul.f32 v32, v20  }
0x85: {  	v28 =	vmul.f32 v57, v17;
	v25 =	vadd.f32 v27, v25;
	[tilespmem:s24+$0x12230] =	vst v16;
	v16 =	vld [tilespmem:s24+$0xA240]  }
0x86: {  	v38 =	vmul.f32 v34, v17;
	v36 =	vadd.f32 v24, v21;
	v37 =	vadd.f32 v23, v22  }
0x87: {  	v39 =	vadd.f32 v28, v25  }
0x88: {  	[tilespmem:s24+$0xC230] =	vst v36;
	v17 =	vadd.f32 v38, v37  }
0x89: {  	[tilespmem:s24+$0xE230] =	vst v39  }
0x8a: {  	[tilespmem:s24+$0x10230] =	vst v17;
	v17 =	vld [tilespmem:s24+$0x8240];
	v43 =	vperm.xlane v16, v0  }
0x8b: {  	v40 =	vld [tilespmem:s23+$0x0];
	v44 =	vperm.xlane v16, v1;
	v45 =	vperm.xlane v16, v2  }
0x8c: {  	v41 =	vld [tilespmem:s23+$0x10];
	v46 =	vperm.xlane v16, v3;
	v47 =	vperm.xlane v16, v4  }
0x8d: {  	v20 =	vld [tilespmem:s23+$0x20];
	v48 =	vperm.xlane v16, v5;
	v49 =	vperm.xlane v16, v6  }
0x8e: {  	v50 =	vperm.xlane v16, v7;
	v51 =	vperm.xlane v16, v8  }
0x8f: {  	v52 =	vperm.xlane v16, v9;
	v54 =	vperm.xlane v16, v12  }
0x90: {  	v56 =	vperm.xlane v16, v13;
	v57 =	vperm.xlane v16, v10  }
0x91: {  	v18 =	vmul.f32 v40, v17;
	v19 =	vmul.f32 v41, v17  }
0x92: {  	v58 =	vperm.xlane v16, v14;
	v20 =	vmul.f32 v20, v17  }
0x93: {  	v42 =	vld [tilespmem:s23+$0x30];
	v22 =	vmul.f32 v43, v18;
	v21 =	vmul.f32 v44, v19  }
0x94: {  	v25 =	vmul.f32 v47, v18;
	v26 =	vmul.f32 v48, v19  }
0x95: {  	v53 =	vmul.f32 v51, v18;
	v55 =	vmul.f32 v52, v19  }
0x96: {  	v18 =	vmul.f32 v54, v18;
	v19 =	vmul.f32 v56, v19  }
0x97: {  	v59 =	vperm.xlane v16, v11;
	v16 =	vperm.xlane v16, v15  }
0x98: {  	v17 =	vmul.f32 v42, v17;
	v60 =	vmul.f32 v58, v20;
	v18 =	vadd.f32 v19, v18;
	_ =	sdelay $0x1  }
0x99: {  	v16 =	vmul.f32 v16, v17;
	v18 =	vadd.f32 v60, v18  }
0x9a: {  	v23 =	vmul.f32 v45, v20;
	v24 =	vmul.f32 v46, v17;
	v21 =	vadd.f32 v21, v22  }
0x9b: {  	v27 =	vmul.f32 v49, v20;
	v25 =	vadd.f32 v26, v25;
	v16 =	vadd.f32 v16, v18  }
0x9c: {  	v22 =	vadd.f32 v55, v53;
	v21 =	vadd.f32 v23, v21;
	v23 =	vmul.f32 v57, v20  }
0x9d: {  	v28 =	vmul.f32 v50, v17;
	v25 =	vadd.f32 v27, v25;
	[tilespmem:s24+$0x12240] =	vst v16;
	v16 =	vld [tilespmem:s24+$0xA250]  }
0x9e: {  	v63 =	vmul.f32 v59, v17;
	v61 =	vadd.f32 v24, v21;
	v62 =	vadd.f32 v23, v22  }
0x9f: {  	v24 =	vadd.f32 v28, v25  }
0xa0: {  	[tilespmem:s24+$0xC240] =	vst v61;
	v17 =	vadd.f32 v63, v62  }
0xa1: {  	[tilespmem:s24+$0xE240] =	vst v24  }
0xa2: {  	[tilespmem:s24+$0x10240] =	vst v17;
	v17 =	vld [tilespmem:s24+$0x8250];
	v28 =	vperm.xlane v16, v0  }
0xa3: {  	v25 =	vld [tilespmem:s23+$0x40];
	v29 =	vperm.xlane v16, v1;
	v30 =	vperm.xlane v16, v2  }
0xa4: {  	v26 =	vld [tilespmem:s23+$0x50];
	v31 =	vperm.xlane v16, v3;
	v32 =	vperm.xlane v16, v4  }
0xa5: {  	v20 =	vld [tilespmem:s23+$0x60];
	v33 =	vperm.xlane v16, v5;
	v34 =	vperm.xlane v16, v6  }
0xa6: {  	v35 =	vperm.xlane v16, v7;
	v36 =	vperm.xlane v16, v8  }
0xa7: {  	v37 =	vperm.xlane v16, v9;
	v39 =	vperm.xlane v16, v12  }
0xa8: {  	v41 =	vperm.xlane v16, v13;
	v42 =	vperm.xlane v16, v10  }
0xa9: {  	v18 =	vmul.f32 v25, v17;
	v19 =	vmul.f32 v26, v17  }
0xaa: {  	v43 =	vperm.xlane v16, v14;
	v20 =	vmul.f32 v20, v17  }
0xab: {  	v27 =	vld [tilespmem:s23+$0x70];
	v22 =	vmul.f32 v28, v18;
	v21 =	vmul.f32 v29, v19  }
0xac: {  	v25 =	vmul.f32 v32, v18;
	v26 =	vmul.f32 v33, v19  }
0xad: {  	v38 =	vmul.f32 v36, v18;
	v40 =	vmul.f32 v37, v19  }
0xae: {  	v18 =	vmul.f32 v39, v18;
	v19 =	vmul.f32 v41, v19  }
0xaf: {  	v44 =	vperm.xlane v16, v11;
	v16 =	vperm.xlane v16, v15  }
0xb0: {  	v17 =	vmul.f32 v27, v17;
	v45 =	vmul.f32 v43, v20;
	v18 =	vadd.f32 v19, v18;
	_ =	sdelay $0x1  }
0xb1: {  	v16 =	vmul.f32 v16, v17;
	v18 =	vadd.f32 v45, v18  }
0xb2: {  	v23 =	vmul.f32 v30, v20;
	v24 =	vmul.f32 v31, v17;
	v21 =	vadd.f32 v21, v22  }
0xb3: {  	v27 =	vmul.f32 v34, v20;
	v25 =	vadd.f32 v26, v25;
	v16 =	vadd.f32 v16, v18  }
0xb4: {  	v22 =	vadd.f32 v40, v38;
	v21 =	vadd.f32 v23, v21;
	v23 =	vmul.f32 v42, v20  }
0xb5: {  	v28 =	vmul.f32 v35, v17;
	v25 =	vadd.f32 v27, v25;
	[tilespmem:s24+$0x12250] =	vst v16;
	v16 =	vld [tilespmem:s24+$0xA260]  }
0xb6: {  	v48 =	vmul.f32 v44, v17;
	v46 =	vadd.f32 v24, v21;
	v47 =	vadd.f32 v23, v22  }
0xb7: {  	v49 =	vadd.f32 v28, v25  }
0xb8: {  	[tilespmem:s24+$0xC250] =	vst v46;
	v17 =	vadd.f32 v48, v47  }
0xb9: {  	[tilespmem:s24+$0xE250] =	vst v49  }
0xba: {  	[tilespmem:s24+$0x10250] =	vst v17;
	v17 =	vld [tilespmem:s24+$0x8260];
	v53 =	vperm.xlane v16, v0  }
0xbb: {  	v50 =	vld [tilespmem:s23+$0x80];
	v54 =	vperm.xlane v16, v1;
	v55 =	vperm.xlane v16, v2  }
0xbc: {  	v51 =	vld [tilespmem:s23+$0x90];
	v56 =	vperm.xlane v16, v3;
	v57 =	vperm.xlane v16, v4  }
0xbd: {  	v20 =	vld [tilespmem:s23+$0xA0];
	v58 =	vperm.xlane v16, v5;
	v59 =	vperm.xlane v16, v6  }
0xbe: {  	v60 =	vperm.xlane v16, v7;
	v61 =	vperm.xlane v16, v8  }
0xbf: {  	v62 =	vperm.xlane v16, v9;
	v33 =	vperm.xlane v16, v12  }
0xc0: {  	v35 =	vperm.xlane v16, v13;
	v36 =	vperm.xlane v16, v10  }
0xc1: {  	v18 =	vmul.f32 v50, v17;
	v19 =	vmul.f32 v51, v17  }
0xc2: {  	v37 =	vperm.xlane v16, v14;
	v20 =	vmul.f32 v20, v17  }
0xc3: {  	v52 =	vld [tilespmem:s23+$0xB0];
	v22 =	vmul.f32 v53, v18;
	v21 =	vmul.f32 v54, v19  }
0xc4: {  	v25 =	vmul.f32 v57, v18;
	v26 =	vmul.f32 v58, v19  }
0xc5: {  	v63 =	vmul.f32 v61, v18;
	v34 =	vmul.f32 v62, v19  }
0xc6: {  	v18 =	vmul.f32 v33, v18;
	v19 =	vmul.f32 v35, v19  }
0xc7: {  	v38 =	vperm.xlane v16, v11;
	v16 =	vperm.xlane v16, v15  }
0xc8: {  	v17 =	vmul.f32 v52, v17;
	v39 =	vmul.f32 v37, v20;
	v18 =	vadd.f32 v19, v18;
	_ =	sdelay $0x1  }
0xc9: {  	v16 =	vmul.f32 v16, v17;
	v18 =	vadd.f32 v39, v18  }
0xca: {  	v23 =	vmul.f32 v55, v20;
	v24 =	vmul.f32 v56, v17;
	v21 =	vadd.f32 v21, v22  }
0xcb: {  	v27 =	vmul.f32 v59, v20;
	v25 =	vadd.f32 v26, v25;
	v16 =	vadd.f32 v16, v18  }
0xcc: {  	v22 =	vadd.f32 v34, v63;
	v21 =	vadd.f32 v23, v21;
	v23 =	vmul.f32 v36, v20  }
0xcd: {  	v28 =	vmul.f32 v60, v17;
	v25 =	vadd.f32 v27, v25;
	[tilespmem:s24+$0x12260] =	vst v16;
	v16 =	vld [tilespmem:s24+$0xA270]  }
0xce: {  	v42 =	vmul.f32 v38, v17;
	v40 =	vadd.f32 v24, v21;
	v41 =	vadd.f32 v23, v22  }
0xcf: {  	v43 =	vadd.f32 v28, v25  }
0xd0: {  	[tilespmem:s24+$0xC260] =	vst v40;
	v17 =	vadd.f32 v42, v41  }
0xd1: {  	[tilespmem:s24+$0xE260] =	vst v43  }
0xd2: {  	[tilespmem:s24+$0x10260] =	vst v17;
	v17 =	vld [tilespmem:s24+$0x8270];
	v47 =	vperm.xlane v16, v0;
	v48 =	vperm.xlane v16, v1  }
0xd3: {  	v44 =	vld [tilespmem:s23+$0xC0];
	v49 =	vperm.xlane v16, v2;
	v50 =	vperm.xlane v16, v3  }
0xd4: {  	v45 =	vld [tilespmem:s23+$0xD0];
	v51 =	vperm.xlane v16, v4;
	v52 =	vperm.xlane v16, v5  }
0xd5: {  	v20 =	vld [tilespmem:s23+$0xE0];
	v53 =	vperm.xlane v16, v6;
	v54 =	vperm.xlane v16, v8  }
0xd6: {  	v46 =	vld [tilespmem:s23+$0xF0];
	v55 =	vperm.xlane v16, v9;
	v56 =	vperm.xlane v16, v12  }
0xd7: {  	v58 =	vperm.xlane v16, v13;
	v59 =	vperm.xlane v16, v10  }
0xd8: {  	v60 =	vperm.xlane v16, v14;
	v61 =	vperm.xlane v16, v7  }
0xd9: {  	v62 =	vperm.xlane v16, v11;
	v16 =	vperm.xlane v16, v15  }
0xda: {  	v18 =	vmul.f32 v44, v17;
	v19 =	vmul.f32 v45, v17  }
0xdb: {  	v20 =	vmul.f32 v20, v17;
	v17 =	vmul.f32 v46, v17  }
0xdc: {  	v22 =	vmul.f32 v47, v18;
	v21 =	vmul.f32 v48, v19  }
0xdd: {  	v23 =	vmul.f32 v49, v20;
	v24 =	vmul.f32 v50, v17  }
0xde: {  	v25 =	vmul.f32 v51, v18;
	v26 =	vmul.f32 v52, v19  }
0xdf: {  	v27 =	vmul.f32 v53, v20;
	v28 =	vmul.f32 v54, v18  }
0xe0: {  	v57 =	vmul.f32 v55, v19;
	v18 =	vmul.f32 v56, v18;
	v21 =	vadd.f32 v21, v22  }
0xe1: {  	v19 =	vmul.f32 v58, v19;
	v63 =	vmul.f32 v61, v17;
	v25 =	vadd.f32 v26, v25  }
0xe2: {  	v26 =	vmul.f32 v59, v20;
	v22 =	vadd.f32 v57, v28;
	v21 =	vadd.f32 v23, v21  }
0xe3: {  	v20 =	vmul.f32 v60, v20;
	v18 =	vadd.f32 v19, v18;
	v25 =	vadd.f32 v27, v25  }
0xe4: {  	p0 =	sne.s32 s21, $0x7E00;
	v22 =	vadd.f32 v26, v22;
	v23 =	vmul.f32 v62, v17;
	v21 =	vadd.f32 v24, v21  }
.Ltmp0:
0xe5: {  	v16 =	vmul.f32 v16, v17;
	v18 =	vadd.f32 v20, v18;
	v19 =	vadd.f32 v63, v25;
	(pc) =	sbr.rel @p0 .LBB2_3-.Ltmp0, $4  }
0xe6: {  	v17 =	vadd.f32 v23, v22;
	[tilespmem:s24+$0xC270] =	vst v21  }
0xe7: {  	v16 =	vadd.f32 v16, v18;
	[tilespmem:s24+$0xE270] =	vst v19  }
0xe8: {  	[tilespmem:s24+$0x10270] =	vst v17  }
0xe9: {  	s21 =	sadd.s32 $0x200, s21;
	s23 =	sadd.s32 $0x200, s23;
	[tilespmem:s24+$0x12270] =	vst v16  }
0xea: {  	s21 =	sadd.s32 s7, s22;
	s29 =	sand.u32 $0x1FFFFFFE, s22  }
0xeb: {  	[hbm4b:s21+s1] =	stream.linear.scatter [tilespmem:s15], [sflag:$0x1], $0x2000, $0x38;
	[tilespmem:$0x14200] =	vst v63  }
0xec: {  	s21 =	sadd.s32 s7, s29  }
0xed: {  	s30 =	sadd.s32 $0x190000, s21  }
0xee: {  	[hbm4b:s30+s1] =	stream.linear.scatter [tilespmem:s16], [sflag:$0x1], $0x2000, $0x38;
	[tilespmem:$0x14200] =	vst v63  }
0xef: {  	s31 =	sadd.s32 $0x320000, s21  }
0xf0: {  	[hbm4b:s31+s1] =	stream.linear.scatter [tilespmem:s17], [sflag:$0x1], $0x2000, $0x38;
	[tilespmem:$0x14200] =	vst v63  }
0xf1: {  	s21 =	sadd.s32 $0x4B0000, s21  }
0xf2: {  	[hbm4b:s21+s1] =	stream.linear.scatter [tilespmem:s18], [sflag:$0x1], $0x2000, $0x38;
	[tilespmem:$0x14200] =	vst v63  }
0xf3: {  	_ =	swait.ge [sflag:s14], $0x2000  }
0xf4: {  	[sflag:s14] =	ssyncset.done $0x0  }
0xf5: {  	[sflag:s14] =	ssyncadd.s32 $0xFFFFE000  }
0xf6: {  	_ =	swait.ge [sflag:s14], $0x2000  }
0xf7: {  	[sflag:s14] =	ssyncset.done $0x0  }
0xf8: {  	s20 =	sadd.s32 $0x1, s20;
	[sflag:s14] =	ssyncadd.s32 $0xFFFFE000  }
0xf9: {  	p0 =	sne.s32 s20, $0x32;
	_ =	swait.ge [sflag:s14], $0x2000  }
.Ltmp1:
0xfa: {  	[sflag:s14] =	ssyncset.done $0x0;
	(pc) =	sbr.rel @p0 .LBB2_2-.Ltmp1, $4  }
0xfb: {  	[sflag:s14] =	ssyncadd.s32 $0xFFFFE000  }
0xfc: {  	_ =	swait.ge [sflag:s14], $0x2000  }
0xfd: {  	[sflag:s14] =	ssyncset.done $0x0  }
0xfe: {  	[sflag:s14] =	ssyncadd.s32 $0xFFFFE000  }
0xff: {  	s19 =	sadd.s32 $0x1, s19  }
0x100: {  	p0 =	sne.s32 s19, s9  }
.Ltmp2:
0x101: {  	_ = 	snop;
	(pc) =	sbr.rel @p0 .LBB2_1-.Ltmp2, $1  }
0x102: {  	_ =	sdelay $0x3  }
0x103: {  	_ =	sfence.sel $0x180000  }
0x104: {  	[bflag:$0x0] =	sbarrier.arrive $0xFFFF  }
0x105: {  	p0 =	sne.s32 s2, $0x0;
	_ =	strace $0x9000004D  }
0x106: {  	s0 =	sadd.s32 @!p0 $0x100000, s0;
	[bflag:$0x2] =	sbarrier.arrive $0xFFFF  }
0x107: {  	[sflag:s0] =	ssyncadd.tile.s32 @!p0 $0x1;
	_ =	shalt  }
.Lfunc_end2:
_tile_overlayer_lowered:
.L_overlay_start_2:
0x108: {  	(tag) =	ssettag $0x2  }
0x109: {  	s0 =	rddreg [dreg:$0x0];
	s2 =	stileid.u32  }
0x10a: {  	s1 =	rddreg [dreg:$0x1];
	p0 =	sne.s32 s2, $0x0  }
0x10b: {  	s3 =	rddreg [dreg:$0x2];
	[bflag:$0x3] =	sbarrier.arrive $0xFFFF;
	s2 =	simm.s32 @!p0 $0x1C02  }
0x10c: {  	[timem:s3], [sflag:s2] =	dma.local @!p0 [hbm:s0], s1  }
0x10d: {  	s0 =	simm.s32 @!p0 $0x2  }
0x10e: {  	_ =	swait.ge @!p0 [sflag:s0], s1  }
0x10f: {  	s1 =	ssub.s32 @!p0 $0x0, s1;
	[sflag:s0] =	ssyncset.done @!p0 $0x0  }
0x110: {  	[sflag:s0] =	ssyncadd.s32 @!p0 s1  }
0x111: {  	[bflag:$0x3] =	sbarrier.arrive $0xFFFF  }
0x112: {  	_ =	shalt  }

// kernel: kernel.19.cloned.1.call-start
scs
__scs_entry_jumppad:
0x0: {  	(pc) =	sbr.rel $0x88, $3  }
0x1: {  	(tag) =	ssettag $0x0;
	lr =	simm.s32 $0x1  }
0x2: {  	[smem:$0x3F8F] =	sst lr;
	_ =	strace $0xD0000000  }
0x3: {  	_ = 	snop  }
0x4: {  	_ = 	snop  }
0x5: {  	_ = 	snop  }
0x6: {  	_ = 	snop  }
0x7: {  	_ = 	snop  }
__scs_overlays_trampoline_lowered:
0x8: {  	[smem:$0x3F9E] =	sst s0  }
0x9: {  	[smem:$0x3F9F] =	sst s1  }
0xa: {  	[smem:$0x3FA0] =	sst s2  }
0xb: {  	[smem:$0x3FA1] =	sst s3  }
0xc: {  	[smem:$0x3FA2] =	sst s4  }
0xd: {  	[smem:$0x3FA3] =	sst s5  }
0xe: {  	[smem:$0x3FA4] =	sst s6  }
0xf: {  	[smem:$0x3FA5] =	sst s7  }
0x10: {  	[smem:$0x3FA6] =	sst s8  }
0x11: {  	[smem:$0x3FA7] =	sst s9;
	s0 =	simm.s32 @!p0 $0x0  }
0x12: {  	s1 =	sld [smem:$0x3F8D];
	s0 =	simm.s32 @p0 $0x1  }
0x13: {  	[smem:$0x3FA8] =	sst s0;
	s0 =	simm.s32 @!p1 $0x0  }
0x14: {  	s2 =	sld [smem:$0x3F8C];
	s0 =	simm.s32 @p1 $0x1  }
0x15: {  	[smem:$0x3FA9] =	sst s0;
	s0 =	simm.s32 @!p2 $0x0  }
0x16: {  	s3 =	sld [smem:$0x3FDB];
	s0 =	simm.s32 @p2 $0x1  }
0x17: {  	s4 =	simm.s32 $0x1BF5;
	[smem:$0x3FAB] =	sst s0  }
0x18: {  	s0 =	sld [smem:$0x3F8E];
	_ =	swait.ge [sflag:s4], $0x0  }
0x19: {  	s7 =	sld [smem:$0x3F8F]  }
0x1a: {  	s8 =	sadd.s32 $0xFFFFE003, lr  }
0x1b: {  	s9 =	sadd.s32 $0xFFFFFEF7, lr;
	s5 =	simm.s32 $0xFFFFFFFF;
	p2 =	slt.u32 s8, $0xFFFFF086  }
0x1c: {  	p1 =	slt.u32 s9, $0xF7A;
	s5 =	simm.s32 @!p2 $0x0  }
0x1d: {  	s5 =	simm.s32 @p1 $0x1;
	p0 =	seq.s32 s7, s2  }
0x1e: {  	s7 =	smul.u32 @!p0 $0xF7A, s2;
	p2 =	seq.s32 @!p0 s5, $0x0  }
0x1f: {  	s9 =	smul.u32 $0xF7A, s1;
	s8 =	simm.s32 @!p0 $0x1BF5;
	p2 =	por !p2, p0  }
0x20: {  	[sflag:s8] =	ssyncset.s32 @!p0 $0xFFFFF086;
	s6 =	sadd.s32 @!p0 s3, s7;
	s7 =	simm.s32 @!p0 $0x108  }
0x21: {  	s3 =	sadd.s32 s3, s9;
	s6 =	sadd.s32 @!p0 $0x88, s6;
	s7 =	simm.s32 @p2 $0x1082  }
0x22: {  	[simem:s7], [sflag:s8] =	dma.local @!p0 [hbm:s6], $0xF7A  }
0x23: {  	s9 =	sor.u32 $0xD0000000, s2;
	s6 =	simm.s32 $0x108;
	_ =	swait.ge @!p0 [sflag:s8], $0x0  }
0x24: {  	s3 =	sadd.s32 $0x88, s3;
	s6 =	simm.s32 @!p1 $0x1082;
	[sflag:s4] =	ssyncset.s32 $0xFFFFF086  }
0x25: {  	[simem:s6], [sflag:s4] =	dma.local [hbm:s3], $0xF7A  }
0x26: {  	[smem:$0x3F8F] =	sst s1;
	(tag) =	ssettag s2;
	_ =	strace s9  }
0x27: {  	s1 =	sld [smem:$0x3F9F]  }
0x28: {  	s2 =	sld [smem:$0x3FA0]  }
0x29: {  	s4 =	sld [smem:$0x3FA2]  }
0x2a: {  	p0 =	seq.s32 s5, $0x0;
	s5 =	sld [smem:$0x3FA3]  }
0x2b: {  	s6 =	sld [smem:$0x3FA4]  }
0x2c: {  	s7 =	sld [smem:$0x3FA5]  }
0x2d: {  	s3 =	simm.s32 $0x108;
	s8 =	sld [smem:$0x3FA6]  }
0x2e: {  	s3 =	simm.s32 @!p0 $0x1082;
	s9 =	sld [smem:$0x3FA7]  }
0x2f: {  	lr =	sadd.s32 s0, s3;
	s0 =	sld [smem:$0x3F9E]  }
0x30: {  	s3 =	sld [smem:$0x3FA1]  }
0x31: {  	[smem:$0x3FAA] =	sst s10  }
0x32: {  	s10 =	sld [smem:$0x3FA8];
	_ =	sdelay $0x3  }
0x33: {  	p0 =	seq.s32 s10, $0x1;
	s10 =	sld [smem:$0x3FAA];
	_ =	sdelay $0x3  }
0x34: {  	[smem:$0x3FAA] =	sst s10  }
0x35: {  	s10 =	sld [smem:$0x3FA9];
	_ =	sdelay $0x3  }
0x36: {  	p1 =	seq.s32 s10, $0x1;
	s10 =	sld [smem:$0x3FAA];
	_ =	sdelay $0x3  }
0x37: {  	[smem:$0x3FAA] =	sst s10  }
0x38: {  	s10 =	sld [smem:$0x3FAB]  }
0x39: {  	_ = 	snop;
	(pc) =	sbr.ind lr, $3  }
0x3a: {  	_ = 	snop  }
0x3b: {  	_ = 	snop  }
0x3c: {  	p2 =	seq.s32 s10, $0x1;
	s10 =	sld [smem:$0x3FAA]  }
0x3d: {  	_ =	shalt  }
0x3e: {  	_ =	shalt  }
0x3f: {  	_ =	shalt  }
0x40: {  	_ =	shalt  }
0x41: {  	_ =	shalt  }
0x42: {  	_ =	shalt  }
0x43: {  	_ =	shalt  }
0x44: {  	_ =	shalt  }
0x45: {  	_ =	shalt  }
0x46: {  	_ =	shalt  }
0x47: {  	_ =	shalt  }
0x48: {  	_ =	shalt  }
0x49: {  	_ =	shalt  }
0x4a: {  	_ =	shalt  }
0x4b: {  	_ =	shalt  }
0x4c: {  	_ =	shalt  }
0x4d: {  	_ =	shalt  }
0x4e: {  	_ =	shalt  }
0x4f: {  	_ =	shalt  }
0x50: {  	_ =	shalt  }
0x51: {  	_ =	shalt  }
0x52: {  	_ =	shalt  }
0x53: {  	_ =	shalt  }
0x54: {  	_ =	shalt  }
0x55: {  	_ =	shalt  }
0x56: {  	_ =	shalt  }
0x57: {  	_ =	shalt  }
0x58: {  	_ =	shalt  }
0x59: {  	_ =	shalt  }
0x5a: {  	_ =	shalt  }
0x5b: {  	_ =	shalt  }
0x5c: {  	_ =	shalt  }
0x5d: {  	_ =	shalt  }
0x5e: {  	_ =	shalt  }
0x5f: {  	_ =	shalt  }
0x60: {  	_ =	shalt  }
0x61: {  	_ =	shalt  }
0x62: {  	_ =	shalt  }
0x63: {  	_ =	shalt  }
0x64: {  	_ =	shalt  }
0x65: {  	_ =	shalt  }
0x66: {  	_ =	shalt  }
0x67: {  	_ =	shalt  }
0x68: {  	_ =	shalt  }
0x69: {  	_ =	shalt  }
0x6a: {  	_ =	shalt  }
0x6b: {  	_ =	shalt  }
0x6c: {  	_ =	shalt  }
0x6d: {  	_ =	shalt  }
0x6e: {  	_ =	shalt  }
0x6f: {  	_ =	shalt  }
0x70: {  	_ =	shalt  }
0x71: {  	_ =	shalt  }
0x72: {  	_ =	shalt  }
0x73: {  	_ =	shalt  }
0x74: {  	_ =	shalt  }
0x75: {  	_ =	shalt  }
0x76: {  	_ =	shalt  }
0x77: {  	_ =	shalt  }
0x78: {  	_ =	shalt  }
0x79: {  	_ =	shalt  }
0x7a: {  	_ =	shalt  }
0x7b: {  	_ =	shalt  }
0x7c: {  	_ =	shalt  }
0x7d: {  	_ =	shalt  }
0x7e: {  	_ =	shalt  }
0x7f: {  	_ =	shalt  }
0x80: {  	_ =	shalt  }
0x81: {  	_ =	shalt  }
0x82: {  	_ =	shalt  }
0x83: {  	_ =	shalt  }
0x84: {  	_ =	shalt  }
0x85: {  	_ =	shalt  }
0x86: {  	_ =	shalt  }
0x87: {  	_ =	shalt  }
.Lfunc_end0:
.L_simem_size_0:
called_computation.3_lowered:
.L_overlay_start_0:
0x88: {  	s2 =	sld [smem:$0x3FD9]  }
0x89: {  	s3 =	sld [smem:$0x3FFE];
	_ =	sdelay $0x1  }
0x8a: {  	s1 =	srdreg.scid  }
0x8b: {  	s0 =	sand.u32 $0x1, s1  }
0x8c: {  	s16 =	sshll.u32 s0, $0xA;
	s2 =	sadd.s32 s3, s2  }
0x8d: {  	s2 =	sadd.s32 s2, s16  }
0x8e: {  	[smem:$0x3FB6] =	sst s2  }
0x8f: {  	_ = 	snop  }
0x90: {  	(tm) =	ssettm $0x1  }
0x91: {  	s17 =	sld [smem:$0x3FFB];
	_ =	sdelay $0x3  }
0x92: {  	_ =	strace s17  }
0x93: {  	s2 =	sld [smem:$0x3FFC];
	_ =	sdelay $0x3  }
0x94: {  	_ =	strace s2  }
0x95: {  	s2 =	sld [smem:$0x3FFD];
	_ =	sdelay $0x3  }
0x96: {  	_ =	strace s2  }
0x97: {  	_ =	strace $0x8FFFFFFF  }
0x98: {  	s18 =	sld [smem:$0x3FDB];
	_ =	sdelay $0x1  }
0x99: {  	s19 =	simm.s32 $_scs_section_size  }
0x9a: {  	s4 =	simm.s32 $_size__tile_overlayer_lowered;
	s5 =	simm.s32 $_tile_overlayer_lowered  }
0x9b: {  	s22 =	simm.s32 $0x1BFF;
	s21 =	sshll.u32 s5, $0x1;
	s2 =	sadd.s32 s19, s18  }
0x9c: {  	s6 =	simm.s32 $0x0;
	s20 =	sshll.u32 s4, $0x1;
	s4 =	sadd.s32 s21, s2  }
0x9d: {  	[timem:s6], [sflag:s22] =	dma.local [hbm:s4], s20  }
0x9e: {  	_ =	swait.ge [sflag:s22], s20  }
0x9f: {  	s3 =	ssub.s32 $0x0, s20;
	[sflag:s22] =	ssyncset.done $0x0  }
0xa0: {  	[sflag:s22] =	ssyncadd.s32 s3;
	_ =	sdelay $0x1  }
0xa1: {  	s23 =	simm.s32 $0x1B8B  }
0xa2: {  	_ =	swait.ge [sflag:s23], $0x1  }
0xa3: {  	[sflag:s23] =	ssyncset.done $0x0  }
0xa4: {  	s25 =	simm.s32 $0x1B8E;
	s24 =	sld [smem:$0x3FFE];
	[sflag:s23] =	ssyncadd.s32 $0xFFFFFFFF  }
0xa5: {  	s26 =	simm.s32 $execute0_lowered;
	[smem:$0x3FD2] =	sst s25  }
0xa6: {  	s4 =	sshll.u32 s26, $0x1;
	_ =	strace $0x8000004F;
	[dreg:$0x1] =	wrdreg $0xFFFFFFFF  }
0xa7: {  	s28 =	simm.s32 $_size_execute0_lowered;
	s2 =	sadd.s32 s2, s4;
	[dreg:$0x0] =	wrdreg $0x0  }
0xa8: {  	s4 =	sshll.u32 s28, $0x1;
	[dreg:$0x2] =	wrdreg s2  }
0xa9: {  	[dreg:$0x3] =	wrdreg s4  }
0xaa: {  	[dreg:$0x4] =	wrdreg $0xC0  }
0xab: {  	_ =	task [dreg:s6], $0x5FFFF  }
0xac: {  	[dreg:$0x1] =	wrdreg $0xFFFFFFFF  }
0xad: {  	[dreg:$0x0] =	wrdreg $0x60  }
0xae: {  	[dreg:$0x2] =	wrdreg s24  }
0xaf: {  	[dreg:$0x3] =	wrdreg $0x44000  }
0xb0: {  	[dreg:$0x4] =	wrdreg $0x9  }
0xb1: {  	_ =	task.clear_ibuf [dreg:s6], $0x5FFFF;
	_ =	strace $0x9000004F  }
0xb2: {  	s29 =	simm.s32 $0x9;
	_ =	strace $0x80000051  }
0xb3: {  	_ =	swait.ge [sflag:s29], $0x1  }
0xb4: {  	[sflag:s29] =	ssyncadd.s32 $0xFFFFFFFF  }
0xb5: {  	_ =	strace $0x90000051  }
0xb6: {  	_ =	sfence  }
0xb7: {  	s30 =	sld [smem:$0x0];
	_ =	sdelay $0x2  }
0xb8: {  	s31 =	sshll.u32 s1, $0xD;
	s1 =	sshrl.u32 s1, $0x2  }
0xb9: {  	s3 =	sand.u32 $0x4000, s31;
	s1 =	sadd.s32 s1, s30  }
0xba: {  	s0 =	sor.u32 s3, s0;
	s1 =	sshll.u32 s1, $0x11  }
0xbb: {  	s0 =	sor.u32 s1, s0  }
0xbc: {  	s0 =	sadd.s32 $0x8F2B, s0  }
0xbd: {  	[sflag:s0] =	ssyncadd.remote.s32 $0x1  }
0xbe: {  	_ =	sfence.sel $0xFFFF  }
0xbf: {  	[dreg:$0x0] =	wrdreg $0xFFFFFFFF;
	(pc) =	sbr.abs _section_cstart, $3  }
0xc0: {  	[dreg:$0x1] =	wrdreg $0xFFFFFFFF  }
0xc1: {  	_ =	task.clear_ibuf [dreg:s6], $0x2FFFF;
	_ =	strace $0x9FFFFFFF  }
0xc2: {  	(tm) =	ssettm $0x7FFFFFFF  }
0xc3: {  	_ =	shalt  }
tec
execute0_lowered:
.L_overlay_start_1:
0x0: {  	(tag) =	ssettag $0x1  }
0x1: {  	s4 =	rddreg [dreg:$0x0]  }
0x2: {  	s2 =	rddreg [dreg:$0x1]  }
0x3: {  	s0 =	rddreg [dreg:$0x2];
	s3 =	simm.s32 $0x0;
	s1 =	stileid.u32  }
0x4: {  	s7 =	srdreg.scid;
	s15 =	simm.s32 $0x1;
	s16 =	simm.s32 $0x8  }
0x5: {  	s17 =	simm.s32 $0x0;
	[smem:$0x7FF] =	sst s3;
	s5 =	smul.u32 $0x1900, s1  }
0x6: {  	s6 =	smul.u32 $0xC350, s1;
	s7 =	sand.u32 $0x1, s7;
	s11 =	sadd.s32 $0x24FE00, s4  }
0x7: {  	s12 =	sadd.s32 $0x50400, s4;
	s24 =	smul.u32 $0x30D40, s1;
	s26 =	sshll.u32 s1, $0x6  }
0x8: {  	s14 =	smul.u32 $0xC8000, s1;
	_ =	strace $0x80000050;
	s8 =	ssub.s32 $0x2, s7  }
0x9: {  	s25 =	smul.u32 $0x1900000, s7;
	s7 =	sshll.u32 s7, $0x5;
	s10 =	sadd.s32 s5, s4  }
0xa: {  	s23 =	sshrl.u32 s6, $0x3;
	s9 =	sshrl.u32 s8, $0x1;
	s13 =	sadd.s32 s6, s2  }
0xb: {  	s7 =	sor.u32 s7, s24;
	s5 =	sadd.s32 s23, s4;
	s8 =	ssub.s32 s8, s9  }
0xc: {  	s28 =	sor.u32 $0x10, s7;
	s7 =	sshrl.u32 s7, $0x3;
	s14 =	sadd.s32 s14, s25  }
0xd: {  	s10 =	sadd.s32 $0x37400, s10;
	s4 =	sadd.s32 $0x5C00, s5;
	s5 =	sor.u32 $0x1C02, s26  }
0xe: {  	s9 =	sshrl.u32 s28, $0x3;
	s6 =	sadd.s32 s12, s7;
	s29 =	sadd.s32 $0xC80000, s14  }
0xf: {  	s8 =	smax.u32 s8, $0x1;
	s30 =	sshrl.u32 s14, $0x3;
	s14 =	simm.s32 $0x400  }
0x10: {  	s7 =	sadd.s32 s12, s9;
	s31 =	sshrl.u32 s29, $0x3;
	s9 =	sadd.s32 s30, s11  }
0x11: {  	s12 =	sshrl.u32 s13, $0x3;
	s13 =	simm.s32 $0x2;
	s11 =	sadd.s32 s31, s11  }
.LBB2_1:
0x12: {  	[spmem:s12], [sflag:s5] =	dma.local [hbm:s4], $0x186A  }
0x13: {  	_ =	swait.ge [sflag:s13], $0x186A  }
0x14: {  	[sflag:s13] =	ssyncset.done $0x0  }
0x15: {  	[sflag:s13] =	ssyncadd.s32 $0xFFFFE796  }
0x16: {  	s18 =	sadd.s32 $0x0, s10;
	[bflag:$0x0] =	sbarrier.arrive $0xFFFF  }
0x17: {  	[tilespmem:s3], [sflag:$0x1] =	stream.linear.gather [hbm4b:s18+s3], $0x400, $0x38;
	[tilespmem:$0x10750] =	vst v63  }
0x18: {  	_ = 	snop  }
0x19: {  	[tilespmem:s14], [sflag:$0x1] =	stream.linear.gather [hbm4b:s9+s3], $0x4000, $0x38;
	[tilespmem:$0x10750] =	vst v63  }
0x1a: {  	_ =	swait.ge [sflag:s15], $0x400  }
0x1b: {  	[sflag:s15] =	ssyncset.done $0x0  }
0x1c: {  	[sflag:s15] =	ssyncadd.s32 $0xFFFFFC00  }
0x1d: {  	_ =	swait.ge [sflag:s15], $0x4000  }
0x1e: {  	[sflag:s15] =	ssyncset.done $0x0  }
0x1f: {  	[sflag:s15] =	ssyncadd.s32 $0xFFFFC000  }
0x20: {  	[spmem:s2] =	stream.indirect.scatter.add.f32 [tilespmem:s14], [sflag:$0x2], $0x10, s3, s14, $0xb8;
	[tilespmem:$0x10750] =	vst v63  }
0x21: {  	s19 =	simm.s32 $0x80;
	_ =	swait.ge [sflag:s13], $0x4000  }
0x22: {  	s20 =	simm.s32 $0x100;
	s18 =	sadd.s32 $0x800, s9;
	[sflag:s13] =	ssyncset.done $0x0  }
.LBB2_2:
0x23: {  	s21 =	sadd.s32 s19, s10  }
0x24: {  	[sflag:s13] =	ssyncadd.s32 $0xFFFFC000;
	s19 =	smov.u32 s20;
	s22 =	sadd.s32 $0x80, s20  }
0x25: {  	[tilespmem:s3], [sflag:$0x1] =	stream.linear.gather [hbm4b:s21+s3], $0x400, $0x38;
	[tilespmem:$0x10750] =	vst v63  }
0x26: {  	p0 =	sne.s32 s20, $0x1880  }
0x27: {  	[tilespmem:s14], [sflag:$0x1] =	stream.linear.gather [hbm4b:s18+s3], $0x4000, $0x38;
	[tilespmem:$0x10750] =	vst v63  }
0x28: {  	_ =	swait.ge [sflag:s15], $0x400  }
0x29: {  	[sflag:s15] =	ssyncset.done $0x0  }
0x2a: {  	[sflag:s15] =	ssyncadd.s32 $0xFFFFFC00  }
0x2b: {  	_ =	swait.ge [sflag:s15], $0x4000  }
.Ltmp0:
0x2c: {  	[sflag:s15] =	ssyncset.done $0x0;
	(pc) =	sbr.rel @p0 .LBB2_2-.Ltmp0, $4  }
0x2d: {  	[sflag:s15] =	ssyncadd.s32 $0xFFFFC000  }
0x2e: {  	[spmem:s2] =	stream.indirect.scatter.add.f32 [tilespmem:s14], [sflag:$0x2], $0x10, s3, s14, $0xb8;
	[tilespmem:$0x10750] =	vst v63  }
0x2f: {  	_ =	swait.ge [sflag:s13], $0x4000  }
0x30: {  	s20 =	smov.u32 s22;
	s18 =	sadd.s32 $0x800, s18;
	[sflag:s13] =	ssyncset.done $0x0  }
0x31: {  	s19 =	sadd.s32 s19, s10;
	[sflag:s13] =	ssyncadd.s32 $0xFFFFC000  }
0x32: {  	[tilespmem:s3], [sflag:$0x1] =	stream.linear.gather [hbm4b:s19+s3], $0x400, $0x38;
	[tilespmem:$0x10750] =	vst v63  }
0x33: {  	_ = 	snop  }
0x34: {  	[tilespmem:s14], [sflag:$0x1] =	stream.linear.gather [hbm4b:s18+s3], $0x4000, $0x38;
	[tilespmem:$0x10750] =	vst v63  }
0x35: {  	_ =	swait.ge [sflag:s15], $0x400  }
0x36: {  	[sflag:s15] =	ssyncset.done $0x0  }
0x37: {  	[sflag:s15] =	ssyncadd.s32 $0xFFFFFC00  }
0x38: {  	_ =	swait.ge [sflag:s15], $0x4000  }
0x39: {  	[sflag:s15] =	ssyncset.done $0x0  }
0x3a: {  	[sflag:s15] =	ssyncadd.s32 $0xFFFFC000  }
0x3b: {  	[spmem:s2] =	stream.indirect.scatter.add.f32 [tilespmem:s14], [sflag:$0x2], $0x10, s3, s14, $0xb8;
	[tilespmem:$0x10750] =	vst v63  }
0x3c: {  	_ =	swait.ge [sflag:s13], $0x4000  }
0x3d: {  	[sflag:s13] =	ssyncset.done $0x0  }
0x3e: {  	[sflag:s13] =	ssyncadd.s32 $0xFFFFC000  }
0x3f: {  	[bflag:$0x0] =	sbarrier.arrive $0xFFFF  }
0x40: {  	[hbm:s6@s16], [sflag:s5] =	dma.strided [spmem:s12@s13], $0x186A, s15, $0x2   }
0x41: {  	_ =	swait.ge [sflag:s13], $0x186A  }
0x42: {  	[sflag:s13] =	ssyncset.done $0x0  }
0x43: {  	[sflag:s13] =	ssyncadd.s32 $0xFFFFE796  }
0x44: {  	[bflag:$0x0] =	sbarrier.arrive $0xFFFF  }
0x45: {  	[spmem:s12], [sflag:s5] =	dma.local [hbm:s4], $0x186A  }
0x46: {  	_ =	swait.ge [sflag:s13], $0x186A  }
0x47: {  	[sflag:s13] =	ssyncset.done $0x0  }
0x48: {  	[sflag:s13] =	ssyncadd.s32 $0xFFFFE796  }
0x49: {  	s31 =	sadd.s32 $0x0, s10;
	[bflag:$0x0] =	sbarrier.arrive $0xFFFF  }
0x4a: {  	[tilespmem:s3], [sflag:$0x1] =	stream.linear.gather [hbm4b:s31+s3], $0x400, $0x38;
	[tilespmem:$0x10750] =	vst v63  }
0x4b: {  	_ = 	snop  }
0x4c: {  	[tilespmem:s14], [sflag:$0x1] =	stream.linear.gather [hbm4b:s11+s3], $0x4000, $0x38;
	[tilespmem:$0x10750] =	vst v63  }
0x4d: {  	_ =	swait.ge [sflag:s15], $0x400  }
0x4e: {  	[sflag:s15] =	ssyncset.done $0x0  }
0x4f: {  	[sflag:s15] =	ssyncadd.s32 $0xFFFFFC00  }
0x50: {  	_ =	swait.ge [sflag:s15], $0x4000  }
0x51: {  	[sflag:s15] =	ssyncset.done $0x0  }
0x52: {  	[sflag:s15] =	ssyncadd.s32 $0xFFFFC000  }
0x53: {  	[spmem:s2] =	stream.indirect.scatter.add.f32 [tilespmem:s14], [sflag:$0x2], $0x10, s3, s14, $0xb8;
	[tilespmem:$0x10750] =	vst v63  }
0x54: {  	s20 =	simm.s32 $0x100;
	_ =	swait.ge [sflag:s13], $0x4000  }
0x55: {  	s19 =	simm.s32 $0x80;
	s18 =	sadd.s32 $0x800, s11;
	[sflag:s13] =	ssyncset.done $0x0  }
.LBB2_4:
0x56: {  	s21 =	sadd.s32 s19, s10  }
0x57: {  	[sflag:s13] =	ssyncadd.s32 $0xFFFFC000;
	s19 =	smov.u32 s20;
	s22 =	sadd.s32 $0x80, s20  }
0x58: {  	[tilespmem:s3], [sflag:$0x1] =	stream.linear.gather [hbm4b:s21+s3], $0x400, $0x38;
	[tilespmem:$0x10750] =	vst v63  }
0x59: {  	p0 =	sne.s32 s20, $0x1880  }
0x5a: {  	[tilespmem:s14], [sflag:$0x1] =	stream.linear.gather [hbm4b:s18+s3], $0x4000, $0x38;
	[tilespmem:$0x10750] =	vst v63  }
0x5b: {  	_ =	swait.ge [sflag:s15], $0x400  }
0x5c: {  	[sflag:s15] =	ssyncset.done $0x0  }
0x5d: {  	[sflag:s15] =	ssyncadd.s32 $0xFFFFFC00  }
0x5e: {  	_ =	swait.ge [sflag:s15], $0x4000  }
.Ltmp1:
0x5f: {  	[sflag:s15] =	ssyncset.done $0x0;
	(pc) =	sbr.rel @p0 .LBB2_4-.Ltmp1, $4  }
0x60: {  	[sflag:s15] =	ssyncadd.s32 $0xFFFFC000  }
0x61: {  	[spmem:s2] =	stream.indirect.scatter.add.f32 [tilespmem:s14], [sflag:$0x2], $0x10, s3, s14, $0xb8;
	[tilespmem:$0x10750] =	vst v63  }
0x62: {  	_ =	swait.ge [sflag:s13], $0x4000  }
0x63: {  	s20 =	smov.u32 s22;
	s18 =	sadd.s32 $0x800, s18;
	[sflag:s13] =	ssyncset.done $0x0  }
0x64: {  	s19 =	sadd.s32 s19, s10;
	[sflag:s13] =	ssyncadd.s32 $0xFFFFC000  }
0x65: {  	[tilespmem:s3], [sflag:$0x1] =	stream.linear.gather [hbm4b:s19+s3], $0x400, $0x38;
	[tilespmem:$0x10750] =	vst v63  }
0x66: {  	_ = 	snop  }
0x67: {  	[tilespmem:s14], [sflag:$0x1] =	stream.linear.gather [hbm4b:s18+s3], $0x4000, $0x38;
	[tilespmem:$0x10750] =	vst v63  }
0x68: {  	_ =	swait.ge [sflag:s15], $0x400  }
0x69: {  	[sflag:s15] =	ssyncset.done $0x0  }
0x6a: {  	[sflag:s15] =	ssyncadd.s32 $0xFFFFFC00  }
0x6b: {  	_ =	swait.ge [sflag:s15], $0x4000  }
0x6c: {  	[sflag:s15] =	ssyncset.done $0x0  }
0x6d: {  	[sflag:s15] =	ssyncadd.s32 $0xFFFFC000  }
0x6e: {  	[spmem:s2] =	stream.indirect.scatter.add.f32 [tilespmem:s14], [sflag:$0x2], $0x10, s3, s14, $0xb8;
	[tilespmem:$0x10750] =	vst v63  }
0x6f: {  	_ =	swait.ge [sflag:s13], $0x4000  }
0x70: {  	[sflag:s13] =	ssyncset.done $0x0  }
0x71: {  	s17 =	sadd.s32 $0x1, s17;
	[sflag:s13] =	ssyncadd.s32 $0xFFFFC000  }
0x72: {  	p0 =	sne.s32 s17, s8;
	[bflag:$0x0] =	sbarrier.arrive $0xFFFF  }
0x73: {  	[hbm:s7@s16], [sflag:s5] =	dma.strided [spmem:s12@s13], $0x186A, s15, $0x2   }
.Ltmp2:
0x74: {  	_ =	swait.ge [sflag:s13], $0x186A;
	(pc) =	sbr.rel @p0 .LBB2_1-.Ltmp2, $3  }
0x75: {  	[sflag:s13] =	ssyncset.done $0x0  }
0x76: {  	[sflag:s13] =	ssyncadd.s32 $0xFFFFE796  }
0x77: {  	[bflag:$0x0] =	sbarrier.arrive $0xFFFF;
	_ =	sdelay $0x1  }
0x78: {  	_ =	sfence.sel $0x180000  }
0x79: {  	[bflag:$0x0] =	sbarrier.arrive $0xFFFF  }
0x7a: {  	p0 =	sne.s32 s1, $0x0;
	_ =	strace $0x90000050  }
0x7b: {  	s0 =	sadd.s32 @!p0 $0x100000, s0;
	[bflag:$0x2] =	sbarrier.arrive $0xFFFF  }
0x7c: {  	[sflag:s0] =	ssyncadd.tile.s32 @!p0 $0x1;
	_ =	shalt  }
.Lfunc_end2:
_tile_overlayer_lowered:
.L_overlay_start_2:
0x7d: {  	(tag) =	ssettag $0x2  }
0x7e: {  	s0 =	rddreg [dreg:$0x0];
	s2 =	stileid.u32  }
0x7f: {  	s1 =	rddreg [dreg:$0x1];
	p0 =	sne.s32 s2, $0x0  }
0x80: {  	s3 =	rddreg [dreg:$0x2];
	[bflag:$0x3] =	sbarrier.arrive $0xFFFF;
	s2 =	simm.s32 @!p0 $0x1C02  }
0x81: {  	[timem:s3], [sflag:s2] =	dma.local @!p0 [hbm:s0], s1  }
0x82: {  	s0 =	simm.s32 @!p0 $0x2  }
0x83: {  	_ =	swait.ge @!p0 [sflag:s0], s1  }
0x84: {  	s1 =	ssub.s32 @!p0 $0x0, s1;
	[sflag:s0] =	ssyncset.done @!p0 $0x0  }
0x85: {  	[sflag:s0] =	ssyncadd.s32 @!p0 s1  }
0x86: {  	[bflag:$0x3] =	sbarrier.arrive $0xFFFF  }
0x87: {  	_ =	shalt  }

</sc_bundles>
